<compile_context>
chip_gen: v7x
topology: tpu7x:2x2x1
jax: 0.10.2.dev20260603
libtpu: 0.0.44.dev20260713+nightly
codegen_flags: <defaults>
</compile_context>

<pallas_src>
import functools

import jax
import jax.numpy as jnp
from jax import lax
from jax.experimental import pallas as pl
from jax.experimental.pallas import tpu as pltpu
from jax.experimental.pallas import tpu_sc as plsc

_Q = 1024
_B = 4
_H = 128
_W = 128
_C = 256
_QD = 256
_HID = 512
_WIN = 5
_NPOS = _WIN * _WIN
_NC = 2
_NS = 16
_NWORK = _NC * _NS
_QPW = _Q // _NWORK
_LANES = 16
_NBUF = 4


def _sc_gather_body(b_hbm, y_hbm, x_hbm, feat_hbm, out_hbm,
                    b_v, y_v, x_v, idx_v, rows_v, gsem, ssem):
    wid = lax.axis_index("s") * _NC + lax.axis_index("c")
    qbase = wid * _QPW

    pltpu.sync_copy(b_hbm.at[pl.ds(qbase, _QPW)], b_v)
    pltpu.sync_copy(y_hbm.at[pl.ds(qbase, _QPW)], y_v)
    pltpu.sync_copy(x_hbm.at[pl.ds(qbase, _QPW)], x_v)

    for h in range(_QPW // _LANES):
        sl = pl.ds(h * _LANES, _LANES)
        bhi = b_v[sl] * (_H * _W)
        y = y_v[sl]
        x = x_v[sl]
        for j in range(_NPOS):
            dy = j // _WIN - _WIN // 2
            dx = j % _WIN - _WIN // 2
            yy = jnp.clip(y + dy, 0, _H - 1)
            xx = jnp.clip(x + dx, 0, _W - 1)
            idx_v[j, sl] = bhi + yy * _W + xx

    gathers = [None] * _NPOS
    stores = [None] * _NPOS
    for j in range(_NPOS):
        if j >= _NBUF:
            stores[j - _NBUF].wait()
        gathers[j] = pltpu.async_copy(
            feat_hbm.at[idx_v.at[j]], rows_v.at[j % _NBUF], gsem)
        if j >= 1:
            gathers[j - 1].wait()
            stores[j - 1] = pltpu.async_copy(
                rows_v.at[(j - 1) % _NBUF],
                out_hbm.at[j - 1, pl.ds(qbase, _QPW)], ssem)
    gathers[_NPOS - 1].wait()
    stores[_NPOS - 1] = pltpu.async_copy(
        rows_v.at[(_NPOS - 1) % _NBUF],
        out_hbm.at[_NPOS - 1, pl.ds(qbase, _QPW)], ssem)
    for j in range(_NPOS - _NBUF, _NPOS):
        stores[j].wait()


@jax.jit
def _sc_gather(bq, yq, xq, feat_flat):
    mesh = plsc.VectorSubcoreMesh(
        core_axis_name="c", subcore_axis_name="s",
        num_cores=_NC, num_subcores=_NS)
    return pl.kernel(
        _sc_gather_body,
        out_type=jax.ShapeDtypeStruct((_NPOS, _Q, _C), jnp.float32),
        mesh=mesh,
        scratch_types=[
            pltpu.VMEM((_QPW,), jnp.int32),
            pltpu.VMEM((_QPW,), jnp.int32),
            pltpu.VMEM((_QPW,), jnp.int32),
            pltpu.VMEM((_NPOS, _QPW), jnp.int32),
            pltpu.VMEM((_NBUF, _QPW, _C), jnp.float32),
            pltpu.SemaphoreType.DMA,
            pltpu.SemaphoreType.DMA,
        ],
    )(bq, yq, xq, feat_flat)


def _tc_body(yq_ref, xq_ref, keys_ref, w1_ref, b1_ref, q_ref, w2t_ref,
             b2_ref, out_ref, v_ref, qb2_ref):
    j = pl.program_id(0)

    @pl.when(j == 0)
    def _():
        v_ref[...] = jnp.dot(q_ref[...], w2t_ref[...],
                             preferred_element_type=jnp.float32)
        qb2_ref[...] = jnp.dot(q_ref[...], b2_ref[...],
                               preferred_element_type=jnp.float32)

    h = jnp.dot(keys_ref[0], w1_ref[...], preferred_element_type=jnp.float32)
    h = jnp.maximum(h + b1_ref[...], 0.0)
    col = jnp.sum(h * v_ref[...], axis=1, keepdims=True) + qb2_ref[...]

    dy = j // _WIN - _WIN // 2
    dx = j % _WIN - _WIN // 2
    yy = yq_ref[...] + dy
    xx = xq_ref[...] + dx
    inb = (yy >= 0) & (yy < _H) & (xx >= 0) & (xx < _W)
    out_ref[0] = jnp.where(inb, col, -jnp.inf)


@jax.jit
def _tc_compute(yq2, xq2, keys, W1, b1r, queries, W2t, b2c):
    return pl.pallas_call(
        _tc_body,
        grid=(_NPOS,),
        in_specs=[
            pl.BlockSpec((_Q, 1), lambda j: (0, 0)),
            pl.BlockSpec((_Q, 1), lambda j: (0, 0)),
            pl.BlockSpec((1, _Q, _C), lambda j: (j, 0, 0)),
            pl.BlockSpec((_C, _HID), lambda j: (0, 0)),
            pl.BlockSpec((1, _HID), lambda j: (0, 0)),
            pl.BlockSpec((_Q, _QD), lambda j: (0, 0)),
            pl.BlockSpec((_QD, _HID), lambda j: (0, 0)),
            pl.BlockSpec((_QD, 1), lambda j: (0, 0)),
        ],
        out_specs=pl.BlockSpec((1, _Q, 1), lambda j: (j, 0, 0)),
        out_shape=jax.ShapeDtypeStruct((_NPOS, _Q, 1), jnp.float32),
        scratch_shapes=[
            pltpu.VMEM((_Q, _HID), jnp.float32),
            pltpu.VMEM((_Q, 1), jnp.float32),
        ],
        compiler_params=pltpu.CompilerParams(
            dimension_semantics=("arbitrary",)),
    )(yq2, xq2, keys, W1, b1r, queries, W2t, b2c)


def kernel(queries, image_feature_tensor, W1, b1, W2, b2, query_indices):
    feat_flat = image_feature_tensor.reshape(_B * _H * _W, _C)
    bq = query_indices[:, 0]
    yq = query_indices[:, 1]
    xq = query_indices[:, 2]
    keys = _sc_gather(bq, yq, xq, feat_flat)
    out3 = _tc_compute(yq[:, None], xq[:, None], keys, W1,
                       b1.reshape(1, _HID), queries,
                       W2.T, b2.reshape(_QD, 1))
    return out3.reshape(_NPOS, _Q).T.reshape(_Q, _WIN, _WIN)

# --- scband reference (transcript-rebuilt; emitter-appended) ---
"""Pipeline reference for scband-prediction-head-41162966565495 (READ-ONLY COPY).

The authoritative reference and input builder live on the scoring server;
editing this copy changes nothing except your own understanding.
"""

import jax, jax.numpy as jnp
import numpy as np

Q = 1024
B = 4
H = 128
W = 128
C = 256      # pixel_feature_dim
QD = 256     # query_dim
HID = 512    # hidden_dim
WIN = 5      # mask_window_size


def _windowed_keys_for_queries(query_indices, feat, wh, ww):
    # query_indices: [Q, 3] = (batch, y, x); feat: [B, H, W, C]
    b = query_indices[:, 0]
    y = query_indices[:, 1]
    x = query_indices[:, 2]
    dy = jnp.arange(wh) - wh // 2
    dx = jnp.arange(ww) - ww // 2
    yy = y[:, None, None] + dy[None, :, None]   # [Q, wh, 1]
    xx = x[:, None, None] + dx[None, None, :]   # [Q, 1, ww]
    yy = jnp.broadcast_to(yy, (query_indices.shape[0], wh, ww))
    xx = jnp.broadcast_to(xx, (query_indices.shape[0], wh, ww))
    pad_mask = (yy < 0) | (yy >= feat.shape[1]) | (xx < 0) | (xx >= feat.shape[2])
    yyc = jnp.clip(yy, 0, feat.shape[1] - 1)
    xxc = jnp.clip(xx, 0, feat.shape[2] - 1)
    bb = jnp.broadcast_to(b[:, None, None], yyc.shape)
    keys = feat[bb, yyc, xxc]                   # gather: [Q, wh, ww, C]
    keys = jnp.where(pad_mask[..., None], 0.0, keys)
    key_indices = jnp.stack([bb, yyc, xxc], -1)  # [Q, wh, ww, 3]
    return keys, key_indices, pad_mask


def setup_inputs(seed: int = 0) -> dict:
    key = jax.random.key(seed)
    k1, k2, k3, k4, k5, k6, k7 = jax.random.split(key, 7)
    queries = jax.random.normal(k1, (Q, QD), dtype=jnp.float32)
    b = jnp.sort(jax.random.randint(k2, (Q,), 0, B))  # sorted by batch (unique_consecutive semantics)
    y = jax.random.randint(k3, (Q,), 0, H)
    x = jax.random.randint(k4, (Q,), 0, W)
    query_indices = jnp.stack([b, y, x], -1).astype(jnp.int32)
    image_feature_tensor = jax.random.normal(k5, (B, H, W, C), dtype=jnp.float32)
    # pixel_mask_head params: Linear(C->HID), ReLU, Linear(HID->QD)
    W1 = jax.random.normal(k6, (C, HID), dtype=jnp.float32) * 0.02
    b1 = jnp.zeros((HID,), dtype=jnp.float32)
    W2 = jax.random.normal(k7, (HID, QD), dtype=jnp.float32) * 0.02
    b2 = jnp.zeros((QD,), dtype=jnp.float32)
    return {
        "queries": queries,
        "image_feature_tensor": image_feature_tensor,
        "W1": W1,
        "b1": b1,
        "W2": W2,
        "b2": b2,
        "query_indices": query_indices,
    }


def reference(queries, image_feature_tensor, W1, b1, W2, b2, query_indices):
    mask_keys, key_indices, key_pad_mask = _windowed_keys_for_queries(
        query_indices, image_feature_tensor, WIN, WIN
    )
    # pixel_mask_head: Linear -> ReLU -> Linear
    h = jnp.maximum(mask_keys @ W1 + b1, 0.0)
    mask_keys_proj = h @ W2 + b2                      # [Q, WIN, WIN, QD]
    mask_logits = jnp.einsum('qf,qhwf->qhw', queries, mask_keys_proj)
    mask_logits = mask_logits + jnp.where(key_pad_mask, -jnp.inf, 0.0)
    return mask_logits

if __name__ == "__main__":
    import jax
    _d = setup_inputs()
    print(jax.jit(kernel)(*tuple(_d.values())))

</pallas_src>

<mosaic_0001>
#map = affine_map<(d0, d1) -> (0)>
#map1 = affine_map<(d0, d1) -> (0, 0)>
#map2 = affine_map<(d0, d1) -> (0, 0, 0)>
module attributes {stable_mosaic.version = 14 : i64} {
  func.func @_sc_gather_body(%arg0: i32, %arg1: i32, %arg2: memref<1024xi32, #tpu.memory_space<hbm>>, %arg3: memref<1024xi32, #tpu.memory_space<hbm>>, %arg4: memref<1024xi32, #tpu.memory_space<hbm>>, %arg5: memref<65536x256xf32, #tpu.memory_space<hbm>>, %arg6: memref<25x1024x256xf32, #tpu.memory_space<hbm>>, %arg7: memref<32xi32, #tpu.memory_space<vmem>>, %arg8: memref<32xi32, #tpu.memory_space<vmem>>, %arg9: memref<32xi32, #tpu.memory_space<vmem>>, %arg10: memref<25x32xi32, #tpu.memory_space<vmem>>, %arg11: memref<4x32x256xf32, #tpu.memory_space<vmem>>, %arg12: memref<!tpu.dma_semaphore, #tpu.memory_space<semaphore_mem>>, %arg13: memref<!tpu.dma_semaphore, #tpu.memory_space<semaphore_mem>>) attributes {dimension_semantics = [#tpu.dimension_semantics<core_parallel>, #tpu.dimension_semantics<subcore_parallel>], iteration_bounds = array<i64: 2, 16>, scalar_prefetch = 0 : i64, scratch_operands = 7 : i64, tpu.core_type = #tpu.core_type<sc_vector_subcore>, window_params = [{transform_indices = #map}, {transform_indices = #map}, {transform_indices = #map}, {transform_indices = #map1}, {transform_indices = #map2}]} {
    %mul3A = arith.constant 2 : i32
    %mul3A_0 = arith.muli %arg1, %mul3A : i32
    %add3A = arith.addi %mul3A_0, %arg0 : i32
    %mul3A_1 = arith.constant 32 : i32
    %mul3A_2 = arith.muli %add3A, %mul3A_1 : i32
    "tpu.region"() ({
      %run_scoped3A = tpu.sem_alloc : memref<!tpu.dma_semaphore, #tpu.memory_space<semaphore_mem>>
      %dma_start3A_2870 = tpu.memref_slice %arg2[%mul3A_2] : memref<1024xi32, #tpu.memory_space<hbm>> -> memref<32xi32, #tpu.memory_space<hbm>>
      %dma_start3A_2871 = tpu.memref_slice %arg2[%mul3A_2] : memref<1024xi32, #tpu.memory_space<hbm>> -> memref<32xi32, #tpu.memory_space<hbm>>
      tpu.enqueue_dma source(%dma_start3A_2871 : memref<32xi32, #tpu.memory_space<hbm>>) target(%arg7 : memref<32xi32, #tpu.memory_space<vmem>>) target_semaphore(%run_scoped3A : memref<!tpu.dma_semaphore, #tpu.memory_space<semaphore_mem>>)
      %dma_wait3A_2872 = tpu.memref_slice %arg2[%mul3A_2] : memref<1024xi32, #tpu.memory_space<hbm>> -> memref<32xi32, #tpu.memory_space<hbm>>
      %dma_wait3A_2873 = tpu.memref_slice %arg2[%mul3A_2] : memref<1024xi32, #tpu.memory_space<hbm>> -> memref<32xi32, #tpu.memory_space<hbm>>
      tpu.wait_dma2 semaphore(%run_scoped3A : memref<!tpu.dma_semaphore, #tpu.memory_space<semaphore_mem>>) src(%dma_wait3A_2873 : memref<32xi32, #tpu.memory_space<hbm>>) dst(%arg7 : memref<32xi32, #tpu.memory_space<vmem>>)
      tpu.yield
    }) : () -> ()
    "tpu.region"() ({
      %run_scoped3A = tpu.sem_alloc : memref<!tpu.dma_semaphore, #tpu.memory_space<semaphore_mem>>
      %dma_start3A_2870 = tpu.memref_slice %arg3[%mul3A_2] : memref<1024xi32, #tpu.memory_space<hbm>> -> memref<32xi32, #tpu.memory_space<hbm>>
      %dma_start3A_2871 = tpu.memref_slice %arg3[%mul3A_2] : memref<1024xi32, #tpu.memory_space<hbm>> -> memref<32xi32, #tpu.memory_space<hbm>>
      tpu.enqueue_dma source(%dma_start3A_2871 : memref<32xi32, #tpu.memory_space<hbm>>) target(%arg8 : memref<32xi32, #tpu.memory_space<vmem>>) target_semaphore(%run_scoped3A : memref<!tpu.dma_semaphore, #tpu.memory_space<semaphore_mem>>)
      %dma_wait3A_2872 = tpu.memref_slice %arg3[%mul3A_2] : memref<1024xi32, #tpu.memory_space<hbm>> -> memref<32xi32, #tpu.memory_space<hbm>>
      %dma_wait3A_2873 = tpu.memref_slice %arg3[%mul3A_2] : memref<1024xi32, #tpu.memory_space<hbm>> -> memref<32xi32, #tpu.memory_space<hbm>>
      tpu.wait_dma2 semaphore(%run_scoped3A : memref<!tpu.dma_semaphore, #tpu.memory_space<semaphore_mem>>) src(%dma_wait3A_2873 : memref<32xi32, #tpu.memory_space<hbm>>) dst(%arg8 : memref<32xi32, #tpu.memory_space<vmem>>)
      tpu.yield
    }) : () -> ()
    "tpu.region"() ({
      %run_scoped3A = tpu.sem_alloc : memref<!tpu.dma_semaphore, #tpu.memory_space<semaphore_mem>>
      %dma_start3A_2870 = tpu.memref_slice %arg4[%mul3A_2] : memref<1024xi32, #tpu.memory_space<hbm>> -> memref<32xi32, #tpu.memory_space<hbm>>
      %dma_start3A_2871 = tpu.memref_slice %arg4[%mul3A_2] : memref<1024xi32, #tpu.memory_space<hbm>> -> memref<32xi32, #tpu.memory_space<hbm>>
      tpu.enqueue_dma source(%dma_start3A_2871 : memref<32xi32, #tpu.memory_space<hbm>>) target(%arg9 : memref<32xi32, #tpu.memory_space<vmem>>) target_semaphore(%run_scoped3A : memref<!tpu.dma_semaphore, #tpu.memory_space<semaphore_mem>>)
      %dma_wait3A_2872 = tpu.memref_slice %arg4[%mul3A_2] : memref<1024xi32, #tpu.memory_space<hbm>> -> memref<32xi32, #tpu.memory_space<hbm>>
      %dma_wait3A_2873 = tpu.memref_slice %arg4[%mul3A_2] : memref<1024xi32, #tpu.memory_space<hbm>> -> memref<32xi32, #tpu.memory_space<hbm>>
      tpu.wait_dma2 semaphore(%run_scoped3A : memref<!tpu.dma_semaphore, #tpu.memory_space<semaphore_mem>>) src(%dma_wait3A_2873 : memref<32xi32, #tpu.memory_space<hbm>>) dst(%arg9 : memref<32xi32, #tpu.memory_space<vmem>>)
      tpu.yield
    }) : () -> ()
    %get3A = arith.constant 0 : index
    %get3A_3 = tpu.vector_load %arg7[%get3A] {strides = array<i32>} : memref<32xi32, #tpu.memory_space<vmem>>, vector<16xi32>,
    %get3A_4 = vector.shape_cast %get3A_3 : vector<16xi32> to vector<16xi32>
    %mul3A_5 = arith.constant 16384 : i32
    %mul3A_6 = vector.broadcast %mul3A_5 : i32 to vector<16xi32>
    %mul3A_7 = arith.muli %get3A_4, %mul3A_6 : vector<16xi32>
    %get3A_8 = arith.constant 0 : index
    %get3A_9 = tpu.vector_load %arg8[%get3A_8] {strides = array<i32>} : memref<32xi32, #tpu.memory_space<vmem>>, vector<16xi32>,
    %get3A_10 = vector.shape_cast %get3A_9 : vector<16xi32> to vector<16xi32>
    %get3A_11 = arith.constant 0 : index
    %get3A_12 = tpu.vector_load %arg9[%get3A_11] {strides = array<i32>} : memref<32xi32, #tpu.memory_space<vmem>>, vector<16xi32>,
    %get3A_13 = vector.shape_cast %get3A_12 : vector<16xi32> to vector<16xi32>
    %add3A_14 = arith.constant -2 : i32
    %add3A_15 = vector.broadcast %add3A_14 : i32 to vector<16xi32>
    %add3A_16 = arith.addi %get3A_10, %add3A_15 : vector<16xi32>
    %jit3A = arith.constant 0 : i32
    %jit3A_17 = arith.constant 127 : i32
    %max3A = vector.broadcast %jit3A : i32 to vector<16xi32>
    %max3A_18 = arith.maxsi %max3A, %add3A_16 : vector<16xi32>
    %min3A = vector.broadcast %jit3A_17 : i32 to vector<16xi32>
    %min3A_19 = arith.minsi %min3A, %max3A_18 : vector<16xi32>
    %add3A_20 = arith.constant -2 : i32
    %add3A_21 = vector.broadcast %add3A_20 : i32 to vector<16xi32>
    %add3A_22 = arith.addi %get3A_13, %add3A_21 : vector<16xi32>
    %jit3A_23 = arith.constant 0 : i32
    %jit3A_24 = arith.constant 127 : i32
    %max3A_25 = vector.broadcast %jit3A_23 : i32 to vector<16xi32>
    %max3A_26 = arith.maxsi %max3A_25, %add3A_22 : vector<16xi32>
    %min3A_27 = vector.broadcast %jit3A_24 : i32 to vector<16xi32>
    %min3A_28 = arith.minsi %min3A_27, %max3A_26 : vector<16xi32>
    %mul3A_29 = arith.constant 128 : i32
    %mul3A_30 = vector.broadcast %mul3A_29 : i32 to vector<16xi32>
    %mul3A_31 = arith.muli %min3A_19, %mul3A_30 : vector<16xi32>
    %add3A_32 = arith.addi %mul3A_7, %mul3A_31 : vector<16xi32>
    %add3A_33 = arith.addi %add3A_32, %min3A_28 : vector<16xi32>
    %swap3A = arith.constant 0 : i32
    %swap3A_34 = arith.index_cast %swap3A : i32 to index
    %swap3A_35 = arith.constant 0 : index
    %swap3A_36 = tpu.vector_load %arg10[%swap3A_34, %swap3A_35] {strides = array<i32>} : memref<25x32xi32, #tpu.memory_space<vmem>>, vector<1x16xi32>,
    %swap3A_37 = vector.shape_cast %swap3A_36 : vector<1x16xi32> to vector<16xi32>
    %swap3A_38 = vector.shape_cast %add3A_33 : vector<16xi32> to vector<1x16xi32>
    tpu.vector_store %arg10[%swap3A_34, %swap3A_35], %swap3A_38 {strides = array<i32>} : memref<25x32xi32, #tpu.memory_space<vmem>>, vector<1x16xi32>,
    %add3A_39 = arith.constant -2 : i32
    %add3A_40 = vector.broadcast %add3A_39 : i32 to vector<16xi32>
    %add3A_41 = arith.addi %get3A_10, %add3A_40 : vector<16xi32>
    %jit3A_42 = arith.constant 0 : i32
    %jit3A_43 = arith.constant 127 : i32
    %max3A_44 = vector.broadcast %jit3A_42 : i32 to vector<16xi32>
    %max3A_45 = arith.maxsi %max3A_44, %add3A_41 : vector<16xi32>
    %min3A_46 = vector.broadcast %jit3A_43 : i32 to vector<16xi32>
    %min3A_47 = arith.minsi %min3A_46, %max3A_45 : vector<16xi32>
    %add3A_48 = arith.constant -1 : i32
    %add3A_49 = vector.broadcast %add3A_48 : i32 to vector<16xi32>
    %add3A_50 = arith.addi %get3A_13, %add3A_49 : vector<16xi32>
    %jit3A_51 = arith.constant 0 : i32
    %jit3A_52 = arith.constant 127 : i32
    %max3A_53 = vector.broadcast %jit3A_51 : i32 to vector<16xi32>
    %max3A_54 = arith.maxsi %max3A_53, %add3A_50 : vector<16xi32>
    %min3A_55 = vector.broadcast %jit3A_52 : i32 to vector<16xi32>
    %min3A_56 = arith.minsi %min3A_55, %max3A_54 : vector<16xi32>
    %mul3A_57 = arith.constant 128 : i32
    %mul3A_58 = vector.broadcast %mul3A_57 : i32 to vector<16xi32>
    %mul3A_59 = arith.muli %min3A_47, %mul3A_58 : vector<16xi32>
    %add3A_60 = arith.addi %mul3A_7, %mul3A_59 : vector<16xi32>
    %add3A_61 = arith.addi %add3A_60, %min3A_56 : vector<16xi32>
    %swap3A_62 = arith.constant 1 : i32
    %swap3A_63 = arith.index_cast %swap3A_62 : i32 to index
    %swap3A_64 = arith.constant 0 : index
    %swap3A_65 = tpu.vector_load %arg10[%swap3A_63, %swap3A_64] {strides = array<i32>} : memref<25x32xi32, #tpu.memory_space<vmem>>, vector<1x16xi32>,
    %swap3A_66 = vector.shape_cast %swap3A_65 : vector<1x16xi32> to vector<16xi32>
    %swap3A_67 = vector.shape_cast %add3A_61 : vector<16xi32> to vector<1x16xi32>
    tpu.vector_store %arg10[%swap3A_63, %swap3A_64], %swap3A_67 {strides = array<i32>} : memref<25x32xi32, #tpu.memory_space<vmem>>, vector<1x16xi32>,
    %add3A_68 = arith.constant -2 : i32
    %add3A_69 = vector.broadcast %add3A_68 : i32 to vector<16xi32>
    %add3A_70 = arith.addi %get3A_10, %add3A_69 : vector<16xi32>
    %jit3A_71 = arith.constant 0 : i32
    %jit3A_72 = arith.constant 127 : i32
    %max3A_73 = vector.broadcast %jit3A_71 : i32 to vector<16xi32>
    %max3A_74 = arith.maxsi %max3A_73, %add3A_70 : vector<16xi32>
    %min3A_75 = vector.broadcast %jit3A_72 : i32 to vector<16xi32>
    %min3A_76 = arith.minsi %min3A_75, %max3A_74 : vector<16xi32>
    %add3A_77 = arith.constant 0 : i32
    %add3A_78 = vector.broadcast %add3A_77 : i32 to vector<16xi32>
    %add3A_79 = arith.addi %get3A_13, %add3A_78 : vector<16xi32>
    %jit3A_80 = arith.constant 0 : i32
    %jit3A_81 = arith.constant 127 : i32
    %max3A_82 = vector.broadcast %jit3A_80 : i32 to vector<16xi32>
    %max3A_83 = arith.maxsi %max3A_82, %add3A_79 : vector<16xi32>
    %min3A_84 = vector.broadcast %jit3A_81 : i32 to vector<16xi32>
    %min3A_85 = arith.minsi %min3A_84, %max3A_83 : vector<16xi32>
    %mul3A_86 = arith.constant 128 : i32
    %mul3A_87 = vector.broadcast %mul3A_86 : i32 to vector<16xi32>
    %mul3A_88 = arith.muli %min3A_76, %mul3A_87 : vector<16xi32>
    %add3A_89 = arith.addi %mul3A_7, %mul3A_88 : vector<16xi32>
    %add3A_90 = arith.addi %add3A_89, %min3A_85 : vector<16xi32>
    %swap3A_91 = arith.constant 2 : i32
    %swap3A_92 = arith.index_cast %swap3A_91 : i32 to index
    %swap3A_93 = arith.constant 0 : index
    %swap3A_94 = tpu.vector_load %arg10[%swap3A_92, %swap3A_93] {strides = array<i32>} : memref<25x32xi32, #tpu.memory_space<vmem>>, vector<1x16xi32>,
    %swap3A_95 = vector.shape_cast %swap3A_94 : vector<1x16xi32> to vector<16xi32>
    %swap3A_96 = vector.shape_cast %add3A_90 : vector<16xi32> to vector<1x16xi32>
    tpu.vector_store %arg10[%swap3A_92, %swap3A_93], %swap3A_96 {strides = array<i32>} : memref<25x32xi32, #tpu.memory_space<vmem>>, vector<1x16xi32>,
    %add3A_97 = arith.constant -2 : i32
    %add3A_98 = vector.broadcast %add3A_97 : i32 to vector<16xi32>
    %add3A_99 = arith.addi %get3A_10, %add3A_98 : vector<16xi32>
    %jit3A_100 = arith.constant 0 : i32
    %jit3A_101 = arith.constant 127 : i32
    %max3A_102 = vector.broadcast %jit3A_100 : i32 to vector<16xi32>
    %max3A_103 = arith.maxsi %max3A_102, %add3A_99 : vector<16xi32>
    %min3A_104 = vector.broadcast %jit3A_101 : i32 to vector<16xi32>
    %min3A_105 = arith.minsi %min3A_104, %max3A_103 : vector<16xi32>
    %add3A_106 = arith.constant 1 : i32
    %add3A_107 = vector.broadcast %add3A_106 : i32 to vector<16xi32>
    %add3A_108 = arith.addi %get3A_13, %add3A_107 : vector<16xi32>
    %jit3A_109 = arith.constant 0 : i32
    %jit3A_110 = arith.constant 127 : i32
    %max3A_111 = vector.broadcast %jit3A_109 : i32 to vector<16xi32>
    %max3A_112 = arith.maxsi %max3A_111, %add3A_108 : vector<16xi32>
    %min3A_113 = vector.broadcast %jit3A_110 : i32 to vector<16xi32>
    %min3A_114 = arith.minsi %min3A_113, %max3A_112 : vector<16xi32>
    %mul3A_115 = arith.constant 128 : i32
    %mul3A_116 = vector.broadcast %mul3A_115 : i32 to vector<16xi32>
    %mul3A_117 = arith.muli %min3A_105, %mul3A_116 : vector<16xi32>
    %add3A_118 = arith.addi %mul3A_7, %mul3A_117 : vector<16xi32>
    %add3A_119 = arith.addi %add3A_118, %min3A_114 : vector<16xi32>
    %swap3A_120 = arith.constant 3 : i32
    %swap3A_121 = arith.index_cast %swap3A_120 : i32 to index
    %swap3A_122 = arith.constant 0 : index
    %swap3A_123 = tpu.vector_load %arg10[%swap3A_121, %swap3A_122] {strides = array<i32>} : memref<25x32xi32, #tpu.memory_space<vmem>>, vector<1x16xi32>,
    %swap3A_124 = vector.shape_cast %swap3A_123 : vector<1x16xi32> to vector<16xi32>
    %swap3A_125 = vector.shape_cast %add3A_119 : vector<16xi32> to vector<1x16xi32>
    tpu.vector_store %arg10[%swap3A_121, %swap3A_122], %swap3A_125 {strides = array<i32>} : memref<25x32xi32, #tpu.memory_space<vmem>>, vector<1x16xi32>,
    %add3A_126 = arith.constant -2 : i32
    %add3A_127 = vector.broadcast %add3A_126 : i32 to vector<16xi32>
    %add3A_128 = arith.addi %get3A_10, %add3A_127 : vector<16xi32>
    %jit3A_129 = arith.constant 0 : i32
    %jit3A_130 = arith.constant 127 : i32
    %max3A_131 = vector.broadcast %jit3A_129 : i32 to vector<16xi32>
    %max3A_132 = arith.maxsi %max3A_131, %add3A_128 : vector<16xi32>
    %min3A_133 = vector.broadcast %jit3A_130 : i32 to vector<16xi32>
    %min3A_134 = arith.minsi %min3A_133, %max3A_132 : vector<16xi32>
    %add3A_135 = arith.constant 2 : i32
    %add3A_136 = vector.broadcast %add3A_135 : i32 to vector<16xi32>
    %add3A_137 = arith.addi %get3A_13, %add3A_136 : vector<16xi32>
    %jit3A_138 = arith.constant 0 : i32
    %jit3A_139 = arith.constant 127 : i32
    %max3A_140 = vector.broadcast %jit3A_138 : i32 to vector<16xi32>
    %max3A_141 = arith.maxsi %max3A_140, %add3A_137 : vector<16xi32>
    %min3A_142 = vector.broadcast %jit3A_139 : i32 to vector<16xi32>
    %min3A_143 = arith.minsi %min3A_142, %max3A_141 : vector<16xi32>
    %mul3A_144 = arith.constant 128 : i32
    %mul3A_145 = vector.broadcast %mul3A_144 : i32 to vector<16xi32>
    %mul3A_146 = arith.muli %min3A_134, %mul3A_145 : vector<16xi32>
    %add3A_147 = arith.addi %mul3A_7, %mul3A_146 : vector<16xi32>
    %add3A_148 = arith.addi %add3A_147, %min3A_143 : vector<16xi32>
    %swap3A_149 = arith.constant 4 : i32
    %swap3A_150 = arith.index_cast %swap3A_149 : i32 to index
    %swap3A_151 = arith.constant 0 : index
    %swap3A_152 = tpu.vector_load %arg10[%swap3A_150, %swap3A_151] {strides = array<i32>} : memref<25x32xi32, #tpu.memory_space<vmem>>, vector<1x16xi32>,
    %swap3A_153 = vector.shape_cast %swap3A_152 : vector<1x16xi32> to vector<16xi32>
    %swap3A_154 = vector.shape_cast %add3A_148 : vector<16xi32> to vector<1x16xi32>
    tpu.vector_store %arg10[%swap3A_150, %swap3A_151], %swap3A_154 {strides = array<i32>} : memref<25x32xi32, #tpu.memory_space<vmem>>, vector<1x16xi32>,
    %add3A_155 = arith.constant -1 : i32
    %add3A_156 = vector.broadcast %add3A_155 : i32 to vector<16xi32>
    %add3A_157 = arith.addi %get3A_10, %add3A_156 : vector<16xi32>
    %jit3A_158 = arith.constant 0 : i32
    %jit3A_159 = arith.constant 127 : i32
    %max3A_160 = vector.broadcast %jit3A_158 : i32 to vector<16xi32>
    %max3A_161 = arith.maxsi %max3A_160, %add3A_157 : vector<16xi32>
    %min3A_162 = vector.broadcast %jit3A_159 : i32 to vector<16xi32>
    %min3A_163 = arith.minsi %min3A_162, %max3A_161 : vector<16xi32>
    %add3A_164 = arith.constant -2 : i32
    %add3A_165 = vector.broadcast %add3A_164 : i32 to vector<16xi32>
    %add3A_166 = arith.addi %get3A_13, %add3A_165 : vector<16xi32>
    %jit3A_167 = arith.constant 0 : i32
    %jit3A_168 = arith.constant 127 : i32
    %max3A_169 = vector.broadcast %jit3A_167 : i32 to vector<16xi32>
    %max3A_170 = arith.maxsi %max3A_169, %add3A_166 : vector<16xi32>
    %min3A_171 = vector.broadcast %jit3A_168 : i32 to vector<16xi32>
    %min3A_172 = arith.minsi %min3A_171, %max3A_170 : vector<16xi32>
    %mul3A_173 = arith.constant 128 : i32
    %mul3A_174 = vector.broadcast %mul3A_173 : i32 to vector<16xi32>
    %mul3A_175 = arith.muli %min3A_163, %mul3A_174 : vector<16xi32>
    %add3A_176 = arith.addi %mul3A_7, %mul3A_175 : vector<16xi32>
    %add3A_177 = arith.addi %add3A_176, %min3A_172 : vector<16xi32>
    %swap3A_178 = arith.constant 5 : i32
    %swap3A_179 = arith.index_cast %swap3A_178 : i32 to index
    %swap3A_180 = arith.constant 0 : index
    %swap3A_181 = tpu.vector_load %arg10[%swap3A_179, %swap3A_180] {strides = array<i32>} : memref<25x32xi32, #tpu.memory_space<vmem>>, vector<1x16xi32>,
    %swap3A_182 = vector.shape_cast %swap3A_181 : vector<1x16xi32> to vector<16xi32>
    %swap3A_183 = vector.shape_cast %add3A_177 : vector<16xi32> to vector<1x16xi32>
    tpu.vector_store %arg10[%swap3A_179, %swap3A_180], %swap3A_183 {strides = array<i32>} : memref<25x32xi32, #tpu.memory_space<vmem>>, vector<1x16xi32>,
    %add3A_184 = arith.constant -1 : i32
    %add3A_185 = vector.broadcast %add3A_184 : i32 to vector<16xi32>
    %add3A_186 = arith.addi %get3A_10, %add3A_185 : vector<16xi32>
    %jit3A_187 = arith.constant 0 : i32
    %jit3A_188 = arith.constant 127 : i32
    %max3A_189 = vector.broadcast %jit3A_187 : i32 to vector<16xi32>
    %max3A_190 = arith.maxsi %max3A_189, %add3A_186 : vector<16xi32>
    %min3A_191 = vector.broadcast %jit3A_188 : i32 to vector<16xi32>
    %min3A_192 = arith.minsi %min3A_191, %max3A_190 : vector<16xi32>
    %add3A_193 = arith.constant -1 : i32
    %add3A_194 = vector.broadcast %add3A_193 : i32 to vector<16xi32>
    %add3A_195 = arith.addi %get3A_13, %add3A_194 : vector<16xi32>
    %jit3A_196 = arith.constant 0 : i32
    %jit3A_197 = arith.constant 127 : i32
    %max3A_198 = vector.broadcast %jit3A_196 : i32 to vector<16xi32>
    %max3A_199 = arith.maxsi %max3A_198, %add3A_195 : vector<16xi32>
    %min3A_200 = vector.broadcast %jit3A_197 : i32 to vector<16xi32>
    %min3A_201 = arith.minsi %min3A_200, %max3A_199 : vector<16xi32>
    %mul3A_202 = arith.constant 128 : i32
    %mul3A_203 = vector.broadcast %mul3A_202 : i32 to vector<16xi32>
    %mul3A_204 = arith.muli %min3A_192, %mul3A_203 : vector<16xi32>
    %add3A_205 = arith.addi %mul3A_7, %mul3A_204 : vector<16xi32>
    %add3A_206 = arith.addi %add3A_205, %min3A_201 : vector<16xi32>
    %swap3A_207 = arith.constant 6 : i32
    %swap3A_208 = arith.index_cast %swap3A_207 : i32 to index
    %swap3A_209 = arith.constant 0 : index
    %swap3A_210 = tpu.vector_load %arg10[%swap3A_208, %swap3A_209] {strides = array<i32>} : memref<25x32xi32, #tpu.memory_space<vmem>>, vector<1x16xi32>,
    %swap3A_211 = vector.shape_cast %swap3A_210 : vector<1x16xi32> to vector<16xi32>
    %swap3A_212 = vector.shape_cast %add3A_206 : vector<16xi32> to vector<1x16xi32>
    tpu.vector_store %arg10[%swap3A_208, %swap3A_209], %swap3A_212 {strides = array<i32>} : memref<25x32xi32, #tpu.memory_space<vmem>>, vector<1x16xi32>,
    %add3A_213 = arith.constant -1 : i32
    %add3A_214 = vector.broadcast %add3A_213 : i32 to vector<16xi32>
    %add3A_215 = arith.addi %get3A_10, %add3A_214 : vector<16xi32>
    %jit3A_216 = arith.constant 0 : i32
    %jit3A_217 = arith.constant 127 : i32
    %max3A_218 = vector.broadcast %jit3A_216 : i32 to vector<16xi32>
    %max3A_219 = arith.maxsi %max3A_218, %add3A_215 : vector<16xi32>
    %min3A_220 = vector.broadcast %jit3A_217 : i32 to vector<16xi32>
    %min3A_221 = arith.minsi %min3A_220, %max3A_219 : vector<16xi32>
    %add3A_222 = arith.constant 0 : i32
    %add3A_223 = vector.broadcast %add3A_222 : i32 to vector<16xi32>
    %add3A_224 = arith.addi %get3A_13, %add3A_223 : vector<16xi32>
    %jit3A_225 = arith.constant 0 : i32
    %jit3A_226 = arith.constant 127 : i32
    %max3A_227 = vector.broadcast %jit3A_225 : i32 to vector<16xi32>
    %max3A_228 = arith.maxsi %max3A_227, %add3A_224 : vector<16xi32>
    %min3A_229 = vector.broadcast %jit3A_226 : i32 to vector<16xi32>
    %min3A_230 = arith.minsi %min3A_229, %max3A_228 : vector<16xi32>
    %mul3A_231 = arith.constant 128 : i32
    %mul3A_232 = vector.broadcast %mul3A_231 : i32 to vector<16xi32>
    %mul3A_233 = arith.muli %min3A_221, %mul3A_232 : vector<16xi32>
    %add3A_234 = arith.addi %mul3A_7, %mul3A_233 : vector<16xi32>
    %add3A_235 = arith.addi %add3A_234, %min3A_230 : vector<16xi32>
    %swap3A_236 = arith.constant 7 : i32
    %swap3A_237 = arith.index_cast %swap3A_236 : i32 to index
    %swap3A_238 = arith.constant 0 : index
    %swap3A_239 = tpu.vector_load %arg10[%swap3A_237, %swap3A_238] {strides = array<i32>} : memref<25x32xi32, #tpu.memory_space<vmem>>, vector<1x16xi32>,
    %swap3A_240 = vector.shape_cast %swap3A_239 : vector<1x16xi32> to vector<16xi32>
    %swap3A_241 = vector.shape_cast %add3A_235 : vector<16xi32> to vector<1x16xi32>
    tpu.vector_store %arg10[%swap3A_237, %swap3A_238], %swap3A_241 {strides = array<i32>} : memref<25x32xi32, #tpu.memory_space<vmem>>, vector<1x16xi32>,
    %add3A_242 = arith.constant -1 : i32
    %add3A_243 = vector.broadcast %add3A_242 : i32 to vector<16xi32>
    %add3A_244 = arith.addi %get3A_10, %add3A_243 : vector<16xi32>
    %jit3A_245 = arith.constant 0 : i32
    %jit3A_246 = arith.constant 127 : i32
    %max3A_247 = vector.broadcast %jit3A_245 : i32 to vector<16xi32>
    %max3A_248 = arith.maxsi %max3A_247, %add3A_244 : vector<16xi32>
    %min3A_249 = vector.broadcast %jit3A_246 : i32 to vector<16xi32>
    %min3A_250 = arith.minsi %min3A_249, %max3A_248 : vector<16xi32>
    %add3A_251 = arith.constant 1 : i32
    %add3A_252 = vector.broadcast %add3A_251 : i32 to vector<16xi32>
    %add3A_253 = arith.addi %get3A_13, %add3A_252 : vector<16xi32>
    %jit3A_254 = arith.constant 0 : i32
    %jit3A_255 = arith.constant 127 : i32
    %max3A_256 = vector.broadcast %jit3A_254 : i32 to vector<16xi32>
    %max3A_257 = arith.maxsi %max3A_256, %add3A_253 : vector<16xi32>
    %min3A_258 = vector.broadcast %jit3A_255 : i32 to vector<16xi32>
    %min3A_259 = arith.minsi %min3A_258, %max3A_257 : vector<16xi32>
    %mul3A_260 = arith.constant 128 : i32
    %mul3A_261 = vector.broadcast %mul3A_260 : i32 to vector<16xi32>
    %mul3A_262 = arith.muli %min3A_250, %mul3A_261 : vector<16xi32>
    %add3A_263 = arith.addi %mul3A_7, %mul3A_262 : vector<16xi32>
    %add3A_264 = arith.addi %add3A_263, %min3A_259 : vector<16xi32>
    %swap3A_265 = arith.constant 8 : i32
    %swap3A_266 = arith.index_cast %swap3A_265 : i32 to index
    %swap3A_267 = arith.constant 0 : index
    %swap3A_268 = tpu.vector_load %arg10[%swap3A_266, %swap3A_267] {strides = array<i32>} : memref<25x32xi32, #tpu.memory_space<vmem>>, vector<1x16xi32>,
    %swap3A_269 = vector.shape_cast %swap3A_268 : vector<1x16xi32> to vector<16xi32>
    %swap3A_270 = vector.shape_cast %add3A_264 : vector<16xi32> to vector<1x16xi32>
    tpu.vector_store %arg10[%swap3A_266, %swap3A_267], %swap3A_270 {strides = array<i32>} : memref<25x32xi32, #tpu.memory_space<vmem>>, vector<1x16xi32>,
    %add3A_271 = arith.constant -1 : i32
    %add3A_272 = vector.broadcast %add3A_271 : i32 to vector<16xi32>
    %add3A_273 = arith.addi %get3A_10, %add3A_272 : vector<16xi32>
    %jit3A_274 = arith.constant 0 : i32
    %jit3A_275 = arith.constant 127 : i32
    %max3A_276 = vector.broadcast %jit3A_274 : i32 to vector<16xi32>
    %max3A_277 = arith.maxsi %max3A_276, %add3A_273 : vector<16xi32>
    %min3A_278 = vector.broadcast %jit3A_275 : i32 to vector<16xi32>
    %min3A_279 = arith.minsi %min3A_278, %max3A_277 : vector<16xi32>
    %add3A_280 = arith.constant 2 : i32
    %add3A_281 = vector.broadcast %add3A_280 : i32 to vector<16xi32>
    %add3A_282 = arith.addi %get3A_13, %add3A_281 : vector<16xi32>
    %jit3A_283 = arith.constant 0 : i32
    %jit3A_284 = arith.constant 127 : i32
    %max3A_285 = vector.broadcast %jit3A_283 : i32 to vector<16xi32>
    %max3A_286 = arith.maxsi %max3A_285, %add3A_282 : vector<16xi32>
    %min3A_287 = vector.broadcast %jit3A_284 : i32 to vector<16xi32>
    %min3A_288 = arith.minsi %min3A_287, %max3A_286 : vector<16xi32>
    %mul3A_289 = arith.constant 128 : i32
    %mul3A_290 = vector.broadcast %mul3A_289 : i32 to vector<16xi32>
    %mul3A_291 = arith.muli %min3A_279, %mul3A_290 : vector<16xi32>
    %add3A_292 = arith.addi %mul3A_7, %mul3A_291 : vector<16xi32>
    %add3A_293 = arith.addi %add3A_292, %min3A_288 : vector<16xi32>
    %swap3A_294 = arith.constant 9 : i32
    %swap3A_295 = arith.index_cast %swap3A_294 : i32 to index
    %swap3A_296 = arith.constant 0 : index
    %swap3A_297 = tpu.vector_load %arg10[%swap3A_295, %swap3A_296] {strides = array<i32>} : memref<25x32xi32, #tpu.memory_space<vmem>>, vector<1x16xi32>,
    %swap3A_298 = vector.shape_cast %swap3A_297 : vector<1x16xi32> to vector<16xi32>
    %swap3A_299 = vector.shape_cast %add3A_293 : vector<16xi32> to vector<1x16xi32>
    tpu.vector_store %arg10[%swap3A_295, %swap3A_296], %swap3A_299 {strides = array<i32>} : memref<25x32xi32, #tpu.memory_space<vmem>>, vector<1x16xi32>,
    %add3A_300 = arith.constant 0 : i32
    %add3A_301 = vector.broadcast %add3A_300 : i32 to vector<16xi32>
    %add3A_302 = arith.addi %get3A_10, %add3A_301 : vector<16xi32>
    %jit3A_303 = arith.constant 0 : i32
    %jit3A_304 = arith.constant 127 : i32
    %max3A_305 = vector.broadcast %jit3A_303 : i32 to vector<16xi32>
    %max3A_306 = arith.maxsi %max3A_305, %add3A_302 : vector<16xi32>
    %min3A_307 = vector.broadcast %jit3A_304 : i32 to vector<16xi32>
    %min3A_308 = arith.minsi %min3A_307, %max3A_306 : vector<16xi32>
    %add3A_309 = arith.constant -2 : i32
    %add3A_310 = vector.broadcast %add3A_309 : i32 to vector<16xi32>
    %add3A_311 = arith.addi %get3A_13, %add3A_310 : vector<16xi32>
    %jit3A_312 = arith.constant 0 : i32
    %jit3A_313 = arith.constant 127 : i32
    %max3A_314 = vector.broadcast %jit3A_312 : i32 to vector<16xi32>
    %max3A_315 = arith.maxsi %max3A_314, %add3A_311 : vector<16xi32>
    %min3A_316 = vector.broadcast %jit3A_313 : i32 to vector<16xi32>
    %min3A_317 = arith.minsi %min3A_316, %max3A_315 : vector<16xi32>
    %mul3A_318 = arith.constant 128 : i32
    %mul3A_319 = vector.broadcast %mul3A_318 : i32 to vector<16xi32>
    %mul3A_320 = arith.muli %min3A_308, %mul3A_319 : vector<16xi32>
    %add3A_321 = arith.addi %mul3A_7, %mul3A_320 : vector<16xi32>
    %add3A_322 = arith.addi %add3A_321, %min3A_317 : vector<16xi32>
    %swap3A_323 = arith.constant 10 : i32
    %swap3A_324 = arith.index_cast %swap3A_323 : i32 to index
    %swap3A_325 = arith.constant 0 : index
    %swap3A_326 = tpu.vector_load %arg10[%swap3A_324, %swap3A_325] {strides = array<i32>} : memref<25x32xi32, #tpu.memory_space<vmem>>, vector<1x16xi32>,
    %swap3A_327 = vector.shape_cast %swap3A_326 : vector<1x16xi32> to vector<16xi32>
    %swap3A_328 = vector.shape_cast %add3A_322 : vector<16xi32> to vector<1x16xi32>
    tpu.vector_store %arg10[%swap3A_324, %swap3A_325], %swap3A_328 {strides = array<i32>} : memref<25x32xi32, #tpu.memory_space<vmem>>, vector<1x16xi32>,
    %add3A_329 = arith.constant 0 : i32
    %add3A_330 = vector.broadcast %add3A_329 : i32 to vector<16xi32>
    %add3A_331 = arith.addi %get3A_10, %add3A_330 : vector<16xi32>
    %jit3A_332 = arith.constant 0 : i32
    %jit3A_333 = arith.constant 127 : i32
    %max3A_334 = vector.broadcast %jit3A_332 : i32 to vector<16xi32>
    %max3A_335 = arith.maxsi %max3A_334, %add3A_331 : vector<16xi32>
    %min3A_336 = vector.broadcast %jit3A_333 : i32 to vector<16xi32>
    %min3A_337 = arith.minsi %min3A_336, %max3A_335 : vector<16xi32>
    %add3A_338 = arith.constant -1 : i32
    %add3A_339 = vector.broadcast %add3A_338 : i32 to vector<16xi32>
    %add3A_340 = arith.addi %get3A_13, %add3A_339 : vector<16xi32>
    %jit3A_341 = arith.constant 0 : i32
    %jit3A_342 = arith.constant 127 : i32
    %max3A_343 = vector.broadcast %jit3A_341 : i32 to vector<16xi32>
    %max3A_344 = arith.maxsi %max3A_343, %add3A_340 : vector<16xi32>
    %min3A_345 = vector.broadcast %jit3A_342 : i32 to vector<16xi32>
    %min3A_346 = arith.minsi %min3A_345, %max3A_344 : vector<16xi32>
    %mul3A_347 = arith.constant 128 : i32
    %mul3A_348 = vector.broadcast %mul3A_347 : i32 to vector<16xi32>
    %mul3A_349 = arith.muli %min3A_337, %mul3A_348 : vector<16xi32>
    %add3A_350 = arith.addi %mul3A_7, %mul3A_349 : vector<16xi32>
    %add3A_351 = arith.addi %add3A_350, %min3A_346 : vector<16xi32>
    %swap3A_352 = arith.constant 11 : i32
    %swap3A_353 = arith.index_cast %swap3A_352 : i32 to index
    %swap3A_354 = arith.constant 0 : index
    %swap3A_355 = tpu.vector_load %arg10[%swap3A_353, %swap3A_354] {strides = array<i32>} : memref<25x32xi32, #tpu.memory_space<vmem>>, vector<1x16xi32>,
    %swap3A_356 = vector.shape_cast %swap3A_355 : vector<1x16xi32> to vector<16xi32>
    %swap3A_357 = vector.shape_cast %add3A_351 : vector<16xi32> to vector<1x16xi32>
    tpu.vector_store %arg10[%swap3A_353, %swap3A_354], %swap3A_357 {strides = array<i32>} : memref<25x32xi32, #tpu.memory_space<vmem>>, vector<1x16xi32>,
    %add3A_358 = arith.constant 0 : i32
    %add3A_359 = vector.broadcast %add3A_358 : i32 to vector<16xi32>
    %add3A_360 = arith.addi %get3A_10, %add3A_359 : vector<16xi32>
    %jit3A_361 = arith.constant 0 : i32
    %jit3A_362 = arith.constant 127 : i32
    %max3A_363 = vector.broadcast %jit3A_361 : i32 to vector<16xi32>
    %max3A_364 = arith.maxsi %max3A_363, %add3A_360 : vector<16xi32>
    %min3A_365 = vector.broadcast %jit3A_362 : i32 to vector<16xi32>
    %min3A_366 = arith.minsi %min3A_365, %max3A_364 : vector<16xi32>
    %add3A_367 = arith.constant 0 : i32
    %add3A_368 = vector.broadcast %add3A_367 : i32 to vector<16xi32>
    %add3A_369 = arith.addi %get3A_13, %add3A_368 : vector<16xi32>
    %jit3A_370 = arith.constant 0 : i32
    %jit3A_371 = arith.constant 127 : i32
    %max3A_372 = vector.broadcast %jit3A_370 : i32 to vector<16xi32>
    %max3A_373 = arith.maxsi %max3A_372, %add3A_369 : vector<16xi32>
    %min3A_374 = vector.broadcast %jit3A_371 : i32 to vector<16xi32>
    %min3A_375 = arith.minsi %min3A_374, %max3A_373 : vector<16xi32>
    %mul3A_376 = arith.constant 128 : i32
    %mul3A_377 = vector.broadcast %mul3A_376 : i32 to vector<16xi32>
    %mul3A_378 = arith.muli %min3A_366, %mul3A_377 : vector<16xi32>
    %add3A_379 = arith.addi %mul3A_7, %mul3A_378 : vector<16xi32>
    %add3A_380 = arith.addi %add3A_379, %min3A_375 : vector<16xi32>
    %swap3A_381 = arith.constant 12 : i32
    %swap3A_382 = arith.index_cast %swap3A_381 : i32 to index
    %swap3A_383 = arith.constant 0 : index
    %swap3A_384 = tpu.vector_load %arg10[%swap3A_382, %swap3A_383] {strides = array<i32>} : memref<25x32xi32, #tpu.memory_space<vmem>>, vector<1x16xi32>,
    %swap3A_385 = vector.shape_cast %swap3A_384 : vector<1x16xi32> to vector<16xi32>
    %swap3A_386 = vector.shape_cast %add3A_380 : vector<16xi32> to vector<1x16xi32>
    tpu.vector_store %arg10[%swap3A_382, %swap3A_383], %swap3A_386 {strides = array<i32>} : memref<25x32xi32, #tpu.memory_space<vmem>>, vector<1x16xi32>,
    %add3A_387 = arith.constant 0 : i32
    %add3A_388 = vector.broadcast %add3A_387 : i32 to vector<16xi32>
    %add3A_389 = arith.addi %get3A_10, %add3A_388 : vector<16xi32>
    %jit3A_390 = arith.constant 0 : i32
    %jit3A_391 = arith.constant 127 : i32
    %max3A_392 = vector.broadcast %jit3A_390 : i32 to vector<16xi32>
    %max3A_393 = arith.maxsi %max3A_392, %add3A_389 : vector<16xi32>
    %min3A_394 = vector.broadcast %jit3A_391 : i32 to vector<16xi32>
    %min3A_395 = arith.minsi %min3A_394, %max3A_393 : vector<16xi32>
    %add3A_396 = arith.constant 1 : i32
    %add3A_397 = vector.broadcast %add3A_396 : i32 to vector<16xi32>
    %add3A_398 = arith.addi %get3A_13, %add3A_397 : vector<16xi32>
    %jit3A_399 = arith.constant 0 : i32
    %jit3A_400 = arith.constant 127 : i32
    %max3A_401 = vector.broadcast %jit3A_399 : i32 to vector<16xi32>
    %max3A_402 = arith.maxsi %max3A_401, %add3A_398 : vector<16xi32>
    %min3A_403 = vector.broadcast %jit3A_400 : i32 to vector<16xi32>
    %min3A_404 = arith.minsi %min3A_403, %max3A_402 : vector<16xi32>
    %mul3A_405 = arith.constant 128 : i32
    %mul3A_406 = vector.broadcast %mul3A_405 : i32 to vector<16xi32>
    %mul3A_407 = arith.muli %min3A_395, %mul3A_406 : vector<16xi32>
    %add3A_408 = arith.addi %mul3A_7, %mul3A_407 : vector<16xi32>
    %add3A_409 = arith.addi %add3A_408, %min3A_404 : vector<16xi32>
    %swap3A_410 = arith.constant 13 : i32
    %swap3A_411 = arith.index_cast %swap3A_410 : i32 to index
    %swap3A_412 = arith.constant 0 : index
    %swap3A_413 = tpu.vector_load %arg10[%swap3A_411, %swap3A_412] {strides = array<i32>} : memref<25x32xi32, #tpu.memory_space<vmem>>, vector<1x16xi32>,
    %swap3A_414 = vector.shape_cast %swap3A_413 : vector<1x16xi32> to vector<16xi32>
    %swap3A_415 = vector.shape_cast %add3A_409 : vector<16xi32> to vector<1x16xi32>
    tpu.vector_store %arg10[%swap3A_411, %swap3A_412], %swap3A_415 {strides = array<i32>} : memref<25x32xi32, #tpu.memory_space<vmem>>, vector<1x16xi32>,
    %add3A_416 = arith.constant 0 : i32
    %add3A_417 = vector.broadcast %add3A_416 : i32 to vector<16xi32>
    %add3A_418 = arith.addi %get3A_10, %add3A_417 : vector<16xi32>
    %jit3A_419 = arith.constant 0 : i32
    %jit3A_420 = arith.constant 127 : i32
    %max3A_421 = vector.broadcast %jit3A_419 : i32 to vector<16xi32>
    %max3A_422 = arith.maxsi %max3A_421, %add3A_418 : vector<16xi32>
    %min3A_423 = vector.broadcast %jit3A_420 : i32 to vector<16xi32>
    %min3A_424 = arith.minsi %min3A_423, %max3A_422 : vector<16xi32>
    %add3A_425 = arith.constant 2 : i32
    %add3A_426 = vector.broadcast %add3A_425 : i32 to vector<16xi32>
    %add3A_427 = arith.addi %get3A_13, %add3A_426 : vector<16xi32>
    %jit3A_428 = arith.constant 0 : i32
    %jit3A_429 = arith.constant 127 : i32
    %max3A_430 = vector.broadcast %jit3A_428 : i32 to vector<16xi32>
    %max3A_431 = arith.maxsi %max3A_430, %add3A_427 : vector<16xi32>
    %min3A_432 = vector.broadcast %jit3A_429 : i32 to vector<16xi32>
    %min3A_433 = arith.minsi %min3A_432, %max3A_431 : vector<16xi32>
    %mul3A_434 = arith.constant 128 : i32
    %mul3A_435 = vector.broadcast %mul3A_434 : i32 to vector<16xi32>
    %mul3A_436 = arith.muli %min3A_424, %mul3A_435 : vector<16xi32>
    %add3A_437 = arith.addi %mul3A_7, %mul3A_436 : vector<16xi32>
    %add3A_438 = arith.addi %add3A_437, %min3A_433 : vector<16xi32>
    %swap3A_439 = arith.constant 14 : i32
    %swap3A_440 = arith.index_cast %swap3A_439 : i32 to index
    %swap3A_441 = arith.constant 0 : index
    %swap3A_442 = tpu.vector_load %arg10[%swap3A_440, %swap3A_441] {strides = array<i32>} : memref<25x32xi32, #tpu.memory_space<vmem>>, vector<1x16xi32>,
    %swap3A_443 = vector.shape_cast %swap3A_442 : vector<1x16xi32> to vector<16xi32>
    %swap3A_444 = vector.shape_cast %add3A_438 : vector<16xi32> to vector<1x16xi32>
    tpu.vector_store %arg10[%swap3A_440, %swap3A_441], %swap3A_444 {strides = array<i32>} : memref<25x32xi32, #tpu.memory_space<vmem>>, vector<1x16xi32>,
    %add3A_445 = arith.constant 1 : i32
    %add3A_446 = vector.broadcast %add3A_445 : i32 to vector<16xi32>
    %add3A_447 = arith.addi %get3A_10, %add3A_446 : vector<16xi32>
    %jit3A_448 = arith.constant 0 : i32
    %jit3A_449 = arith.constant 127 : i32
    %max3A_450 = vector.broadcast %jit3A_448 : i32 to vector<16xi32>
    %max3A_451 = arith.maxsi %max3A_450, %add3A_447 : vector<16xi32>
    %min3A_452 = vector.broadcast %jit3A_449 : i32 to vector<16xi32>
    %min3A_453 = arith.minsi %min3A_452, %max3A_451 : vector<16xi32>
    %add3A_454 = arith.constant -2 : i32
    %add3A_455 = vector.broadcast %add3A_454 : i32 to vector<16xi32>
    %add3A_456 = arith.addi %get3A_13, %add3A_455 : vector<16xi32>
    %jit3A_457 = arith.constant 0 : i32
    %jit3A_458 = arith.constant 127 : i32
    %max3A_459 = vector.broadcast %jit3A_457 : i32 to vector<16xi32>
    %max3A_460 = arith.maxsi %max3A_459, %add3A_456 : vector<16xi32>
    %min3A_461 = vector.broadcast %jit3A_458 : i32 to vector<16xi32>
    %min3A_462 = arith.minsi %min3A_461, %max3A_460 : vector<16xi32>
    %mul3A_463 = arith.constant 128 : i32
    %mul3A_464 = vector.broadcast %mul3A_463 : i32 to vector<16xi32>
    %mul3A_465 = arith.muli %min3A_453, %mul3A_464 : vector<16xi32>
    %add3A_466 = arith.addi %mul3A_7, %mul3A_465 : vector<16xi32>
    %add3A_467 = arith.addi %add3A_466, %min3A_462 : vector<16xi32>
    %swap3A_468 = arith.constant 15 : i32
    %swap3A_469 = arith.index_cast %swap3A_468 : i32 to index
    %swap3A_470 = arith.constant 0 : index
    %swap3A_471 = tpu.vector_load %arg10[%swap3A_469, %swap3A_470] {strides = array<i32>} : memref<25x32xi32, #tpu.memory_space<vmem>>, vector<1x16xi32>,
    %swap3A_472 = vector.shape_cast %swap3A_471 : vector<1x16xi32> to vector<16xi32>
    %swap3A_473 = vector.shape_cast %add3A_467 : vector<16xi32> to vector<1x16xi32>
    tpu.vector_store %arg10[%swap3A_469, %swap3A_470], %swap3A_473 {strides = array<i32>} : memref<25x32xi32, #tpu.memory_space<vmem>>, vector<1x16xi32>,
    %add3A_474 = arith.constant 1 : i32
    %add3A_475 = vector.broadcast %add3A_474 : i32 to vector<16xi32>
    %add3A_476 = arith.addi %get3A_10, %add3A_475 : vector<16xi32>
    %jit3A_477 = arith.constant 0 : i32
    %jit3A_478 = arith.constant 127 : i32
    %max3A_479 = vector.broadcast %jit3A_477 : i32 to vector<16xi32>
    %max3A_480 = arith.maxsi %max3A_479, %add3A_476 : vector<16xi32>
    %min3A_481 = vector.broadcast %jit3A_478 : i32 to vector<16xi32>
    %min3A_482 = arith.minsi %min3A_481, %max3A_480 : vector<16xi32>
    %add3A_483 = arith.constant -1 : i32
    %add3A_484 = vector.broadcast %add3A_483 : i32 to vector<16xi32>
    %add3A_485 = arith.addi %get3A_13, %add3A_484 : vector<16xi32>
    %jit3A_486 = arith.constant 0 : i32
    %jit3A_487 = arith.constant 127 : i32
    %max3A_488 = vector.broadcast %jit3A_486 : i32 to vector<16xi32>
    %max3A_489 = arith.maxsi %max3A_488, %add3A_485 : vector<16xi32>
    %min3A_490 = vector.broadcast %jit3A_487 : i32 to vector<16xi32>
    %min3A_491 = arith.minsi %min3A_490, %max3A_489 : vector<16xi32>
    %mul3A_492 = arith.constant 128 : i32
    %mul3A_493 = vector.broadcast %mul3A_492 : i32 to vector<16xi32>
    %mul3A_494 = arith.muli %min3A_482, %mul3A_493 : vector<16xi32>
    %add3A_495 = arith.addi %mul3A_7, %mul3A_494 : vector<16xi32>
    %add3A_496 = arith.addi %add3A_495, %min3A_491 : vector<16xi32>
    %swap3A_497 = arith.constant 16 : i32
    %swap3A_498 = arith.index_cast %swap3A_497 : i32 to index
    %swap3A_499 = arith.constant 0 : index
    %swap3A_500 = tpu.vector_load %arg10[%swap3A_498, %swap3A_499] {strides = array<i32>} : memref<25x32xi32, #tpu.memory_space<vmem>>, vector<1x16xi32>,
    %swap3A_501 = vector.shape_cast %swap3A_500 : vector<1x16xi32> to vector<16xi32>
    %swap3A_502 = vector.shape_cast %add3A_496 : vector<16xi32> to vector<1x16xi32>
    tpu.vector_store %arg10[%swap3A_498, %swap3A_499], %swap3A_502 {strides = array<i32>} : memref<25x32xi32, #tpu.memory_space<vmem>>, vector<1x16xi32>,
    %add3A_503 = arith.constant 1 : i32
    %add3A_504 = vector.broadcast %add3A_503 : i32 to vector<16xi32>
    %add3A_505 = arith.addi %get3A_10, %add3A_504 : vector<16xi32>
    %jit3A_506 = arith.constant 0 : i32
    %jit3A_507 = arith.constant 127 : i32
    %max3A_508 = vector.broadcast %jit3A_506 : i32 to vector<16xi32>
    %max3A_509 = arith.maxsi %max3A_508, %add3A_505 : vector<16xi32>
    %min3A_510 = vector.broadcast %jit3A_507 : i32 to vector<16xi32>
    %min3A_511 = arith.minsi %min3A_510, %max3A_509 : vector<16xi32>
    %add3A_512 = arith.constant 0 : i32
    %add3A_513 = vector.broadcast %add3A_512 : i32 to vector<16xi32>
    %add3A_514 = arith.addi %get3A_13, %add3A_513 : vector<16xi32>
    %jit3A_515 = arith.constant 0 : i32
    %jit3A_516 = arith.constant 127 : i32
    %max3A_517 = vector.broadcast %jit3A_515 : i32 to vector<16xi32>
    %max3A_518 = arith.maxsi %max3A_517, %add3A_514 : vector<16xi32>
    %min3A_519 = vector.broadcast %jit3A_516 : i32 to vector<16xi32>
    %min3A_520 = arith.minsi %min3A_519, %max3A_518 : vector<16xi32>
    %mul3A_521 = arith.constant 128 : i32
    %mul3A_522 = vector.broadcast %mul3A_521 : i32 to vector<16xi32>
    %mul3A_523 = arith.muli %min3A_511, %mul3A_522 : vector<16xi32>
    %add3A_524 = arith.addi %mul3A_7, %mul3A_523 : vector<16xi32>
    %add3A_525 = arith.addi %add3A_524, %min3A_520 : vector<16xi32>
    %swap3A_526 = arith.constant 17 : i32
    %swap3A_527 = arith.index_cast %swap3A_526 : i32 to index
    %swap3A_528 = arith.constant 0 : index
    %swap3A_529 = tpu.vector_load %arg10[%swap3A_527, %swap3A_528] {strides = array<i32>} : memref<25x32xi32, #tpu.memory_space<vmem>>, vector<1x16xi32>,
    %swap3A_530 = vector.shape_cast %swap3A_529 : vector<1x16xi32> to vector<16xi32>
    %swap3A_531 = vector.shape_cast %add3A_525 : vector<16xi32> to vector<1x16xi32>
    tpu.vector_store %arg10[%swap3A_527, %swap3A_528], %swap3A_531 {strides = array<i32>} : memref<25x32xi32, #tpu.memory_space<vmem>>, vector<1x16xi32>,
    %add3A_532 = arith.constant 1 : i32
    %add3A_533 = vector.broadcast %add3A_532 : i32 to vector<16xi32>
    %add3A_534 = arith.addi %get3A_10, %add3A_533 : vector<16xi32>
    %jit3A_535 = arith.constant 0 : i32
    %jit3A_536 = arith.constant 127 : i32
    %max3A_537 = vector.broadcast %jit3A_535 : i32 to vector<16xi32>
    %max3A_538 = arith.maxsi %max3A_537, %add3A_534 : vector<16xi32>
    %min3A_539 = vector.broadcast %jit3A_536 : i32 to vector<16xi32>
    %min3A_540 = arith.minsi %min3A_539, %max3A_538 : vector<16xi32>
    %add3A_541 = arith.constant 1 : i32
    %add3A_542 = vector.broadcast %add3A_541 : i32 to vector<16xi32>
    %add3A_543 = arith.addi %get3A_13, %add3A_542 : vector<16xi32>
    %jit3A_544 = arith.constant 0 : i32
    %jit3A_545 = arith.constant 127 : i32
    %max3A_546 = vector.broadcast %jit3A_544 : i32 to vector<16xi32>
    %max3A_547 = arith.maxsi %max3A_546, %add3A_543 : vector<16xi32>
    %min3A_548 = vector.broadcast %jit3A_545 : i32 to vector<16xi32>
    %min3A_549 = arith.minsi %min3A_548, %max3A_547 : vector<16xi32>
    %mul3A_550 = arith.constant 128 : i32
    %mul3A_551 = vector.broadcast %mul3A_550 : i32 to vector<16xi32>
    %mul3A_552 = arith.muli %min3A_540, %mul3A_551 : vector<16xi32>
    %add3A_553 = arith.addi %mul3A_7, %mul3A_552 : vector<16xi32>
    %add3A_554 = arith.addi %add3A_553, %min3A_549 : vector<16xi32>
    %swap3A_555 = arith.constant 18 : i32
    %swap3A_556 = arith.index_cast %swap3A_555 : i32 to index
    %swap3A_557 = arith.constant 0 : index
    %swap3A_558 = tpu.vector_load %arg10[%swap3A_556, %swap3A_557] {strides = array<i32>} : memref<25x32xi32, #tpu.memory_space<vmem>>, vector<1x16xi32>,
    %swap3A_559 = vector.shape_cast %swap3A_558 : vector<1x16xi32> to vector<16xi32>
    %swap3A_560 = vector.shape_cast %add3A_554 : vector<16xi32> to vector<1x16xi32>
    tpu.vector_store %arg10[%swap3A_556, %swap3A_557], %swap3A_560 {strides = array<i32>} : memref<25x32xi32, #tpu.memory_space<vmem>>, vector<1x16xi32>,
    %add3A_561 = arith.constant 1 : i32
    %add3A_562 = vector.broadcast %add3A_561 : i32 to vector<16xi32>
    %add3A_563 = arith.addi %get3A_10, %add3A_562 : vector<16xi32>
    %jit3A_564 = arith.constant 0 : i32
    %jit3A_565 = arith.constant 127 : i32
    %max3A_566 = vector.broadcast %jit3A_564 : i32 to vector<16xi32>
    %max3A_567 = arith.maxsi %max3A_566, %add3A_563 : vector<16xi32>
    %min3A_568 = vector.broadcast %jit3A_565 : i32 to vector<16xi32>
    %min3A_569 = arith.minsi %min3A_568, %max3A_567 : vector<16xi32>
    %add3A_570 = arith.constant 2 : i32
    %add3A_571 = vector.broadcast %add3A_570 : i32 to vector<16xi32>
    %add3A_572 = arith.addi %get3A_13, %add3A_571 : vector<16xi32>
    %jit3A_573 = arith.constant 0 : i32
    %jit3A_574 = arith.constant 127 : i32
    %max3A_575 = vector.broadcast %jit3A_573 : i32 to vector<16xi32>
    %max3A_576 = arith.maxsi %max3A_575, %add3A_572 : vector<16xi32>
    %min3A_577 = vector.broadcast %jit3A_574 : i32 to vector<16xi32>
    %min3A_578 = arith.minsi %min3A_577, %max3A_576 : vector<16xi32>
    %mul3A_579 = arith.constant 128 : i32
    %mul3A_580 = vector.broadcast %mul3A_579 : i32 to vector<16xi32>
    %mul3A_581 = arith.muli %min3A_569, %mul3A_580 : vector<16xi32>
    %add3A_582 = arith.addi %mul3A_7, %mul3A_581 : vector<16xi32>
    %add3A_583 = arith.addi %add3A_582, %min3A_578 : vector<16xi32>
    %swap3A_584 = arith.constant 19 : i32
    %swap3A_585 = arith.index_cast %swap3A_584 : i32 to index
    %swap3A_586 = arith.constant 0 : index
    %swap3A_587 = tpu.vector_load %arg10[%swap3A_585, %swap3A_586] {strides = array<i32>} : memref<25x32xi32, #tpu.memory_space<vmem>>, vector<1x16xi32>,
    %swap3A_588 = vector.shape_cast %swap3A_587 : vector<1x16xi32> to vector<16xi32>
    %swap3A_589 = vector.shape_cast %add3A_583 : vector<16xi32> to vector<1x16xi32>
    tpu.vector_store %arg10[%swap3A_585, %swap3A_586], %swap3A_589 {strides = array<i32>} : memref<25x32xi32, #tpu.memory_space<vmem>>, vector<1x16xi32>,
    %add3A_590 = arith.constant 2 : i32
    %add3A_591 = vector.broadcast %add3A_590 : i32 to vector<16xi32>
    %add3A_592 = arith.addi %get3A_10, %add3A_591 : vector<16xi32>
    %jit3A_593 = arith.constant 0 : i32
    %jit3A_594 = arith.constant 127 : i32
    %max3A_595 = vector.broadcast %jit3A_593 : i32 to vector<16xi32>
    %max3A_596 = arith.maxsi %max3A_595, %add3A_592 : vector<16xi32>
    %min3A_597 = vector.broadcast %jit3A_594 : i32 to vector<16xi32>
    %min3A_598 = arith.minsi %min3A_597, %max3A_596 : vector<16xi32>
    %add3A_599 = arith.constant -2 : i32
    %add3A_600 = vector.broadcast %add3A_599 : i32 to vector<16xi32>
    %add3A_601 = arith.addi %get3A_13, %add3A_600 : vector<16xi32>
    %jit3A_602 = arith.constant 0 : i32
    %jit3A_603 = arith.constant 127 : i32
    %max3A_604 = vector.broadcast %jit3A_602 : i32 to vector<16xi32>
    %max3A_605 = arith.maxsi %max3A_604, %add3A_601 : vector<16xi32>
    %min3A_606 = vector.broadcast %jit3A_603 : i32 to vector<16xi32>
    %min3A_607 = arith.minsi %min3A_606, %max3A_605 : vector<16xi32>
    %mul3A_608 = arith.constant 128 : i32
    %mul3A_609 = vector.broadcast %mul3A_608 : i32 to vector<16xi32>
    %mul3A_610 = arith.muli %min3A_598, %mul3A_609 : vector<16xi32>
    %add3A_611 = arith.addi %mul3A_7, %mul3A_610 : vector<16xi32>
    %add3A_612 = arith.addi %add3A_611, %min3A_607 : vector<16xi32>
    %swap3A_613 = arith.constant 20 : i32
    %swap3A_614 = arith.index_cast %swap3A_613 : i32 to index
    %swap3A_615 = arith.constant 0 : index
    %swap3A_616 = tpu.vector_load %arg10[%swap3A_614, %swap3A_615] {strides = array<i32>} : memref<25x32xi32, #tpu.memory_space<vmem>>, vector<1x16xi32>,
    %swap3A_617 = vector.shape_cast %swap3A_616 : vector<1x16xi32> to vector<16xi32>
    %swap3A_618 = vector.shape_cast %add3A_612 : vector<16xi32> to vector<1x16xi32>
    tpu.vector_store %arg10[%swap3A_614, %swap3A_615], %swap3A_618 {strides = array<i32>} : memref<25x32xi32, #tpu.memory_space<vmem>>, vector<1x16xi32>,
    %add3A_619 = arith.constant 2 : i32
    %add3A_620 = vector.broadcast %add3A_619 : i32 to vector<16xi32>
    %add3A_621 = arith.addi %get3A_10, %add3A_620 : vector<16xi32>
    %jit3A_622 = arith.constant 0 : i32
    %jit3A_623 = arith.constant 127 : i32
    %max3A_624 = vector.broadcast %jit3A_622 : i32 to vector<16xi32>
    %max3A_625 = arith.maxsi %max3A_624, %add3A_621 : vector<16xi32>
    %min3A_626 = vector.broadcast %jit3A_623 : i32 to vector<16xi32>
    %min3A_627 = arith.minsi %min3A_626, %max3A_625 : vector<16xi32>
    %add3A_628 = arith.constant -1 : i32
    %add3A_629 = vector.broadcast %add3A_628 : i32 to vector<16xi32>
    %add3A_630 = arith.addi %get3A_13, %add3A_629 : vector<16xi32>
    %jit3A_631 = arith.constant 0 : i32
    %jit3A_632 = arith.constant 127 : i32
    %max3A_633 = vector.broadcast %jit3A_631 : i32 to vector<16xi32>
    %max3A_634 = arith.maxsi %max3A_633, %add3A_630 : vector<16xi32>
    %min3A_635 = vector.broadcast %jit3A_632 : i32 to vector<16xi32>
    %min3A_636 = arith.minsi %min3A_635, %max3A_634 : vector<16xi32>
    %mul3A_637 = arith.constant 128 : i32
    %mul3A_638 = vector.broadcast %mul3A_637 : i32 to vector<16xi32>
    %mul3A_639 = arith.muli %min3A_627, %mul3A_638 : vector<16xi32>
    %add3A_640 = arith.addi %mul3A_7, %mul3A_639 : vector<16xi32>
    %add3A_641 = arith.addi %add3A_640, %min3A_636 : vector<16xi32>
    %swap3A_642 = arith.constant 21 : i32
    %swap3A_643 = arith.index_cast %swap3A_642 : i32 to index
    %swap3A_644 = arith.constant 0 : index
    %swap3A_645 = tpu.vector_load %arg10[%swap3A_643, %swap3A_644] {strides = array<i32>} : memref<25x32xi32, #tpu.memory_space<vmem>>, vector<1x16xi32>,
    %swap3A_646 = vector.shape_cast %swap3A_645 : vector<1x16xi32> to vector<16xi32>
    %swap3A_647 = vector.shape_cast %add3A_641 : vector<16xi32> to vector<1x16xi32>
    tpu.vector_store %arg10[%swap3A_643, %swap3A_644], %swap3A_647 {strides = array<i32>} : memref<25x32xi32, #tpu.memory_space<vmem>>, vector<1x16xi32>,
    %add3A_648 = arith.constant 2 : i32
    %add3A_649 = vector.broadcast %add3A_648 : i32 to vector<16xi32>
    %add3A_650 = arith.addi %get3A_10, %add3A_649 : vector<16xi32>
    %jit3A_651 = arith.constant 0 : i32
    %jit3A_652 = arith.constant 127 : i32
    %max3A_653 = vector.broadcast %jit3A_651 : i32 to vector<16xi32>
    %max3A_654 = arith.maxsi %max3A_653, %add3A_650 : vector<16xi32>
    %min3A_655 = vector.broadcast %jit3A_652 : i32 to vector<16xi32>
    %min3A_656 = arith.minsi %min3A_655, %max3A_654 : vector<16xi32>
    %add3A_657 = arith.constant 0 : i32
    %add3A_658 = vector.broadcast %add3A_657 : i32 to vector<16xi32>
    %add3A_659 = arith.addi %get3A_13, %add3A_658 : vector<16xi32>
    %jit3A_660 = arith.constant 0 : i32
    %jit3A_661 = arith.constant 127 : i32
    %max3A_662 = vector.broadcast %jit3A_660 : i32 to vector<16xi32>
    %max3A_663 = arith.maxsi %max3A_662, %add3A_659 : vector<16xi32>
    %min3A_664 = vector.broadcast %jit3A_661 : i32 to vector<16xi32>
    %min3A_665 = arith.minsi %min3A_664, %max3A_663 : vector<16xi32>
    %mul3A_666 = arith.constant 128 : i32
    %mul3A_667 = vector.broadcast %mul3A_666 : i32 to vector<16xi32>
    %mul3A_668 = arith.muli %min3A_656, %mul3A_667 : vector<16xi32>
    %add3A_669 = arith.addi %mul3A_7, %mul3A_668 : vector<16xi32>
    %add3A_670 = arith.addi %add3A_669, %min3A_665 : vector<16xi32>
    %swap3A_671 = arith.constant 22 : i32
    %swap3A_672 = arith.index_cast %swap3A_671 : i32 to index
    %swap3A_673 = arith.constant 0 : index
    %swap3A_674 = tpu.vector_load %arg10[%swap3A_672, %swap3A_673] {strides = array<i32>} : memref<25x32xi32, #tpu.memory_space<vmem>>, vector<1x16xi32>,
    %swap3A_675 = vector.shape_cast %swap3A_674 : vector<1x16xi32> to vector<16xi32>
    %swap3A_676 = vector.shape_cast %add3A_670 : vector<16xi32> to vector<1x16xi32>
    tpu.vector_store %arg10[%swap3A_672, %swap3A_673], %swap3A_676 {strides = array<i32>} : memref<25x32xi32, #tpu.memory_space<vmem>>, vector<1x16xi32>,
    %add3A_677 = arith.constant 2 : i32
    %add3A_678 = vector.broadcast %add3A_677 : i32 to vector<16xi32>
    %add3A_679 = arith.addi %get3A_10, %add3A_678 : vector<16xi32>
    %jit3A_680 = arith.constant 0 : i32
    %jit3A_681 = arith.constant 127 : i32
    %max3A_682 = vector.broadcast %jit3A_680 : i32 to vector<16xi32>
    %max3A_683 = arith.maxsi %max3A_682, %add3A_679 : vector<16xi32>
    %min3A_684 = vector.broadcast %jit3A_681 : i32 to vector<16xi32>
    %min3A_685 = arith.minsi %min3A_684, %max3A_683 : vector<16xi32>
    %add3A_686 = arith.constant 1 : i32
    %add3A_687 = vector.broadcast %add3A_686 : i32 to vector<16xi32>
    %add3A_688 = arith.addi %get3A_13, %add3A_687 : vector<16xi32>
    %jit3A_689 = arith.constant 0 : i32
    %jit3A_690 = arith.constant 127 : i32
    %max3A_691 = vector.broadcast %jit3A_689 : i32 to vector<16xi32>
    %max3A_692 = arith.maxsi %max3A_691, %add3A_688 : vector<16xi32>
    %min3A_693 = vector.broadcast %jit3A_690 : i32 to vector<16xi32>
    %min3A_694 = arith.minsi %min3A_693, %max3A_692 : vector<16xi32>
    %mul3A_695 = arith.constant 128 : i32
    %mul3A_696 = vector.broadcast %mul3A_695 : i32 to vector<16xi32>
    %mul3A_697 = arith.muli %min3A_685, %mul3A_696 : vector<16xi32>
    %add3A_698 = arith.addi %mul3A_7, %mul3A_697 : vector<16xi32>
    %add3A_699 = arith.addi %add3A_698, %min3A_694 : vector<16xi32>
    %swap3A_700 = arith.constant 23 : i32
    %swap3A_701 = arith.index_cast %swap3A_700 : i32 to index
    %swap3A_702 = arith.constant 0 : index
    %swap3A_703 = tpu.vector_load %arg10[%swap3A_701, %swap3A_702] {strides = array<i32>} : memref<25x32xi32, #tpu.memory_space<vmem>>, vector<1x16xi32>,
    %swap3A_704 = vector.shape_cast %swap3A_703 : vector<1x16xi32> to vector<16xi32>
    %swap3A_705 = vector.shape_cast %add3A_699 : vector<16xi32> to vector<1x16xi32>
    tpu.vector_store %arg10[%swap3A_701, %swap3A_702], %swap3A_705 {strides = array<i32>} : memref<25x32xi32, #tpu.memory_space<vmem>>, vector<1x16xi32>,
    %add3A_706 = arith.constant 2 : i32
    %add3A_707 = vector.broadcast %add3A_706 : i32 to vector<16xi32>
    %add3A_708 = arith.addi %get3A_10, %add3A_707 : vector<16xi32>
    %jit3A_709 = arith.constant 0 : i32
    %jit3A_710 = arith.constant 127 : i32
    %max3A_711 = vector.broadcast %jit3A_709 : i32 to vector<16xi32>
    %max3A_712 = arith.maxsi %max3A_711, %add3A_708 : vector<16xi32>
    %min3A_713 = vector.broadcast %jit3A_710 : i32 to vector<16xi32>
    %min3A_714 = arith.minsi %min3A_713, %max3A_712 : vector<16xi32>
    %add3A_715 = arith.constant 2 : i32
    %add3A_716 = vector.broadcast %add3A_715 : i32 to vector<16xi32>
    %add3A_717 = arith.addi %get3A_13, %add3A_716 : vector<16xi32>
    %jit3A_718 = arith.constant 0 : i32
    %jit3A_719 = arith.constant 127 : i32
    %max3A_720 = vector.broadcast %jit3A_718 : i32 to vector<16xi32>
    %max3A_721 = arith.maxsi %max3A_720, %add3A_717 : vector<16xi32>
    %min3A_722 = vector.broadcast %jit3A_719 : i32 to vector<16xi32>
    %min3A_723 = arith.minsi %min3A_722, %max3A_721 : vector<16xi32>
    %mul3A_724 = arith.constant 128 : i32
    %mul3A_725 = vector.broadcast %mul3A_724 : i32 to vector<16xi32>
    %mul3A_726 = arith.muli %min3A_714, %mul3A_725 : vector<16xi32>
    %add3A_727 = arith.addi %mul3A_7, %mul3A_726 : vector<16xi32>
    %add3A_728 = arith.addi %add3A_727, %min3A_723 : vector<16xi32>
    %swap3A_729 = arith.constant 24 : i32
    %swap3A_730 = arith.index_cast %swap3A_729 : i32 to index
    %swap3A_731 = arith.constant 0 : index
    %swap3A_732 = tpu.vector_load %arg10[%swap3A_730, %swap3A_731] {strides = array<i32>} : memref<25x32xi32, #tpu.memory_space<vmem>>, vector<1x16xi32>,
    %swap3A_733 = vector.shape_cast %swap3A_732 : vector<1x16xi32> to vector<16xi32>
    %swap3A_734 = vector.shape_cast %add3A_728 : vector<16xi32> to vector<1x16xi32>
    tpu.vector_store %arg10[%swap3A_730, %swap3A_731], %swap3A_734 {strides = array<i32>} : memref<25x32xi32, #tpu.memory_space<vmem>>, vector<1x16xi32>,
    %get3A_735 = arith.constant 16 : index
    %get3A_736 = tpu.vector_load %arg7[%get3A_735] {strides = array<i32>} : memref<32xi32, #tpu.memory_space<vmem>>, vector<16xi32>,
    %get3A_737 = vector.shape_cast %get3A_736 : vector<16xi32> to vector<16xi32>
    %mul3A_738 = arith.constant 16384 : i32
    %mul3A_739 = vector.broadcast %mul3A_738 : i32 to vector<16xi32>
    %mul3A_740 = arith.muli %get3A_737, %mul3A_739 : vector<16xi32>
    %get3A_741 = arith.constant 16 : index
    %get3A_742 = tpu.vector_load %arg8[%get3A_741] {strides = array<i32>} : memref<32xi32, #tpu.memory_space<vmem>>, vector<16xi32>,
    %get3A_743 = vector.shape_cast %get3A_742 : vector<16xi32> to vector<16xi32>
    %get3A_744 = arith.constant 16 : index
    %get3A_745 = tpu.vector_load %arg9[%get3A_744] {strides = array<i32>} : memref<32xi32, #tpu.memory_space<vmem>>, vector<16xi32>,
    %get3A_746 = vector.shape_cast %get3A_745 : vector<16xi32> to vector<16xi32>
    %add3A_747 = arith.constant -2 : i32
    %add3A_748 = vector.broadcast %add3A_747 : i32 to vector<16xi32>
    %add3A_749 = arith.addi %get3A_743, %add3A_748 : vector<16xi32>
    %jit3A_750 = arith.constant 0 : i32
    %jit3A_751 = arith.constant 127 : i32
    %max3A_752 = vector.broadcast %jit3A_750 : i32 to vector<16xi32>
    %max3A_753 = arith.maxsi %max3A_752, %add3A_749 : vector<16xi32>
    %min3A_754 = vector.broadcast %jit3A_751 : i32 to vector<16xi32>
    %min3A_755 = arith.minsi %min3A_754, %max3A_753 : vector<16xi32>
    %add3A_756 = arith.constant -2 : i32
    %add3A_757 = vector.broadcast %add3A_756 : i32 to vector<16xi32>
    %add3A_758 = arith.addi %get3A_746, %add3A_757 : vector<16xi32>
    %jit3A_759 = arith.constant 0 : i32
    %jit3A_760 = arith.constant 127 : i32
    %max3A_761 = vector.broadcast %jit3A_759 : i32 to vector<16xi32>
    %max3A_762 = arith.maxsi %max3A_761, %add3A_758 : vector<16xi32>
    %min3A_763 = vector.broadcast %jit3A_760 : i32 to vector<16xi32>
    %min3A_764 = arith.minsi %min3A_763, %max3A_762 : vector<16xi32>
    %mul3A_765 = arith.constant 128 : i32
    %mul3A_766 = vector.broadcast %mul3A_765 : i32 to vector<16xi32>
    %mul3A_767 = arith.muli %min3A_755, %mul3A_766 : vector<16xi32>
    %add3A_768 = arith.addi %mul3A_740, %mul3A_767 : vector<16xi32>
    %add3A_769 = arith.addi %add3A_768, %min3A_764 : vector<16xi32>
    %swap3A_770 = arith.constant 0 : i32
    %swap3A_771 = arith.index_cast %swap3A_770 : i32 to index
    %swap3A_772 = arith.constant 16 : index
    %swap3A_773 = tpu.vector_load %arg10[%swap3A_771, %swap3A_772] {strides = array<i32>} : memref<25x32xi32, #tpu.memory_space<vmem>>, vector<1x16xi32>,
    %swap3A_774 = vector.shape_cast %swap3A_773 : vector<1x16xi32> to vector<16xi32>
    %swap3A_775 = vector.shape_cast %add3A_769 : vector<16xi32> to vector<1x16xi32>
    tpu.vector_store %arg10[%swap3A_771, %swap3A_772], %swap3A_775 {strides = array<i32>} : memref<25x32xi32, #tpu.memory_space<vmem>>, vector<1x16xi32>,
    %add3A_776 = arith.constant -2 : i32
    %add3A_777 = vector.broadcast %add3A_776 : i32 to vector<16xi32>
    %add3A_778 = arith.addi %get3A_743, %add3A_777 : vector<16xi32>
    %jit3A_779 = arith.constant 0 : i32
    %jit3A_780 = arith.constant 127 : i32
    %max3A_781 = vector.broadcast %jit3A_779 : i32 to vector<16xi32>
    %max3A_782 = arith.maxsi %max3A_781, %add3A_778 : vector<16xi32>
    %min3A_783 = vector.broadcast %jit3A_780 : i32 to vector<16xi32>
    %min3A_784 = arith.minsi %min3A_783, %max3A_782 : vector<16xi32>
    %add3A_785 = arith.constant -1 : i32
    %add3A_786 = vector.broadcast %add3A_785 : i32 to vector<16xi32>
    %add3A_787 = arith.addi %get3A_746, %add3A_786 : vector<16xi32>
    %jit3A_788 = arith.constant 0 : i32
    %jit3A_789 = arith.constant 127 : i32
    %max3A_790 = vector.broadcast %jit3A_788 : i32 to vector<16xi32>
    %max3A_791 = arith.maxsi %max3A_790, %add3A_787 : vector<16xi32>
    %min3A_792 = vector.broadcast %jit3A_789 : i32 to vector<16xi32>
    %min3A_793 = arith.minsi %min3A_792, %max3A_791 : vector<16xi32>
    %mul3A_794 = arith.constant 128 : i32
    %mul3A_795 = vector.broadcast %mul3A_794 : i32 to vector<16xi32>
    %mul3A_796 = arith.muli %min3A_784, %mul3A_795 : vector<16xi32>
    %add3A_797 = arith.addi %mul3A_740, %mul3A_796 : vector<16xi32>
    %add3A_798 = arith.addi %add3A_797, %min3A_793 : vector<16xi32>
    %swap3A_799 = arith.constant 1 : i32
    %swap3A_800 = arith.index_cast %swap3A_799 : i32 to index
    %swap3A_801 = arith.constant 16 : index
    %swap3A_802 = tpu.vector_load %arg10[%swap3A_800, %swap3A_801] {strides = array<i32>} : memref<25x32xi32, #tpu.memory_space<vmem>>, vector<1x16xi32>,
    %swap3A_803 = vector.shape_cast %swap3A_802 : vector<1x16xi32> to vector<16xi32>
    %swap3A_804 = vector.shape_cast %add3A_798 : vector<16xi32> to vector<1x16xi32>
    tpu.vector_store %arg10[%swap3A_800, %swap3A_801], %swap3A_804 {strides = array<i32>} : memref<25x32xi32, #tpu.memory_space<vmem>>, vector<1x16xi32>,
    %add3A_805 = arith.constant -2 : i32
    %add3A_806 = vector.broadcast %add3A_805 : i32 to vector<16xi32>
    %add3A_807 = arith.addi %get3A_743, %add3A_806 : vector<16xi32>
    %jit3A_808 = arith.constant 0 : i32
    %jit3A_809 = arith.constant 127 : i32
    %max3A_810 = vector.broadcast %jit3A_808 : i32 to vector<16xi32>
    %max3A_811 = arith.maxsi %max3A_810, %add3A_807 : vector<16xi32>
    %min3A_812 = vector.broadcast %jit3A_809 : i32 to vector<16xi32>
    %min3A_813 = arith.minsi %min3A_812, %max3A_811 : vector<16xi32>
    %add3A_814 = arith.constant 0 : i32
    %add3A_815 = vector.broadcast %add3A_814 : i32 to vector<16xi32>
    %add3A_816 = arith.addi %get3A_746, %add3A_815 : vector<16xi32>
    %jit3A_817 = arith.constant 0 : i32
    %jit3A_818 = arith.constant 127 : i32
    %max3A_819 = vector.broadcast %jit3A_817 : i32 to vector<16xi32>
    %max3A_820 = arith.maxsi %max3A_819, %add3A_816 : vector<16xi32>
    %min3A_821 = vector.broadcast %jit3A_818 : i32 to vector<16xi32>
    %min3A_822 = arith.minsi %min3A_821, %max3A_820 : vector<16xi32>
    %mul3A_823 = arith.constant 128 : i32
    %mul3A_824 = vector.broadcast %mul3A_823 : i32 to vector<16xi32>
    %mul3A_825 = arith.muli %min3A_813, %mul3A_824 : vector<16xi32>
    %add3A_826 = arith.addi %mul3A_740, %mul3A_825 : vector<16xi32>
    %add3A_827 = arith.addi %add3A_826, %min3A_822 : vector<16xi32>
    %swap3A_828 = arith.constant 2 : i32
    %swap3A_829 = arith.index_cast %swap3A_828 : i32 to index
    %swap3A_830 = arith.constant 16 : index
    %swap3A_831 = tpu.vector_load %arg10[%swap3A_829, %swap3A_830] {strides = array<i32>} : memref<25x32xi32, #tpu.memory_space<vmem>>, vector<1x16xi32>,
    %swap3A_832 = vector.shape_cast %swap3A_831 : vector<1x16xi32> to vector<16xi32>
    %swap3A_833 = vector.shape_cast %add3A_827 : vector<16xi32> to vector<1x16xi32>
    tpu.vector_store %arg10[%swap3A_829, %swap3A_830], %swap3A_833 {strides = array<i32>} : memref<25x32xi32, #tpu.memory_space<vmem>>, vector<1x16xi32>,
    %add3A_834 = arith.constant -2 : i32
    %add3A_835 = vector.broadcast %add3A_834 : i32 to vector<16xi32>
    %add3A_836 = arith.addi %get3A_743, %add3A_835 : vector<16xi32>
    %jit3A_837 = arith.constant 0 : i32
    %jit3A_838 = arith.constant 127 : i32
    %max3A_839 = vector.broadcast %jit3A_837 : i32 to vector<16xi32>
    %max3A_840 = arith.maxsi %max3A_839, %add3A_836 : vector<16xi32>
    %min3A_841 = vector.broadcast %jit3A_838 : i32 to vector<16xi32>
    %min3A_842 = arith.minsi %min3A_841, %max3A_840 : vector<16xi32>
    %add3A_843 = arith.constant 1 : i32
    %add3A_844 = vector.broadcast %add3A_843 : i32 to vector<16xi32>
    %add3A_845 = arith.addi %get3A_746, %add3A_844 : vector<16xi32>
    %jit3A_846 = arith.constant 0 : i32
    %jit3A_847 = arith.constant 127 : i32
    %max3A_848 = vector.broadcast %jit3A_846 : i32 to vector<16xi32>
    %max3A_849 = arith.maxsi %max3A_848, %add3A_845 : vector<16xi32>
    %min3A_850 = vector.broadcast %jit3A_847 : i32 to vector<16xi32>
    %min3A_851 = arith.minsi %min3A_850, %max3A_849 : vector<16xi32>
    %mul3A_852 = arith.constant 128 : i32
    %mul3A_853 = vector.broadcast %mul3A_852 : i32 to vector<16xi32>
    %mul3A_854 = arith.muli %min3A_842, %mul3A_853 : vector<16xi32>
    %add3A_855 = arith.addi %mul3A_740, %mul3A_854 : vector<16xi32>
    %add3A_856 = arith.addi %add3A_855, %min3A_851 : vector<16xi32>
    %swap3A_857 = arith.constant 3 : i32
    %swap3A_858 = arith.index_cast %swap3A_857 : i32 to index
    %swap3A_859 = arith.constant 16 : index
    %swap3A_860 = tpu.vector_load %arg10[%swap3A_858, %swap3A_859] {strides = array<i32>} : memref<25x32xi32, #tpu.memory_space<vmem>>, vector<1x16xi32>,
    %swap3A_861 = vector.shape_cast %swap3A_860 : vector<1x16xi32> to vector<16xi32>
    %swap3A_862 = vector.shape_cast %add3A_856 : vector<16xi32> to vector<1x16xi32>
    tpu.vector_store %arg10[%swap3A_858, %swap3A_859], %swap3A_862 {strides = array<i32>} : memref<25x32xi32, #tpu.memory_space<vmem>>, vector<1x16xi32>,
    %add3A_863 = arith.constant -2 : i32
    %add3A_864 = vector.broadcast %add3A_863 : i32 to vector<16xi32>
    %add3A_865 = arith.addi %get3A_743, %add3A_864 : vector<16xi32>
    %jit3A_866 = arith.constant 0 : i32
    %jit3A_867 = arith.constant 127 : i32
    %max3A_868 = vector.broadcast %jit3A_866 : i32 to vector<16xi32>
    %max3A_869 = arith.maxsi %max3A_868, %add3A_865 : vector<16xi32>
    %min3A_870 = vector.broadcast %jit3A_867 : i32 to vector<16xi32>
    %min3A_871 = arith.minsi %min3A_870, %max3A_869 : vector<16xi32>
    %add3A_872 = arith.constant 2 : i32
    %add3A_873 = vector.broadcast %add3A_872 : i32 to vector<16xi32>
    %add3A_874 = arith.addi %get3A_746, %add3A_873 : vector<16xi32>
    %jit3A_875 = arith.constant 0 : i32
    %jit3A_876 = arith.constant 127 : i32
    %max3A_877 = vector.broadcast %jit3A_875 : i32 to vector<16xi32>
    %max3A_878 = arith.maxsi %max3A_877, %add3A_874 : vector<16xi32>
    %min3A_879 = vector.broadcast %jit3A_876 : i32 to vector<16xi32>
    %min3A_880 = arith.minsi %min3A_879, %max3A_878 : vector<16xi32>
    %mul3A_881 = arith.constant 128 : i32
    %mul3A_882 = vector.broadcast %mul3A_881 : i32 to vector<16xi32>
    %mul3A_883 = arith.muli %min3A_871, %mul3A_882 : vector<16xi32>
    %add3A_884 = arith.addi %mul3A_740, %mul3A_883 : vector<16xi32>
    %add3A_885 = arith.addi %add3A_884, %min3A_880 : vector<16xi32>
    %swap3A_886 = arith.constant 4 : i32
    %swap3A_887 = arith.index_cast %swap3A_886 : i32 to index
    %swap3A_888 = arith.constant 16 : index
    %swap3A_889 = tpu.vector_load %arg10[%swap3A_887, %swap3A_888] {strides = array<i32>} : memref<25x32xi32, #tpu.memory_space<vmem>>, vector<1x16xi32>,
    %swap3A_890 = vector.shape_cast %swap3A_889 : vector<1x16xi32> to vector<16xi32>
    %swap3A_891 = vector.shape_cast %add3A_885 : vector<16xi32> to vector<1x16xi32>
    tpu.vector_store %arg10[%swap3A_887, %swap3A_888], %swap3A_891 {strides = array<i32>} : memref<25x32xi32, #tpu.memory_space<vmem>>, vector<1x16xi32>,
    %add3A_892 = arith.constant -1 : i32
    %add3A_893 = vector.broadcast %add3A_892 : i32 to vector<16xi32>
    %add3A_894 = arith.addi %get3A_743, %add3A_893 : vector<16xi32>
    %jit3A_895 = arith.constant 0 : i32
    %jit3A_896 = arith.constant 127 : i32
    %max3A_897 = vector.broadcast %jit3A_895 : i32 to vector<16xi32>
    %max3A_898 = arith.maxsi %max3A_897, %add3A_894 : vector<16xi32>
    %min3A_899 = vector.broadcast %jit3A_896 : i32 to vector<16xi32>
    %min3A_900 = arith.minsi %min3A_899, %max3A_898 : vector<16xi32>
    %add3A_901 = arith.constant -2 : i32
    %add3A_902 = vector.broadcast %add3A_901 : i32 to vector<16xi32>
    %add3A_903 = arith.addi %get3A_746, %add3A_902 : vector<16xi32>
    %jit3A_904 = arith.constant 0 : i32
    %jit3A_905 = arith.constant 127 : i32
    %max3A_906 = vector.broadcast %jit3A_904 : i32 to vector<16xi32>
    %max3A_907 = arith.maxsi %max3A_906, %add3A_903 : vector<16xi32>
    %min3A_908 = vector.broadcast %jit3A_905 : i32 to vector<16xi32>
    %min3A_909 = arith.minsi %min3A_908, %max3A_907 : vector<16xi32>
    %mul3A_910 = arith.constant 128 : i32
    %mul3A_911 = vector.broadcast %mul3A_910 : i32 to vector<16xi32>
    %mul3A_912 = arith.muli %min3A_900, %mul3A_911 : vector<16xi32>
    %add3A_913 = arith.addi %mul3A_740, %mul3A_912 : vector<16xi32>
    %add3A_914 = arith.addi %add3A_913, %min3A_909 : vector<16xi32>
    %swap3A_915 = arith.constant 5 : i32
    %swap3A_916 = arith.index_cast %swap3A_915 : i32 to index
    %swap3A_917 = arith.constant 16 : index
    %swap3A_918 = tpu.vector_load %arg10[%swap3A_916, %swap3A_917] {strides = array<i32>} : memref<25x32xi32, #tpu.memory_space<vmem>>, vector<1x16xi32>,
    %swap3A_919 = vector.shape_cast %swap3A_918 : vector<1x16xi32> to vector<16xi32>
    %swap3A_920 = vector.shape_cast %add3A_914 : vector<16xi32> to vector<1x16xi32>
    tpu.vector_store %arg10[%swap3A_916, %swap3A_917], %swap3A_920 {strides = array<i32>} : memref<25x32xi32, #tpu.memory_space<vmem>>, vector<1x16xi32>,
    %add3A_921 = arith.constant -1 : i32
    %add3A_922 = vector.broadcast %add3A_921 : i32 to vector<16xi32>
    %add3A_923 = arith.addi %get3A_743, %add3A_922 : vector<16xi32>
    %jit3A_924 = arith.constant 0 : i32
    %jit3A_925 = arith.constant 127 : i32
    %max3A_926 = vector.broadcast %jit3A_924 : i32 to vector<16xi32>
    %max3A_927 = arith.maxsi %max3A_926, %add3A_923 : vector<16xi32>
    %min3A_928 = vector.broadcast %jit3A_925 : i32 to vector<16xi32>
    %min3A_929 = arith.minsi %min3A_928, %max3A_927 : vector<16xi32>
    %add3A_930 = arith.constant -1 : i32
    %add3A_931 = vector.broadcast %add3A_930 : i32 to vector<16xi32>
    %add3A_932 = arith.addi %get3A_746, %add3A_931 : vector<16xi32>
    %jit3A_933 = arith.constant 0 : i32
    %jit3A_934 = arith.constant 127 : i32
    %max3A_935 = vector.broadcast %jit3A_933 : i32 to vector<16xi32>
    %max3A_936 = arith.maxsi %max3A_935, %add3A_932 : vector<16xi32>
    %min3A_937 = vector.broadcast %jit3A_934 : i32 to vector<16xi32>
    %min3A_938 = arith.minsi %min3A_937, %max3A_936 : vector<16xi32>
    %mul3A_939 = arith.constant 128 : i32
    %mul3A_940 = vector.broadcast %mul3A_939 : i32 to vector<16xi32>
    %mul3A_941 = arith.muli %min3A_929, %mul3A_940 : vector<16xi32>
    %add3A_942 = arith.addi %mul3A_740, %mul3A_941 : vector<16xi32>
    %add3A_943 = arith.addi %add3A_942, %min3A_938 : vector<16xi32>
    %swap3A_944 = arith.constant 6 : i32
    %swap3A_945 = arith.index_cast %swap3A_944 : i32 to index
    %swap3A_946 = arith.constant 16 : index
    %swap3A_947 = tpu.vector_load %arg10[%swap3A_945, %swap3A_946] {strides = array<i32>} : memref<25x32xi32, #tpu.memory_space<vmem>>, vector<1x16xi32>,
    %swap3A_948 = vector.shape_cast %swap3A_947 : vector<1x16xi32> to vector<16xi32>
    %swap3A_949 = vector.shape_cast %add3A_943 : vector<16xi32> to vector<1x16xi32>
    tpu.vector_store %arg10[%swap3A_945, %swap3A_946], %swap3A_949 {strides = array<i32>} : memref<25x32xi32, #tpu.memory_space<vmem>>, vector<1x16xi32>,
    %add3A_950 = arith.constant -1 : i32
    %add3A_951 = vector.broadcast %add3A_950 : i32 to vector<16xi32>
    %add3A_952 = arith.addi %get3A_743, %add3A_951 : vector<16xi32>
    %jit3A_953 = arith.constant 0 : i32
    %jit3A_954 = arith.constant 127 : i32
    %max3A_955 = vector.broadcast %jit3A_953 : i32 to vector<16xi32>
    %max3A_956 = arith.maxsi %max3A_955, %add3A_952 : vector<16xi32>
    %min3A_957 = vector.broadcast %jit3A_954 : i32 to vector<16xi32>
    %min3A_958 = arith.minsi %min3A_957, %max3A_956 : vector<16xi32>
    %add3A_959 = arith.constant 0 : i32
    %add3A_960 = vector.broadcast %add3A_959 : i32 to vector<16xi32>
    %add3A_961 = arith.addi %get3A_746, %add3A_960 : vector<16xi32>
    %jit3A_962 = arith.constant 0 : i32
    %jit3A_963 = arith.constant 127 : i32
    %max3A_964 = vector.broadcast %jit3A_962 : i32 to vector<16xi32>
    %max3A_965 = arith.maxsi %max3A_964, %add3A_961 : vector<16xi32>
    %min3A_966 = vector.broadcast %jit3A_963 : i32 to vector<16xi32>
    %min3A_967 = arith.minsi %min3A_966, %max3A_965 : vector<16xi32>
    %mul3A_968 = arith.constant 128 : i32
    %mul3A_969 = vector.broadcast %mul3A_968 : i32 to vector<16xi32>
    %mul3A_970 = arith.muli %min3A_958, %mul3A_969 : vector<16xi32>
    %add3A_971 = arith.addi %mul3A_740, %mul3A_970 : vector<16xi32>
    %add3A_972 = arith.addi %add3A_971, %min3A_967 : vector<16xi32>
    %swap3A_973 = arith.constant 7 : i32
    %swap3A_974 = arith.index_cast %swap3A_973 : i32 to index
    %swap3A_975 = arith.constant 16 : index
    %swap3A_976 = tpu.vector_load %arg10[%swap3A_974, %swap3A_975] {strides = array<i32>} : memref<25x32xi32, #tpu.memory_space<vmem>>, vector<1x16xi32>,
    %swap3A_977 = vector.shape_cast %swap3A_976 : vector<1x16xi32> to vector<16xi32>
    %swap3A_978 = vector.shape_cast %add3A_972 : vector<16xi32> to vector<1x16xi32>
    tpu.vector_store %arg10[%swap3A_974, %swap3A_975], %swap3A_978 {strides = array<i32>} : memref<25x32xi32, #tpu.memory_space<vmem>>, vector<1x16xi32>,
    %add3A_979 = arith.constant -1 : i32
    %add3A_980 = vector.broadcast %add3A_979 : i32 to vector<16xi32>
    %add3A_981 = arith.addi %get3A_743, %add3A_980 : vector<16xi32>
    %jit3A_982 = arith.constant 0 : i32
    %jit3A_983 = arith.constant 127 : i32
    %max3A_984 = vector.broadcast %jit3A_982 : i32 to vector<16xi32>
    %max3A_985 = arith.maxsi %max3A_984, %add3A_981 : vector<16xi32>
    %min3A_986 = vector.broadcast %jit3A_983 : i32 to vector<16xi32>
    %min3A_987 = arith.minsi %min3A_986, %max3A_985 : vector<16xi32>
    %add3A_988 = arith.constant 1 : i32
    %add3A_989 = vector.broadcast %add3A_988 : i32 to vector<16xi32>
    %add3A_990 = arith.addi %get3A_746, %add3A_989 : vector<16xi32>
    %jit3A_991 = arith.constant 0 : i32
    %jit3A_992 = arith.constant 127 : i32
    %max3A_993 = vector.broadcast %jit3A_991 : i32 to vector<16xi32>
    %max3A_994 = arith.maxsi %max3A_993, %add3A_990 : vector<16xi32>
    %min3A_995 = vector.broadcast %jit3A_992 : i32 to vector<16xi32>
    %min3A_996 = arith.minsi %min3A_995, %max3A_994 : vector<16xi32>
    %mul3A_997 = arith.constant 128 : i32
    %mul3A_998 = vector.broadcast %mul3A_997 : i32 to vector<16xi32>
    %mul3A_999 = arith.muli %min3A_987, %mul3A_998 : vector<16xi32>
    %add3A_1000 = arith.addi %mul3A_740, %mul3A_999 : vector<16xi32>
    %add3A_1001 = arith.addi %add3A_1000, %min3A_996 : vector<16xi32>
    %swap3A_1002 = arith.constant 8 : i32
    %swap3A_1003 = arith.index_cast %swap3A_1002 : i32 to index
    %swap3A_1004 = arith.constant 16 : index
    %swap3A_1005 = tpu.vector_load %arg10[%swap3A_1003, %swap3A_1004] {strides = array<i32>} : memref<25x32xi32, #tpu.memory_space<vmem>>, vector<1x16xi32>,
    %swap3A_1006 = vector.shape_cast %swap3A_1005 : vector<1x16xi32> to vector<16xi32>
    %swap3A_1007 = vector.shape_cast %add3A_1001 : vector<16xi32> to vector<1x16xi32>
    tpu.vector_store %arg10[%swap3A_1003, %swap3A_1004], %swap3A_1007 {strides = array<i32>} : memref<25x32xi32, #tpu.memory_space<vmem>>, vector<1x16xi32>,
    %add3A_1008 = arith.constant -1 : i32
    %add3A_1009 = vector.broadcast %add3A_1008 : i32 to vector<16xi32>
    %add3A_1010 = arith.addi %get3A_743, %add3A_1009 : vector<16xi32>
    %jit3A_1011 = arith.constant 0 : i32
    %jit3A_1012 = arith.constant 127 : i32
    %max3A_1013 = vector.broadcast %jit3A_1011 : i32 to vector<16xi32>
    %max3A_1014 = arith.maxsi %max3A_1013, %add3A_1010 : vector<16xi32>
    %min3A_1015 = vector.broadcast %jit3A_1012 : i32 to vector<16xi32>
    %min3A_1016 = arith.minsi %min3A_1015, %max3A_1014 : vector<16xi32>
    %add3A_1017 = arith.constant 2 : i32
    %add3A_1018 = vector.broadcast %add3A_1017 : i32 to vector<16xi32>
    %add3A_1019 = arith.addi %get3A_746, %add3A_1018 : vector<16xi32>
    %jit3A_1020 = arith.constant 0 : i32
    %jit3A_1021 = arith.constant 127 : i32
    %max3A_1022 = vector.broadcast %jit3A_1020 : i32 to vector<16xi32>
    %max3A_1023 = arith.maxsi %max3A_1022, %add3A_1019 : vector<16xi32>
    %min3A_1024 = vector.broadcast %jit3A_1021 : i32 to vector<16xi32>
    %min3A_1025 = arith.minsi %min3A_1024, %max3A_1023 : vector<16xi32>
    %mul3A_1026 = arith.constant 128 : i32
    %mul3A_1027 = vector.broadcast %mul3A_1026 : i32 to vector<16xi32>
    %mul3A_1028 = arith.muli %min3A_1016, %mul3A_1027 : vector<16xi32>
    %add3A_1029 = arith.addi %mul3A_740, %mul3A_1028 : vector<16xi32>
    %add3A_1030 = arith.addi %add3A_1029, %min3A_1025 : vector<16xi32>
    %swap3A_1031 = arith.constant 9 : i32
    %swap3A_1032 = arith.index_cast %swap3A_1031 : i32 to index
    %swap3A_1033 = arith.constant 16 : index
    %swap3A_1034 = tpu.vector_load %arg10[%swap3A_1032, %swap3A_1033] {strides = array<i32>} : memref<25x32xi32, #tpu.memory_space<vmem>>, vector<1x16xi32>,
    %swap3A_1035 = vector.shape_cast %swap3A_1034 : vector<1x16xi32> to vector<16xi32>
    %swap3A_1036 = vector.shape_cast %add3A_1030 : vector<16xi32> to vector<1x16xi32>
    tpu.vector_store %arg10[%swap3A_1032, %swap3A_1033], %swap3A_1036 {strides = array<i32>} : memref<25x32xi32, #tpu.memory_space<vmem>>, vector<1x16xi32>,
    %add3A_1037 = arith.constant 0 : i32
    %add3A_1038 = vector.broadcast %add3A_1037 : i32 to vector<16xi32>
    %add3A_1039 = arith.addi %get3A_743, %add3A_1038 : vector<16xi32>
    %jit3A_1040 = arith.constant 0 : i32
    %jit3A_1041 = arith.constant 127 : i32
    %max3A_1042 = vector.broadcast %jit3A_1040 : i32 to vector<16xi32>
    %max3A_1043 = arith.maxsi %max3A_1042, %add3A_1039 : vector<16xi32>
    %min3A_1044 = vector.broadcast %jit3A_1041 : i32 to vector<16xi32>
    %min3A_1045 = arith.minsi %min3A_1044, %max3A_1043 : vector<16xi32>
    %add3A_1046 = arith.constant -2 : i32
    %add3A_1047 = vector.broadcast %add3A_1046 : i32 to vector<16xi32>
    %add3A_1048 = arith.addi %get3A_746, %add3A_1047 : vector<16xi32>
    %jit3A_1049 = arith.constant 0 : i32
    %jit3A_1050 = arith.constant 127 : i32
    %max3A_1051 = vector.broadcast %jit3A_1049 : i32 to vector<16xi32>
    %max3A_1052 = arith.maxsi %max3A_1051, %add3A_1048 : vector<16xi32>
    %min3A_1053 = vector.broadcast %jit3A_1050 : i32 to vector<16xi32>
    %min3A_1054 = arith.minsi %min3A_1053, %max3A_1052 : vector<16xi32>
    %mul3A_1055 = arith.constant 128 : i32
    %mul3A_1056 = vector.broadcast %mul3A_1055 : i32 to vector<16xi32>
    %mul3A_1057 = arith.muli %min3A_1045, %mul3A_1056 : vector<16xi32>
    %add3A_1058 = arith.addi %mul3A_740, %mul3A_1057 : vector<16xi32>
    %add3A_1059 = arith.addi %add3A_1058, %min3A_1054 : vector<16xi32>
    %swap3A_1060 = arith.constant 10 : i32
    %swap3A_1061 = arith.index_cast %swap3A_1060 : i32 to index
    %swap3A_1062 = arith.constant 16 : index
    %swap3A_1063 = tpu.vector_load %arg10[%swap3A_1061, %swap3A_1062] {strides = array<i32>} : memref<25x32xi32, #tpu.memory_space<vmem>>, vector<1x16xi32>,
    %swap3A_1064 = vector.shape_cast %swap3A_1063 : vector<1x16xi32> to vector<16xi32>
    %swap3A_1065 = vector.shape_cast %add3A_1059 : vector<16xi32> to vector<1x16xi32>
    tpu.vector_store %arg10[%swap3A_1061, %swap3A_1062], %swap3A_1065 {strides = array<i32>} : memref<25x32xi32, #tpu.memory_space<vmem>>, vector<1x16xi32>,
    %add3A_1066 = arith.constant 0 : i32
    %add3A_1067 = vector.broadcast %add3A_1066 : i32 to vector<16xi32>
    %add3A_1068 = arith.addi %get3A_743, %add3A_1067 : vector<16xi32>
    %jit3A_1069 = arith.constant 0 : i32
    %jit3A_1070 = arith.constant 127 : i32
    %max3A_1071 = vector.broadcast %jit3A_1069 : i32 to vector<16xi32>
    %max3A_1072 = arith.maxsi %max3A_1071, %add3A_1068 : vector<16xi32>
    %min3A_1073 = vector.broadcast %jit3A_1070 : i32 to vector<16xi32>
    %min3A_1074 = arith.minsi %min3A_1073, %max3A_1072 : vector<16xi32>
    %add3A_1075 = arith.constant -1 : i32
    %add3A_1076 = vector.broadcast %add3A_1075 : i32 to vector<16xi32>
    %add3A_1077 = arith.addi %get3A_746, %add3A_1076 : vector<16xi32>
    %jit3A_1078 = arith.constant 0 : i32
    %jit3A_1079 = arith.constant 127 : i32
    %max3A_1080 = vector.broadcast %jit3A_1078 : i32 to vector<16xi32>
    %max3A_1081 = arith.maxsi %max3A_1080, %add3A_1077 : vector<16xi32>
    %min3A_1082 = vector.broadcast %jit3A_1079 : i32 to vector<16xi32>
    %min3A_1083 = arith.minsi %min3A_1082, %max3A_1081 : vector<16xi32>
    %mul3A_1084 = arith.constant 128 : i32
    %mul3A_1085 = vector.broadcast %mul3A_1084 : i32 to vector<16xi32>
    %mul3A_1086 = arith.muli %min3A_1074, %mul3A_1085 : vector<16xi32>
    %add3A_1087 = arith.addi %mul3A_740, %mul3A_1086 : vector<16xi32>
    %add3A_1088 = arith.addi %add3A_1087, %min3A_1083 : vector<16xi32>
    %swap3A_1089 = arith.constant 11 : i32
    %swap3A_1090 = arith.index_cast %swap3A_1089 : i32 to index
    %swap3A_1091 = arith.constant 16 : index
    %swap3A_1092 = tpu.vector_load %arg10[%swap3A_1090, %swap3A_1091] {strides = array<i32>} : memref<25x32xi32, #tpu.memory_space<vmem>>, vector<1x16xi32>,
    %swap3A_1093 = vector.shape_cast %swap3A_1092 : vector<1x16xi32> to vector<16xi32>
    %swap3A_1094 = vector.shape_cast %add3A_1088 : vector<16xi32> to vector<1x16xi32>
    tpu.vector_store %arg10[%swap3A_1090, %swap3A_1091], %swap3A_1094 {strides = array<i32>} : memref<25x32xi32, #tpu.memory_space<vmem>>, vector<1x16xi32>,
    %add3A_1095 = arith.constant 0 : i32
    %add3A_1096 = vector.broadcast %add3A_1095 : i32 to vector<16xi32>
    %add3A_1097 = arith.addi %get3A_743, %add3A_1096 : vector<16xi32>
    %jit3A_1098 = arith.constant 0 : i32
    %jit3A_1099 = arith.constant 127 : i32
    %max3A_1100 = vector.broadcast %jit3A_1098 : i32 to vector<16xi32>
    %max3A_1101 = arith.maxsi %max3A_1100, %add3A_1097 : vector<16xi32>
    %min3A_1102 = vector.broadcast %jit3A_1099 : i32 to vector<16xi32>
    %min3A_1103 = arith.minsi %min3A_1102, %max3A_1101 : vector<16xi32>
    %add3A_1104 = arith.constant 0 : i32
    %add3A_1105 = vector.broadcast %add3A_1104 : i32 to vector<16xi32>
    %add3A_1106 = arith.addi %get3A_746, %add3A_1105 : vector<16xi32>
    %jit3A_1107 = arith.constant 0 : i32
    %jit3A_1108 = arith.constant 127 : i32
    %max3A_1109 = vector.broadcast %jit3A_1107 : i32 to vector<16xi32>
    %max3A_1110 = arith.maxsi %max3A_1109, %add3A_1106 : vector<16xi32>
    %min3A_1111 = vector.broadcast %jit3A_1108 : i32 to vector<16xi32>
    %min3A_1112 = arith.minsi %min3A_1111, %max3A_1110 : vector<16xi32>
    %mul3A_1113 = arith.constant 128 : i32
    %mul3A_1114 = vector.broadcast %mul3A_1113 : i32 to vector<16xi32>
    %mul3A_1115 = arith.muli %min3A_1103, %mul3A_1114 : vector<16xi32>
    %add3A_1116 = arith.addi %mul3A_740, %mul3A_1115 : vector<16xi32>
    %add3A_1117 = arith.addi %add3A_1116, %min3A_1112 : vector<16xi32>
    %swap3A_1118 = arith.constant 12 : i32
    %swap3A_1119 = arith.index_cast %swap3A_1118 : i32 to index
    %swap3A_1120 = arith.constant 16 : index
    %swap3A_1121 = tpu.vector_load %arg10[%swap3A_1119, %swap3A_1120] {strides = array<i32>} : memref<25x32xi32, #tpu.memory_space<vmem>>, vector<1x16xi32>,
    %swap3A_1122 = vector.shape_cast %swap3A_1121 : vector<1x16xi32> to vector<16xi32>
    %swap3A_1123 = vector.shape_cast %add3A_1117 : vector<16xi32> to vector<1x16xi32>
    tpu.vector_store %arg10[%swap3A_1119, %swap3A_1120], %swap3A_1123 {strides = array<i32>} : memref<25x32xi32, #tpu.memory_space<vmem>>, vector<1x16xi32>,
    %add3A_1124 = arith.constant 0 : i32
    %add3A_1125 = vector.broadcast %add3A_1124 : i32 to vector<16xi32>
    %add3A_1126 = arith.addi %get3A_743, %add3A_1125 : vector<16xi32>
    %jit3A_1127 = arith.constant 0 : i32
    %jit3A_1128 = arith.constant 127 : i32
    %max3A_1129 = vector.broadcast %jit3A_1127 : i32 to vector<16xi32>
    %max3A_1130 = arith.maxsi %max3A_1129, %add3A_1126 : vector<16xi32>
    %min3A_1131 = vector.broadcast %jit3A_1128 : i32 to vector<16xi32>
    %min3A_1132 = arith.minsi %min3A_1131, %max3A_1130 : vector<16xi32>
    %add3A_1133 = arith.constant 1 : i32
    %add3A_1134 = vector.broadcast %add3A_1133 : i32 to vector<16xi32>
    %add3A_1135 = arith.addi %get3A_746, %add3A_1134 : vector<16xi32>
    %jit3A_1136 = arith.constant 0 : i32
    %jit3A_1137 = arith.constant 127 : i32
    %max3A_1138 = vector.broadcast %jit3A_1136 : i32 to vector<16xi32>
    %max3A_1139 = arith.maxsi %max3A_1138, %add3A_1135 : vector<16xi32>
    %min3A_1140 = vector.broadcast %jit3A_1137 : i32 to vector<16xi32>
    %min3A_1141 = arith.minsi %min3A_1140, %max3A_1139 : vector<16xi32>
    %mul3A_1142 = arith.constant 128 : i32
    %mul3A_1143 = vector.broadcast %mul3A_1142 : i32 to vector<16xi32>
    %mul3A_1144 = arith.muli %min3A_1132, %mul3A_1143 : vector<16xi32>
    %add3A_1145 = arith.addi %mul3A_740, %mul3A_1144 : vector<16xi32>
    %add3A_1146 = arith.addi %add3A_1145, %min3A_1141 : vector<16xi32>
    %swap3A_1147 = arith.constant 13 : i32
    %swap3A_1148 = arith.index_cast %swap3A_1147 : i32 to index
    %swap3A_1149 = arith.constant 16 : index
    %swap3A_1150 = tpu.vector_load %arg10[%swap3A_1148, %swap3A_1149] {strides = array<i32>} : memref<25x32xi32, #tpu.memory_space<vmem>>, vector<1x16xi32>,
    %swap3A_1151 = vector.shape_cast %swap3A_1150 : vector<1x16xi32> to vector<16xi32>
    %swap3A_1152 = vector.shape_cast %add3A_1146 : vector<16xi32> to vector<1x16xi32>
    tpu.vector_store %arg10[%swap3A_1148, %swap3A_1149], %swap3A_1152 {strides = array<i32>} : memref<25x32xi32, #tpu.memory_space<vmem>>, vector<1x16xi32>,
    %add3A_1153 = arith.constant 0 : i32
    %add3A_1154 = vector.broadcast %add3A_1153 : i32 to vector<16xi32>
    %add3A_1155 = arith.addi %get3A_743, %add3A_1154 : vector<16xi32>
    %jit3A_1156 = arith.constant 0 : i32
    %jit3A_1157 = arith.constant 127 : i32
    %max3A_1158 = vector.broadcast %jit3A_1156 : i32 to vector<16xi32>
    %max3A_1159 = arith.maxsi %max3A_1158, %add3A_1155 : vector<16xi32>
    %min3A_1160 = vector.broadcast %jit3A_1157 : i32 to vector<16xi32>
    %min3A_1161 = arith.minsi %min3A_1160, %max3A_1159 : vector<16xi32>
    %add3A_1162 = arith.constant 2 : i32
    %add3A_1163 = vector.broadcast %add3A_1162 : i32 to vector<16xi32>
    %add3A_1164 = arith.addi %get3A_746, %add3A_1163 : vector<16xi32>
    %jit3A_1165 = arith.constant 0 : i32
    %jit3A_1166 = arith.constant 127 : i32
    %max3A_1167 = vector.broadcast %jit3A_1165 : i32 to vector<16xi32>
    %max3A_1168 = arith.maxsi %max3A_1167, %add3A_1164 : vector<16xi32>
    %min3A_1169 = vector.broadcast %jit3A_1166 : i32 to vector<16xi32>
    %min3A_1170 = arith.minsi %min3A_1169, %max3A_1168 : vector<16xi32>
    %mul3A_1171 = arith.constant 128 : i32
    %mul3A_1172 = vector.broadcast %mul3A_1171 : i32 to vector<16xi32>
    %mul3A_1173 = arith.muli %min3A_1161, %mul3A_1172 : vector<16xi32>
    %add3A_1174 = arith.addi %mul3A_740, %mul3A_1173 : vector<16xi32>
    %add3A_1175 = arith.addi %add3A_1174, %min3A_1170 : vector<16xi32>
    %swap3A_1176 = arith.constant 14 : i32
    %swap3A_1177 = arith.index_cast %swap3A_1176 : i32 to index
    %swap3A_1178 = arith.constant 16 : index
    %swap3A_1179 = tpu.vector_load %arg10[%swap3A_1177, %swap3A_1178] {strides = array<i32>} : memref<25x32xi32, #tpu.memory_space<vmem>>, vector<1x16xi32>,
    %swap3A_1180 = vector.shape_cast %swap3A_1179 : vector<1x16xi32> to vector<16xi32>
    %swap3A_1181 = vector.shape_cast %add3A_1175 : vector<16xi32> to vector<1x16xi32>
    tpu.vector_store %arg10[%swap3A_1177, %swap3A_1178], %swap3A_1181 {strides = array<i32>} : memref<25x32xi32, #tpu.memory_space<vmem>>, vector<1x16xi32>,
    %add3A_1182 = arith.constant 1 : i32
    %add3A_1183 = vector.broadcast %add3A_1182 : i32 to vector<16xi32>
    %add3A_1184 = arith.addi %get3A_743, %add3A_1183 : vector<16xi32>
    %jit3A_1185 = arith.constant 0 : i32
    %jit3A_1186 = arith.constant 127 : i32
    %max3A_1187 = vector.broadcast %jit3A_1185 : i32 to vector<16xi32>
    %max3A_1188 = arith.maxsi %max3A_1187, %add3A_1184 : vector<16xi32>
    %min3A_1189 = vector.broadcast %jit3A_1186 : i32 to vector<16xi32>
    %min3A_1190 = arith.minsi %min3A_1189, %max3A_1188 : vector<16xi32>
    %add3A_1191 = arith.constant -2 : i32
    %add3A_1192 = vector.broadcast %add3A_1191 : i32 to vector<16xi32>
    %add3A_1193 = arith.addi %get3A_746, %add3A_1192 : vector<16xi32>
    %jit3A_1194 = arith.constant 0 : i32
    %jit3A_1195 = arith.constant 127 : i32
    %max3A_1196 = vector.broadcast %jit3A_1194 : i32 to vector<16xi32>
    %max3A_1197 = arith.maxsi %max3A_1196, %add3A_1193 : vector<16xi32>
    %min3A_1198 = vector.broadcast %jit3A_1195 : i32 to vector<16xi32>
    %min3A_1199 = arith.minsi %min3A_1198, %max3A_1197 : vector<16xi32>
    %mul3A_1200 = arith.constant 128 : i32
    %mul3A_1201 = vector.broadcast %mul3A_1200 : i32 to vector<16xi32>
    %mul3A_1202 = arith.muli %min3A_1190, %mul3A_1201 : vector<16xi32>
    %add3A_1203 = arith.addi %mul3A_740, %mul3A_1202 : vector<16xi32>
    %add3A_1204 = arith.addi %add3A_1203, %min3A_1199 : vector<16xi32>
    %swap3A_1205 = arith.constant 15 : i32
    %swap3A_1206 = arith.index_cast %swap3A_1205 : i32 to index
    %swap3A_1207 = arith.constant 16 : index
    %swap3A_1208 = tpu.vector_load %arg10[%swap3A_1206, %swap3A_1207] {strides = array<i32>} : memref<25x32xi32, #tpu.memory_space<vmem>>, vector<1x16xi32>,
    %swap3A_1209 = vector.shape_cast %swap3A_1208 : vector<1x16xi32> to vector<16xi32>
    %swap3A_1210 = vector.shape_cast %add3A_1204 : vector<16xi32> to vector<1x16xi32>
    tpu.vector_store %arg10[%swap3A_1206, %swap3A_1207], %swap3A_1210 {strides = array<i32>} : memref<25x32xi32, #tpu.memory_space<vmem>>, vector<1x16xi32>,
    %add3A_1211 = arith.constant 1 : i32
    %add3A_1212 = vector.broadcast %add3A_1211 : i32 to vector<16xi32>
    %add3A_1213 = arith.addi %get3A_743, %add3A_1212 : vector<16xi32>
    %jit3A_1214 = arith.constant 0 : i32
    %jit3A_1215 = arith.constant 127 : i32
    %max3A_1216 = vector.broadcast %jit3A_1214 : i32 to vector<16xi32>
    %max3A_1217 = arith.maxsi %max3A_1216, %add3A_1213 : vector<16xi32>
    %min3A_1218 = vector.broadcast %jit3A_1215 : i32 to vector<16xi32>
    %min3A_1219 = arith.minsi %min3A_1218, %max3A_1217 : vector<16xi32>
    %add3A_1220 = arith.constant -1 : i32
    %add3A_1221 = vector.broadcast %add3A_1220 : i32 to vector<16xi32>
    %add3A_1222 = arith.addi %get3A_746, %add3A_1221 : vector<16xi32>
    %jit3A_1223 = arith.constant 0 : i32
    %jit3A_1224 = arith.constant 127 : i32
    %max3A_1225 = vector.broadcast %jit3A_1223 : i32 to vector<16xi32>
    %max3A_1226 = arith.maxsi %max3A_1225, %add3A_1222 : vector<16xi32>
    %min3A_1227 = vector.broadcast %jit3A_1224 : i32 to vector<16xi32>
    %min3A_1228 = arith.minsi %min3A_1227, %max3A_1226 : vector<16xi32>
    %mul3A_1229 = arith.constant 128 : i32
    %mul3A_1230 = vector.broadcast %mul3A_1229 : i32 to vector<16xi32>
    %mul3A_1231 = arith.muli %min3A_1219, %mul3A_1230 : vector<16xi32>
    %add3A_1232 = arith.addi %mul3A_740, %mul3A_1231 : vector<16xi32>
    %add3A_1233 = arith.addi %add3A_1232, %min3A_1228 : vector<16xi32>
    %swap3A_1234 = arith.constant 16 : i32
    %swap3A_1235 = arith.index_cast %swap3A_1234 : i32 to index
    %swap3A_1236 = arith.constant 16 : index
    %swap3A_1237 = tpu.vector_load %arg10[%swap3A_1235, %swap3A_1236] {strides = array<i32>} : memref<25x32xi32, #tpu.memory_space<vmem>>, vector<1x16xi32>,
    %swap3A_1238 = vector.shape_cast %swap3A_1237 : vector<1x16xi32> to vector<16xi32>
    %swap3A_1239 = vector.shape_cast %add3A_1233 : vector<16xi32> to vector<1x16xi32>
    tpu.vector_store %arg10[%swap3A_1235, %swap3A_1236], %swap3A_1239 {strides = array<i32>} : memref<25x32xi32, #tpu.memory_space<vmem>>, vector<1x16xi32>,
    %add3A_1240 = arith.constant 1 : i32
    %add3A_1241 = vector.broadcast %add3A_1240 : i32 to vector<16xi32>
    %add3A_1242 = arith.addi %get3A_743, %add3A_1241 : vector<16xi32>
    %jit3A_1243 = arith.constant 0 : i32
    %jit3A_1244 = arith.constant 127 : i32
    %max3A_1245 = vector.broadcast %jit3A_1243 : i32 to vector<16xi32>
    %max3A_1246 = arith.maxsi %max3A_1245, %add3A_1242 : vector<16xi32>
    %min3A_1247 = vector.broadcast %jit3A_1244 : i32 to vector<16xi32>
    %min3A_1248 = arith.minsi %min3A_1247, %max3A_1246 : vector<16xi32>
    %add3A_1249 = arith.constant 0 : i32
    %add3A_1250 = vector.broadcast %add3A_1249 : i32 to vector<16xi32>
    %add3A_1251 = arith.addi %get3A_746, %add3A_1250 : vector<16xi32>
    %jit3A_1252 = arith.constant 0 : i32
    %jit3A_1253 = arith.constant 127 : i32
    %max3A_1254 = vector.broadcast %jit3A_1252 : i32 to vector<16xi32>
    %max3A_1255 = arith.maxsi %max3A_1254, %add3A_1251 : vector<16xi32>
    %min3A_1256 = vector.broadcast %jit3A_1253 : i32 to vector<16xi32>
    %min3A_1257 = arith.minsi %min3A_1256, %max3A_1255 : vector<16xi32>
    %mul3A_1258 = arith.constant 128 : i32
    %mul3A_1259 = vector.broadcast %mul3A_1258 : i32 to vector<16xi32>
    %mul3A_1260 = arith.muli %min3A_1248, %mul3A_1259 : vector<16xi32>
    %add3A_1261 = arith.addi %mul3A_740, %mul3A_1260 : vector<16xi32>
    %add3A_1262 = arith.addi %add3A_1261, %min3A_1257 : vector<16xi32>
    %swap3A_1263 = arith.constant 17 : i32
    %swap3A_1264 = arith.index_cast %swap3A_1263 : i32 to index
    %swap3A_1265 = arith.constant 16 : index
    %swap3A_1266 = tpu.vector_load %arg10[%swap3A_1264, %swap3A_1265] {strides = array<i32>} : memref<25x32xi32, #tpu.memory_space<vmem>>, vector<1x16xi32>,
    %swap3A_1267 = vector.shape_cast %swap3A_1266 : vector<1x16xi32> to vector<16xi32>
    %swap3A_1268 = vector.shape_cast %add3A_1262 : vector<16xi32> to vector<1x16xi32>
    tpu.vector_store %arg10[%swap3A_1264, %swap3A_1265], %swap3A_1268 {strides = array<i32>} : memref<25x32xi32, #tpu.memory_space<vmem>>, vector<1x16xi32>,
    %add3A_1269 = arith.constant 1 : i32
    %add3A_1270 = vector.broadcast %add3A_1269 : i32 to vector<16xi32>
    %add3A_1271 = arith.addi %get3A_743, %add3A_1270 : vector<16xi32>
    %jit3A_1272 = arith.constant 0 : i32
    %jit3A_1273 = arith.constant 127 : i32
    %max3A_1274 = vector.broadcast %jit3A_1272 : i32 to vector<16xi32>
    %max3A_1275 = arith.maxsi %max3A_1274, %add3A_1271 : vector<16xi32>
    %min3A_1276 = vector.broadcast %jit3A_1273 : i32 to vector<16xi32>
    %min3A_1277 = arith.minsi %min3A_1276, %max3A_1275 : vector<16xi32>
    %add3A_1278 = arith.constant 1 : i32
    %add3A_1279 = vector.broadcast %add3A_1278 : i32 to vector<16xi32>
    %add3A_1280 = arith.addi %get3A_746, %add3A_1279 : vector<16xi32>
    %jit3A_1281 = arith.constant 0 : i32
    %jit3A_1282 = arith.constant 127 : i32
    %max3A_1283 = vector.broadcast %jit3A_1281 : i32 to vector<16xi32>
    %max3A_1284 = arith.maxsi %max3A_1283, %add3A_1280 : vector<16xi32>
    %min3A_1285 = vector.broadcast %jit3A_1282 : i32 to vector<16xi32>
    %min3A_1286 = arith.minsi %min3A_1285, %max3A_1284 : vector<16xi32>
    %mul3A_1287 = arith.constant 128 : i32
    %mul3A_1288 = vector.broadcast %mul3A_1287 : i32 to vector<16xi32>
    %mul3A_1289 = arith.muli %min3A_1277, %mul3A_1288 : vector<16xi32>
    %add3A_1290 = arith.addi %mul3A_740, %mul3A_1289 : vector<16xi32>
    %add3A_1291 = arith.addi %add3A_1290, %min3A_1286 : vector<16xi32>
    %swap3A_1292 = arith.constant 18 : i32
    %swap3A_1293 = arith.index_cast %swap3A_1292 : i32 to index
    %swap3A_1294 = arith.constant 16 : index
    %swap3A_1295 = tpu.vector_load %arg10[%swap3A_1293, %swap3A_1294] {strides = array<i32>} : memref<25x32xi32, #tpu.memory_space<vmem>>, vector<1x16xi32>,
    %swap3A_1296 = vector.shape_cast %swap3A_1295 : vector<1x16xi32> to vector<16xi32>
    %swap3A_1297 = vector.shape_cast %add3A_1291 : vector<16xi32> to vector<1x16xi32>
    tpu.vector_store %arg10[%swap3A_1293, %swap3A_1294], %swap3A_1297 {strides = array<i32>} : memref<25x32xi32, #tpu.memory_space<vmem>>, vector<1x16xi32>,
    %add3A_1298 = arith.constant 1 : i32
    %add3A_1299 = vector.broadcast %add3A_1298 : i32 to vector<16xi32>
    %add3A_1300 = arith.addi %get3A_743, %add3A_1299 : vector<16xi32>
    %jit3A_1301 = arith.constant 0 : i32
    %jit3A_1302 = arith.constant 127 : i32
    %max3A_1303 = vector.broadcast %jit3A_1301 : i32 to vector<16xi32>
    %max3A_1304 = arith.maxsi %max3A_1303, %add3A_1300 : vector<16xi32>
    %min3A_1305 = vector.broadcast %jit3A_1302 : i32 to vector<16xi32>
    %min3A_1306 = arith.minsi %min3A_1305, %max3A_1304 : vector<16xi32>
    %add3A_1307 = arith.constant 2 : i32
    %add3A_1308 = vector.broadcast %add3A_1307 : i32 to vector<16xi32>
    %add3A_1309 = arith.addi %get3A_746, %add3A_1308 : vector<16xi32>
    %jit3A_1310 = arith.constant 0 : i32
    %jit3A_1311 = arith.constant 127 : i32
    %max3A_1312 = vector.broadcast %jit3A_1310 : i32 to vector<16xi32>
    %max3A_1313 = arith.maxsi %max3A_1312, %add3A_1309 : vector<16xi32>
    %min3A_1314 = vector.broadcast %jit3A_1311 : i32 to vector<16xi32>
    %min3A_1315 = arith.minsi %min3A_1314, %max3A_1313 : vector<16xi32>
    %mul3A_1316 = arith.constant 128 : i32
    %mul3A_1317 = vector.broadcast %mul3A_1316 : i32 to vector<16xi32>
    %mul3A_1318 = arith.muli %min3A_1306, %mul3A_1317 : vector<16xi32>
    %add3A_1319 = arith.addi %mul3A_740, %mul3A_1318 : vector<16xi32>
    %add3A_1320 = arith.addi %add3A_1319, %min3A_1315 : vector<16xi32>
    %swap3A_1321 = arith.constant 19 : i32
    %swap3A_1322 = arith.index_cast %swap3A_1321 : i32 to index
    %swap3A_1323 = arith.constant 16 : index
    %swap3A_1324 = tpu.vector_load %arg10[%swap3A_1322, %swap3A_1323] {strides = array<i32>} : memref<25x32xi32, #tpu.memory_space<vmem>>, vector<1x16xi32>,
    %swap3A_1325 = vector.shape_cast %swap3A_1324 : vector<1x16xi32> to vector<16xi32>
    %swap3A_1326 = vector.shape_cast %add3A_1320 : vector<16xi32> to vector<1x16xi32>
    tpu.vector_store %arg10[%swap3A_1322, %swap3A_1323], %swap3A_1326 {strides = array<i32>} : memref<25x32xi32, #tpu.memory_space<vmem>>, vector<1x16xi32>,
    %add3A_1327 = arith.constant 2 : i32
    %add3A_1328 = vector.broadcast %add3A_1327 : i32 to vector<16xi32>
    %add3A_1329 = arith.addi %get3A_743, %add3A_1328 : vector<16xi32>
    %jit3A_1330 = arith.constant 0 : i32
    %jit3A_1331 = arith.constant 127 : i32
    %max3A_1332 = vector.broadcast %jit3A_1330 : i32 to vector<16xi32>
    %max3A_1333 = arith.maxsi %max3A_1332, %add3A_1329 : vector<16xi32>
    %min3A_1334 = vector.broadcast %jit3A_1331 : i32 to vector<16xi32>
    %min3A_1335 = arith.minsi %min3A_1334, %max3A_1333 : vector<16xi32>
    %add3A_1336 = arith.constant -2 : i32
    %add3A_1337 = vector.broadcast %add3A_1336 : i32 to vector<16xi32>
    %add3A_1338 = arith.addi %get3A_746, %add3A_1337 : vector<16xi32>
    %jit3A_1339 = arith.constant 0 : i32
    %jit3A_1340 = arith.constant 127 : i32
    %max3A_1341 = vector.broadcast %jit3A_1339 : i32 to vector<16xi32>
    %max3A_1342 = arith.maxsi %max3A_1341, %add3A_1338 : vector<16xi32>
    %min3A_1343 = vector.broadcast %jit3A_1340 : i32 to vector<16xi32>
    %min3A_1344 = arith.minsi %min3A_1343, %max3A_1342 : vector<16xi32>
    %mul3A_1345 = arith.constant 128 : i32
    %mul3A_1346 = vector.broadcast %mul3A_1345 : i32 to vector<16xi32>
    %mul3A_1347 = arith.muli %min3A_1335, %mul3A_1346 : vector<16xi32>
    %add3A_1348 = arith.addi %mul3A_740, %mul3A_1347 : vector<16xi32>
    %add3A_1349 = arith.addi %add3A_1348, %min3A_1344 : vector<16xi32>
    %swap3A_1350 = arith.constant 20 : i32
    %swap3A_1351 = arith.index_cast %swap3A_1350 : i32 to index
    %swap3A_1352 = arith.constant 16 : index
    %swap3A_1353 = tpu.vector_load %arg10[%swap3A_1351, %swap3A_1352] {strides = array<i32>} : memref<25x32xi32, #tpu.memory_space<vmem>>, vector<1x16xi32>,
    %swap3A_1354 = vector.shape_cast %swap3A_1353 : vector<1x16xi32> to vector<16xi32>
    %swap3A_1355 = vector.shape_cast %add3A_1349 : vector<16xi32> to vector<1x16xi32>
    tpu.vector_store %arg10[%swap3A_1351, %swap3A_1352], %swap3A_1355 {strides = array<i32>} : memref<25x32xi32, #tpu.memory_space<vmem>>, vector<1x16xi32>,
    %add3A_1356 = arith.constant 2 : i32
    %add3A_1357 = vector.broadcast %add3A_1356 : i32 to vector<16xi32>
    %add3A_1358 = arith.addi %get3A_743, %add3A_1357 : vector<16xi32>
    %jit3A_1359 = arith.constant 0 : i32
    %jit3A_1360 = arith.constant 127 : i32
    %max3A_1361 = vector.broadcast %jit3A_1359 : i32 to vector<16xi32>
    %max3A_1362 = arith.maxsi %max3A_1361, %add3A_1358 : vector<16xi32>
    %min3A_1363 = vector.broadcast %jit3A_1360 : i32 to vector<16xi32>
    %min3A_1364 = arith.minsi %min3A_1363, %max3A_1362 : vector<16xi32>
    %add3A_1365 = arith.constant -1 : i32
    %add3A_1366 = vector.broadcast %add3A_1365 : i32 to vector<16xi32>
    %add3A_1367 = arith.addi %get3A_746, %add3A_1366 : vector<16xi32>
    %jit3A_1368 = arith.constant 0 : i32
    %jit3A_1369 = arith.constant 127 : i32
    %max3A_1370 = vector.broadcast %jit3A_1368 : i32 to vector<16xi32>
    %max3A_1371 = arith.maxsi %max3A_1370, %add3A_1367 : vector<16xi32>
    %min3A_1372 = vector.broadcast %jit3A_1369 : i32 to vector<16xi32>
    %min3A_1373 = arith.minsi %min3A_1372, %max3A_1371 : vector<16xi32>
    %mul3A_1374 = arith.constant 128 : i32
    %mul3A_1375 = vector.broadcast %mul3A_1374 : i32 to vector<16xi32>
    %mul3A_1376 = arith.muli %min3A_1364, %mul3A_1375 : vector<16xi32>
    %add3A_1377 = arith.addi %mul3A_740, %mul3A_1376 : vector<16xi32>
    %add3A_1378 = arith.addi %add3A_1377, %min3A_1373 : vector<16xi32>
    %swap3A_1379 = arith.constant 21 : i32
    %swap3A_1380 = arith.index_cast %swap3A_1379 : i32 to index
    %swap3A_1381 = arith.constant 16 : index
    %swap3A_1382 = tpu.vector_load %arg10[%swap3A_1380, %swap3A_1381] {strides = array<i32>} : memref<25x32xi32, #tpu.memory_space<vmem>>, vector<1x16xi32>,
    %swap3A_1383 = vector.shape_cast %swap3A_1382 : vector<1x16xi32> to vector<16xi32>
    %swap3A_1384 = vector.shape_cast %add3A_1378 : vector<16xi32> to vector<1x16xi32>
    tpu.vector_store %arg10[%swap3A_1380, %swap3A_1381], %swap3A_1384 {strides = array<i32>} : memref<25x32xi32, #tpu.memory_space<vmem>>, vector<1x16xi32>,
    %add3A_1385 = arith.constant 2 : i32
    %add3A_1386 = vector.broadcast %add3A_1385 : i32 to vector<16xi32>
    %add3A_1387 = arith.addi %get3A_743, %add3A_1386 : vector<16xi32>
    %jit3A_1388 = arith.constant 0 : i32
    %jit3A_1389 = arith.constant 127 : i32
    %max3A_1390 = vector.broadcast %jit3A_1388 : i32 to vector<16xi32>
    %max3A_1391 = arith.maxsi %max3A_1390, %add3A_1387 : vector<16xi32>
    %min3A_1392 = vector.broadcast %jit3A_1389 : i32 to vector<16xi32>
    %min3A_1393 = arith.minsi %min3A_1392, %max3A_1391 : vector<16xi32>
    %add3A_1394 = arith.constant 0 : i32
    %add3A_1395 = vector.broadcast %add3A_1394 : i32 to vector<16xi32>
    %add3A_1396 = arith.addi %get3A_746, %add3A_1395 : vector<16xi32>
    %jit3A_1397 = arith.constant 0 : i32
    %jit3A_1398 = arith.constant 127 : i32
    %max3A_1399 = vector.broadcast %jit3A_1397 : i32 to vector<16xi32>
    %max3A_1400 = arith.maxsi %max3A_1399, %add3A_1396 : vector<16xi32>
    %min3A_1401 = vector.broadcast %jit3A_1398 : i32 to vector<16xi32>
    %min3A_1402 = arith.minsi %min3A_1401, %max3A_1400 : vector<16xi32>
    %mul3A_1403 = arith.constant 128 : i32
    %mul3A_1404 = vector.broadcast %mul3A_1403 : i32 to vector<16xi32>
    %mul3A_1405 = arith.muli %min3A_1393, %mul3A_1404 : vector<16xi32>
    %add3A_1406 = arith.addi %mul3A_740, %mul3A_1405 : vector<16xi32>
    %add3A_1407 = arith.addi %add3A_1406, %min3A_1402 : vector<16xi32>
    %swap3A_1408 = arith.constant 22 : i32
    %swap3A_1409 = arith.index_cast %swap3A_1408 : i32 to index
    %swap3A_1410 = arith.constant 16 : index
    %swap3A_1411 = tpu.vector_load %arg10[%swap3A_1409, %swap3A_1410] {strides = array<i32>} : memref<25x32xi32, #tpu.memory_space<vmem>>, vector<1x16xi32>,
    %swap3A_1412 = vector.shape_cast %swap3A_1411 : vector<1x16xi32> to vector<16xi32>
    %swap3A_1413 = vector.shape_cast %add3A_1407 : vector<16xi32> to vector<1x16xi32>
    tpu.vector_store %arg10[%swap3A_1409, %swap3A_1410], %swap3A_1413 {strides = array<i32>} : memref<25x32xi32, #tpu.memory_space<vmem>>, vector<1x16xi32>,
    %add3A_1414 = arith.constant 2 : i32
    %add3A_1415 = vector.broadcast %add3A_1414 : i32 to vector<16xi32>
    %add3A_1416 = arith.addi %get3A_743, %add3A_1415 : vector<16xi32>
    %jit3A_1417 = arith.constant 0 : i32
    %jit3A_1418 = arith.constant 127 : i32
    %max3A_1419 = vector.broadcast %jit3A_1417 : i32 to vector<16xi32>
    %max3A_1420 = arith.maxsi %max3A_1419, %add3A_1416 : vector<16xi32>
    %min3A_1421 = vector.broadcast %jit3A_1418 : i32 to vector<16xi32>
    %min3A_1422 = arith.minsi %min3A_1421, %max3A_1420 : vector<16xi32>
    %add3A_1423 = arith.constant 1 : i32
    %add3A_1424 = vector.broadcast %add3A_1423 : i32 to vector<16xi32>
    %add3A_1425 = arith.addi %get3A_746, %add3A_1424 : vector<16xi32>
    %jit3A_1426 = arith.constant 0 : i32
    %jit3A_1427 = arith.constant 127 : i32
    %max3A_1428 = vector.broadcast %jit3A_1426 : i32 to vector<16xi32>
    %max3A_1429 = arith.maxsi %max3A_1428, %add3A_1425 : vector<16xi32>
    %min3A_1430 = vector.broadcast %jit3A_1427 : i32 to vector<16xi32>
    %min3A_1431 = arith.minsi %min3A_1430, %max3A_1429 : vector<16xi32>
    %mul3A_1432 = arith.constant 128 : i32
    %mul3A_1433 = vector.broadcast %mul3A_1432 : i32 to vector<16xi32>
    %mul3A_1434 = arith.muli %min3A_1422, %mul3A_1433 : vector<16xi32>
    %add3A_1435 = arith.addi %mul3A_740, %mul3A_1434 : vector<16xi32>
    %add3A_1436 = arith.addi %add3A_1435, %min3A_1431 : vector<16xi32>
    %swap3A_1437 = arith.constant 23 : i32
    %swap3A_1438 = arith.index_cast %swap3A_1437 : i32 to index
    %swap3A_1439 = arith.constant 16 : index
    %swap3A_1440 = tpu.vector_load %arg10[%swap3A_1438, %swap3A_1439] {strides = array<i32>} : memref<25x32xi32, #tpu.memory_space<vmem>>, vector<1x16xi32>,
    %swap3A_1441 = vector.shape_cast %swap3A_1440 : vector<1x16xi32> to vector<16xi32>
    %swap3A_1442 = vector.shape_cast %add3A_1436 : vector<16xi32> to vector<1x16xi32>
    tpu.vector_store %arg10[%swap3A_1438, %swap3A_1439], %swap3A_1442 {strides = array<i32>} : memref<25x32xi32, #tpu.memory_space<vmem>>, vector<1x16xi32>,
    %add3A_1443 = arith.constant 2 : i32
    %add3A_1444 = vector.broadcast %add3A_1443 : i32 to vector<16xi32>
    %add3A_1445 = arith.addi %get3A_743, %add3A_1444 : vector<16xi32>
    %jit3A_1446 = arith.constant 0 : i32
    %jit3A_1447 = arith.constant 127 : i32
    %max3A_1448 = vector.broadcast %jit3A_1446 : i32 to vector<16xi32>
    %max3A_1449 = arith.maxsi %max3A_1448, %add3A_1445 : vector<16xi32>
    %min3A_1450 = vector.broadcast %jit3A_1447 : i32 to vector<16xi32>
    %min3A_1451 = arith.minsi %min3A_1450, %max3A_1449 : vector<16xi32>
    %add3A_1452 = arith.constant 2 : i32
    %add3A_1453 = vector.broadcast %add3A_1452 : i32 to vector<16xi32>
    %add3A_1454 = arith.addi %get3A_746, %add3A_1453 : vector<16xi32>
    %jit3A_1455 = arith.constant 0 : i32
    %jit3A_1456 = arith.constant 127 : i32
    %max3A_1457 = vector.broadcast %jit3A_1455 : i32 to vector<16xi32>
    %max3A_1458 = arith.maxsi %max3A_1457, %add3A_1454 : vector<16xi32>
    %min3A_1459 = vector.broadcast %jit3A_1456 : i32 to vector<16xi32>
    %min3A_1460 = arith.minsi %min3A_1459, %max3A_1458 : vector<16xi32>
    %mul3A_1461 = arith.constant 128 : i32
    %mul3A_1462 = vector.broadcast %mul3A_1461 : i32 to vector<16xi32>
    %mul3A_1463 = arith.muli %min3A_1451, %mul3A_1462 : vector<16xi32>
    %add3A_1464 = arith.addi %mul3A_740, %mul3A_1463 : vector<16xi32>
    %add3A_1465 = arith.addi %add3A_1464, %min3A_1460 : vector<16xi32>
    %swap3A_1466 = arith.constant 24 : i32
    %swap3A_1467 = arith.index_cast %swap3A_1466 : i32 to index
    %swap3A_1468 = arith.constant 16 : index
    %swap3A_1469 = tpu.vector_load %arg10[%swap3A_1467, %swap3A_1468] {strides = array<i32>} : memref<25x32xi32, #tpu.memory_space<vmem>>, vector<1x16xi32>,
    %swap3A_1470 = vector.shape_cast %swap3A_1469 : vector<1x16xi32> to vector<16xi32>
    %swap3A_1471 = vector.shape_cast %add3A_1465 : vector<16xi32> to vector<1x16xi32>
    tpu.vector_store %arg10[%swap3A_1467, %swap3A_1468], %swap3A_1471 {strides = array<i32>} : memref<25x32xi32, #tpu.memory_space<vmem>>, vector<1x16xi32>,
    %dma_start3A = arith.constant 0 : i32
    %dma_start3A_1472 = arith.constant 0 : i32
    %dma_start3A_1473 = arith.constant 0 : i32
    %dma_start3A_1474 = arith.constant 0 : i32
    %dma_start3A_1475 = tpu.memref_slice %arg11[%dma_start3A_1472, %dma_start3A_1473, %dma_start3A_1474] : memref<4x32x256xf32, #tpu.memory_space<vmem>> -> memref<1x32x256xf32, #tpu.memory_space<vmem>>
    %dma_start3A_1476 = tpu.memref_squeeze %dma_start3A_1475 : memref<1x32x256xf32, #tpu.memory_space<vmem>> -> memref<32x256xf32, #tpu.memory_space<vmem>>
    %dma_start3A_1477 = arith.constant 0 : i32
    %dma_start3A_1478 = tpu.memref_slice %arg10[%dma_start3A, %dma_start3A_1477] : memref<25x32xi32, #tpu.memory_space<vmem>> -> memref<1x32xi32, #tpu.memory_space<vmem>>
    %dma_start3A_1479 = tpu.memref_squeeze %dma_start3A_1478 : memref<1x32xi32, #tpu.memory_space<vmem>> -> memref<32xi32, #tpu.memory_space<vmem>>
    %dma_start3A_1480 = arith.constant 0 : i32
    %dma_start3A_1481 = arith.constant 0 : i32
    %dma_start3A_1482 = tpu.memref_slice %arg5[%dma_start3A_1480, %dma_start3A_1481] : memref<65536x256xf32, #tpu.memory_space<hbm>> -> memref<65536x256xf32, #tpu.memory_space<hbm>>
    tpu.enqueue_indirect_dma source(%dma_start3A_1482 : memref<65536x256xf32, #tpu.memory_space<hbm>>) target(%dma_start3A_1476 : memref<32x256xf32, #tpu.memory_space<vmem>>) offsets(%dma_start3A_1479 : memref<32xi32, #tpu.memory_space<vmem>>) semaphore(%arg12 : memref<!tpu.dma_semaphore, #tpu.memory_space<semaphore_mem>>)
    %dma_start3A_1483 = arith.constant 1 : i32
    %dma_start3A_1484 = arith.constant 1 : i32
    %dma_start3A_1485 = arith.constant 0 : i32
    %dma_start3A_1486 = arith.constant 0 : i32
    %dma_start3A_1487 = tpu.memref_slice %arg11[%dma_start3A_1484, %dma_start3A_1485, %dma_start3A_1486] : memref<4x32x256xf32, #tpu.memory_space<vmem>> -> memref<1x32x256xf32, #tpu.memory_space<vmem>>
    %dma_start3A_1488 = tpu.memref_squeeze %dma_start3A_1487 : memref<1x32x256xf32, #tpu.memory_space<vmem>> -> memref<32x256xf32, #tpu.memory_space<vmem>>
    %dma_start3A_1489 = arith.constant 0 : i32
    %dma_start3A_1490 = tpu.memref_slice %arg10[%dma_start3A_1483, %dma_start3A_1489] : memref<25x32xi32, #tpu.memory_space<vmem>> -> memref<1x32xi32, #tpu.memory_space<vmem>>
    %dma_start3A_1491 = tpu.memref_squeeze %dma_start3A_1490 : memref<1x32xi32, #tpu.memory_space<vmem>> -> memref<32xi32, #tpu.memory_space<vmem>>
    %dma_start3A_1492 = arith.constant 0 : i32
    %dma_start3A_1493 = arith.constant 0 : i32
    %dma_start3A_1494 = tpu.memref_slice %arg5[%dma_start3A_1492, %dma_start3A_1493] : memref<65536x256xf32, #tpu.memory_space<hbm>> -> memref<65536x256xf32, #tpu.memory_space<hbm>>
    tpu.enqueue_indirect_dma source(%dma_start3A_1494 : memref<65536x256xf32, #tpu.memory_space<hbm>>) target(%dma_start3A_1488 : memref<32x256xf32, #tpu.memory_space<vmem>>) offsets(%dma_start3A_1491 : memref<32xi32, #tpu.memory_space<vmem>>) semaphore(%arg12 : memref<!tpu.dma_semaphore, #tpu.memory_space<semaphore_mem>>)
    %dma_wait3A = arith.constant 0 : i32
    %dma_wait3A_1495 = arith.constant 0 : i32
    %dma_wait3A_1496 = arith.constant 0 : i32
    %dma_wait3A_1497 = arith.constant 0 : i32
    %dma_wait3A_1498 = tpu.memref_slice %arg11[%dma_wait3A_1495, %dma_wait3A_1496, %dma_wait3A_1497] : memref<4x32x256xf32, #tpu.memory_space<vmem>> -> memref<1x32x256xf32, #tpu.memory_space<vmem>>
    %dma_wait3A_1499 = tpu.memref_squeeze %dma_wait3A_1498 : memref<1x32x256xf32, #tpu.memory_space<vmem>> -> memref<32x256xf32, #tpu.memory_space<vmem>>
    %dma_wait3A_1500 = arith.constant 0 : i32
    %dma_wait3A_1501 = tpu.memref_slice %arg10[%dma_wait3A, %dma_wait3A_1500] : memref<25x32xi32, #tpu.memory_space<vmem>> -> memref<1x32xi32, #tpu.memory_space<vmem>>
    %dma_wait3A_1502 = tpu.memref_squeeze %dma_wait3A_1501 : memref<1x32xi32, #tpu.memory_space<vmem>> -> memref<32xi32, #tpu.memory_space<vmem>>
    %dma_wait3A_1503 = arith.constant 0 : i32
    %dma_wait3A_1504 = arith.constant 0 : i32
    %dma_wait3A_1505 = tpu.memref_slice %arg5[%dma_wait3A_1503, %dma_wait3A_1504] : memref<65536x256xf32, #tpu.memory_space<hbm>> -> memref<65536x256xf32, #tpu.memory_space<hbm>>
    tpu.wait_indirect_dma semaphore(%arg12 : memref<!tpu.dma_semaphore, #tpu.memory_space<semaphore_mem>>) src(%dma_wait3A_1505 : memref<65536x256xf32, #tpu.memory_space<hbm>>) dst(%dma_wait3A_1499 : memref<32x256xf32, #tpu.memory_space<vmem>>)
    %dma_start3A_1506 = arith.constant 0 : i32
    %dma_start3A_1507 = arith.constant 0 : i32
    %dma_start3A_1508 = arith.constant 0 : i32
    %dma_start3A_1509 = arith.constant 0 : i32
    %dma_start3A_1510 = tpu.memref_slice %arg11[%dma_start3A_1506, %dma_start3A_1508, %dma_start3A_1509] : memref<4x32x256xf32, #tpu.memory_space<vmem>> -> memref<1x32x256xf32, #tpu.memory_space<vmem>>
    %dma_start3A_1511 = tpu.memref_squeeze %dma_start3A_1510 : memref<1x32x256xf32, #tpu.memory_space<vmem>> -> memref<32x256xf32, #tpu.memory_space<vmem>>
    %dma_start3A_1512 = arith.constant 0 : i32
    %dma_start3A_1513 = tpu.memref_slice %arg6[%dma_start3A_1507, %mul3A_2, %dma_start3A_1512] : memref<25x1024x256xf32, #tpu.memory_space<hbm>> -> memref<1x32x256xf32, #tpu.memory_space<hbm>>
    %dma_start3A_1514 = tpu.memref_squeeze %dma_start3A_1513 : memref<1x32x256xf32, #tpu.memory_space<hbm>> -> memref<32x256xf32, #tpu.memory_space<hbm>>
    %dma_start3A_1515 = arith.constant 0 : i32
    %dma_start3A_1516 = tpu.memref_slice %arg6[%dma_start3A_1507, %mul3A_2, %dma_start3A_1515] : memref<25x1024x256xf32, #tpu.memory_space<hbm>> -> memref<1x32x256xf32, #tpu.memory_space<hbm>>
    %dma_start3A_1517 = tpu.memref_squeeze %dma_start3A_1516 : memref<1x32x256xf32, #tpu.memory_space<hbm>> -> memref<32x256xf32, #tpu.memory_space<hbm>>
    %dma_start3A_1518 = arith.constant 0 : i32
    %dma_start3A_1519 = arith.constant 0 : i32
    %dma_start3A_1520 = tpu.memref_slice %arg11[%dma_start3A_1506, %dma_start3A_1518, %dma_start3A_1519] : memref<4x32x256xf32, #tpu.memory_space<vmem>> -> memref<1x32x256xf32, #tpu.memory_space<vmem>>
    %dma_start3A_1521 = tpu.memref_squeeze %dma_start3A_1520 : memref<1x32x256xf32, #tpu.memory_space<vmem>> -> memref<32x256xf32, #tpu.memory_space<vmem>>
    tpu.enqueue_dma source(%dma_start3A_1521 : memref<32x256xf32, #tpu.memory_space<vmem>>) target(%dma_start3A_1517 : memref<32x256xf32, #tpu.memory_space<hbm>>) target_semaphore(%arg13 : memref<!tpu.dma_semaphore, #tpu.memory_space<semaphore_mem>>)
    %dma_start3A_1522 = arith.constant 2 : i32
    %dma_start3A_1523 = arith.constant 2 : i32
    %dma_start3A_1524 = arith.constant 0 : i32
    %dma_start3A_1525 = arith.constant 0 : i32
    %dma_start3A_1526 = tpu.memref_slice %arg11[%dma_start3A_1523, %dma_start3A_1524, %dma_start3A_1525] : memref<4x32x256xf32, #tpu.memory_space<vmem>> -> memref<1x32x256xf32, #tpu.memory_space<vmem>>
    %dma_start3A_1527 = tpu.memref_squeeze %dma_start3A_1526 : memref<1x32x256xf32, #tpu.memory_space<vmem>> -> memref<32x256xf32, #tpu.memory_space<vmem>>
    %dma_start3A_1528 = arith.constant 0 : i32
    %dma_start3A_1529 = tpu.memref_slice %arg10[%dma_start3A_1522, %dma_start3A_1528] : memref<25x32xi32, #tpu.memory_space<vmem>> -> memref<1x32xi32, #tpu.memory_space<vmem>>
    %dma_start3A_1530 = tpu.memref_squeeze %dma_start3A_1529 : memref<1x32xi32, #tpu.memory_space<vmem>> -> memref<32xi32, #tpu.memory_space<vmem>>
    %dma_start3A_1531 = arith.constant 0 : i32
    %dma_start3A_1532 = arith.constant 0 : i32
    %dma_start3A_1533 = tpu.memref_slice %arg5[%dma_start3A_1531, %dma_start3A_1532] : memref<65536x256xf32, #tpu.memory_space<hbm>> -> memref<65536x256xf32, #tpu.memory_space<hbm>>
    tpu.enqueue_indirect_dma source(%dma_start3A_1533 : memref<65536x256xf32, #tpu.memory_space<hbm>>) target(%dma_start3A_1527 : memref<32x256xf32, #tpu.memory_space<vmem>>) offsets(%dma_start3A_1530 : memref<32xi32, #tpu.memory_space<vmem>>) semaphore(%arg12 : memref<!tpu.dma_semaphore, #tpu.memory_space<semaphore_mem>>)
    %dma_wait3A_1534 = arith.constant 1 : i32
    %dma_wait3A_1535 = arith.constant 1 : i32
    %dma_wait3A_1536 = arith.constant 0 : i32
    %dma_wait3A_1537 = arith.constant 0 : i32
    %dma_wait3A_1538 = tpu.memref_slice %arg11[%dma_wait3A_1535, %dma_wait3A_1536, %dma_wait3A_1537] : memref<4x32x256xf32, #tpu.memory_space<vmem>> -> memref<1x32x256xf32, #tpu.memory_space<vmem>>
    %dma_wait3A_1539 = tpu.memref_squeeze %dma_wait3A_1538 : memref<1x32x256xf32, #tpu.memory_space<vmem>> -> memref<32x256xf32, #tpu.memory_space<vmem>>
    %dma_wait3A_1540 = arith.constant 0 : i32
    %dma_wait3A_1541 = tpu.memref_slice %arg10[%dma_wait3A_1534, %dma_wait3A_1540] : memref<25x32xi32, #tpu.memory_space<vmem>> -> memref<1x32xi32, #tpu.memory_space<vmem>>
    %dma_wait3A_1542 = tpu.memref_squeeze %dma_wait3A_1541 : memref<1x32xi32, #tpu.memory_space<vmem>> -> memref<32xi32, #tpu.memory_space<vmem>>
    %dma_wait3A_1543 = arith.constant 0 : i32
    %dma_wait3A_1544 = arith.constant 0 : i32
    %dma_wait3A_1545 = tpu.memref_slice %arg5[%dma_wait3A_1543, %dma_wait3A_1544] : memref<65536x256xf32, #tpu.memory_space<hbm>> -> memref<65536x256xf32, #tpu.memory_space<hbm>>
    tpu.wait_indirect_dma semaphore(%arg12 : memref<!tpu.dma_semaphore, #tpu.memory_space<semaphore_mem>>) src(%dma_wait3A_1545 : memref<65536x256xf32, #tpu.memory_space<hbm>>) dst(%dma_wait3A_1539 : memref<32x256xf32, #tpu.memory_space<vmem>>)
    %dma_start3A_1546 = arith.constant 1 : i32
    %dma_start3A_1547 = arith.constant 1 : i32
    %dma_start3A_1548 = arith.constant 0 : i32
    %dma_start3A_1549 = arith.constant 0 : i32
    %dma_start3A_1550 = tpu.memref_slice %arg11[%dma_start3A_1546, %dma_start3A_1548, %dma_start3A_1549] : memref<4x32x256xf32, #tpu.memory_space<vmem>> -> memref<1x32x256xf32, #tpu.memory_space<vmem>>
    %dma_start3A_1551 = tpu.memref_squeeze %dma_start3A_1550 : memref<1x32x256xf32, #tpu.memory_space<vmem>> -> memref<32x256xf32, #tpu.memory_space<vmem>>
    %dma_start3A_1552 = arith.constant 0 : i32
    %dma_start3A_1553 = tpu.memref_slice %arg6[%dma_start3A_1547, %mul3A_2, %dma_start3A_1552] : memref<25x1024x256xf32, #tpu.memory_space<hbm>> -> memref<1x32x256xf32, #tpu.memory_space<hbm>>
    %dma_start3A_1554 = tpu.memref_squeeze %dma_start3A_1553 : memref<1x32x256xf32, #tpu.memory_space<hbm>> -> memref<32x256xf32, #tpu.memory_space<hbm>>
    %dma_start3A_1555 = arith.constant 0 : i32
    %dma_start3A_1556 = tpu.memref_slice %arg6[%dma_start3A_1547, %mul3A_2, %dma_start3A_1555] : memref<25x1024x256xf32, #tpu.memory_space<hbm>> -> memref<1x32x256xf32, #tpu.memory_space<hbm>>
    %dma_start3A_1557 = tpu.memref_squeeze %dma_start3A_1556 : memref<1x32x256xf32, #tpu.memory_space<hbm>> -> memref<32x256xf32, #tpu.memory_space<hbm>>
    %dma_start3A_1558 = arith.constant 0 : i32
    %dma_start3A_1559 = arith.constant 0 : i32
    %dma_start3A_1560 = tpu.memref_slice %arg11[%dma_start3A_1546, %dma_start3A_1558, %dma_start3A_1559] : memref<4x32x256xf32, #tpu.memory_space<vmem>> -> memref<1x32x256xf32, #tpu.memory_space<vmem>>
    %dma_start3A_1561 = tpu.memref_squeeze %dma_start3A_1560 : memref<1x32x256xf32, #tpu.memory_space<vmem>> -> memref<32x256xf32, #tpu.memory_space<vmem>>
    tpu.enqueue_dma source(%dma_start3A_1561 : memref<32x256xf32, #tpu.memory_space<vmem>>) target(%dma_start3A_1557 : memref<32x256xf32, #tpu.memory_space<hbm>>) target_semaphore(%arg13 : memref<!tpu.dma_semaphore, #tpu.memory_space<semaphore_mem>>)
    %dma_start3A_1562 = arith.constant 3 : i32
    %dma_start3A_1563 = arith.constant 3 : i32
    %dma_start3A_1564 = arith.constant 0 : i32
    %dma_start3A_1565 = arith.constant 0 : i32
    %dma_start3A_1566 = tpu.memref_slice %arg11[%dma_start3A_1563, %dma_start3A_1564, %dma_start3A_1565] : memref<4x32x256xf32, #tpu.memory_space<vmem>> -> memref<1x32x256xf32, #tpu.memory_space<vmem>>
    %dma_start3A_1567 = tpu.memref_squeeze %dma_start3A_1566 : memref<1x32x256xf32, #tpu.memory_space<vmem>> -> memref<32x256xf32, #tpu.memory_space<vmem>>
    %dma_start3A_1568 = arith.constant 0 : i32
    %dma_start3A_1569 = tpu.memref_slice %arg10[%dma_start3A_1562, %dma_start3A_1568] : memref<25x32xi32, #tpu.memory_space<vmem>> -> memref<1x32xi32, #tpu.memory_space<vmem>>
    %dma_start3A_1570 = tpu.memref_squeeze %dma_start3A_1569 : memref<1x32xi32, #tpu.memory_space<vmem>> -> memref<32xi32, #tpu.memory_space<vmem>>
    %dma_start3A_1571 = arith.constant 0 : i32
    %dma_start3A_1572 = arith.constant 0 : i32
    %dma_start3A_1573 = tpu.memref_slice %arg5[%dma_start3A_1571, %dma_start3A_1572] : memref<65536x256xf32, #tpu.memory_space<hbm>> -> memref<65536x256xf32, #tpu.memory_space<hbm>>
    tpu.enqueue_indirect_dma source(%dma_start3A_1573 : memref<65536x256xf32, #tpu.memory_space<hbm>>) target(%dma_start3A_1567 : memref<32x256xf32, #tpu.memory_space<vmem>>) offsets(%dma_start3A_1570 : memref<32xi32, #tpu.memory_space<vmem>>) semaphore(%arg12 : memref<!tpu.dma_semaphore, #tpu.memory_space<semaphore_mem>>)
    %dma_wait3A_1574 = arith.constant 2 : i32
    %dma_wait3A_1575 = arith.constant 2 : i32
    %dma_wait3A_1576 = arith.constant 0 : i32
    %dma_wait3A_1577 = arith.constant 0 : i32
    %dma_wait3A_1578 = tpu.memref_slice %arg11[%dma_wait3A_1575, %dma_wait3A_1576, %dma_wait3A_1577] : memref<4x32x256xf32, #tpu.memory_space<vmem>> -> memref<1x32x256xf32, #tpu.memory_space<vmem>>
    %dma_wait3A_1579 = tpu.memref_squeeze %dma_wait3A_1578 : memref<1x32x256xf32, #tpu.memory_space<vmem>> -> memref<32x256xf32, #tpu.memory_space<vmem>>
    %dma_wait3A_1580 = arith.constant 0 : i32
    %dma_wait3A_1581 = tpu.memref_slice %arg10[%dma_wait3A_1574, %dma_wait3A_1580] : memref<25x32xi32, #tpu.memory_space<vmem>> -> memref<1x32xi32, #tpu.memory_space<vmem>>
    %dma_wait3A_1582 = tpu.memref_squeeze %dma_wait3A_1581 : memref<1x32xi32, #tpu.memory_space<vmem>> -> memref<32xi32, #tpu.memory_space<vmem>>
    %dma_wait3A_1583 = arith.constant 0 : i32
    %dma_wait3A_1584 = arith.constant 0 : i32
    %dma_wait3A_1585 = tpu.memref_slice %arg5[%dma_wait3A_1583, %dma_wait3A_1584] : memref<65536x256xf32, #tpu.memory_space<hbm>> -> memref<65536x256xf32, #tpu.memory_space<hbm>>
    tpu.wait_indirect_dma semaphore(%arg12 : memref<!tpu.dma_semaphore, #tpu.memory_space<semaphore_mem>>) src(%dma_wait3A_1585 : memref<65536x256xf32, #tpu.memory_space<hbm>>) dst(%dma_wait3A_1579 : memref<32x256xf32, #tpu.memory_space<vmem>>)
    %dma_start3A_1586 = arith.constant 2 : i32
    %dma_start3A_1587 = arith.constant 2 : i32
    %dma_start3A_1588 = arith.constant 0 : i32
    %dma_start3A_1589 = arith.constant 0 : i32
    %dma_start3A_1590 = tpu.memref_slice %arg11[%dma_start3A_1586, %dma_start3A_1588, %dma_start3A_1589] : memref<4x32x256xf32, #tpu.memory_space<vmem>> -> memref<1x32x256xf32, #tpu.memory_space<vmem>>
    %dma_start3A_1591 = tpu.memref_squeeze %dma_start3A_1590 : memref<1x32x256xf32, #tpu.memory_space<vmem>> -> memref<32x256xf32, #tpu.memory_space<vmem>>
    %dma_start3A_1592 = arith.constant 0 : i32
    %dma_start3A_1593 = tpu.memref_slice %arg6[%dma_start3A_1587, %mul3A_2, %dma_start3A_1592] : memref<25x1024x256xf32, #tpu.memory_space<hbm>> -> memref<1x32x256xf32, #tpu.memory_space<hbm>>
    %dma_start3A_1594 = tpu.memref_squeeze %dma_start3A_1593 : memref<1x32x256xf32, #tpu.memory_space<hbm>> -> memref<32x256xf32, #tpu.memory_space<hbm>>
    %dma_start3A_1595 = arith.constant 0 : i32
    %dma_start3A_1596 = tpu.memref_slice %arg6[%dma_start3A_1587, %mul3A_2, %dma_start3A_1595] : memref<25x1024x256xf32, #tpu.memory_space<hbm>> -> memref<1x32x256xf32, #tpu.memory_space<hbm>>
    %dma_start3A_1597 = tpu.memref_squeeze %dma_start3A_1596 : memref<1x32x256xf32, #tpu.memory_space<hbm>> -> memref<32x256xf32, #tpu.memory_space<hbm>>
    %dma_start3A_1598 = arith.constant 0 : i32
    %dma_start3A_1599 = arith.constant 0 : i32
    %dma_start3A_1600 = tpu.memref_slice %arg11[%dma_start3A_1586, %dma_start3A_1598, %dma_start3A_1599] : memref<4x32x256xf32, #tpu.memory_space<vmem>> -> memref<1x32x256xf32, #tpu.memory_space<vmem>>
    %dma_start3A_1601 = tpu.memref_squeeze %dma_start3A_1600 : memref<1x32x256xf32, #tpu.memory_space<vmem>> -> memref<32x256xf32, #tpu.memory_space<vmem>>
    tpu.enqueue_dma source(%dma_start3A_1601 : memref<32x256xf32, #tpu.memory_space<vmem>>) target(%dma_start3A_1597 : memref<32x256xf32, #tpu.memory_space<hbm>>) target_semaphore(%arg13 : memref<!tpu.dma_semaphore, #tpu.memory_space<semaphore_mem>>)
    %dma_wait3A_1602 = arith.constant 0 : i32
    %dma_wait3A_1603 = arith.constant 0 : i32
    %dma_wait3A_1604 = arith.constant 0 : i32
    %dma_wait3A_1605 = arith.constant 0 : i32
    %dma_wait3A_1606 = tpu.memref_slice %arg11[%dma_wait3A_1602, %dma_wait3A_1604, %dma_wait3A_1605] : memref<4x32x256xf32, #tpu.memory_space<vmem>> -> memref<1x32x256xf32, #tpu.memory_space<vmem>>
    %dma_wait3A_1607 = tpu.memref_squeeze %dma_wait3A_1606 : memref<1x32x256xf32, #tpu.memory_space<vmem>> -> memref<32x256xf32, #tpu.memory_space<vmem>>
    %dma_wait3A_1608 = arith.constant 0 : i32
    %dma_wait3A_1609 = tpu.memref_slice %arg6[%dma_wait3A_1603, %mul3A_2, %dma_wait3A_1608] : memref<25x1024x256xf32, #tpu.memory_space<hbm>> -> memref<1x32x256xf32, #tpu.memory_space<hbm>>
    %dma_wait3A_1610 = tpu.memref_squeeze %dma_wait3A_1609 : memref<1x32x256xf32, #tpu.memory_space<hbm>> -> memref<32x256xf32, #tpu.memory_space<hbm>>
    %dma_wait3A_1611 = arith.constant 0 : i32
    %dma_wait3A_1612 = tpu.memref_slice %arg6[%dma_wait3A_1603, %mul3A_2, %dma_wait3A_1611] : memref<25x1024x256xf32, #tpu.memory_space<hbm>> -> memref<1x32x256xf32, #tpu.memory_space<hbm>>
    %dma_wait3A_1613 = tpu.memref_squeeze %dma_wait3A_1612 : memref<1x32x256xf32, #tpu.memory_space<hbm>> -> memref<32x256xf32, #tpu.memory_space<hbm>>
    %dma_wait3A_1614 = arith.constant 0 : i32
    %dma_wait3A_1615 = arith.constant 0 : i32
    %dma_wait3A_1616 = tpu.memref_slice %arg11[%dma_wait3A_1602, %dma_wait3A_1614, %dma_wait3A_1615] : memref<4x32x256xf32, #tpu.memory_space<vmem>> -> memref<1x32x256xf32, #tpu.memory_space<vmem>>
    %dma_wait3A_1617 = tpu.memref_squeeze %dma_wait3A_1616 : memref<1x32x256xf32, #tpu.memory_space<vmem>> -> memref<32x256xf32, #tpu.memory_space<vmem>>
    tpu.wait_dma2 semaphore(%arg13 : memref<!tpu.dma_semaphore, #tpu.memory_space<semaphore_mem>>) src(%dma_wait3A_1617 : memref<32x256xf32, #tpu.memory_space<vmem>>) dst(%dma_wait3A_1613 : memref<32x256xf32, #tpu.memory_space<hbm>>)
    %dma_start3A_1618 = arith.constant 4 : i32
    %dma_start3A_1619 = arith.constant 0 : i32
    %dma_start3A_1620 = arith.constant 0 : i32
    %dma_start3A_1621 = arith.constant 0 : i32
    %dma_start3A_1622 = tpu.memref_slice %arg11[%dma_start3A_1619, %dma_start3A_1620, %dma_start3A_1621] : memref<4x32x256xf32, #tpu.memory_space<vmem>> -> memref<1x32x256xf32, #tpu.memory_space<vmem>>
    %dma_start3A_1623 = tpu.memref_squeeze %dma_start3A_1622 : memref<1x32x256xf32, #tpu.memory_space<vmem>> -> memref<32x256xf32, #tpu.memory_space<vmem>>
    %dma_start3A_1624 = arith.constant 0 : i32
    %dma_start3A_1625 = tpu.memref_slice %arg10[%dma_start3A_1618, %dma_start3A_1624] : memref<25x32xi32, #tpu.memory_space<vmem>> -> memref<1x32xi32, #tpu.memory_space<vmem>>
    %dma_start3A_1626 = tpu.memref_squeeze %dma_start3A_1625 : memref<1x32xi32, #tpu.memory_space<vmem>> -> memref<32xi32, #tpu.memory_space<vmem>>
    %dma_start3A_1627 = arith.constant 0 : i32
    %dma_start3A_1628 = arith.constant 0 : i32
    %dma_start3A_1629 = tpu.memref_slice %arg5[%dma_start3A_1627, %dma_start3A_1628] : memref<65536x256xf32, #tpu.memory_space<hbm>> -> memref<65536x256xf32, #tpu.memory_space<hbm>>
    tpu.enqueue_indirect_dma source(%dma_start3A_1629 : memref<65536x256xf32, #tpu.memory_space<hbm>>) target(%dma_start3A_1623 : memref<32x256xf32, #tpu.memory_space<vmem>>) offsets(%dma_start3A_1626 : memref<32xi32, #tpu.memory_space<vmem>>) semaphore(%arg12 : memref<!tpu.dma_semaphore, #tpu.memory_space<semaphore_mem>>)
    %dma_wait3A_1630 = arith.constant 3 : i32
    %dma_wait3A_1631 = arith.constant 3 : i32
    %dma_wait3A_1632 = arith.constant 0 : i32
    %dma_wait3A_1633 = arith.constant 0 : i32
    %dma_wait3A_1634 = tpu.memref_slice %arg11[%dma_wait3A_1631, %dma_wait3A_1632, %dma_wait3A_1633] : memref<4x32x256xf32, #tpu.memory_space<vmem>> -> memref<1x32x256xf32, #tpu.memory_space<vmem>>
    %dma_wait3A_1635 = tpu.memref_squeeze %dma_wait3A_1634 : memref<1x32x256xf32, #tpu.memory_space<vmem>> -> memref<32x256xf32, #tpu.memory_space<vmem>>
    %dma_wait3A_1636 = arith.constant 0 : i32
    %dma_wait3A_1637 = tpu.memref_slice %arg10[%dma_wait3A_1630, %dma_wait3A_1636] : memref<25x32xi32, #tpu.memory_space<vmem>> -> memref<1x32xi32, #tpu.memory_space<vmem>>
    %dma_wait3A_1638 = tpu.memref_squeeze %dma_wait3A_1637 : memref<1x32xi32, #tpu.memory_space<vmem>> -> memref<32xi32, #tpu.memory_space<vmem>>
    %dma_wait3A_1639 = arith.constant 0 : i32
    %dma_wait3A_1640 = arith.constant 0 : i32
    %dma_wait3A_1641 = tpu.memref_slice %arg5[%dma_wait3A_1639, %dma_wait3A_1640] : memref<65536x256xf32, #tpu.memory_space<hbm>> -> memref<65536x256xf32, #tpu.memory_space<hbm>>
    tpu.wait_indirect_dma semaphore(%arg12 : memref<!tpu.dma_semaphore, #tpu.memory_space<semaphore_mem>>) src(%dma_wait3A_1641 : memref<65536x256xf32, #tpu.memory_space<hbm>>) dst(%dma_wait3A_1635 : memref<32x256xf32, #tpu.memory_space<vmem>>)
    %dma_start3A_1642 = arith.constant 3 : i32
    %dma_start3A_1643 = arith.constant 3 : i32
    %dma_start3A_1644 = arith.constant 0 : i32
    %dma_start3A_1645 = arith.constant 0 : i32
    %dma_start3A_1646 = tpu.memref_slice %arg11[%dma_start3A_1642, %dma_start3A_1644, %dma_start3A_1645] : memref<4x32x256xf32, #tpu.memory_space<vmem>> -> memref<1x32x256xf32, #tpu.memory_space<vmem>>
    %dma_start3A_1647 = tpu.memref_squeeze %dma_start3A_1646 : memref<1x32x256xf32, #tpu.memory_space<vmem>> -> memref<32x256xf32, #tpu.memory_space<vmem>>
    %dma_start3A_1648 = arith.constant 0 : i32
    %dma_start3A_1649 = tpu.memref_slice %arg6[%dma_start3A_1643, %mul3A_2, %dma_start3A_1648] : memref<25x1024x256xf32, #tpu.memory_space<hbm>> -> memref<1x32x256xf32, #tpu.memory_space<hbm>>
    %dma_start3A_1650 = tpu.memref_squeeze %dma_start3A_1649 : memref<1x32x256xf32, #tpu.memory_space<hbm>> -> memref<32x256xf32, #tpu.memory_space<hbm>>
    %dma_start3A_1651 = arith.constant 0 : i32
    %dma_start3A_1652 = tpu.memref_slice %arg6[%dma_start3A_1643, %mul3A_2, %dma_start3A_1651] : memref<25x1024x256xf32, #tpu.memory_space<hbm>> -> memref<1x32x256xf32, #tpu.memory_space<hbm>>
    %dma_start3A_1653 = tpu.memref_squeeze %dma_start3A_1652 : memref<1x32x256xf32, #tpu.memory_space<hbm>> -> memref<32x256xf32, #tpu.memory_space<hbm>>
    %dma_start3A_1654 = arith.constant 0 : i32
    %dma_start3A_1655 = arith.constant 0 : i32
    %dma_start3A_1656 = tpu.memref_slice %arg11[%dma_start3A_1642, %dma_start3A_1654, %dma_start3A_1655] : memref<4x32x256xf32, #tpu.memory_space<vmem>> -> memref<1x32x256xf32, #tpu.memory_space<vmem>>
    %dma_start3A_1657 = tpu.memref_squeeze %dma_start3A_1656 : memref<1x32x256xf32, #tpu.memory_space<vmem>> -> memref<32x256xf32, #tpu.memory_space<vmem>>
    tpu.enqueue_dma source(%dma_start3A_1657 : memref<32x256xf32, #tpu.memory_space<vmem>>) target(%dma_start3A_1653 : memref<32x256xf32, #tpu.memory_space<hbm>>) target_semaphore(%arg13 : memref<!tpu.dma_semaphore, #tpu.memory_space<semaphore_mem>>)
    %dma_wait3A_1658 = arith.constant 1 : i32
    %dma_wait3A_1659 = arith.constant 1 : i32
    %dma_wait3A_1660 = arith.constant 0 : i32
    %dma_wait3A_1661 = arith.constant 0 : i32
    %dma_wait3A_1662 = tpu.memref_slice %arg11[%dma_wait3A_1658, %dma_wait3A_1660, %dma_wait3A_1661] : memref<4x32x256xf32, #tpu.memory_space<vmem>> -> memref<1x32x256xf32, #tpu.memory_space<vmem>>
    %dma_wait3A_1663 = tpu.memref_squeeze %dma_wait3A_1662 : memref<1x32x256xf32, #tpu.memory_space<vmem>> -> memref<32x256xf32, #tpu.memory_space<vmem>>
    %dma_wait3A_1664 = arith.constant 0 : i32
    %dma_wait3A_1665 = tpu.memref_slice %arg6[%dma_wait3A_1659, %mul3A_2, %dma_wait3A_1664] : memref<25x1024x256xf32, #tpu.memory_space<hbm>> -> memref<1x32x256xf32, #tpu.memory_space<hbm>>
    %dma_wait3A_1666 = tpu.memref_squeeze %dma_wait3A_1665 : memref<1x32x256xf32, #tpu.memory_space<hbm>> -> memref<32x256xf32, #tpu.memory_space<hbm>>
    %dma_wait3A_1667 = arith.constant 0 : i32
    %dma_wait3A_1668 = tpu.memref_slice %arg6[%dma_wait3A_1659, %mul3A_2, %dma_wait3A_1667] : memref<25x1024x256xf32, #tpu.memory_space<hbm>> -> memref<1x32x256xf32, #tpu.memory_space<hbm>>
    %dma_wait3A_1669 = tpu.memref_squeeze %dma_wait3A_1668 : memref<1x32x256xf32, #tpu.memory_space<hbm>> -> memref<32x256xf32, #tpu.memory_space<hbm>>
    %dma_wait3A_1670 = arith.constant 0 : i32
    %dma_wait3A_1671 = arith.constant 0 : i32
    %dma_wait3A_1672 = tpu.memref_slice %arg11[%dma_wait3A_1658, %dma_wait3A_1670, %dma_wait3A_1671] : memref<4x32x256xf32, #tpu.memory_space<vmem>> -> memref<1x32x256xf32, #tpu.memory_space<vmem>>
    %dma_wait3A_1673 = tpu.memref_squeeze %dma_wait3A_1672 : memref<1x32x256xf32, #tpu.memory_space<vmem>> -> memref<32x256xf32, #tpu.memory_space<vmem>>
    tpu.wait_dma2 semaphore(%arg13 : memref<!tpu.dma_semaphore, #tpu.memory_space<semaphore_mem>>) src(%dma_wait3A_1673 : memref<32x256xf32, #tpu.memory_space<vmem>>) dst(%dma_wait3A_1669 : memref<32x256xf32, #tpu.memory_space<hbm>>)
    %dma_start3A_1674 = arith.constant 5 : i32
    %dma_start3A_1675 = arith.constant 1 : i32
    %dma_start3A_1676 = arith.constant 0 : i32
    %dma_start3A_1677 = arith.constant 0 : i32
    %dma_start3A_1678 = tpu.memref_slice %arg11[%dma_start3A_1675, %dma_start3A_1676, %dma_start3A_1677] : memref<4x32x256xf32, #tpu.memory_space<vmem>> -> memref<1x32x256xf32, #tpu.memory_space<vmem>>
    %dma_start3A_1679 = tpu.memref_squeeze %dma_start3A_1678 : memref<1x32x256xf32, #tpu.memory_space<vmem>> -> memref<32x256xf32, #tpu.memory_space<vmem>>
    %dma_start3A_1680 = arith.constant 0 : i32
    %dma_start3A_1681 = tpu.memref_slice %arg10[%dma_start3A_1674, %dma_start3A_1680] : memref<25x32xi32, #tpu.memory_space<vmem>> -> memref<1x32xi32, #tpu.memory_space<vmem>>
    %dma_start3A_1682 = tpu.memref_squeeze %dma_start3A_1681 : memref<1x32xi32, #tpu.memory_space<vmem>> -> memref<32xi32, #tpu.memory_space<vmem>>
    %dma_start3A_1683 = arith.constant 0 : i32
    %dma_start3A_1684 = arith.constant 0 : i32
    %dma_start3A_1685 = tpu.memref_slice %arg5[%dma_start3A_1683, %dma_start3A_1684] : memref<65536x256xf32, #tpu.memory_space<hbm>> -> memref<65536x256xf32, #tpu.memory_space<hbm>>
    tpu.enqueue_indirect_dma source(%dma_start3A_1685 : memref<65536x256xf32, #tpu.memory_space<hbm>>) target(%dma_start3A_1679 : memref<32x256xf32, #tpu.memory_space<vmem>>) offsets(%dma_start3A_1682 : memref<32xi32, #tpu.memory_space<vmem>>) semaphore(%arg12 : memref<!tpu.dma_semaphore, #tpu.memory_space<semaphore_mem>>)
    %dma_wait3A_1686 = arith.constant 4 : i32
    %dma_wait3A_1687 = arith.constant 0 : i32
    %dma_wait3A_1688 = arith.constant 0 : i32
    %dma_wait3A_1689 = arith.constant 0 : i32
    %dma_wait3A_1690 = tpu.memref_slice %arg11[%dma_wait3A_1687, %dma_wait3A_1688, %dma_wait3A_1689] : memref<4x32x256xf32, #tpu.memory_space<vmem>> -> memref<1x32x256xf32, #tpu.memory_space<vmem>>
    %dma_wait3A_1691 = tpu.memref_squeeze %dma_wait3A_1690 : memref<1x32x256xf32, #tpu.memory_space<vmem>> -> memref<32x256xf32, #tpu.memory_space<vmem>>
    %dma_wait3A_1692 = arith.constant 0 : i32
    %dma_wait3A_1693 = tpu.memref_slice %arg10[%dma_wait3A_1686, %dma_wait3A_1692] : memref<25x32xi32, #tpu.memory_space<vmem>> -> memref<1x32xi32, #tpu.memory_space<vmem>>
    %dma_wait3A_1694 = tpu.memref_squeeze %dma_wait3A_1693 : memref<1x32xi32, #tpu.memory_space<vmem>> -> memref<32xi32, #tpu.memory_space<vmem>>
    %dma_wait3A_1695 = arith.constant 0 : i32
    %dma_wait3A_1696 = arith.constant 0 : i32
    %dma_wait3A_1697 = tpu.memref_slice %arg5[%dma_wait3A_1695, %dma_wait3A_1696] : memref<65536x256xf32, #tpu.memory_space<hbm>> -> memref<65536x256xf32, #tpu.memory_space<hbm>>
    tpu.wait_indirect_dma semaphore(%arg12 : memref<!tpu.dma_semaphore, #tpu.memory_space<semaphore_mem>>) src(%dma_wait3A_1697 : memref<65536x256xf32, #tpu.memory_space<hbm>>) dst(%dma_wait3A_1691 : memref<32x256xf32, #tpu.memory_space<vmem>>)
    %dma_start3A_1698 = arith.constant 0 : i32
    %dma_start3A_1699 = arith.constant 4 : i32
    %dma_start3A_1700 = arith.constant 0 : i32
    %dma_start3A_1701 = arith.constant 0 : i32
    %dma_start3A_1702 = tpu.memref_slice %arg11[%dma_start3A_1698, %dma_start3A_1700, %dma_start3A_1701] : memref<4x32x256xf32, #tpu.memory_space<vmem>> -> memref<1x32x256xf32, #tpu.memory_space<vmem>>
    %dma_start3A_1703 = tpu.memref_squeeze %dma_start3A_1702 : memref<1x32x256xf32, #tpu.memory_space<vmem>> -> memref<32x256xf32, #tpu.memory_space<vmem>>
    %dma_start3A_1704 = arith.constant 0 : i32
    %dma_start3A_1705 = tpu.memref_slice %arg6[%dma_start3A_1699, %mul3A_2, %dma_start3A_1704] : memref<25x1024x256xf32, #tpu.memory_space<hbm>> -> memref<1x32x256xf32, #tpu.memory_space<hbm>>
    %dma_start3A_1706 = tpu.memref_squeeze %dma_start3A_1705 : memref<1x32x256xf32, #tpu.memory_space<hbm>> -> memref<32x256xf32, #tpu.memory_space<hbm>>
    %dma_start3A_1707 = arith.constant 0 : i32
    %dma_start3A_1708 = tpu.memref_slice %arg6[%dma_start3A_1699, %mul3A_2, %dma_start3A_1707] : memref<25x1024x256xf32, #tpu.memory_space<hbm>> -> memref<1x32x256xf32, #tpu.memory_space<hbm>>
    %dma_start3A_1709 = tpu.memref_squeeze %dma_start3A_1708 : memref<1x32x256xf32, #tpu.memory_space<hbm>> -> memref<32x256xf32, #tpu.memory_space<hbm>>
    %dma_start3A_1710 = arith.constant 0 : i32
    %dma_start3A_1711 = arith.constant 0 : i32
    %dma_start3A_1712 = tpu.memref_slice %arg11[%dma_start3A_1698, %dma_start3A_1710, %dma_start3A_1711] : memref<4x32x256xf32, #tpu.memory_space<vmem>> -> memref<1x32x256xf32, #tpu.memory_space<vmem>>
    %dma_start3A_1713 = tpu.memref_squeeze %dma_start3A_1712 : memref<1x32x256xf32, #tpu.memory_space<vmem>> -> memref<32x256xf32, #tpu.memory_space<vmem>>
    tpu.enqueue_dma source(%dma_start3A_1713 : memref<32x256xf32, #tpu.memory_space<vmem>>) target(%dma_start3A_1709 : memref<32x256xf32, #tpu.memory_space<hbm>>) target_semaphore(%arg13 : memref<!tpu.dma_semaphore, #tpu.memory_space<semaphore_mem>>)
    %dma_wait3A_1714 = arith.constant 2 : i32
    %dma_wait3A_1715 = arith.constant 2 : i32
    %dma_wait3A_1716 = arith.constant 0 : i32
    %dma_wait3A_1717 = arith.constant 0 : i32
    %dma_wait3A_1718 = tpu.memref_slice %arg11[%dma_wait3A_1714, %dma_wait3A_1716, %dma_wait3A_1717] : memref<4x32x256xf32, #tpu.memory_space<vmem>> -> memref<1x32x256xf32, #tpu.memory_space<vmem>>
    %dma_wait3A_1719 = tpu.memref_squeeze %dma_wait3A_1718 : memref<1x32x256xf32, #tpu.memory_space<vmem>> -> memref<32x256xf32, #tpu.memory_space<vmem>>
    %dma_wait3A_1720 = arith.constant 0 : i32
    %dma_wait3A_1721 = tpu.memref_slice %arg6[%dma_wait3A_1715, %mul3A_2, %dma_wait3A_1720] : memref<25x1024x256xf32, #tpu.memory_space<hbm>> -> memref<1x32x256xf32, #tpu.memory_space<hbm>>
    %dma_wait3A_1722 = tpu.memref_squeeze %dma_wait3A_1721 : memref<1x32x256xf32, #tpu.memory_space<hbm>> -> memref<32x256xf32, #tpu.memory_space<hbm>>
    %dma_wait3A_1723 = arith.constant 0 : i32
    %dma_wait3A_1724 = tpu.memref_slice %arg6[%dma_wait3A_1715, %mul3A_2, %dma_wait3A_1723] : memref<25x1024x256xf32, #tpu.memory_space<hbm>> -> memref<1x32x256xf32, #tpu.memory_space<hbm>>
    %dma_wait3A_1725 = tpu.memref_squeeze %dma_wait3A_1724 : memref<1x32x256xf32, #tpu.memory_space<hbm>> -> memref<32x256xf32, #tpu.memory_space<hbm>>
    %dma_wait3A_1726 = arith.constant 0 : i32
    %dma_wait3A_1727 = arith.constant 0 : i32
    %dma_wait3A_1728 = tpu.memref_slice %arg11[%dma_wait3A_1714, %dma_wait3A_1726, %dma_wait3A_1727] : memref<4x32x256xf32, #tpu.memory_space<vmem>> -> memref<1x32x256xf32, #tpu.memory_space<vmem>>
    %dma_wait3A_1729 = tpu.memref_squeeze %dma_wait3A_1728 : memref<1x32x256xf32, #tpu.memory_space<vmem>> -> memref<32x256xf32, #tpu.memory_space<vmem>>
    tpu.wait_dma2 semaphore(%arg13 : memref<!tpu.dma_semaphore, #tpu.memory_space<semaphore_mem>>) src(%dma_wait3A_1729 : memref<32x256xf32, #tpu.memory_space<vmem>>) dst(%dma_wait3A_1725 : memref<32x256xf32, #tpu.memory_space<hbm>>)
    %dma_start3A_1730 = arith.constant 6 : i32
    %dma_start3A_1731 = arith.constant 2 : i32
    %dma_start3A_1732 = arith.constant 0 : i32
    %dma_start3A_1733 = arith.constant 0 : i32
    %dma_start3A_1734 = tpu.memref_slice %arg11[%dma_start3A_1731, %dma_start3A_1732, %dma_start3A_1733] : memref<4x32x256xf32, #tpu.memory_space<vmem>> -> memref<1x32x256xf32, #tpu.memory_space<vmem>>
    %dma_start3A_1735 = tpu.memref_squeeze %dma_start3A_1734 : memref<1x32x256xf32, #tpu.memory_space<vmem>> -> memref<32x256xf32, #tpu.memory_space<vmem>>
    %dma_start3A_1736 = arith.constant 0 : i32
    %dma_start3A_1737 = tpu.memref_slice %arg10[%dma_start3A_1730, %dma_start3A_1736] : memref<25x32xi32, #tpu.memory_space<vmem>> -> memref<1x32xi32, #tpu.memory_space<vmem>>
    %dma_start3A_1738 = tpu.memref_squeeze %dma_start3A_1737 : memref<1x32xi32, #tpu.memory_space<vmem>> -> memref<32xi32, #tpu.memory_space<vmem>>
    %dma_start3A_1739 = arith.constant 0 : i32
    %dma_start3A_1740 = arith.constant 0 : i32
    %dma_start3A_1741 = tpu.memref_slice %arg5[%dma_start3A_1739, %dma_start3A_1740] : memref<65536x256xf32, #tpu.memory_space<hbm>> -> memref<65536x256xf32, #tpu.memory_space<hbm>>
    tpu.enqueue_indirect_dma source(%dma_start3A_1741 : memref<65536x256xf32, #tpu.memory_space<hbm>>) target(%dma_start3A_1735 : memref<32x256xf32, #tpu.memory_space<vmem>>) offsets(%dma_start3A_1738 : memref<32xi32, #tpu.memory_space<vmem>>) semaphore(%arg12 : memref<!tpu.dma_semaphore, #tpu.memory_space<semaphore_mem>>)
    %dma_wait3A_1742 = arith.constant 5 : i32
    %dma_wait3A_1743 = arith.constant 1 : i32
    %dma_wait3A_1744 = arith.constant 0 : i32
    %dma_wait3A_1745 = arith.constant 0 : i32
    %dma_wait3A_1746 = tpu.memref_slice %arg11[%dma_wait3A_1743, %dma_wait3A_1744, %dma_wait3A_1745] : memref<4x32x256xf32, #tpu.memory_space<vmem>> -> memref<1x32x256xf32, #tpu.memory_space<vmem>>
    %dma_wait3A_1747 = tpu.memref_squeeze %dma_wait3A_1746 : memref<1x32x256xf32, #tpu.memory_space<vmem>> -> memref<32x256xf32, #tpu.memory_space<vmem>>
    %dma_wait3A_1748 = arith.constant 0 : i32
    %dma_wait3A_1749 = tpu.memref_slice %arg10[%dma_wait3A_1742, %dma_wait3A_1748] : memref<25x32xi32, #tpu.memory_space<vmem>> -> memref<1x32xi32, #tpu.memory_space<vmem>>
    %dma_wait3A_1750 = tpu.memref_squeeze %dma_wait3A_1749 : memref<1x32xi32, #tpu.memory_space<vmem>> -> memref<32xi32, #tpu.memory_space<vmem>>
    %dma_wait3A_1751 = arith.constant 0 : i32
    %dma_wait3A_1752 = arith.constant 0 : i32
    %dma_wait3A_1753 = tpu.memref_slice %arg5[%dma_wait3A_1751, %dma_wait3A_1752] : memref<65536x256xf32, #tpu.memory_space<hbm>> -> memref<65536x256xf32, #tpu.memory_space<hbm>>
    tpu.wait_indirect_dma semaphore(%arg12 : memref<!tpu.dma_semaphore, #tpu.memory_space<semaphore_mem>>) src(%dma_wait3A_1753 : memref<65536x256xf32, #tpu.memory_space<hbm>>) dst(%dma_wait3A_1747 : memref<32x256xf32, #tpu.memory_space<vmem>>)
    %dma_start3A_1754 = arith.constant 1 : i32
    %dma_start3A_1755 = arith.constant 5 : i32
    %dma_start3A_1756 = arith.constant 0 : i32
    %dma_start3A_1757 = arith.constant 0 : i32
    %dma_start3A_1758 = tpu.memref_slice %arg11[%dma_start3A_1754, %dma_start3A_1756, %dma_start3A_1757] : memref<4x32x256xf32, #tpu.memory_space<vmem>> -> memref<1x32x256xf32, #tpu.memory_space<vmem>>
    %dma_start3A_1759 = tpu.memref_squeeze %dma_start3A_1758 : memref<1x32x256xf32, #tpu.memory_space<vmem>> -> memref<32x256xf32, #tpu.memory_space<vmem>>
    %dma_start3A_1760 = arith.constant 0 : i32
    %dma_start3A_1761 = tpu.memref_slice %arg6[%dma_start3A_1755, %mul3A_2, %dma_start3A_1760] : memref<25x1024x256xf32, #tpu.memory_space<hbm>> -> memref<1x32x256xf32, #tpu.memory_space<hbm>>
    %dma_start3A_1762 = tpu.memref_squeeze %dma_start3A_1761 : memref<1x32x256xf32, #tpu.memory_space<hbm>> -> memref<32x256xf32, #tpu.memory_space<hbm>>
    %dma_start3A_1763 = arith.constant 0 : i32
    %dma_start3A_1764 = tpu.memref_slice %arg6[%dma_start3A_1755, %mul3A_2, %dma_start3A_1763] : memref<25x1024x256xf32, #tpu.memory_space<hbm>> -> memref<1x32x256xf32, #tpu.memory_space<hbm>>
    %dma_start3A_1765 = tpu.memref_squeeze %dma_start3A_1764 : memref<1x32x256xf32, #tpu.memory_space<hbm>> -> memref<32x256xf32, #tpu.memory_space<hbm>>
    %dma_start3A_1766 = arith.constant 0 : i32
    %dma_start3A_1767 = arith.constant 0 : i32
    %dma_start3A_1768 = tpu.memref_slice %arg11[%dma_start3A_1754, %dma_start3A_1766, %dma_start3A_1767] : memref<4x32x256xf32, #tpu.memory_space<vmem>> -> memref<1x32x256xf32, #tpu.memory_space<vmem>>
    %dma_start3A_1769 = tpu.memref_squeeze %dma_start3A_1768 : memref<1x32x256xf32, #tpu.memory_space<vmem>> -> memref<32x256xf32, #tpu.memory_space<vmem>>
    tpu.enqueue_dma source(%dma_start3A_1769 : memref<32x256xf32, #tpu.memory_space<vmem>>) target(%dma_start3A_1765 : memref<32x256xf32, #tpu.memory_space<hbm>>) target_semaphore(%arg13 : memref<!tpu.dma_semaphore, #tpu.memory_space<semaphore_mem>>)
    %dma_wait3A_1770 = arith.constant 3 : i32
    %dma_wait3A_1771 = arith.constant 3 : i32
    %dma_wait3A_1772 = arith.constant 0 : i32
    %dma_wait3A_1773 = arith.constant 0 : i32
    %dma_wait3A_1774 = tpu.memref_slice %arg11[%dma_wait3A_1770, %dma_wait3A_1772, %dma_wait3A_1773] : memref<4x32x256xf32, #tpu.memory_space<vmem>> -> memref<1x32x256xf32, #tpu.memory_space<vmem>>
    %dma_wait3A_1775 = tpu.memref_squeeze %dma_wait3A_1774 : memref<1x32x256xf32, #tpu.memory_space<vmem>> -> memref<32x256xf32, #tpu.memory_space<vmem>>
    %dma_wait3A_1776 = arith.constant 0 : i32
    %dma_wait3A_1777 = tpu.memref_slice %arg6[%dma_wait3A_1771, %mul3A_2, %dma_wait3A_1776] : memref<25x1024x256xf32, #tpu.memory_space<hbm>> -> memref<1x32x256xf32, #tpu.memory_space<hbm>>
    %dma_wait3A_1778 = tpu.memref_squeeze %dma_wait3A_1777 : memref<1x32x256xf32, #tpu.memory_space<hbm>> -> memref<32x256xf32, #tpu.memory_space<hbm>>
    %dma_wait3A_1779 = arith.constant 0 : i32
    %dma_wait3A_1780 = tpu.memref_slice %arg6[%dma_wait3A_1771, %mul3A_2, %dma_wait3A_1779] : memref<25x1024x256xf32, #tpu.memory_space<hbm>> -> memref<1x32x256xf32, #tpu.memory_space<hbm>>
    %dma_wait3A_1781 = tpu.memref_squeeze %dma_wait3A_1780 : memref<1x32x256xf32, #tpu.memory_space<hbm>> -> memref<32x256xf32, #tpu.memory_space<hbm>>
    %dma_wait3A_1782 = arith.constant 0 : i32
    %dma_wait3A_1783 = arith.constant 0 : i32
    %dma_wait3A_1784 = tpu.memref_slice %arg11[%dma_wait3A_1770, %dma_wait3A_1782, %dma_wait3A_1783] : memref<4x32x256xf32, #tpu.memory_space<vmem>> -> memref<1x32x256xf32, #tpu.memory_space<vmem>>
    %dma_wait3A_1785 = tpu.memref_squeeze %dma_wait3A_1784 : memref<1x32x256xf32, #tpu.memory_space<vmem>> -> memref<32x256xf32, #tpu.memory_space<vmem>>
    tpu.wait_dma2 semaphore(%arg13 : memref<!tpu.dma_semaphore, #tpu.memory_space<semaphore_mem>>) src(%dma_wait3A_1785 : memref<32x256xf32, #tpu.memory_space<vmem>>) dst(%dma_wait3A_1781 : memref<32x256xf32, #tpu.memory_space<hbm>>)
    %dma_start3A_1786 = arith.constant 7 : i32
    %dma_start3A_1787 = arith.constant 3 : i32
    %dma_start3A_1788 = arith.constant 0 : i32
    %dma_start3A_1789 = arith.constant 0 : i32
    %dma_start3A_1790 = tpu.memref_slice %arg11[%dma_start3A_1787, %dma_start3A_1788, %dma_start3A_1789] : memref<4x32x256xf32, #tpu.memory_space<vmem>> -> memref<1x32x256xf32, #tpu.memory_space<vmem>>
    %dma_start3A_1791 = tpu.memref_squeeze %dma_start3A_1790 : memref<1x32x256xf32, #tpu.memory_space<vmem>> -> memref<32x256xf32, #tpu.memory_space<vmem>>
    %dma_start3A_1792 = arith.constant 0 : i32
    %dma_start3A_1793 = tpu.memref_slice %arg10[%dma_start3A_1786, %dma_start3A_1792] : memref<25x32xi32, #tpu.memory_space<vmem>> -> memref<1x32xi32, #tpu.memory_space<vmem>>
    %dma_start3A_1794 = tpu.memref_squeeze %dma_start3A_1793 : memref<1x32xi32, #tpu.memory_space<vmem>> -> memref<32xi32, #tpu.memory_space<vmem>>
    %dma_start3A_1795 = arith.constant 0 : i32
    %dma_start3A_1796 = arith.constant 0 : i32
    %dma_start3A_1797 = tpu.memref_slice %arg5[%dma_start3A_1795, %dma_start3A_1796] : memref<65536x256xf32, #tpu.memory_space<hbm>> -> memref<65536x256xf32, #tpu.memory_space<hbm>>
    tpu.enqueue_indirect_dma source(%dma_start3A_1797 : memref<65536x256xf32, #tpu.memory_space<hbm>>) target(%dma_start3A_1791 : memref<32x256xf32, #tpu.memory_space<vmem>>) offsets(%dma_start3A_1794 : memref<32xi32, #tpu.memory_space<vmem>>) semaphore(%arg12 : memref<!tpu.dma_semaphore, #tpu.memory_space<semaphore_mem>>)
    %dma_wait3A_1798 = arith.constant 6 : i32
    %dma_wait3A_1799 = arith.constant 2 : i32
    %dma_wait3A_1800 = arith.constant 0 : i32
    %dma_wait3A_1801 = arith.constant 0 : i32
    %dma_wait3A_1802 = tpu.memref_slice %arg11[%dma_wait3A_1799, %dma_wait3A_1800, %dma_wait3A_1801] : memref<4x32x256xf32, #tpu.memory_space<vmem>> -> memref<1x32x256xf32, #tpu.memory_space<vmem>>
    %dma_wait3A_1803 = tpu.memref_squeeze %dma_wait3A_1802 : memref<1x32x256xf32, #tpu.memory_space<vmem>> -> memref<32x256xf32, #tpu.memory_space<vmem>>
    %dma_wait3A_1804 = arith.constant 0 : i32
    %dma_wait3A_1805 = tpu.memref_slice %arg10[%dma_wait3A_1798, %dma_wait3A_1804] : memref<25x32xi32, #tpu.memory_space<vmem>> -> memref<1x32xi32, #tpu.memory_space<vmem>>
    %dma_wait3A_1806 = tpu.memref_squeeze %dma_wait3A_1805 : memref<1x32xi32, #tpu.memory_space<vmem>> -> memref<32xi32, #tpu.memory_space<vmem>>
    %dma_wait3A_1807 = arith.constant 0 : i32
    %dma_wait3A_1808 = arith.constant 0 : i32
    %dma_wait3A_1809 = tpu.memref_slice %arg5[%dma_wait3A_1807, %dma_wait3A_1808] : memref<65536x256xf32, #tpu.memory_space<hbm>> -> memref<65536x256xf32, #tpu.memory_space<hbm>>
    tpu.wait_indirect_dma semaphore(%arg12 : memref<!tpu.dma_semaphore, #tpu.memory_space<semaphore_mem>>) src(%dma_wait3A_1809 : memref<65536x256xf32, #tpu.memory_space<hbm>>) dst(%dma_wait3A_1803 : memref<32x256xf32, #tpu.memory_space<vmem>>)
    %dma_start3A_1810 = arith.constant 2 : i32
    %dma_start3A_1811 = arith.constant 6 : i32
    %dma_start3A_1812 = arith.constant 0 : i32
    %dma_start3A_1813 = arith.constant 0 : i32
    %dma_start3A_1814 = tpu.memref_slice %arg11[%dma_start3A_1810, %dma_start3A_1812, %dma_start3A_1813] : memref<4x32x256xf32, #tpu.memory_space<vmem>> -> memref<1x32x256xf32, #tpu.memory_space<vmem>>
    %dma_start3A_1815 = tpu.memref_squeeze %dma_start3A_1814 : memref<1x32x256xf32, #tpu.memory_space<vmem>> -> memref<32x256xf32, #tpu.memory_space<vmem>>
    %dma_start3A_1816 = arith.constant 0 : i32
    %dma_start3A_1817 = tpu.memref_slice %arg6[%dma_start3A_1811, %mul3A_2, %dma_start3A_1816] : memref<25x1024x256xf32, #tpu.memory_space<hbm>> -> memref<1x32x256xf32, #tpu.memory_space<hbm>>
    %dma_start3A_1818 = tpu.memref_squeeze %dma_start3A_1817 : memref<1x32x256xf32, #tpu.memory_space<hbm>> -> memref<32x256xf32, #tpu.memory_space<hbm>>
    %dma_start3A_1819 = arith.constant 0 : i32
    %dma_start3A_1820 = tpu.memref_slice %arg6[%dma_start3A_1811, %mul3A_2, %dma_start3A_1819] : memref<25x1024x256xf32, #tpu.memory_space<hbm>> -> memref<1x32x256xf32, #tpu.memory_space<hbm>>
    %dma_start3A_1821 = tpu.memref_squeeze %dma_start3A_1820 : memref<1x32x256xf32, #tpu.memory_space<hbm>> -> memref<32x256xf32, #tpu.memory_space<hbm>>
    %dma_start3A_1822 = arith.constant 0 : i32
    %dma_start3A_1823 = arith.constant 0 : i32
    %dma_start3A_1824 = tpu.memref_slice %arg11[%dma_start3A_1810, %dma_start3A_1822, %dma_start3A_1823] : memref<4x32x256xf32, #tpu.memory_space<vmem>> -> memref<1x32x256xf32, #tpu.memory_space<vmem>>
    %dma_start3A_1825 = tpu.memref_squeeze %dma_start3A_1824 : memref<1x32x256xf32, #tpu.memory_space<vmem>> -> memref<32x256xf32, #tpu.memory_space<vmem>>
    tpu.enqueue_dma source(%dma_start3A_1825 : memref<32x256xf32, #tpu.memory_space<vmem>>) target(%dma_start3A_1821 : memref<32x256xf32, #tpu.memory_space<hbm>>) target_semaphore(%arg13 : memref<!tpu.dma_semaphore, #tpu.memory_space<semaphore_mem>>)
    %dma_wait3A_1826 = arith.constant 0 : i32
    %dma_wait3A_1827 = arith.constant 4 : i32
    %dma_wait3A_1828 = arith.constant 0 : i32
    %dma_wait3A_1829 = arith.constant 0 : i32
    %dma_wait3A_1830 = tpu.memref_slice %arg11[%dma_wait3A_1826, %dma_wait3A_1828, %dma_wait3A_1829] : memref<4x32x256xf32, #tpu.memory_space<vmem>> -> memref<1x32x256xf32, #tpu.memory_space<vmem>>
    %dma_wait3A_1831 = tpu.memref_squeeze %dma_wait3A_1830 : memref<1x32x256xf32, #tpu.memory_space<vmem>> -> memref<32x256xf32, #tpu.memory_space<vmem>>
    %dma_wait3A_1832 = arith.constant 0 : i32
    %dma_wait3A_1833 = tpu.memref_slice %arg6[%dma_wait3A_1827, %mul3A_2, %dma_wait3A_1832] : memref<25x1024x256xf32, #tpu.memory_space<hbm>> -> memref<1x32x256xf32, #tpu.memory_space<hbm>>
    %dma_wait3A_1834 = tpu.memref_squeeze %dma_wait3A_1833 : memref<1x32x256xf32, #tpu.memory_space<hbm>> -> memref<32x256xf32, #tpu.memory_space<hbm>>
    %dma_wait3A_1835 = arith.constant 0 : i32
    %dma_wait3A_1836 = tpu.memref_slice %arg6[%dma_wait3A_1827, %mul3A_2, %dma_wait3A_1835] : memref<25x1024x256xf32, #tpu.memory_space<hbm>> -> memref<1x32x256xf32, #tpu.memory_space<hbm>>
    %dma_wait3A_1837 = tpu.memref_squeeze %dma_wait3A_1836 : memref<1x32x256xf32, #tpu.memory_space<hbm>> -> memref<32x256xf32, #tpu.memory_space<hbm>>
    %dma_wait3A_1838 = arith.constant 0 : i32
    %dma_wait3A_1839 = arith.constant 0 : i32
    %dma_wait3A_1840 = tpu.memref_slice %arg11[%dma_wait3A_1826, %dma_wait3A_1838, %dma_wait3A_1839] : memref<4x32x256xf32, #tpu.memory_space<vmem>> -> memref<1x32x256xf32, #tpu.memory_space<vmem>>
    %dma_wait3A_1841 = tpu.memref_squeeze %dma_wait3A_1840 : memref<1x32x256xf32, #tpu.memory_space<vmem>> -> memref<32x256xf32, #tpu.memory_space<vmem>>
    tpu.wait_dma2 semaphore(%arg13 : memref<!tpu.dma_semaphore, #tpu.memory_space<semaphore_mem>>) src(%dma_wait3A_1841 : memref<32x256xf32, #tpu.memory_space<vmem>>) dst(%dma_wait3A_1837 : memref<32x256xf32, #tpu.memory_space<hbm>>)
    %dma_start3A_1842 = arith.constant 8 : i32
    %dma_start3A_1843 = arith.constant 0 : i32
    %dma_start3A_1844 = arith.constant 0 : i32
    %dma_start3A_1845 = arith.constant 0 : i32
    %dma_start3A_1846 = tpu.memref_slice %arg11[%dma_start3A_1843, %dma_start3A_1844, %dma_start3A_1845] : memref<4x32x256xf32, #tpu.memory_space<vmem>> -> memref<1x32x256xf32, #tpu.memory_space<vmem>>
    %dma_start3A_1847 = tpu.memref_squeeze %dma_start3A_1846 : memref<1x32x256xf32, #tpu.memory_space<vmem>> -> memref<32x256xf32, #tpu.memory_space<vmem>>
    %dma_start3A_1848 = arith.constant 0 : i32
    %dma_start3A_1849 = tpu.memref_slice %arg10[%dma_start3A_1842, %dma_start3A_1848] : memref<25x32xi32, #tpu.memory_space<vmem>> -> memref<1x32xi32, #tpu.memory_space<vmem>>
    %dma_start3A_1850 = tpu.memref_squeeze %dma_start3A_1849 : memref<1x32xi32, #tpu.memory_space<vmem>> -> memref<32xi32, #tpu.memory_space<vmem>>
    %dma_start3A_1851 = arith.constant 0 : i32
    %dma_start3A_1852 = arith.constant 0 : i32
    %dma_start3A_1853 = tpu.memref_slice %arg5[%dma_start3A_1851, %dma_start3A_1852] : memref<65536x256xf32, #tpu.memory_space<hbm>> -> memref<65536x256xf32, #tpu.memory_space<hbm>>
    tpu.enqueue_indirect_dma source(%dma_start3A_1853 : memref<65536x256xf32, #tpu.memory_space<hbm>>) target(%dma_start3A_1847 : memref<32x256xf32, #tpu.memory_space<vmem>>) offsets(%dma_start3A_1850 : memref<32xi32, #tpu.memory_space<vmem>>) semaphore(%arg12 : memref<!tpu.dma_semaphore, #tpu.memory_space<semaphore_mem>>)
    %dma_wait3A_1854 = arith.constant 7 : i32
    %dma_wait3A_1855 = arith.constant 3 : i32
    %dma_wait3A_1856 = arith.constant 0 : i32
    %dma_wait3A_1857 = arith.constant 0 : i32
    %dma_wait3A_1858 = tpu.memref_slice %arg11[%dma_wait3A_1855, %dma_wait3A_1856, %dma_wait3A_1857] : memref<4x32x256xf32, #tpu.memory_space<vmem>> -> memref<1x32x256xf32, #tpu.memory_space<vmem>>
    %dma_wait3A_1859 = tpu.memref_squeeze %dma_wait3A_1858 : memref<1x32x256xf32, #tpu.memory_space<vmem>> -> memref<32x256xf32, #tpu.memory_space<vmem>>
    %dma_wait3A_1860 = arith.constant 0 : i32
    %dma_wait3A_1861 = tpu.memref_slice %arg10[%dma_wait3A_1854, %dma_wait3A_1860] : memref<25x32xi32, #tpu.memory_space<vmem>> -> memref<1x32xi32, #tpu.memory_space<vmem>>
    %dma_wait3A_1862 = tpu.memref_squeeze %dma_wait3A_1861 : memref<1x32xi32, #tpu.memory_space<vmem>> -> memref<32xi32, #tpu.memory_space<vmem>>
    %dma_wait3A_1863 = arith.constant 0 : i32
    %dma_wait3A_1864 = arith.constant 0 : i32
    %dma_wait3A_1865 = tpu.memref_slice %arg5[%dma_wait3A_1863, %dma_wait3A_1864] : memref<65536x256xf32, #tpu.memory_space<hbm>> -> memref<65536x256xf32, #tpu.memory_space<hbm>>
    tpu.wait_indirect_dma semaphore(%arg12 : memref<!tpu.dma_semaphore, #tpu.memory_space<semaphore_mem>>) src(%dma_wait3A_1865 : memref<65536x256xf32, #tpu.memory_space<hbm>>) dst(%dma_wait3A_1859 : memref<32x256xf32, #tpu.memory_space<vmem>>)
    %dma_start3A_1866 = arith.constant 3 : i32
    %dma_start3A_1867 = arith.constant 7 : i32
    %dma_start3A_1868 = arith.constant 0 : i32
    %dma_start3A_1869 = arith.constant 0 : i32
    %dma_start3A_1870 = tpu.memref_slice %arg11[%dma_start3A_1866, %dma_start3A_1868, %dma_start3A_1869] : memref<4x32x256xf32, #tpu.memory_space<vmem>> -> memref<1x32x256xf32, #tpu.memory_space<vmem>>
    %dma_start3A_1871 = tpu.memref_squeeze %dma_start3A_1870 : memref<1x32x256xf32, #tpu.memory_space<vmem>> -> memref<32x256xf32, #tpu.memory_space<vmem>>
    %dma_start3A_1872 = arith.constant 0 : i32
    %dma_start3A_1873 = tpu.memref_slice %arg6[%dma_start3A_1867, %mul3A_2, %dma_start3A_1872] : memref<25x1024x256xf32, #tpu.memory_space<hbm>> -> memref<1x32x256xf32, #tpu.memory_space<hbm>>
    %dma_start3A_1874 = tpu.memref_squeeze %dma_start3A_1873 : memref<1x32x256xf32, #tpu.memory_space<hbm>> -> memref<32x256xf32, #tpu.memory_space<hbm>>
    %dma_start3A_1875 = arith.constant 0 : i32
    %dma_start3A_1876 = tpu.memref_slice %arg6[%dma_start3A_1867, %mul3A_2, %dma_start3A_1875] : memref<25x1024x256xf32, #tpu.memory_space<hbm>> -> memref<1x32x256xf32, #tpu.memory_space<hbm>>
    %dma_start3A_1877 = tpu.memref_squeeze %dma_start3A_1876 : memref<1x32x256xf32, #tpu.memory_space<hbm>> -> memref<32x256xf32, #tpu.memory_space<hbm>>
    %dma_start3A_1878 = arith.constant 0 : i32
    %dma_start3A_1879 = arith.constant 0 : i32
    %dma_start3A_1880 = tpu.memref_slice %arg11[%dma_start3A_1866, %dma_start3A_1878, %dma_start3A_1879] : memref<4x32x256xf32, #tpu.memory_space<vmem>> -> memref<1x32x256xf32, #tpu.memory_space<vmem>>
    %dma_start3A_1881 = tpu.memref_squeeze %dma_start3A_1880 : memref<1x32x256xf32, #tpu.memory_space<vmem>> -> memref<32x256xf32, #tpu.memory_space<vmem>>
    tpu.enqueue_dma source(%dma_start3A_1881 : memref<32x256xf32, #tpu.memory_space<vmem>>) target(%dma_start3A_1877 : memref<32x256xf32, #tpu.memory_space<hbm>>) target_semaphore(%arg13 : memref<!tpu.dma_semaphore, #tpu.memory_space<semaphore_mem>>)
    %dma_wait3A_1882 = arith.constant 1 : i32
    %dma_wait3A_1883 = arith.constant 5 : i32
    %dma_wait3A_1884 = arith.constant 0 : i32
    %dma_wait3A_1885 = arith.constant 0 : i32
    %dma_wait3A_1886 = tpu.memref_slice %arg11[%dma_wait3A_1882, %dma_wait3A_1884, %dma_wait3A_1885] : memref<4x32x256xf32, #tpu.memory_space<vmem>> -> memref<1x32x256xf32, #tpu.memory_space<vmem>>
    %dma_wait3A_1887 = tpu.memref_squeeze %dma_wait3A_1886 : memref<1x32x256xf32, #tpu.memory_space<vmem>> -> memref<32x256xf32, #tpu.memory_space<vmem>>
    %dma_wait3A_1888 = arith.constant 0 : i32
    %dma_wait3A_1889 = tpu.memref_slice %arg6[%dma_wait3A_1883, %mul3A_2, %dma_wait3A_1888] : memref<25x1024x256xf32, #tpu.memory_space<hbm>> -> memref<1x32x256xf32, #tpu.memory_space<hbm>>
    %dma_wait3A_1890 = tpu.memref_squeeze %dma_wait3A_1889 : memref<1x32x256xf32, #tpu.memory_space<hbm>> -> memref<32x256xf32, #tpu.memory_space<hbm>>
    %dma_wait3A_1891 = arith.constant 0 : i32
    %dma_wait3A_1892 = tpu.memref_slice %arg6[%dma_wait3A_1883, %mul3A_2, %dma_wait3A_1891] : memref<25x1024x256xf32, #tpu.memory_space<hbm>> -> memref<1x32x256xf32, #tpu.memory_space<hbm>>
    %dma_wait3A_1893 = tpu.memref_squeeze %dma_wait3A_1892 : memref<1x32x256xf32, #tpu.memory_space<hbm>> -> memref<32x256xf32, #tpu.memory_space<hbm>>
    %dma_wait3A_1894 = arith.constant 0 : i32
    %dma_wait3A_1895 = arith.constant 0 : i32
    %dma_wait3A_1896 = tpu.memref_slice %arg11[%dma_wait3A_1882, %dma_wait3A_1894, %dma_wait3A_1895] : memref<4x32x256xf32, #tpu.memory_space<vmem>> -> memref<1x32x256xf32, #tpu.memory_space<vmem>>
    %dma_wait3A_1897 = tpu.memref_squeeze %dma_wait3A_1896 : memref<1x32x256xf32, #tpu.memory_space<vmem>> -> memref<32x256xf32, #tpu.memory_space<vmem>>
    tpu.wait_dma2 semaphore(%arg13 : memref<!tpu.dma_semaphore, #tpu.memory_space<semaphore_mem>>) src(%dma_wait3A_1897 : memref<32x256xf32, #tpu.memory_space<vmem>>) dst(%dma_wait3A_1893 : memref<32x256xf32, #tpu.memory_space<hbm>>)
    %dma_start3A_1898 = arith.constant 9 : i32
    %dma_start3A_1899 = arith.constant 1 : i32
    %dma_start3A_1900 = arith.constant 0 : i32
    %dma_start3A_1901 = arith.constant 0 : i32
    %dma_start3A_1902 = tpu.memref_slice %arg11[%dma_start3A_1899, %dma_start3A_1900, %dma_start3A_1901] : memref<4x32x256xf32, #tpu.memory_space<vmem>> -> memref<1x32x256xf32, #tpu.memory_space<vmem>>
    %dma_start3A_1903 = tpu.memref_squeeze %dma_start3A_1902 : memref<1x32x256xf32, #tpu.memory_space<vmem>> -> memref<32x256xf32, #tpu.memory_space<vmem>>
    %dma_start3A_1904 = arith.constant 0 : i32
    %dma_start3A_1905 = tpu.memref_slice %arg10[%dma_start3A_1898, %dma_start3A_1904] : memref<25x32xi32, #tpu.memory_space<vmem>> -> memref<1x32xi32, #tpu.memory_space<vmem>>
    %dma_start3A_1906 = tpu.memref_squeeze %dma_start3A_1905 : memref<1x32xi32, #tpu.memory_space<vmem>> -> memref<32xi32, #tpu.memory_space<vmem>>
    %dma_start3A_1907 = arith.constant 0 : i32
    %dma_start3A_1908 = arith.constant 0 : i32
    %dma_start3A_1909 = tpu.memref_slice %arg5[%dma_start3A_1907, %dma_start3A_1908] : memref<65536x256xf32, #tpu.memory_space<hbm>> -> memref<65536x256xf32, #tpu.memory_space<hbm>>
    tpu.enqueue_indirect_dma source(%dma_start3A_1909 : memref<65536x256xf32, #tpu.memory_space<hbm>>) target(%dma_start3A_1903 : memref<32x256xf32, #tpu.memory_space<vmem>>) offsets(%dma_start3A_1906 : memref<32xi32, #tpu.memory_space<vmem>>) semaphore(%arg12 : memref<!tpu.dma_semaphore, #tpu.memory_space<semaphore_mem>>)
    %dma_wait3A_1910 = arith.constant 8 : i32
    %dma_wait3A_1911 = arith.constant 0 : i32
    %dma_wait3A_1912 = arith.constant 0 : i32
    %dma_wait3A_1913 = arith.constant 0 : i32
    %dma_wait3A_1914 = tpu.memref_slice %arg11[%dma_wait3A_1911, %dma_wait3A_1912, %dma_wait3A_1913] : memref<4x32x256xf32, #tpu.memory_space<vmem>> -> memref<1x32x256xf32, #tpu.memory_space<vmem>>
    %dma_wait3A_1915 = tpu.memref_squeeze %dma_wait3A_1914 : memref<1x32x256xf32, #tpu.memory_space<vmem>> -> memref<32x256xf32, #tpu.memory_space<vmem>>
    %dma_wait3A_1916 = arith.constant 0 : i32
    %dma_wait3A_1917 = tpu.memref_slice %arg10[%dma_wait3A_1910, %dma_wait3A_1916] : memref<25x32xi32, #tpu.memory_space<vmem>> -> memref<1x32xi32, #tpu.memory_space<vmem>>
    %dma_wait3A_1918 = tpu.memref_squeeze %dma_wait3A_1917 : memref<1x32xi32, #tpu.memory_space<vmem>> -> memref<32xi32, #tpu.memory_space<vmem>>
    %dma_wait3A_1919 = arith.constant 0 : i32
    %dma_wait3A_1920 = arith.constant 0 : i32
    %dma_wait3A_1921 = tpu.memref_slice %arg5[%dma_wait3A_1919, %dma_wait3A_1920] : memref<65536x256xf32, #tpu.memory_space<hbm>> -> memref<65536x256xf32, #tpu.memory_space<hbm>>
    tpu.wait_indirect_dma semaphore(%arg12 : memref<!tpu.dma_semaphore, #tpu.memory_space<semaphore_mem>>) src(%dma_wait3A_1921 : memref<65536x256xf32, #tpu.memory_space<hbm>>) dst(%dma_wait3A_1915 : memref<32x256xf32, #tpu.memory_space<vmem>>)
    %dma_start3A_1922 = arith.constant 0 : i32
    %dma_start3A_1923 = arith.constant 8 : i32
    %dma_start3A_1924 = arith.constant 0 : i32
    %dma_start3A_1925 = arith.constant 0 : i32
    %dma_start3A_1926 = tpu.memref_slice %arg11[%dma_start3A_1922, %dma_start3A_1924, %dma_start3A_1925] : memref<4x32x256xf32, #tpu.memory_space<vmem>> -> memref<1x32x256xf32, #tpu.memory_space<vmem>>
    %dma_start3A_1927 = tpu.memref_squeeze %dma_start3A_1926 : memref<1x32x256xf32, #tpu.memory_space<vmem>> -> memref<32x256xf32, #tpu.memory_space<vmem>>
    %dma_start3A_1928 = arith.constant 0 : i32
    %dma_start3A_1929 = tpu.memref_slice %arg6[%dma_start3A_1923, %mul3A_2, %dma_start3A_1928] : memref<25x1024x256xf32, #tpu.memory_space<hbm>> -> memref<1x32x256xf32, #tpu.memory_space<hbm>>
    %dma_start3A_1930 = tpu.memref_squeeze %dma_start3A_1929 : memref<1x32x256xf32, #tpu.memory_space<hbm>> -> memref<32x256xf32, #tpu.memory_space<hbm>>
    %dma_start3A_1931 = arith.constant 0 : i32
    %dma_start3A_1932 = tpu.memref_slice %arg6[%dma_start3A_1923, %mul3A_2, %dma_start3A_1931] : memref<25x1024x256xf32, #tpu.memory_space<hbm>> -> memref<1x32x256xf32, #tpu.memory_space<hbm>>
    %dma_start3A_1933 = tpu.memref_squeeze %dma_start3A_1932 : memref<1x32x256xf32, #tpu.memory_space<hbm>> -> memref<32x256xf32, #tpu.memory_space<hbm>>
    %dma_start3A_1934 = arith.constant 0 : i32
    %dma_start3A_1935 = arith.constant 0 : i32
    %dma_start3A_1936 = tpu.memref_slice %arg11[%dma_start3A_1922, %dma_start3A_1934, %dma_start3A_1935] : memref<4x32x256xf32, #tpu.memory_space<vmem>> -> memref<1x32x256xf32, #tpu.memory_space<vmem>>
    %dma_start3A_1937 = tpu.memref_squeeze %dma_start3A_1936 : memref<1x32x256xf32, #tpu.memory_space<vmem>> -> memref<32x256xf32, #tpu.memory_space<vmem>>
    tpu.enqueue_dma source(%dma_start3A_1937 : memref<32x256xf32, #tpu.memory_space<vmem>>) target(%dma_start3A_1933 : memref<32x256xf32, #tpu.memory_space<hbm>>) target_semaphore(%arg13 : memref<!tpu.dma_semaphore, #tpu.memory_space<semaphore_mem>>)
    %dma_wait3A_1938 = arith.constant 2 : i32
    %dma_wait3A_1939 = arith.constant 6 : i32
    %dma_wait3A_1940 = arith.constant 0 : i32
    %dma_wait3A_1941 = arith.constant 0 : i32
    %dma_wait3A_1942 = tpu.memref_slice %arg11[%dma_wait3A_1938, %dma_wait3A_1940, %dma_wait3A_1941] : memref<4x32x256xf32, #tpu.memory_space<vmem>> -> memref<1x32x256xf32, #tpu.memory_space<vmem>>
    %dma_wait3A_1943 = tpu.memref_squeeze %dma_wait3A_1942 : memref<1x32x256xf32, #tpu.memory_space<vmem>> -> memref<32x256xf32, #tpu.memory_space<vmem>>
    %dma_wait3A_1944 = arith.constant 0 : i32
    %dma_wait3A_1945 = tpu.memref_slice %arg6[%dma_wait3A_1939, %mul3A_2, %dma_wait3A_1944] : memref<25x1024x256xf32, #tpu.memory_space<hbm>> -> memref<1x32x256xf32, #tpu.memory_space<hbm>>
    %dma_wait3A_1946 = tpu.memref_squeeze %dma_wait3A_1945 : memref<1x32x256xf32, #tpu.memory_space<hbm>> -> memref<32x256xf32, #tpu.memory_space<hbm>>
    %dma_wait3A_1947 = arith.constant 0 : i32
    %dma_wait3A_1948 = tpu.memref_slice %arg6[%dma_wait3A_1939, %mul3A_2, %dma_wait3A_1947] : memref<25x1024x256xf32, #tpu.memory_space<hbm>> -> memref<1x32x256xf32, #tpu.memory_space<hbm>>
    %dma_wait3A_1949 = tpu.memref_squeeze %dma_wait3A_1948 : memref<1x32x256xf32, #tpu.memory_space<hbm>> -> memref<32x256xf32, #tpu.memory_space<hbm>>
    %dma_wait3A_1950 = arith.constant 0 : i32
    %dma_wait3A_1951 = arith.constant 0 : i32
    %dma_wait3A_1952 = tpu.memref_slice %arg11[%dma_wait3A_1938, %dma_wait3A_1950, %dma_wait3A_1951] : memref<4x32x256xf32, #tpu.memory_space<vmem>> -> memref<1x32x256xf32, #tpu.memory_space<vmem>>
    %dma_wait3A_1953 = tpu.memref_squeeze %dma_wait3A_1952 : memref<1x32x256xf32, #tpu.memory_space<vmem>> -> memref<32x256xf32, #tpu.memory_space<vmem>>
    tpu.wait_dma2 semaphore(%arg13 : memref<!tpu.dma_semaphore, #tpu.memory_space<semaphore_mem>>) src(%dma_wait3A_1953 : memref<32x256xf32, #tpu.memory_space<vmem>>) dst(%dma_wait3A_1949 : memref<32x256xf32, #tpu.memory_space<hbm>>)
    %dma_start3A_1954 = arith.constant 10 : i32
    %dma_start3A_1955 = arith.constant 2 : i32
    %dma_start3A_1956 = arith.constant 0 : i32
    %dma_start3A_1957 = arith.constant 0 : i32
    %dma_start3A_1958 = tpu.memref_slice %arg11[%dma_start3A_1955, %dma_start3A_1956, %dma_start3A_1957] : memref<4x32x256xf32, #tpu.memory_space<vmem>> -> memref<1x32x256xf32, #tpu.memory_space<vmem>>
    %dma_start3A_1959 = tpu.memref_squeeze %dma_start3A_1958 : memref<1x32x256xf32, #tpu.memory_space<vmem>> -> memref<32x256xf32, #tpu.memory_space<vmem>>
    %dma_start3A_1960 = arith.constant 0 : i32
    %dma_start3A_1961 = tpu.memref_slice %arg10[%dma_start3A_1954, %dma_start3A_1960] : memref<25x32xi32, #tpu.memory_space<vmem>> -> memref<1x32xi32, #tpu.memory_space<vmem>>
    %dma_start3A_1962 = tpu.memref_squeeze %dma_start3A_1961 : memref<1x32xi32, #tpu.memory_space<vmem>> -> memref<32xi32, #tpu.memory_space<vmem>>
    %dma_start3A_1963 = arith.constant 0 : i32
    %dma_start3A_1964 = arith.constant 0 : i32
    %dma_start3A_1965 = tpu.memref_slice %arg5[%dma_start3A_1963, %dma_start3A_1964] : memref<65536x256xf32, #tpu.memory_space<hbm>> -> memref<65536x256xf32, #tpu.memory_space<hbm>>
    tpu.enqueue_indirect_dma source(%dma_start3A_1965 : memref<65536x256xf32, #tpu.memory_space<hbm>>) target(%dma_start3A_1959 : memref<32x256xf32, #tpu.memory_space<vmem>>) offsets(%dma_start3A_1962 : memref<32xi32, #tpu.memory_space<vmem>>) semaphore(%arg12 : memref<!tpu.dma_semaphore, #tpu.memory_space<semaphore_mem>>)
    %dma_wait3A_1966 = arith.constant 9 : i32
    %dma_wait3A_1967 = arith.constant 1 : i32
    %dma_wait3A_1968 = arith.constant 0 : i32
    %dma_wait3A_1969 = arith.constant 0 : i32
    %dma_wait3A_1970 = tpu.memref_slice %arg11[%dma_wait3A_1967, %dma_wait3A_1968, %dma_wait3A_1969] : memref<4x32x256xf32, #tpu.memory_space<vmem>> -> memref<1x32x256xf32, #tpu.memory_space<vmem>>
    %dma_wait3A_1971 = tpu.memref_squeeze %dma_wait3A_1970 : memref<1x32x256xf32, #tpu.memory_space<vmem>> -> memref<32x256xf32, #tpu.memory_space<vmem>>
    %dma_wait3A_1972 = arith.constant 0 : i32
    %dma_wait3A_1973 = tpu.memref_slice %arg10[%dma_wait3A_1966, %dma_wait3A_1972] : memref<25x32xi32, #tpu.memory_space<vmem>> -> memref<1x32xi32, #tpu.memory_space<vmem>>
    %dma_wait3A_1974 = tpu.memref_squeeze %dma_wait3A_1973 : memref<1x32xi32, #tpu.memory_space<vmem>> -> memref<32xi32, #tpu.memory_space<vmem>>
    %dma_wait3A_1975 = arith.constant 0 : i32
    %dma_wait3A_1976 = arith.constant 0 : i32
    %dma_wait3A_1977 = tpu.memref_slice %arg5[%dma_wait3A_1975, %dma_wait3A_1976] : memref<65536x256xf32, #tpu.memory_space<hbm>> -> memref<65536x256xf32, #tpu.memory_space<hbm>>
    tpu.wait_indirect_dma semaphore(%arg12 : memref<!tpu.dma_semaphore, #tpu.memory_space<semaphore_mem>>) src(%dma_wait3A_1977 : memref<65536x256xf32, #tpu.memory_space<hbm>>) dst(%dma_wait3A_1971 : memref<32x256xf32, #tpu.memory_space<vmem>>)
    %dma_start3A_1978 = arith.constant 1 : i32
    %dma_start3A_1979 = arith.constant 9 : i32
    %dma_start3A_1980 = arith.constant 0 : i32
    %dma_start3A_1981 = arith.constant 0 : i32
    %dma_start3A_1982 = tpu.memref_slice %arg11[%dma_start3A_1978, %dma_start3A_1980, %dma_start3A_1981] : memref<4x32x256xf32, #tpu.memory_space<vmem>> -> memref<1x32x256xf32, #tpu.memory_space<vmem>>
    %dma_start3A_1983 = tpu.memref_squeeze %dma_start3A_1982 : memref<1x32x256xf32, #tpu.memory_space<vmem>> -> memref<32x256xf32, #tpu.memory_space<vmem>>
    %dma_start3A_1984 = arith.constant 0 : i32
    %dma_start3A_1985 = tpu.memref_slice %arg6[%dma_start3A_1979, %mul3A_2, %dma_start3A_1984] : memref<25x1024x256xf32, #tpu.memory_space<hbm>> -> memref<1x32x256xf32, #tpu.memory_space<hbm>>
    %dma_start3A_1986 = tpu.memref_squeeze %dma_start3A_1985 : memref<1x32x256xf32, #tpu.memory_space<hbm>> -> memref<32x256xf32, #tpu.memory_space<hbm>>
    %dma_start3A_1987 = arith.constant 0 : i32
    %dma_start3A_1988 = tpu.memref_slice %arg6[%dma_start3A_1979, %mul3A_2, %dma_start3A_1987] : memref<25x1024x256xf32, #tpu.memory_space<hbm>> -> memref<1x32x256xf32, #tpu.memory_space<hbm>>
    %dma_start3A_1989 = tpu.memref_squeeze %dma_start3A_1988 : memref<1x32x256xf32, #tpu.memory_space<hbm>> -> memref<32x256xf32, #tpu.memory_space<hbm>>
    %dma_start3A_1990 = arith.constant 0 : i32
    %dma_start3A_1991 = arith.constant 0 : i32
    %dma_start3A_1992 = tpu.memref_slice %arg11[%dma_start3A_1978, %dma_start3A_1990, %dma_start3A_1991] : memref<4x32x256xf32, #tpu.memory_space<vmem>> -> memref<1x32x256xf32, #tpu.memory_space<vmem>>
    %dma_start3A_1993 = tpu.memref_squeeze %dma_start3A_1992 : memref<1x32x256xf32, #tpu.memory_space<vmem>> -> memref<32x256xf32, #tpu.memory_space<vmem>>
    tpu.enqueue_dma source(%dma_start3A_1993 : memref<32x256xf32, #tpu.memory_space<vmem>>) target(%dma_start3A_1989 : memref<32x256xf32, #tpu.memory_space<hbm>>) target_semaphore(%arg13 : memref<!tpu.dma_semaphore, #tpu.memory_space<semaphore_mem>>)
    %dma_wait3A_1994 = arith.constant 3 : i32
    %dma_wait3A_1995 = arith.constant 7 : i32
    %dma_wait3A_1996 = arith.constant 0 : i32
    %dma_wait3A_1997 = arith.constant 0 : i32
    %dma_wait3A_1998 = tpu.memref_slice %arg11[%dma_wait3A_1994, %dma_wait3A_1996, %dma_wait3A_1997] : memref<4x32x256xf32, #tpu.memory_space<vmem>> -> memref<1x32x256xf32, #tpu.memory_space<vmem>>
    %dma_wait3A_1999 = tpu.memref_squeeze %dma_wait3A_1998 : memref<1x32x256xf32, #tpu.memory_space<vmem>> -> memref<32x256xf32, #tpu.memory_space<vmem>>
    %dma_wait3A_2000 = arith.constant 0 : i32
    %dma_wait3A_2001 = tpu.memref_slice %arg6[%dma_wait3A_1995, %mul3A_2, %dma_wait3A_2000] : memref<25x1024x256xf32, #tpu.memory_space<hbm>> -> memref<1x32x256xf32, #tpu.memory_space<hbm>>
    %dma_wait3A_2002 = tpu.memref_squeeze %dma_wait3A_2001 : memref<1x32x256xf32, #tpu.memory_space<hbm>> -> memref<32x256xf32, #tpu.memory_space<hbm>>
    %dma_wait3A_2003 = arith.constant 0 : i32
    %dma_wait3A_2004 = tpu.memref_slice %arg6[%dma_wait3A_1995, %mul3A_2, %dma_wait3A_2003] : memref<25x1024x256xf32, #tpu.memory_space<hbm>> -> memref<1x32x256xf32, #tpu.memory_space<hbm>>
    %dma_wait3A_2005 = tpu.memref_squeeze %dma_wait3A_2004 : memref<1x32x256xf32, #tpu.memory_space<hbm>> -> memref<32x256xf32, #tpu.memory_space<hbm>>
    %dma_wait3A_2006 = arith.constant 0 : i32
    %dma_wait3A_2007 = arith.constant 0 : i32
    %dma_wait3A_2008 = tpu.memref_slice %arg11[%dma_wait3A_1994, %dma_wait3A_2006, %dma_wait3A_2007] : memref<4x32x256xf32, #tpu.memory_space<vmem>> -> memref<1x32x256xf32, #tpu.memory_space<vmem>>
    %dma_wait3A_2009 = tpu.memref_squeeze %dma_wait3A_2008 : memref<1x32x256xf32, #tpu.memory_space<vmem>> -> memref<32x256xf32, #tpu.memory_space<vmem>>
    tpu.wait_dma2 semaphore(%arg13 : memref<!tpu.dma_semaphore, #tpu.memory_space<semaphore_mem>>) src(%dma_wait3A_2009 : memref<32x256xf32, #tpu.memory_space<vmem>>) dst(%dma_wait3A_2005 : memref<32x256xf32, #tpu.memory_space<hbm>>)
    %dma_start3A_2010 = arith.constant 11 : i32
    %dma_start3A_2011 = arith.constant 3 : i32
    %dma_start3A_2012 = arith.constant 0 : i32
    %dma_start3A_2013 = arith.constant 0 : i32
    %dma_start3A_2014 = tpu.memref_slice %arg11[%dma_start3A_2011, %dma_start3A_2012, %dma_start3A_2013] : memref<4x32x256xf32, #tpu.memory_space<vmem>> -> memref<1x32x256xf32, #tpu.memory_space<vmem>>
    %dma_start3A_2015 = tpu.memref_squeeze %dma_start3A_2014 : memref<1x32x256xf32, #tpu.memory_space<vmem>> -> memref<32x256xf32, #tpu.memory_space<vmem>>
    %dma_start3A_2016 = arith.constant 0 : i32
    %dma_start3A_2017 = tpu.memref_slice %arg10[%dma_start3A_2010, %dma_start3A_2016] : memref<25x32xi32, #tpu.memory_space<vmem>> -> memref<1x32xi32, #tpu.memory_space<vmem>>
    %dma_start3A_2018 = tpu.memref_squeeze %dma_start3A_2017 : memref<1x32xi32, #tpu.memory_space<vmem>> -> memref<32xi32, #tpu.memory_space<vmem>>
    %dma_start3A_2019 = arith.constant 0 : i32
    %dma_start3A_2020 = arith.constant 0 : i32
    %dma_start3A_2021 = tpu.memref_slice %arg5[%dma_start3A_2019, %dma_start3A_2020] : memref<65536x256xf32, #tpu.memory_space<hbm>> -> memref<65536x256xf32, #tpu.memory_space<hbm>>
    tpu.enqueue_indirect_dma source(%dma_start3A_2021 : memref<65536x256xf32, #tpu.memory_space<hbm>>) target(%dma_start3A_2015 : memref<32x256xf32, #tpu.memory_space<vmem>>) offsets(%dma_start3A_2018 : memref<32xi32, #tpu.memory_space<vmem>>) semaphore(%arg12 : memref<!tpu.dma_semaphore, #tpu.memory_space<semaphore_mem>>)
    %dma_wait3A_2022 = arith.constant 10 : i32
    %dma_wait3A_2023 = arith.constant 2 : i32
    %dma_wait3A_2024 = arith.constant 0 : i32
    %dma_wait3A_2025 = arith.constant 0 : i32
    %dma_wait3A_2026 = tpu.memref_slice %arg11[%dma_wait3A_2023, %dma_wait3A_2024, %dma_wait3A_2025] : memref<4x32x256xf32, #tpu.memory_space<vmem>> -> memref<1x32x256xf32, #tpu.memory_space<vmem>>
    %dma_wait3A_2027 = tpu.memref_squeeze %dma_wait3A_2026 : memref<1x32x256xf32, #tpu.memory_space<vmem>> -> memref<32x256xf32, #tpu.memory_space<vmem>>
    %dma_wait3A_2028 = arith.constant 0 : i32
    %dma_wait3A_2029 = tpu.memref_slice %arg10[%dma_wait3A_2022, %dma_wait3A_2028] : memref<25x32xi32, #tpu.memory_space<vmem>> -> memref<1x32xi32, #tpu.memory_space<vmem>>
    %dma_wait3A_2030 = tpu.memref_squeeze %dma_wait3A_2029 : memref<1x32xi32, #tpu.memory_space<vmem>> -> memref<32xi32, #tpu.memory_space<vmem>>
    %dma_wait3A_2031 = arith.constant 0 : i32
    %dma_wait3A_2032 = arith.constant 0 : i32
    %dma_wait3A_2033 = tpu.memref_slice %arg5[%dma_wait3A_2031, %dma_wait3A_2032] : memref<65536x256xf32, #tpu.memory_space<hbm>> -> memref<65536x256xf32, #tpu.memory_space<hbm>>
    tpu.wait_indirect_dma semaphore(%arg12 : memref<!tpu.dma_semaphore, #tpu.memory_space<semaphore_mem>>) src(%dma_wait3A_2033 : memref<65536x256xf32, #tpu.memory_space<hbm>>) dst(%dma_wait3A_2027 : memref<32x256xf32, #tpu.memory_space<vmem>>)
    %dma_start3A_2034 = arith.constant 2 : i32
    %dma_start3A_2035 = arith.constant 10 : i32
    %dma_start3A_2036 = arith.constant 0 : i32
    %dma_start3A_2037 = arith.constant 0 : i32
    %dma_start3A_2038 = tpu.memref_slice %arg11[%dma_start3A_2034, %dma_start3A_2036, %dma_start3A_2037] : memref<4x32x256xf32, #tpu.memory_space<vmem>> -> memref<1x32x256xf32, #tpu.memory_space<vmem>>
    %dma_start3A_2039 = tpu.memref_squeeze %dma_start3A_2038 : memref<1x32x256xf32, #tpu.memory_space<vmem>> -> memref<32x256xf32, #tpu.memory_space<vmem>>
    %dma_start3A_2040 = arith.constant 0 : i32
    %dma_start3A_2041 = tpu.memref_slice %arg6[%dma_start3A_2035, %mul3A_2, %dma_start3A_2040] : memref<25x1024x256xf32, #tpu.memory_space<hbm>> -> memref<1x32x256xf32, #tpu.memory_space<hbm>>
    %dma_start3A_2042 = tpu.memref_squeeze %dma_start3A_2041 : memref<1x32x256xf32, #tpu.memory_space<hbm>> -> memref<32x256xf32, #tpu.memory_space<hbm>>
    %dma_start3A_2043 = arith.constant 0 : i32
    %dma_start3A_2044 = tpu.memref_slice %arg6[%dma_start3A_2035, %mul3A_2, %dma_start3A_2043] : memref<25x1024x256xf32, #tpu.memory_space<hbm>> -> memref<1x32x256xf32, #tpu.memory_space<hbm>>
    %dma_start3A_2045 = tpu.memref_squeeze %dma_start3A_2044 : memref<1x32x256xf32, #tpu.memory_space<hbm>> -> memref<32x256xf32, #tpu.memory_space<hbm>>
    %dma_start3A_2046 = arith.constant 0 : i32
    %dma_start3A_2047 = arith.constant 0 : i32
    %dma_start3A_2048 = tpu.memref_slice %arg11[%dma_start3A_2034, %dma_start3A_2046, %dma_start3A_2047] : memref<4x32x256xf32, #tpu.memory_space<vmem>> -> memref<1x32x256xf32, #tpu.memory_space<vmem>>
    %dma_start3A_2049 = tpu.memref_squeeze %dma_start3A_2048 : memref<1x32x256xf32, #tpu.memory_space<vmem>> -> memref<32x256xf32, #tpu.memory_space<vmem>>
    tpu.enqueue_dma source(%dma_start3A_2049 : memref<32x256xf32, #tpu.memory_space<vmem>>) target(%dma_start3A_2045 : memref<32x256xf32, #tpu.memory_space<hbm>>) target_semaphore(%arg13 : memref<!tpu.dma_semaphore, #tpu.memory_space<semaphore_mem>>)
    %dma_wait3A_2050 = arith.constant 0 : i32
    %dma_wait3A_2051 = arith.constant 8 : i32
    %dma_wait3A_2052 = arith.constant 0 : i32
    %dma_wait3A_2053 = arith.constant 0 : i32
    %dma_wait3A_2054 = tpu.memref_slice %arg11[%dma_wait3A_2050, %dma_wait3A_2052, %dma_wait3A_2053] : memref<4x32x256xf32, #tpu.memory_space<vmem>> -> memref<1x32x256xf32, #tpu.memory_space<vmem>>
    %dma_wait3A_2055 = tpu.memref_squeeze %dma_wait3A_2054 : memref<1x32x256xf32, #tpu.memory_space<vmem>> -> memref<32x256xf32, #tpu.memory_space<vmem>>
    %dma_wait3A_2056 = arith.constant 0 : i32
    %dma_wait3A_2057 = tpu.memref_slice %arg6[%dma_wait3A_2051, %mul3A_2, %dma_wait3A_2056] : memref<25x1024x256xf32, #tpu.memory_space<hbm>> -> memref<1x32x256xf32, #tpu.memory_space<hbm>>
    %dma_wait3A_2058 = tpu.memref_squeeze %dma_wait3A_2057 : memref<1x32x256xf32, #tpu.memory_space<hbm>> -> memref<32x256xf32, #tpu.memory_space<hbm>>
    %dma_wait3A_2059 = arith.constant 0 : i32
    %dma_wait3A_2060 = tpu.memref_slice %arg6[%dma_wait3A_2051, %mul3A_2, %dma_wait3A_2059] : memref<25x1024x256xf32, #tpu.memory_space<hbm>> -> memref<1x32x256xf32, #tpu.memory_space<hbm>>
    %dma_wait3A_2061 = tpu.memref_squeeze %dma_wait3A_2060 : memref<1x32x256xf32, #tpu.memory_space<hbm>> -> memref<32x256xf32, #tpu.memory_space<hbm>>
    %dma_wait3A_2062 = arith.constant 0 : i32
    %dma_wait3A_2063 = arith.constant 0 : i32
    %dma_wait3A_2064 = tpu.memref_slice %arg11[%dma_wait3A_2050, %dma_wait3A_2062, %dma_wait3A_2063] : memref<4x32x256xf32, #tpu.memory_space<vmem>> -> memref<1x32x256xf32, #tpu.memory_space<vmem>>
    %dma_wait3A_2065 = tpu.memref_squeeze %dma_wait3A_2064 : memref<1x32x256xf32, #tpu.memory_space<vmem>> -> memref<32x256xf32, #tpu.memory_space<vmem>>
    tpu.wait_dma2 semaphore(%arg13 : memref<!tpu.dma_semaphore, #tpu.memory_space<semaphore_mem>>) src(%dma_wait3A_2065 : memref<32x256xf32, #tpu.memory_space<vmem>>) dst(%dma_wait3A_2061 : memref<32x256xf32, #tpu.memory_space<hbm>>)
    %dma_start3A_2066 = arith.constant 12 : i32
    %dma_start3A_2067 = arith.constant 0 : i32
    %dma_start3A_2068 = arith.constant 0 : i32
    %dma_start3A_2069 = arith.constant 0 : i32
    %dma_start3A_2070 = tpu.memref_slice %arg11[%dma_start3A_2067, %dma_start3A_2068, %dma_start3A_2069] : memref<4x32x256xf32, #tpu.memory_space<vmem>> -> memref<1x32x256xf32, #tpu.memory_space<vmem>>
    %dma_start3A_2071 = tpu.memref_squeeze %dma_start3A_2070 : memref<1x32x256xf32, #tpu.memory_space<vmem>> -> memref<32x256xf32, #tpu.memory_space<vmem>>
    %dma_start3A_2072 = arith.constant 0 : i32
    %dma_start3A_2073 = tpu.memref_slice %arg10[%dma_start3A_2066, %dma_start3A_2072] : memref<25x32xi32, #tpu.memory_space<vmem>> -> memref<1x32xi32, #tpu.memory_space<vmem>>
    %dma_start3A_2074 = tpu.memref_squeeze %dma_start3A_2073 : memref<1x32xi32, #tpu.memory_space<vmem>> -> memref<32xi32, #tpu.memory_space<vmem>>
    %dma_start3A_2075 = arith.constant 0 : i32
    %dma_start3A_2076 = arith.constant 0 : i32
    %dma_start3A_2077 = tpu.memref_slice %arg5[%dma_start3A_2075, %dma_start3A_2076] : memref<65536x256xf32, #tpu.memory_space<hbm>> -> memref<65536x256xf32, #tpu.memory_space<hbm>>
    tpu.enqueue_indirect_dma source(%dma_start3A_2077 : memref<65536x256xf32, #tpu.memory_space<hbm>>) target(%dma_start3A_2071 : memref<32x256xf32, #tpu.memory_space<vmem>>) offsets(%dma_start3A_2074 : memref<32xi32, #tpu.memory_space<vmem>>) semaphore(%arg12 : memref<!tpu.dma_semaphore, #tpu.memory_space<semaphore_mem>>)
    %dma_wait3A_2078 = arith.constant 11 : i32
    %dma_wait3A_2079 = arith.constant 3 : i32
    %dma_wait3A_2080 = arith.constant 0 : i32
    %dma_wait3A_2081 = arith.constant 0 : i32
    %dma_wait3A_2082 = tpu.memref_slice %arg11[%dma_wait3A_2079, %dma_wait3A_2080, %dma_wait3A_2081] : memref<4x32x256xf32, #tpu.memory_space<vmem>> -> memref<1x32x256xf32, #tpu.memory_space<vmem>>
    %dma_wait3A_2083 = tpu.memref_squeeze %dma_wait3A_2082 : memref<1x32x256xf32, #tpu.memory_space<vmem>> -> memref<32x256xf32, #tpu.memory_space<vmem>>
    %dma_wait3A_2084 = arith.constant 0 : i32
    %dma_wait3A_2085 = tpu.memref_slice %arg10[%dma_wait3A_2078, %dma_wait3A_2084] : memref<25x32xi32, #tpu.memory_space<vmem>> -> memref<1x32xi32, #tpu.memory_space<vmem>>
    %dma_wait3A_2086 = tpu.memref_squeeze %dma_wait3A_2085 : memref<1x32xi32, #tpu.memory_space<vmem>> -> memref<32xi32, #tpu.memory_space<vmem>>
    %dma_wait3A_2087 = arith.constant 0 : i32
    %dma_wait3A_2088 = arith.constant 0 : i32
    %dma_wait3A_2089 = tpu.memref_slice %arg5[%dma_wait3A_2087, %dma_wait3A_2088] : memref<65536x256xf32, #tpu.memory_space<hbm>> -> memref<65536x256xf32, #tpu.memory_space<hbm>>
    tpu.wait_indirect_dma semaphore(%arg12 : memref<!tpu.dma_semaphore, #tpu.memory_space<semaphore_mem>>) src(%dma_wait3A_2089 : memref<65536x256xf32, #tpu.memory_space<hbm>>) dst(%dma_wait3A_2083 : memref<32x256xf32, #tpu.memory_space<vmem>>)
    %dma_start3A_2090 = arith.constant 3 : i32
    %dma_start3A_2091 = arith.constant 11 : i32
    %dma_start3A_2092 = arith.constant 0 : i32
    %dma_start3A_2093 = arith.constant 0 : i32
    %dma_start3A_2094 = tpu.memref_slice %arg11[%dma_start3A_2090, %dma_start3A_2092, %dma_start3A_2093] : memref<4x32x256xf32, #tpu.memory_space<vmem>> -> memref<1x32x256xf32, #tpu.memory_space<vmem>>
    %dma_start3A_2095 = tpu.memref_squeeze %dma_start3A_2094 : memref<1x32x256xf32, #tpu.memory_space<vmem>> -> memref<32x256xf32, #tpu.memory_space<vmem>>
    %dma_start3A_2096 = arith.constant 0 : i32
    %dma_start3A_2097 = tpu.memref_slice %arg6[%dma_start3A_2091, %mul3A_2, %dma_start3A_2096] : memref<25x1024x256xf32, #tpu.memory_space<hbm>> -> memref<1x32x256xf32, #tpu.memory_space<hbm>>
    %dma_start3A_2098 = tpu.memref_squeeze %dma_start3A_2097 : memref<1x32x256xf32, #tpu.memory_space<hbm>> -> memref<32x256xf32, #tpu.memory_space<hbm>>
    %dma_start3A_2099 = arith.constant 0 : i32
    %dma_start3A_2100 = tpu.memref_slice %arg6[%dma_start3A_2091, %mul3A_2, %dma_start3A_2099] : memref<25x1024x256xf32, #tpu.memory_space<hbm>> -> memref<1x32x256xf32, #tpu.memory_space<hbm>>
    %dma_start3A_2101 = tpu.memref_squeeze %dma_start3A_2100 : memref<1x32x256xf32, #tpu.memory_space<hbm>> -> memref<32x256xf32, #tpu.memory_space<hbm>>
    %dma_start3A_2102 = arith.constant 0 : i32
    %dma_start3A_2103 = arith.constant 0 : i32
    %dma_start3A_2104 = tpu.memref_slice %arg11[%dma_start3A_2090, %dma_start3A_2102, %dma_start3A_2103] : memref<4x32x256xf32, #tpu.memory_space<vmem>> -> memref<1x32x256xf32, #tpu.memory_space<vmem>>
    %dma_start3A_2105 = tpu.memref_squeeze %dma_start3A_2104 : memref<1x32x256xf32, #tpu.memory_space<vmem>> -> memref<32x256xf32, #tpu.memory_space<vmem>>
    tpu.enqueue_dma source(%dma_start3A_2105 : memref<32x256xf32, #tpu.memory_space<vmem>>) target(%dma_start3A_2101 : memref<32x256xf32, #tpu.memory_space<hbm>>) target_semaphore(%arg13 : memref<!tpu.dma_semaphore, #tpu.memory_space<semaphore_mem>>)
    %dma_wait3A_2106 = arith.constant 1 : i32
    %dma_wait3A_2107 = arith.constant 9 : i32
    %dma_wait3A_2108 = arith.constant 0 : i32
    %dma_wait3A_2109 = arith.constant 0 : i32
    %dma_wait3A_2110 = tpu.memref_slice %arg11[%dma_wait3A_2106, %dma_wait3A_2108, %dma_wait3A_2109] : memref<4x32x256xf32, #tpu.memory_space<vmem>> -> memref<1x32x256xf32, #tpu.memory_space<vmem>>
    %dma_wait3A_2111 = tpu.memref_squeeze %dma_wait3A_2110 : memref<1x32x256xf32, #tpu.memory_space<vmem>> -> memref<32x256xf32, #tpu.memory_space<vmem>>
    %dma_wait3A_2112 = arith.constant 0 : i32
    %dma_wait3A_2113 = tpu.memref_slice %arg6[%dma_wait3A_2107, %mul3A_2, %dma_wait3A_2112] : memref<25x1024x256xf32, #tpu.memory_space<hbm>> -> memref<1x32x256xf32, #tpu.memory_space<hbm>>
    %dma_wait3A_2114 = tpu.memref_squeeze %dma_wait3A_2113 : memref<1x32x256xf32, #tpu.memory_space<hbm>> -> memref<32x256xf32, #tpu.memory_space<hbm>>
    %dma_wait3A_2115 = arith.constant 0 : i32
    %dma_wait3A_2116 = tpu.memref_slice %arg6[%dma_wait3A_2107, %mul3A_2, %dma_wait3A_2115] : memref<25x1024x256xf32, #tpu.memory_space<hbm>> -> memref<1x32x256xf32, #tpu.memory_space<hbm>>
    %dma_wait3A_2117 = tpu.memref_squeeze %dma_wait3A_2116 : memref<1x32x256xf32, #tpu.memory_space<hbm>> -> memref<32x256xf32, #tpu.memory_space<hbm>>
    %dma_wait3A_2118 = arith.constant 0 : i32
    %dma_wait3A_2119 = arith.constant 0 : i32
    %dma_wait3A_2120 = tpu.memref_slice %arg11[%dma_wait3A_2106, %dma_wait3A_2118, %dma_wait3A_2119] : memref<4x32x256xf32, #tpu.memory_space<vmem>> -> memref<1x32x256xf32, #tpu.memory_space<vmem>>
    %dma_wait3A_2121 = tpu.memref_squeeze %dma_wait3A_2120 : memref<1x32x256xf32, #tpu.memory_space<vmem>> -> memref<32x256xf32, #tpu.memory_space<vmem>>
    tpu.wait_dma2 semaphore(%arg13 : memref<!tpu.dma_semaphore, #tpu.memory_space<semaphore_mem>>) src(%dma_wait3A_2121 : memref<32x256xf32, #tpu.memory_space<vmem>>) dst(%dma_wait3A_2117 : memref<32x256xf32, #tpu.memory_space<hbm>>)
    %dma_start3A_2122 = arith.constant 13 : i32
    %dma_start3A_2123 = arith.constant 1 : i32
    %dma_start3A_2124 = arith.constant 0 : i32
    %dma_start3A_2125 = arith.constant 0 : i32
    %dma_start3A_2126 = tpu.memref_slice %arg11[%dma_start3A_2123, %dma_start3A_2124, %dma_start3A_2125] : memref<4x32x256xf32, #tpu.memory_space<vmem>> -> memref<1x32x256xf32, #tpu.memory_space<vmem>>
    %dma_start3A_2127 = tpu.memref_squeeze %dma_start3A_2126 : memref<1x32x256xf32, #tpu.memory_space<vmem>> -> memref<32x256xf32, #tpu.memory_space<vmem>>
    %dma_start3A_2128 = arith.constant 0 : i32
    %dma_start3A_2129 = tpu.memref_slice %arg10[%dma_start3A_2122, %dma_start3A_2128] : memref<25x32xi32, #tpu.memory_space<vmem>> -> memref<1x32xi32, #tpu.memory_space<vmem>>
    %dma_start3A_2130 = tpu.memref_squeeze %dma_start3A_2129 : memref<1x32xi32, #tpu.memory_space<vmem>> -> memref<32xi32, #tpu.memory_space<vmem>>
    %dma_start3A_2131 = arith.constant 0 : i32
    %dma_start3A_2132 = arith.constant 0 : i32
    %dma_start3A_2133 = tpu.memref_slice %arg5[%dma_start3A_2131, %dma_start3A_2132] : memref<65536x256xf32, #tpu.memory_space<hbm>> -> memref<65536x256xf32, #tpu.memory_space<hbm>>
    tpu.enqueue_indirect_dma source(%dma_start3A_2133 : memref<65536x256xf32, #tpu.memory_space<hbm>>) target(%dma_start3A_2127 : memref<32x256xf32, #tpu.memory_space<vmem>>) offsets(%dma_start3A_2130 : memref<32xi32, #tpu.memory_space<vmem>>) semaphore(%arg12 : memref<!tpu.dma_semaphore, #tpu.memory_space<semaphore_mem>>)
    %dma_wait3A_2134 = arith.constant 12 : i32
    %dma_wait3A_2135 = arith.constant 0 : i32
    %dma_wait3A_2136 = arith.constant 0 : i32
    %dma_wait3A_2137 = arith.constant 0 : i32
    %dma_wait3A_2138 = tpu.memref_slice %arg11[%dma_wait3A_2135, %dma_wait3A_2136, %dma_wait3A_2137] : memref<4x32x256xf32, #tpu.memory_space<vmem>> -> memref<1x32x256xf32, #tpu.memory_space<vmem>>
    %dma_wait3A_2139 = tpu.memref_squeeze %dma_wait3A_2138 : memref<1x32x256xf32, #tpu.memory_space<vmem>> -> memref<32x256xf32, #tpu.memory_space<vmem>>
    %dma_wait3A_2140 = arith.constant 0 : i32
    %dma_wait3A_2141 = tpu.memref_slice %arg10[%dma_wait3A_2134, %dma_wait3A_2140] : memref<25x32xi32, #tpu.memory_space<vmem>> -> memref<1x32xi32, #tpu.memory_space<vmem>>
    %dma_wait3A_2142 = tpu.memref_squeeze %dma_wait3A_2141 : memref<1x32xi32, #tpu.memory_space<vmem>> -> memref<32xi32, #tpu.memory_space<vmem>>
    %dma_wait3A_2143 = arith.constant 0 : i32
    %dma_wait3A_2144 = arith.constant 0 : i32
    %dma_wait3A_2145 = tpu.memref_slice %arg5[%dma_wait3A_2143, %dma_wait3A_2144] : memref<65536x256xf32, #tpu.memory_space<hbm>> -> memref<65536x256xf32, #tpu.memory_space<hbm>>
    tpu.wait_indirect_dma semaphore(%arg12 : memref<!tpu.dma_semaphore, #tpu.memory_space<semaphore_mem>>) src(%dma_wait3A_2145 : memref<65536x256xf32, #tpu.memory_space<hbm>>) dst(%dma_wait3A_2139 : memref<32x256xf32, #tpu.memory_space<vmem>>)
    %dma_start3A_2146 = arith.constant 0 : i32
    %dma_start3A_2147 = arith.constant 12 : i32
    %dma_start3A_2148 = arith.constant 0 : i32
    %dma_start3A_2149 = arith.constant 0 : i32
    %dma_start3A_2150 = tpu.memref_slice %arg11[%dma_start3A_2146, %dma_start3A_2148, %dma_start3A_2149] : memref<4x32x256xf32, #tpu.memory_space<vmem>> -> memref<1x32x256xf32, #tpu.memory_space<vmem>>
    %dma_start3A_2151 = tpu.memref_squeeze %dma_start3A_2150 : memref<1x32x256xf32, #tpu.memory_space<vmem>> -> memref<32x256xf32, #tpu.memory_space<vmem>>
    %dma_start3A_2152 = arith.constant 0 : i32
    %dma_start3A_2153 = tpu.memref_slice %arg6[%dma_start3A_2147, %mul3A_2, %dma_start3A_2152] : memref<25x1024x256xf32, #tpu.memory_space<hbm>> -> memref<1x32x256xf32, #tpu.memory_space<hbm>>
    %dma_start3A_2154 = tpu.memref_squeeze %dma_start3A_2153 : memref<1x32x256xf32, #tpu.memory_space<hbm>> -> memref<32x256xf32, #tpu.memory_space<hbm>>
    %dma_start3A_2155 = arith.constant 0 : i32
    %dma_start3A_2156 = tpu.memref_slice %arg6[%dma_start3A_2147, %mul3A_2, %dma_start3A_2155] : memref<25x1024x256xf32, #tpu.memory_space<hbm>> -> memref<1x32x256xf32, #tpu.memory_space<hbm>>
    %dma_start3A_2157 = tpu.memref_squeeze %dma_start3A_2156 : memref<1x32x256xf32, #tpu.memory_space<hbm>> -> memref<32x256xf32, #tpu.memory_space<hbm>>
    %dma_start3A_2158 = arith.constant 0 : i32
    %dma_start3A_2159 = arith.constant 0 : i32
    %dma_start3A_2160 = tpu.memref_slice %arg11[%dma_start3A_2146, %dma_start3A_2158, %dma_start3A_2159] : memref<4x32x256xf32, #tpu.memory_space<vmem>> -> memref<1x32x256xf32, #tpu.memory_space<vmem>>
    %dma_start3A_2161 = tpu.memref_squeeze %dma_start3A_2160 : memref<1x32x256xf32, #tpu.memory_space<vmem>> -> memref<32x256xf32, #tpu.memory_space<vmem>>
    tpu.enqueue_dma source(%dma_start3A_2161 : memref<32x256xf32, #tpu.memory_space<vmem>>) target(%dma_start3A_2157 : memref<32x256xf32, #tpu.memory_space<hbm>>) target_semaphore(%arg13 : memref<!tpu.dma_semaphore, #tpu.memory_space<semaphore_mem>>)
    %dma_wait3A_2162 = arith.constant 2 : i32
    %dma_wait3A_2163 = arith.constant 10 : i32
    %dma_wait3A_2164 = arith.constant 0 : i32
    %dma_wait3A_2165 = arith.constant 0 : i32
    %dma_wait3A_2166 = tpu.memref_slice %arg11[%dma_wait3A_2162, %dma_wait3A_2164, %dma_wait3A_2165] : memref<4x32x256xf32, #tpu.memory_space<vmem>> -> memref<1x32x256xf32, #tpu.memory_space<vmem>>
    %dma_wait3A_2167 = tpu.memref_squeeze %dma_wait3A_2166 : memref<1x32x256xf32, #tpu.memory_space<vmem>> -> memref<32x256xf32, #tpu.memory_space<vmem>>
    %dma_wait3A_2168 = arith.constant 0 : i32
    %dma_wait3A_2169 = tpu.memref_slice %arg6[%dma_wait3A_2163, %mul3A_2, %dma_wait3A_2168] : memref<25x1024x256xf32, #tpu.memory_space<hbm>> -> memref<1x32x256xf32, #tpu.memory_space<hbm>>
    %dma_wait3A_2170 = tpu.memref_squeeze %dma_wait3A_2169 : memref<1x32x256xf32, #tpu.memory_space<hbm>> -> memref<32x256xf32, #tpu.memory_space<hbm>>
    %dma_wait3A_2171 = arith.constant 0 : i32
    %dma_wait3A_2172 = tpu.memref_slice %arg6[%dma_wait3A_2163, %mul3A_2, %dma_wait3A_2171] : memref<25x1024x256xf32, #tpu.memory_space<hbm>> -> memref<1x32x256xf32, #tpu.memory_space<hbm>>
    %dma_wait3A_2173 = tpu.memref_squeeze %dma_wait3A_2172 : memref<1x32x256xf32, #tpu.memory_space<hbm>> -> memref<32x256xf32, #tpu.memory_space<hbm>>
    %dma_wait3A_2174 = arith.constant 0 : i32
    %dma_wait3A_2175 = arith.constant 0 : i32
    %dma_wait3A_2176 = tpu.memref_slice %arg11[%dma_wait3A_2162, %dma_wait3A_2174, %dma_wait3A_2175] : memref<4x32x256xf32, #tpu.memory_space<vmem>> -> memref<1x32x256xf32, #tpu.memory_space<vmem>>
    %dma_wait3A_2177 = tpu.memref_squeeze %dma_wait3A_2176 : memref<1x32x256xf32, #tpu.memory_space<vmem>> -> memref<32x256xf32, #tpu.memory_space<vmem>>
    tpu.wait_dma2 semaphore(%arg13 : memref<!tpu.dma_semaphore, #tpu.memory_space<semaphore_mem>>) src(%dma_wait3A_2177 : memref<32x256xf32, #tpu.memory_space<vmem>>) dst(%dma_wait3A_2173 : memref<32x256xf32, #tpu.memory_space<hbm>>)
    %dma_start3A_2178 = arith.constant 14 : i32
    %dma_start3A_2179 = arith.constant 2 : i32
    %dma_start3A_2180 = arith.constant 0 : i32
    %dma_start3A_2181 = arith.constant 0 : i32
    %dma_start3A_2182 = tpu.memref_slice %arg11[%dma_start3A_2179, %dma_start3A_2180, %dma_start3A_2181] : memref<4x32x256xf32, #tpu.memory_space<vmem>> -> memref<1x32x256xf32, #tpu.memory_space<vmem>>
    %dma_start3A_2183 = tpu.memref_squeeze %dma_start3A_2182 : memref<1x32x256xf32, #tpu.memory_space<vmem>> -> memref<32x256xf32, #tpu.memory_space<vmem>>
    %dma_start3A_2184 = arith.constant 0 : i32
    %dma_start3A_2185 = tpu.memref_slice %arg10[%dma_start3A_2178, %dma_start3A_2184] : memref<25x32xi32, #tpu.memory_space<vmem>> -> memref<1x32xi32, #tpu.memory_space<vmem>>
    %dma_start3A_2186 = tpu.memref_squeeze %dma_start3A_2185 : memref<1x32xi32, #tpu.memory_space<vmem>> -> memref<32xi32, #tpu.memory_space<vmem>>
    %dma_start3A_2187 = arith.constant 0 : i32
    %dma_start3A_2188 = arith.constant 0 : i32
    %dma_start3A_2189 = tpu.memref_slice %arg5[%dma_start3A_2187, %dma_start3A_2188] : memref<65536x256xf32, #tpu.memory_space<hbm>> -> memref<65536x256xf32, #tpu.memory_space<hbm>>
    tpu.enqueue_indirect_dma source(%dma_start3A_2189 : memref<65536x256xf32, #tpu.memory_space<hbm>>) target(%dma_start3A_2183 : memref<32x256xf32, #tpu.memory_space<vmem>>) offsets(%dma_start3A_2186 : memref<32xi32, #tpu.memory_space<vmem>>) semaphore(%arg12 : memref<!tpu.dma_semaphore, #tpu.memory_space<semaphore_mem>>)
    %dma_wait3A_2190 = arith.constant 13 : i32
    %dma_wait3A_2191 = arith.constant 1 : i32
    %dma_wait3A_2192 = arith.constant 0 : i32
    %dma_wait3A_2193 = arith.constant 0 : i32
    %dma_wait3A_2194 = tpu.memref_slice %arg11[%dma_wait3A_2191, %dma_wait3A_2192, %dma_wait3A_2193] : memref<4x32x256xf32, #tpu.memory_space<vmem>> -> memref<1x32x256xf32, #tpu.memory_space<vmem>>
    %dma_wait3A_2195 = tpu.memref_squeeze %dma_wait3A_2194 : memref<1x32x256xf32, #tpu.memory_space<vmem>> -> memref<32x256xf32, #tpu.memory_space<vmem>>
    %dma_wait3A_2196 = arith.constant 0 : i32
    %dma_wait3A_2197 = tpu.memref_slice %arg10[%dma_wait3A_2190, %dma_wait3A_2196] : memref<25x32xi32, #tpu.memory_space<vmem>> -> memref<1x32xi32, #tpu.memory_space<vmem>>
    %dma_wait3A_2198 = tpu.memref_squeeze %dma_wait3A_2197 : memref<1x32xi32, #tpu.memory_space<vmem>> -> memref<32xi32, #tpu.memory_space<vmem>>
    %dma_wait3A_2199 = arith.constant 0 : i32
    %dma_wait3A_2200 = arith.constant 0 : i32
    %dma_wait3A_2201 = tpu.memref_slice %arg5[%dma_wait3A_2199, %dma_wait3A_2200] : memref<65536x256xf32, #tpu.memory_space<hbm>> -> memref<65536x256xf32, #tpu.memory_space<hbm>>
    tpu.wait_indirect_dma semaphore(%arg12 : memref<!tpu.dma_semaphore, #tpu.memory_space<semaphore_mem>>) src(%dma_wait3A_2201 : memref<65536x256xf32, #tpu.memory_space<hbm>>) dst(%dma_wait3A_2195 : memref<32x256xf32, #tpu.memory_space<vmem>>)
    %dma_start3A_2202 = arith.constant 1 : i32
    %dma_start3A_2203 = arith.constant 13 : i32
    %dma_start3A_2204 = arith.constant 0 : i32
    %dma_start3A_2205 = arith.constant 0 : i32
    %dma_start3A_2206 = tpu.memref_slice %arg11[%dma_start3A_2202, %dma_start3A_2204, %dma_start3A_2205] : memref<4x32x256xf32, #tpu.memory_space<vmem>> -> memref<1x32x256xf32, #tpu.memory_space<vmem>>
    %dma_start3A_2207 = tpu.memref_squeeze %dma_start3A_2206 : memref<1x32x256xf32, #tpu.memory_space<vmem>> -> memref<32x256xf32, #tpu.memory_space<vmem>>
    %dma_start3A_2208 = arith.constant 0 : i32
    %dma_start3A_2209 = tpu.memref_slice %arg6[%dma_start3A_2203, %mul3A_2, %dma_start3A_2208] : memref<25x1024x256xf32, #tpu.memory_space<hbm>> -> memref<1x32x256xf32, #tpu.memory_space<hbm>>
    %dma_start3A_2210 = tpu.memref_squeeze %dma_start3A_2209 : memref<1x32x256xf32, #tpu.memory_space<hbm>> -> memref<32x256xf32, #tpu.memory_space<hbm>>
    %dma_start3A_2211 = arith.constant 0 : i32
    %dma_start3A_2212 = tpu.memref_slice %arg6[%dma_start3A_2203, %mul3A_2, %dma_start3A_2211] : memref<25x1024x256xf32, #tpu.memory_space<hbm>> -> memref<1x32x256xf32, #tpu.memory_space<hbm>>
    %dma_start3A_2213 = tpu.memref_squeeze %dma_start3A_2212 : memref<1x32x256xf32, #tpu.memory_space<hbm>> -> memref<32x256xf32, #tpu.memory_space<hbm>>
    %dma_start3A_2214 = arith.constant 0 : i32
    %dma_start3A_2215 = arith.constant 0 : i32
    %dma_start3A_2216 = tpu.memref_slice %arg11[%dma_start3A_2202, %dma_start3A_2214, %dma_start3A_2215] : memref<4x32x256xf32, #tpu.memory_space<vmem>> -> memref<1x32x256xf32, #tpu.memory_space<vmem>>
    %dma_start3A_2217 = tpu.memref_squeeze %dma_start3A_2216 : memref<1x32x256xf32, #tpu.memory_space<vmem>> -> memref<32x256xf32, #tpu.memory_space<vmem>>
    tpu.enqueue_dma source(%dma_start3A_2217 : memref<32x256xf32, #tpu.memory_space<vmem>>) target(%dma_start3A_2213 : memref<32x256xf32, #tpu.memory_space<hbm>>) target_semaphore(%arg13 : memref<!tpu.dma_semaphore, #tpu.memory_space<semaphore_mem>>)
    %dma_wait3A_2218 = arith.constant 3 : i32
    %dma_wait3A_2219 = arith.constant 11 : i32
    %dma_wait3A_2220 = arith.constant 0 : i32
    %dma_wait3A_2221 = arith.constant 0 : i32
    %dma_wait3A_2222 = tpu.memref_slice %arg11[%dma_wait3A_2218, %dma_wait3A_2220, %dma_wait3A_2221] : memref<4x32x256xf32, #tpu.memory_space<vmem>> -> memref<1x32x256xf32, #tpu.memory_space<vmem>>
    %dma_wait3A_2223 = tpu.memref_squeeze %dma_wait3A_2222 : memref<1x32x256xf32, #tpu.memory_space<vmem>> -> memref<32x256xf32, #tpu.memory_space<vmem>>
    %dma_wait3A_2224 = arith.constant 0 : i32
    %dma_wait3A_2225 = tpu.memref_slice %arg6[%dma_wait3A_2219, %mul3A_2, %dma_wait3A_2224] : memref<25x1024x256xf32, #tpu.memory_space<hbm>> -> memref<1x32x256xf32, #tpu.memory_space<hbm>>
    %dma_wait3A_2226 = tpu.memref_squeeze %dma_wait3A_2225 : memref<1x32x256xf32, #tpu.memory_space<hbm>> -> memref<32x256xf32, #tpu.memory_space<hbm>>
    %dma_wait3A_2227 = arith.constant 0 : i32
    %dma_wait3A_2228 = tpu.memref_slice %arg6[%dma_wait3A_2219, %mul3A_2, %dma_wait3A_2227] : memref<25x1024x256xf32, #tpu.memory_space<hbm>> -> memref<1x32x256xf32, #tpu.memory_space<hbm>>
    %dma_wait3A_2229 = tpu.memref_squeeze %dma_wait3A_2228 : memref<1x32x256xf32, #tpu.memory_space<hbm>> -> memref<32x256xf32, #tpu.memory_space<hbm>>
    %dma_wait3A_2230 = arith.constant 0 : i32
    %dma_wait3A_2231 = arith.constant 0 : i32
    %dma_wait3A_2232 = tpu.memref_slice %arg11[%dma_wait3A_2218, %dma_wait3A_2230, %dma_wait3A_2231] : memref<4x32x256xf32, #tpu.memory_space<vmem>> -> memref<1x32x256xf32, #tpu.memory_space<vmem>>
    %dma_wait3A_2233 = tpu.memref_squeeze %dma_wait3A_2232 : memref<1x32x256xf32, #tpu.memory_space<vmem>> -> memref<32x256xf32, #tpu.memory_space<vmem>>
    tpu.wait_dma2 semaphore(%arg13 : memref<!tpu.dma_semaphore, #tpu.memory_space<semaphore_mem>>) src(%dma_wait3A_2233 : memref<32x256xf32, #tpu.memory_space<vmem>>) dst(%dma_wait3A_2229 : memref<32x256xf32, #tpu.memory_space<hbm>>)
    %dma_start3A_2234 = arith.constant 15 : i32
    %dma_start3A_2235 = arith.constant 3 : i32
    %dma_start3A_2236 = arith.constant 0 : i32
    %dma_start3A_2237 = arith.constant 0 : i32
    %dma_start3A_2238 = tpu.memref_slice %arg11[%dma_start3A_2235, %dma_start3A_2236, %dma_start3A_2237] : memref<4x32x256xf32, #tpu.memory_space<vmem>> -> memref<1x32x256xf32, #tpu.memory_space<vmem>>
    %dma_start3A_2239 = tpu.memref_squeeze %dma_start3A_2238 : memref<1x32x256xf32, #tpu.memory_space<vmem>> -> memref<32x256xf32, #tpu.memory_space<vmem>>
    %dma_start3A_2240 = arith.constant 0 : i32
    %dma_start3A_2241 = tpu.memref_slice %arg10[%dma_start3A_2234, %dma_start3A_2240] : memref<25x32xi32, #tpu.memory_space<vmem>> -> memref<1x32xi32, #tpu.memory_space<vmem>>
    %dma_start3A_2242 = tpu.memref_squeeze %dma_start3A_2241 : memref<1x32xi32, #tpu.memory_space<vmem>> -> memref<32xi32, #tpu.memory_space<vmem>>
    %dma_start3A_2243 = arith.constant 0 : i32
    %dma_start3A_2244 = arith.constant 0 : i32
    %dma_start3A_2245 = tpu.memref_slice %arg5[%dma_start3A_2243, %dma_start3A_2244] : memref<65536x256xf32, #tpu.memory_space<hbm>> -> memref<65536x256xf32, #tpu.memory_space<hbm>>
    tpu.enqueue_indirect_dma source(%dma_start3A_2245 : memref<65536x256xf32, #tpu.memory_space<hbm>>) target(%dma_start3A_2239 : memref<32x256xf32, #tpu.memory_space<vmem>>) offsets(%dma_start3A_2242 : memref<32xi32, #tpu.memory_space<vmem>>) semaphore(%arg12 : memref<!tpu.dma_semaphore, #tpu.memory_space<semaphore_mem>>)
    %dma_wait3A_2246 = arith.constant 14 : i32
    %dma_wait3A_2247 = arith.constant 2 : i32
    %dma_wait3A_2248 = arith.constant 0 : i32
    %dma_wait3A_2249 = arith.constant 0 : i32
    %dma_wait3A_2250 = tpu.memref_slice %arg11[%dma_wait3A_2247, %dma_wait3A_2248, %dma_wait3A_2249] : memref<4x32x256xf32, #tpu.memory_space<vmem>> -> memref<1x32x256xf32, #tpu.memory_space<vmem>>
    %dma_wait3A_2251 = tpu.memref_squeeze %dma_wait3A_2250 : memref<1x32x256xf32, #tpu.memory_space<vmem>> -> memref<32x256xf32, #tpu.memory_space<vmem>>
    %dma_wait3A_2252 = arith.constant 0 : i32
    %dma_wait3A_2253 = tpu.memref_slice %arg10[%dma_wait3A_2246, %dma_wait3A_2252] : memref<25x32xi32, #tpu.memory_space<vmem>> -> memref<1x32xi32, #tpu.memory_space<vmem>>
    %dma_wait3A_2254 = tpu.memref_squeeze %dma_wait3A_2253 : memref<1x32xi32, #tpu.memory_space<vmem>> -> memref<32xi32, #tpu.memory_space<vmem>>
    %dma_wait3A_2255 = arith.constant 0 : i32
    %dma_wait3A_2256 = arith.constant 0 : i32
    %dma_wait3A_2257 = tpu.memref_slice %arg5[%dma_wait3A_2255, %dma_wait3A_2256] : memref<65536x256xf32, #tpu.memory_space<hbm>> -> memref<65536x256xf32, #tpu.memory_space<hbm>>
    tpu.wait_indirect_dma semaphore(%arg12 : memref<!tpu.dma_semaphore, #tpu.memory_space<semaphore_mem>>) src(%dma_wait3A_2257 : memref<65536x256xf32, #tpu.memory_space<hbm>>) dst(%dma_wait3A_2251 : memref<32x256xf32, #tpu.memory_space<vmem>>)
    %dma_start3A_2258 = arith.constant 2 : i32
    %dma_start3A_2259 = arith.constant 14 : i32
    %dma_start3A_2260 = arith.constant 0 : i32
    %dma_start3A_2261 = arith.constant 0 : i32
    %dma_start3A_2262 = tpu.memref_slice %arg11[%dma_start3A_2258, %dma_start3A_2260, %dma_start3A_2261] : memref<4x32x256xf32, #tpu.memory_space<vmem>> -> memref<1x32x256xf32, #tpu.memory_space<vmem>>
    %dma_start3A_2263 = tpu.memref_squeeze %dma_start3A_2262 : memref<1x32x256xf32, #tpu.memory_space<vmem>> -> memref<32x256xf32, #tpu.memory_space<vmem>>
    %dma_start3A_2264 = arith.constant 0 : i32
    %dma_start3A_2265 = tpu.memref_slice %arg6[%dma_start3A_2259, %mul3A_2, %dma_start3A_2264] : memref<25x1024x256xf32, #tpu.memory_space<hbm>> -> memref<1x32x256xf32, #tpu.memory_space<hbm>>
    %dma_start3A_2266 = tpu.memref_squeeze %dma_start3A_2265 : memref<1x32x256xf32, #tpu.memory_space<hbm>> -> memref<32x256xf32, #tpu.memory_space<hbm>>
    %dma_start3A_2267 = arith.constant 0 : i32
    %dma_start3A_2268 = tpu.memref_slice %arg6[%dma_start3A_2259, %mul3A_2, %dma_start3A_2267] : memref<25x1024x256xf32, #tpu.memory_space<hbm>> -> memref<1x32x256xf32, #tpu.memory_space<hbm>>
    %dma_start3A_2269 = tpu.memref_squeeze %dma_start3A_2268 : memref<1x32x256xf32, #tpu.memory_space<hbm>> -> memref<32x256xf32, #tpu.memory_space<hbm>>
    %dma_start3A_2270 = arith.constant 0 : i32
    %dma_start3A_2271 = arith.constant 0 : i32
    %dma_start3A_2272 = tpu.memref_slice %arg11[%dma_start3A_2258, %dma_start3A_2270, %dma_start3A_2271] : memref<4x32x256xf32, #tpu.memory_space<vmem>> -> memref<1x32x256xf32, #tpu.memory_space<vmem>>
    %dma_start3A_2273 = tpu.memref_squeeze %dma_start3A_2272 : memref<1x32x256xf32, #tpu.memory_space<vmem>> -> memref<32x256xf32, #tpu.memory_space<vmem>>
    tpu.enqueue_dma source(%dma_start3A_2273 : memref<32x256xf32, #tpu.memory_space<vmem>>) target(%dma_start3A_2269 : memref<32x256xf32, #tpu.memory_space<hbm>>) target_semaphore(%arg13 : memref<!tpu.dma_semaphore, #tpu.memory_space<semaphore_mem>>)
    %dma_wait3A_2274 = arith.constant 0 : i32
    %dma_wait3A_2275 = arith.constant 12 : i32
    %dma_wait3A_2276 = arith.constant 0 : i32
    %dma_wait3A_2277 = arith.constant 0 : i32
    %dma_wait3A_2278 = tpu.memref_slice %arg11[%dma_wait3A_2274, %dma_wait3A_2276, %dma_wait3A_2277] : memref<4x32x256xf32, #tpu.memory_space<vmem>> -> memref<1x32x256xf32, #tpu.memory_space<vmem>>
    %dma_wait3A_2279 = tpu.memref_squeeze %dma_wait3A_2278 : memref<1x32x256xf32, #tpu.memory_space<vmem>> -> memref<32x256xf32, #tpu.memory_space<vmem>>
    %dma_wait3A_2280 = arith.constant 0 : i32
    %dma_wait3A_2281 = tpu.memref_slice %arg6[%dma_wait3A_2275, %mul3A_2, %dma_wait3A_2280] : memref<25x1024x256xf32, #tpu.memory_space<hbm>> -> memref<1x32x256xf32, #tpu.memory_space<hbm>>
    %dma_wait3A_2282 = tpu.memref_squeeze %dma_wait3A_2281 : memref<1x32x256xf32, #tpu.memory_space<hbm>> -> memref<32x256xf32, #tpu.memory_space<hbm>>
    %dma_wait3A_2283 = arith.constant 0 : i32
    %dma_wait3A_2284 = tpu.memref_slice %arg6[%dma_wait3A_2275, %mul3A_2, %dma_wait3A_2283] : memref<25x1024x256xf32, #tpu.memory_space<hbm>> -> memref<1x32x256xf32, #tpu.memory_space<hbm>>
    %dma_wait3A_2285 = tpu.memref_squeeze %dma_wait3A_2284 : memref<1x32x256xf32, #tpu.memory_space<hbm>> -> memref<32x256xf32, #tpu.memory_space<hbm>>
    %dma_wait3A_2286 = arith.constant 0 : i32
    %dma_wait3A_2287 = arith.constant 0 : i32
    %dma_wait3A_2288 = tpu.memref_slice %arg11[%dma_wait3A_2274, %dma_wait3A_2286, %dma_wait3A_2287] : memref<4x32x256xf32, #tpu.memory_space<vmem>> -> memref<1x32x256xf32, #tpu.memory_space<vmem>>
    %dma_wait3A_2289 = tpu.memref_squeeze %dma_wait3A_2288 : memref<1x32x256xf32, #tpu.memory_space<vmem>> -> memref<32x256xf32, #tpu.memory_space<vmem>>
    tpu.wait_dma2 semaphore(%arg13 : memref<!tpu.dma_semaphore, #tpu.memory_space<semaphore_mem>>) src(%dma_wait3A_2289 : memref<32x256xf32, #tpu.memory_space<vmem>>) dst(%dma_wait3A_2285 : memref<32x256xf32, #tpu.memory_space<hbm>>)
    %dma_start3A_2290 = arith.constant 16 : i32
    %dma_start3A_2291 = arith.constant 0 : i32
    %dma_start3A_2292 = arith.constant 0 : i32
    %dma_start3A_2293 = arith.constant 0 : i32
    %dma_start3A_2294 = tpu.memref_slice %arg11[%dma_start3A_2291, %dma_start3A_2292, %dma_start3A_2293] : memref<4x32x256xf32, #tpu.memory_space<vmem>> -> memref<1x32x256xf32, #tpu.memory_space<vmem>>
    %dma_start3A_2295 = tpu.memref_squeeze %dma_start3A_2294 : memref<1x32x256xf32, #tpu.memory_space<vmem>> -> memref<32x256xf32, #tpu.memory_space<vmem>>
    %dma_start3A_2296 = arith.constant 0 : i32
    %dma_start3A_2297 = tpu.memref_slice %arg10[%dma_start3A_2290, %dma_start3A_2296] : memref<25x32xi32, #tpu.memory_space<vmem>> -> memref<1x32xi32, #tpu.memory_space<vmem>>
    %dma_start3A_2298 = tpu.memref_squeeze %dma_start3A_2297 : memref<1x32xi32, #tpu.memory_space<vmem>> -> memref<32xi32, #tpu.memory_space<vmem>>
    %dma_start3A_2299 = arith.constant 0 : i32
    %dma_start3A_2300 = arith.constant 0 : i32
    %dma_start3A_2301 = tpu.memref_slice %arg5[%dma_start3A_2299, %dma_start3A_2300] : memref<65536x256xf32, #tpu.memory_space<hbm>> -> memref<65536x256xf32, #tpu.memory_space<hbm>>
    tpu.enqueue_indirect_dma source(%dma_start3A_2301 : memref<65536x256xf32, #tpu.memory_space<hbm>>) target(%dma_start3A_2295 : memref<32x256xf32, #tpu.memory_space<vmem>>) offsets(%dma_start3A_2298 : memref<32xi32, #tpu.memory_space<vmem>>) semaphore(%arg12 : memref<!tpu.dma_semaphore, #tpu.memory_space<semaphore_mem>>)
    %dma_wait3A_2302 = arith.constant 15 : i32
    %dma_wait3A_2303 = arith.constant 3 : i32
    %dma_wait3A_2304 = arith.constant 0 : i32
    %dma_wait3A_2305 = arith.constant 0 : i32
    %dma_wait3A_2306 = tpu.memref_slice %arg11[%dma_wait3A_2303, %dma_wait3A_2304, %dma_wait3A_2305] : memref<4x32x256xf32, #tpu.memory_space<vmem>> -> memref<1x32x256xf32, #tpu.memory_space<vmem>>
    %dma_wait3A_2307 = tpu.memref_squeeze %dma_wait3A_2306 : memref<1x32x256xf32, #tpu.memory_space<vmem>> -> memref<32x256xf32, #tpu.memory_space<vmem>>
    %dma_wait3A_2308 = arith.constant 0 : i32
    %dma_wait3A_2309 = tpu.memref_slice %arg10[%dma_wait3A_2302, %dma_wait3A_2308] : memref<25x32xi32, #tpu.memory_space<vmem>> -> memref<1x32xi32, #tpu.memory_space<vmem>>
    %dma_wait3A_2310 = tpu.memref_squeeze %dma_wait3A_2309 : memref<1x32xi32, #tpu.memory_space<vmem>> -> memref<32xi32, #tpu.memory_space<vmem>>
    %dma_wait3A_2311 = arith.constant 0 : i32
    %dma_wait3A_2312 = arith.constant 0 : i32
    %dma_wait3A_2313 = tpu.memref_slice %arg5[%dma_wait3A_2311, %dma_wait3A_2312] : memref<65536x256xf32, #tpu.memory_space<hbm>> -> memref<65536x256xf32, #tpu.memory_space<hbm>>
    tpu.wait_indirect_dma semaphore(%arg12 : memref<!tpu.dma_semaphore, #tpu.memory_space<semaphore_mem>>) src(%dma_wait3A_2313 : memref<65536x256xf32, #tpu.memory_space<hbm>>) dst(%dma_wait3A_2307 : memref<32x256xf32, #tpu.memory_space<vmem>>)
    %dma_start3A_2314 = arith.constant 3 : i32
    %dma_start3A_2315 = arith.constant 15 : i32
    %dma_start3A_2316 = arith.constant 0 : i32
    %dma_start3A_2317 = arith.constant 0 : i32
    %dma_start3A_2318 = tpu.memref_slice %arg11[%dma_start3A_2314, %dma_start3A_2316, %dma_start3A_2317] : memref<4x32x256xf32, #tpu.memory_space<vmem>> -> memref<1x32x256xf32, #tpu.memory_space<vmem>>
    %dma_start3A_2319 = tpu.memref_squeeze %dma_start3A_2318 : memref<1x32x256xf32, #tpu.memory_space<vmem>> -> memref<32x256xf32, #tpu.memory_space<vmem>>
    %dma_start3A_2320 = arith.constant 0 : i32
    %dma_start3A_2321 = tpu.memref_slice %arg6[%dma_start3A_2315, %mul3A_2, %dma_start3A_2320] : memref<25x1024x256xf32, #tpu.memory_space<hbm>> -> memref<1x32x256xf32, #tpu.memory_space<hbm>>
    %dma_start3A_2322 = tpu.memref_squeeze %dma_start3A_2321 : memref<1x32x256xf32, #tpu.memory_space<hbm>> -> memref<32x256xf32, #tpu.memory_space<hbm>>
    %dma_start3A_2323 = arith.constant 0 : i32
    %dma_start3A_2324 = tpu.memref_slice %arg6[%dma_start3A_2315, %mul3A_2, %dma_start3A_2323] : memref<25x1024x256xf32, #tpu.memory_space<hbm>> -> memref<1x32x256xf32, #tpu.memory_space<hbm>>
    %dma_start3A_2325 = tpu.memref_squeeze %dma_start3A_2324 : memref<1x32x256xf32, #tpu.memory_space<hbm>> -> memref<32x256xf32, #tpu.memory_space<hbm>>
    %dma_start3A_2326 = arith.constant 0 : i32
    %dma_start3A_2327 = arith.constant 0 : i32
    %dma_start3A_2328 = tpu.memref_slice %arg11[%dma_start3A_2314, %dma_start3A_2326, %dma_start3A_2327] : memref<4x32x256xf32, #tpu.memory_space<vmem>> -> memref<1x32x256xf32, #tpu.memory_space<vmem>>
    %dma_start3A_2329 = tpu.memref_squeeze %dma_start3A_2328 : memref<1x32x256xf32, #tpu.memory_space<vmem>> -> memref<32x256xf32, #tpu.memory_space<vmem>>
    tpu.enqueue_dma source(%dma_start3A_2329 : memref<32x256xf32, #tpu.memory_space<vmem>>) target(%dma_start3A_2325 : memref<32x256xf32, #tpu.memory_space<hbm>>) target_semaphore(%arg13 : memref<!tpu.dma_semaphore, #tpu.memory_space<semaphore_mem>>)
    %dma_wait3A_2330 = arith.constant 1 : i32
    %dma_wait3A_2331 = arith.constant 13 : i32
    %dma_wait3A_2332 = arith.constant 0 : i32
    %dma_wait3A_2333 = arith.constant 0 : i32
    %dma_wait3A_2334 = tpu.memref_slice %arg11[%dma_wait3A_2330, %dma_wait3A_2332, %dma_wait3A_2333] : memref<4x32x256xf32, #tpu.memory_space<vmem>> -> memref<1x32x256xf32, #tpu.memory_space<vmem>>
    %dma_wait3A_2335 = tpu.memref_squeeze %dma_wait3A_2334 : memref<1x32x256xf32, #tpu.memory_space<vmem>> -> memref<32x256xf32, #tpu.memory_space<vmem>>
    %dma_wait3A_2336 = arith.constant 0 : i32
    %dma_wait3A_2337 = tpu.memref_slice %arg6[%dma_wait3A_2331, %mul3A_2, %dma_wait3A_2336] : memref<25x1024x256xf32, #tpu.memory_space<hbm>> -> memref<1x32x256xf32, #tpu.memory_space<hbm>>
    %dma_wait3A_2338 = tpu.memref_squeeze %dma_wait3A_2337 : memref<1x32x256xf32, #tpu.memory_space<hbm>> -> memref<32x256xf32, #tpu.memory_space<hbm>>
    %dma_wait3A_2339 = arith.constant 0 : i32
    %dma_wait3A_2340 = tpu.memref_slice %arg6[%dma_wait3A_2331, %mul3A_2, %dma_wait3A_2339] : memref<25x1024x256xf32, #tpu.memory_space<hbm>> -> memref<1x32x256xf32, #tpu.memory_space<hbm>>
    %dma_wait3A_2341 = tpu.memref_squeeze %dma_wait3A_2340 : memref<1x32x256xf32, #tpu.memory_space<hbm>> -> memref<32x256xf32, #tpu.memory_space<hbm>>
    %dma_wait3A_2342 = arith.constant 0 : i32
    %dma_wait3A_2343 = arith.constant 0 : i32
    %dma_wait3A_2344 = tpu.memref_slice %arg11[%dma_wait3A_2330, %dma_wait3A_2342, %dma_wait3A_2343] : memref<4x32x256xf32, #tpu.memory_space<vmem>> -> memref<1x32x256xf32, #tpu.memory_space<vmem>>
    %dma_wait3A_2345 = tpu.memref_squeeze %dma_wait3A_2344 : memref<1x32x256xf32, #tpu.memory_space<vmem>> -> memref<32x256xf32, #tpu.memory_space<vmem>>
    tpu.wait_dma2 semaphore(%arg13 : memref<!tpu.dma_semaphore, #tpu.memory_space<semaphore_mem>>) src(%dma_wait3A_2345 : memref<32x256xf32, #tpu.memory_space<vmem>>) dst(%dma_wait3A_2341 : memref<32x256xf32, #tpu.memory_space<hbm>>)
    %dma_start3A_2346 = arith.constant 17 : i32
    %dma_start3A_2347 = arith.constant 1 : i32
    %dma_start3A_2348 = arith.constant 0 : i32
    %dma_start3A_2349 = arith.constant 0 : i32
    %dma_start3A_2350 = tpu.memref_slice %arg11[%dma_start3A_2347, %dma_start3A_2348, %dma_start3A_2349] : memref<4x32x256xf32, #tpu.memory_space<vmem>> -> memref<1x32x256xf32, #tpu.memory_space<vmem>>
    %dma_start3A_2351 = tpu.memref_squeeze %dma_start3A_2350 : memref<1x32x256xf32, #tpu.memory_space<vmem>> -> memref<32x256xf32, #tpu.memory_space<vmem>>
    %dma_start3A_2352 = arith.constant 0 : i32
    %dma_start3A_2353 = tpu.memref_slice %arg10[%dma_start3A_2346, %dma_start3A_2352] : memref<25x32xi32, #tpu.memory_space<vmem>> -> memref<1x32xi32, #tpu.memory_space<vmem>>
    %dma_start3A_2354 = tpu.memref_squeeze %dma_start3A_2353 : memref<1x32xi32, #tpu.memory_space<vmem>> -> memref<32xi32, #tpu.memory_space<vmem>>
    %dma_start3A_2355 = arith.constant 0 : i32
    %dma_start3A_2356 = arith.constant 0 : i32
    %dma_start3A_2357 = tpu.memref_slice %arg5[%dma_start3A_2355, %dma_start3A_2356] : memref<65536x256xf32, #tpu.memory_space<hbm>> -> memref<65536x256xf32, #tpu.memory_space<hbm>>
    tpu.enqueue_indirect_dma source(%dma_start3A_2357 : memref<65536x256xf32, #tpu.memory_space<hbm>>) target(%dma_start3A_2351 : memref<32x256xf32, #tpu.memory_space<vmem>>) offsets(%dma_start3A_2354 : memref<32xi32, #tpu.memory_space<vmem>>) semaphore(%arg12 : memref<!tpu.dma_semaphore, #tpu.memory_space<semaphore_mem>>)
    %dma_wait3A_2358 = arith.constant 16 : i32
    %dma_wait3A_2359 = arith.constant 0 : i32
    %dma_wait3A_2360 = arith.constant 0 : i32
    %dma_wait3A_2361 = arith.constant 0 : i32
    %dma_wait3A_2362 = tpu.memref_slice %arg11[%dma_wait3A_2359, %dma_wait3A_2360, %dma_wait3A_2361] : memref<4x32x256xf32, #tpu.memory_space<vmem>> -> memref<1x32x256xf32, #tpu.memory_space<vmem>>
    %dma_wait3A_2363 = tpu.memref_squeeze %dma_wait3A_2362 : memref<1x32x256xf32, #tpu.memory_space<vmem>> -> memref<32x256xf32, #tpu.memory_space<vmem>>
    %dma_wait3A_2364 = arith.constant 0 : i32
    %dma_wait3A_2365 = tpu.memref_slice %arg10[%dma_wait3A_2358, %dma_wait3A_2364] : memref<25x32xi32, #tpu.memory_space<vmem>> -> memref<1x32xi32, #tpu.memory_space<vmem>>
    %dma_wait3A_2366 = tpu.memref_squeeze %dma_wait3A_2365 : memref<1x32xi32, #tpu.memory_space<vmem>> -> memref<32xi32, #tpu.memory_space<vmem>>
    %dma_wait3A_2367 = arith.constant 0 : i32
    %dma_wait3A_2368 = arith.constant 0 : i32
    %dma_wait3A_2369 = tpu.memref_slice %arg5[%dma_wait3A_2367, %dma_wait3A_2368] : memref<65536x256xf32, #tpu.memory_space<hbm>> -> memref<65536x256xf32, #tpu.memory_space<hbm>>
    tpu.wait_indirect_dma semaphore(%arg12 : memref<!tpu.dma_semaphore, #tpu.memory_space<semaphore_mem>>) src(%dma_wait3A_2369 : memref<65536x256xf32, #tpu.memory_space<hbm>>) dst(%dma_wait3A_2363 : memref<32x256xf32, #tpu.memory_space<vmem>>)
    %dma_start3A_2370 = arith.constant 0 : i32
    %dma_start3A_2371 = arith.constant 16 : i32
    %dma_start3A_2372 = arith.constant 0 : i32
    %dma_start3A_2373 = arith.constant 0 : i32
    %dma_start3A_2374 = tpu.memref_slice %arg11[%dma_start3A_2370, %dma_start3A_2372, %dma_start3A_2373] : memref<4x32x256xf32, #tpu.memory_space<vmem>> -> memref<1x32x256xf32, #tpu.memory_space<vmem>>
    %dma_start3A_2375 = tpu.memref_squeeze %dma_start3A_2374 : memref<1x32x256xf32, #tpu.memory_space<vmem>> -> memref<32x256xf32, #tpu.memory_space<vmem>>
    %dma_start3A_2376 = arith.constant 0 : i32
    %dma_start3A_2377 = tpu.memref_slice %arg6[%dma_start3A_2371, %mul3A_2, %dma_start3A_2376] : memref<25x1024x256xf32, #tpu.memory_space<hbm>> -> memref<1x32x256xf32, #tpu.memory_space<hbm>>
    %dma_start3A_2378 = tpu.memref_squeeze %dma_start3A_2377 : memref<1x32x256xf32, #tpu.memory_space<hbm>> -> memref<32x256xf32, #tpu.memory_space<hbm>>
    %dma_start3A_2379 = arith.constant 0 : i32
    %dma_start3A_2380 = tpu.memref_slice %arg6[%dma_start3A_2371, %mul3A_2, %dma_start3A_2379] : memref<25x1024x256xf32, #tpu.memory_space<hbm>> -> memref<1x32x256xf32, #tpu.memory_space<hbm>>
    %dma_start3A_2381 = tpu.memref_squeeze %dma_start3A_2380 : memref<1x32x256xf32, #tpu.memory_space<hbm>> -> memref<32x256xf32, #tpu.memory_space<hbm>>
    %dma_start3A_2382 = arith.constant 0 : i32
    %dma_start3A_2383 = arith.constant 0 : i32
    %dma_start3A_2384 = tpu.memref_slice %arg11[%dma_start3A_2370, %dma_start3A_2382, %dma_start3A_2383] : memref<4x32x256xf32, #tpu.memory_space<vmem>> -> memref<1x32x256xf32, #tpu.memory_space<vmem>>
    %dma_start3A_2385 = tpu.memref_squeeze %dma_start3A_2384 : memref<1x32x256xf32, #tpu.memory_space<vmem>> -> memref<32x256xf32, #tpu.memory_space<vmem>>
    tpu.enqueue_dma source(%dma_start3A_2385 : memref<32x256xf32, #tpu.memory_space<vmem>>) target(%dma_start3A_2381 : memref<32x256xf32, #tpu.memory_space<hbm>>) target_semaphore(%arg13 : memref<!tpu.dma_semaphore, #tpu.memory_space<semaphore_mem>>)
    %dma_wait3A_2386 = arith.constant 2 : i32
    %dma_wait3A_2387 = arith.constant 14 : i32
    %dma_wait3A_2388 = arith.constant 0 : i32
    %dma_wait3A_2389 = arith.constant 0 : i32
    %dma_wait3A_2390 = tpu.memref_slice %arg11[%dma_wait3A_2386, %dma_wait3A_2388, %dma_wait3A_2389] : memref<4x32x256xf32, #tpu.memory_space<vmem>> -> memref<1x32x256xf32, #tpu.memory_space<vmem>>
    %dma_wait3A_2391 = tpu.memref_squeeze %dma_wait3A_2390 : memref<1x32x256xf32, #tpu.memory_space<vmem>> -> memref<32x256xf32, #tpu.memory_space<vmem>>
    %dma_wait3A_2392 = arith.constant 0 : i32
    %dma_wait3A_2393 = tpu.memref_slice %arg6[%dma_wait3A_2387, %mul3A_2, %dma_wait3A_2392] : memref<25x1024x256xf32, #tpu.memory_space<hbm>> -> memref<1x32x256xf32, #tpu.memory_space<hbm>>
    %dma_wait3A_2394 = tpu.memref_squeeze %dma_wait3A_2393 : memref<1x32x256xf32, #tpu.memory_space<hbm>> -> memref<32x256xf32, #tpu.memory_space<hbm>>
    %dma_wait3A_2395 = arith.constant 0 : i32
    %dma_wait3A_2396 = tpu.memref_slice %arg6[%dma_wait3A_2387, %mul3A_2, %dma_wait3A_2395] : memref<25x1024x256xf32, #tpu.memory_space<hbm>> -> memref<1x32x256xf32, #tpu.memory_space<hbm>>
    %dma_wait3A_2397 = tpu.memref_squeeze %dma_wait3A_2396 : memref<1x32x256xf32, #tpu.memory_space<hbm>> -> memref<32x256xf32, #tpu.memory_space<hbm>>
    %dma_wait3A_2398 = arith.constant 0 : i32
    %dma_wait3A_2399 = arith.constant 0 : i32
    %dma_wait3A_2400 = tpu.memref_slice %arg11[%dma_wait3A_2386, %dma_wait3A_2398, %dma_wait3A_2399] : memref<4x32x256xf32, #tpu.memory_space<vmem>> -> memref<1x32x256xf32, #tpu.memory_space<vmem>>
    %dma_wait3A_2401 = tpu.memref_squeeze %dma_wait3A_2400 : memref<1x32x256xf32, #tpu.memory_space<vmem>> -> memref<32x256xf32, #tpu.memory_space<vmem>>
    tpu.wait_dma2 semaphore(%arg13 : memref<!tpu.dma_semaphore, #tpu.memory_space<semaphore_mem>>) src(%dma_wait3A_2401 : memref<32x256xf32, #tpu.memory_space<vmem>>) dst(%dma_wait3A_2397 : memref<32x256xf32, #tpu.memory_space<hbm>>)
    %dma_start3A_2402 = arith.constant 18 : i32
    %dma_start3A_2403 = arith.constant 2 : i32
    %dma_start3A_2404 = arith.constant 0 : i32
    %dma_start3A_2405 = arith.constant 0 : i32
    %dma_start3A_2406 = tpu.memref_slice %arg11[%dma_start3A_2403, %dma_start3A_2404, %dma_start3A_2405] : memref<4x32x256xf32, #tpu.memory_space<vmem>> -> memref<1x32x256xf32, #tpu.memory_space<vmem>>
    %dma_start3A_2407 = tpu.memref_squeeze %dma_start3A_2406 : memref<1x32x256xf32, #tpu.memory_space<vmem>> -> memref<32x256xf32, #tpu.memory_space<vmem>>
    %dma_start3A_2408 = arith.constant 0 : i32
    %dma_start3A_2409 = tpu.memref_slice %arg10[%dma_start3A_2402, %dma_start3A_2408] : memref<25x32xi32, #tpu.memory_space<vmem>> -> memref<1x32xi32, #tpu.memory_space<vmem>>
    %dma_start3A_2410 = tpu.memref_squeeze %dma_start3A_2409 : memref<1x32xi32, #tpu.memory_space<vmem>> -> memref<32xi32, #tpu.memory_space<vmem>>
    %dma_start3A_2411 = arith.constant 0 : i32
    %dma_start3A_2412 = arith.constant 0 : i32
    %dma_start3A_2413 = tpu.memref_slice %arg5[%dma_start3A_2411, %dma_start3A_2412] : memref<65536x256xf32, #tpu.memory_space<hbm>> -> memref<65536x256xf32, #tpu.memory_space<hbm>>
    tpu.enqueue_indirect_dma source(%dma_start3A_2413 : memref<65536x256xf32, #tpu.memory_space<hbm>>) target(%dma_start3A_2407 : memref<32x256xf32, #tpu.memory_space<vmem>>) offsets(%dma_start3A_2410 : memref<32xi32, #tpu.memory_space<vmem>>) semaphore(%arg12 : memref<!tpu.dma_semaphore, #tpu.memory_space<semaphore_mem>>)
    %dma_wait3A_2414 = arith.constant 17 : i32
    %dma_wait3A_2415 = arith.constant 1 : i32
    %dma_wait3A_2416 = arith.constant 0 : i32
    %dma_wait3A_2417 = arith.constant 0 : i32
    %dma_wait3A_2418 = tpu.memref_slice %arg11[%dma_wait3A_2415, %dma_wait3A_2416, %dma_wait3A_2417] : memref<4x32x256xf32, #tpu.memory_space<vmem>> -> memref<1x32x256xf32, #tpu.memory_space<vmem>>
    %dma_wait3A_2419 = tpu.memref_squeeze %dma_wait3A_2418 : memref<1x32x256xf32, #tpu.memory_space<vmem>> -> memref<32x256xf32, #tpu.memory_space<vmem>>
    %dma_wait3A_2420 = arith.constant 0 : i32
    %dma_wait3A_2421 = tpu.memref_slice %arg10[%dma_wait3A_2414, %dma_wait3A_2420] : memref<25x32xi32, #tpu.memory_space<vmem>> -> memref<1x32xi32, #tpu.memory_space<vmem>>
    %dma_wait3A_2422 = tpu.memref_squeeze %dma_wait3A_2421 : memref<1x32xi32, #tpu.memory_space<vmem>> -> memref<32xi32, #tpu.memory_space<vmem>>
    %dma_wait3A_2423 = arith.constant 0 : i32
    %dma_wait3A_2424 = arith.constant 0 : i32
    %dma_wait3A_2425 = tpu.memref_slice %arg5[%dma_wait3A_2423, %dma_wait3A_2424] : memref<65536x256xf32, #tpu.memory_space<hbm>> -> memref<65536x256xf32, #tpu.memory_space<hbm>>
    tpu.wait_indirect_dma semaphore(%arg12 : memref<!tpu.dma_semaphore, #tpu.memory_space<semaphore_mem>>) src(%dma_wait3A_2425 : memref<65536x256xf32, #tpu.memory_space<hbm>>) dst(%dma_wait3A_2419 : memref<32x256xf32, #tpu.memory_space<vmem>>)
    %dma_start3A_2426 = arith.constant 1 : i32
    %dma_start3A_2427 = arith.constant 17 : i32
    %dma_start3A_2428 = arith.constant 0 : i32
    %dma_start3A_2429 = arith.constant 0 : i32
    %dma_start3A_2430 = tpu.memref_slice %arg11[%dma_start3A_2426, %dma_start3A_2428, %dma_start3A_2429] : memref<4x32x256xf32, #tpu.memory_space<vmem>> -> memref<1x32x256xf32, #tpu.memory_space<vmem>>
    %dma_start3A_2431 = tpu.memref_squeeze %dma_start3A_2430 : memref<1x32x256xf32, #tpu.memory_space<vmem>> -> memref<32x256xf32, #tpu.memory_space<vmem>>
    %dma_start3A_2432 = arith.constant 0 : i32
    %dma_start3A_2433 = tpu.memref_slice %arg6[%dma_start3A_2427, %mul3A_2, %dma_start3A_2432] : memref<25x1024x256xf32, #tpu.memory_space<hbm>> -> memref<1x32x256xf32, #tpu.memory_space<hbm>>
    %dma_start3A_2434 = tpu.memref_squeeze %dma_start3A_2433 : memref<1x32x256xf32, #tpu.memory_space<hbm>> -> memref<32x256xf32, #tpu.memory_space<hbm>>
    %dma_start3A_2435 = arith.constant 0 : i32
    %dma_start3A_2436 = tpu.memref_slice %arg6[%dma_start3A_2427, %mul3A_2, %dma_start3A_2435] : memref<25x1024x256xf32, #tpu.memory_space<hbm>> -> memref<1x32x256xf32, #tpu.memory_space<hbm>>
    %dma_start3A_2437 = tpu.memref_squeeze %dma_start3A_2436 : memref<1x32x256xf32, #tpu.memory_space<hbm>> -> memref<32x256xf32, #tpu.memory_space<hbm>>
    %dma_start3A_2438 = arith.constant 0 : i32
    %dma_start3A_2439 = arith.constant 0 : i32
    %dma_start3A_2440 = tpu.memref_slice %arg11[%dma_start3A_2426, %dma_start3A_2438, %dma_start3A_2439] : memref<4x32x256xf32, #tpu.memory_space<vmem>> -> memref<1x32x256xf32, #tpu.memory_space<vmem>>
    %dma_start3A_2441 = tpu.memref_squeeze %dma_start3A_2440 : memref<1x32x256xf32, #tpu.memory_space<vmem>> -> memref<32x256xf32, #tpu.memory_space<vmem>>
    tpu.enqueue_dma source(%dma_start3A_2441 : memref<32x256xf32, #tpu.memory_space<vmem>>) target(%dma_start3A_2437 : memref<32x256xf32, #tpu.memory_space<hbm>>) target_semaphore(%arg13 : memref<!tpu.dma_semaphore, #tpu.memory_space<semaphore_mem>>)
    %dma_wait3A_2442 = arith.constant 3 : i32
    %dma_wait3A_2443 = arith.constant 15 : i32
    %dma_wait3A_2444 = arith.constant 0 : i32
    %dma_wait3A_2445 = arith.constant 0 : i32
    %dma_wait3A_2446 = tpu.memref_slice %arg11[%dma_wait3A_2442, %dma_wait3A_2444, %dma_wait3A_2445] : memref<4x32x256xf32, #tpu.memory_space<vmem>> -> memref<1x32x256xf32, #tpu.memory_space<vmem>>
    %dma_wait3A_2447 = tpu.memref_squeeze %dma_wait3A_2446 : memref<1x32x256xf32, #tpu.memory_space<vmem>> -> memref<32x256xf32, #tpu.memory_space<vmem>>
    %dma_wait3A_2448 = arith.constant 0 : i32
    %dma_wait3A_2449 = tpu.memref_slice %arg6[%dma_wait3A_2443, %mul3A_2, %dma_wait3A_2448] : memref<25x1024x256xf32, #tpu.memory_space<hbm>> -> memref<1x32x256xf32, #tpu.memory_space<hbm>>
    %dma_wait3A_2450 = tpu.memref_squeeze %dma_wait3A_2449 : memref<1x32x256xf32, #tpu.memory_space<hbm>> -> memref<32x256xf32, #tpu.memory_space<hbm>>
    %dma_wait3A_2451 = arith.constant 0 : i32
    %dma_wait3A_2452 = tpu.memref_slice %arg6[%dma_wait3A_2443, %mul3A_2, %dma_wait3A_2451] : memref<25x1024x256xf32, #tpu.memory_space<hbm>> -> memref<1x32x256xf32, #tpu.memory_space<hbm>>
    %dma_wait3A_2453 = tpu.memref_squeeze %dma_wait3A_2452 : memref<1x32x256xf32, #tpu.memory_space<hbm>> -> memref<32x256xf32, #tpu.memory_space<hbm>>
    %dma_wait3A_2454 = arith.constant 0 : i32
    %dma_wait3A_2455 = arith.constant 0 : i32
    %dma_wait3A_2456 = tpu.memref_slice %arg11[%dma_wait3A_2442, %dma_wait3A_2454, %dma_wait3A_2455] : memref<4x32x256xf32, #tpu.memory_space<vmem>> -> memref<1x32x256xf32, #tpu.memory_space<vmem>>
    %dma_wait3A_2457 = tpu.memref_squeeze %dma_wait3A_2456 : memref<1x32x256xf32, #tpu.memory_space<vmem>> -> memref<32x256xf32, #tpu.memory_space<vmem>>
    tpu.wait_dma2 semaphore(%arg13 : memref<!tpu.dma_semaphore, #tpu.memory_space<semaphore_mem>>) src(%dma_wait3A_2457 : memref<32x256xf32, #tpu.memory_space<vmem>>) dst(%dma_wait3A_2453 : memref<32x256xf32, #tpu.memory_space<hbm>>)
    %dma_start3A_2458 = arith.constant 19 : i32
    %dma_start3A_2459 = arith.constant 3 : i32
    %dma_start3A_2460 = arith.constant 0 : i32
    %dma_start3A_2461 = arith.constant 0 : i32
    %dma_start3A_2462 = tpu.memref_slice %arg11[%dma_start3A_2459, %dma_start3A_2460, %dma_start3A_2461] : memref<4x32x256xf32, #tpu.memory_space<vmem>> -> memref<1x32x256xf32, #tpu.memory_space<vmem>>
    %dma_start3A_2463 = tpu.memref_squeeze %dma_start3A_2462 : memref<1x32x256xf32, #tpu.memory_space<vmem>> -> memref<32x256xf32, #tpu.memory_space<vmem>>
    %dma_start3A_2464 = arith.constant 0 : i32
    %dma_start3A_2465 = tpu.memref_slice %arg10[%dma_start3A_2458, %dma_start3A_2464] : memref<25x32xi32, #tpu.memory_space<vmem>> -> memref<1x32xi32, #tpu.memory_space<vmem>>
    %dma_start3A_2466 = tpu.memref_squeeze %dma_start3A_2465 : memref<1x32xi32, #tpu.memory_space<vmem>> -> memref<32xi32, #tpu.memory_space<vmem>>
    %dma_start3A_2467 = arith.constant 0 : i32
    %dma_start3A_2468 = arith.constant 0 : i32
    %dma_start3A_2469 = tpu.memref_slice %arg5[%dma_start3A_2467, %dma_start3A_2468] : memref<65536x256xf32, #tpu.memory_space<hbm>> -> memref<65536x256xf32, #tpu.memory_space<hbm>>
    tpu.enqueue_indirect_dma source(%dma_start3A_2469 : memref<65536x256xf32, #tpu.memory_space<hbm>>) target(%dma_start3A_2463 : memref<32x256xf32, #tpu.memory_space<vmem>>) offsets(%dma_start3A_2466 : memref<32xi32, #tpu.memory_space<vmem>>) semaphore(%arg12 : memref<!tpu.dma_semaphore, #tpu.memory_space<semaphore_mem>>)
    %dma_wait3A_2470 = arith.constant 18 : i32
    %dma_wait3A_2471 = arith.constant 2 : i32
    %dma_wait3A_2472 = arith.constant 0 : i32
    %dma_wait3A_2473 = arith.constant 0 : i32
    %dma_wait3A_2474 = tpu.memref_slice %arg11[%dma_wait3A_2471, %dma_wait3A_2472, %dma_wait3A_2473] : memref<4x32x256xf32, #tpu.memory_space<vmem>> -> memref<1x32x256xf32, #tpu.memory_space<vmem>>
    %dma_wait3A_2475 = tpu.memref_squeeze %dma_wait3A_2474 : memref<1x32x256xf32, #tpu.memory_space<vmem>> -> memref<32x256xf32, #tpu.memory_space<vmem>>
    %dma_wait3A_2476 = arith.constant 0 : i32
    %dma_wait3A_2477 = tpu.memref_slice %arg10[%dma_wait3A_2470, %dma_wait3A_2476] : memref<25x32xi32, #tpu.memory_space<vmem>> -> memref<1x32xi32, #tpu.memory_space<vmem>>
    %dma_wait3A_2478 = tpu.memref_squeeze %dma_wait3A_2477 : memref<1x32xi32, #tpu.memory_space<vmem>> -> memref<32xi32, #tpu.memory_space<vmem>>
    %dma_wait3A_2479 = arith.constant 0 : i32
    %dma_wait3A_2480 = arith.constant 0 : i32
    %dma_wait3A_2481 = tpu.memref_slice %arg5[%dma_wait3A_2479, %dma_wait3A_2480] : memref<65536x256xf32, #tpu.memory_space<hbm>> -> memref<65536x256xf32, #tpu.memory_space<hbm>>
    tpu.wait_indirect_dma semaphore(%arg12 : memref<!tpu.dma_semaphore, #tpu.memory_space<semaphore_mem>>) src(%dma_wait3A_2481 : memref<65536x256xf32, #tpu.memory_space<hbm>>) dst(%dma_wait3A_2475 : memref<32x256xf32, #tpu.memory_space<vmem>>)
    %dma_start3A_2482 = arith.constant 2 : i32
    %dma_start3A_2483 = arith.constant 18 : i32
    %dma_start3A_2484 = arith.constant 0 : i32
    %dma_start3A_2485 = arith.constant 0 : i32
    %dma_start3A_2486 = tpu.memref_slice %arg11[%dma_start3A_2482, %dma_start3A_2484, %dma_start3A_2485] : memref<4x32x256xf32, #tpu.memory_space<vmem>> -> memref<1x32x256xf32, #tpu.memory_space<vmem>>
    %dma_start3A_2487 = tpu.memref_squeeze %dma_start3A_2486 : memref<1x32x256xf32, #tpu.memory_space<vmem>> -> memref<32x256xf32, #tpu.memory_space<vmem>>
    %dma_start3A_2488 = arith.constant 0 : i32
    %dma_start3A_2489 = tpu.memref_slice %arg6[%dma_start3A_2483, %mul3A_2, %dma_start3A_2488] : memref<25x1024x256xf32, #tpu.memory_space<hbm>> -> memref<1x32x256xf32, #tpu.memory_space<hbm>>
    %dma_start3A_2490 = tpu.memref_squeeze %dma_start3A_2489 : memref<1x32x256xf32, #tpu.memory_space<hbm>> -> memref<32x256xf32, #tpu.memory_space<hbm>>
    %dma_start3A_2491 = arith.constant 0 : i32
    %dma_start3A_2492 = tpu.memref_slice %arg6[%dma_start3A_2483, %mul3A_2, %dma_start3A_2491] : memref<25x1024x256xf32, #tpu.memory_space<hbm>> -> memref<1x32x256xf32, #tpu.memory_space<hbm>>
    %dma_start3A_2493 = tpu.memref_squeeze %dma_start3A_2492 : memref<1x32x256xf32, #tpu.memory_space<hbm>> -> memref<32x256xf32, #tpu.memory_space<hbm>>
    %dma_start3A_2494 = arith.constant 0 : i32
    %dma_start3A_2495 = arith.constant 0 : i32
    %dma_start3A_2496 = tpu.memref_slice %arg11[%dma_start3A_2482, %dma_start3A_2494, %dma_start3A_2495] : memref<4x32x256xf32, #tpu.memory_space<vmem>> -> memref<1x32x256xf32, #tpu.memory_space<vmem>>
    %dma_start3A_2497 = tpu.memref_squeeze %dma_start3A_2496 : memref<1x32x256xf32, #tpu.memory_space<vmem>> -> memref<32x256xf32, #tpu.memory_space<vmem>>
    tpu.enqueue_dma source(%dma_start3A_2497 : memref<32x256xf32, #tpu.memory_space<vmem>>) target(%dma_start3A_2493 : memref<32x256xf32, #tpu.memory_space<hbm>>) target_semaphore(%arg13 : memref<!tpu.dma_semaphore, #tpu.memory_space<semaphore_mem>>)
    %dma_wait3A_2498 = arith.constant 0 : i32
    %dma_wait3A_2499 = arith.constant 16 : i32
    %dma_wait3A_2500 = arith.constant 0 : i32
    %dma_wait3A_2501 = arith.constant 0 : i32
    %dma_wait3A_2502 = tpu.memref_slice %arg11[%dma_wait3A_2498, %dma_wait3A_2500, %dma_wait3A_2501] : memref<4x32x256xf32, #tpu.memory_space<vmem>> -> memref<1x32x256xf32, #tpu.memory_space<vmem>>
    %dma_wait3A_2503 = tpu.memref_squeeze %dma_wait3A_2502 : memref<1x32x256xf32, #tpu.memory_space<vmem>> -> memref<32x256xf32, #tpu.memory_space<vmem>>
    %dma_wait3A_2504 = arith.constant 0 : i32
    %dma_wait3A_2505 = tpu.memref_slice %arg6[%dma_wait3A_2499, %mul3A_2, %dma_wait3A_2504] : memref<25x1024x256xf32, #tpu.memory_space<hbm>> -> memref<1x32x256xf32, #tpu.memory_space<hbm>>
    %dma_wait3A_2506 = tpu.memref_squeeze %dma_wait3A_2505 : memref<1x32x256xf32, #tpu.memory_space<hbm>> -> memref<32x256xf32, #tpu.memory_space<hbm>>
    %dma_wait3A_2507 = arith.constant 0 : i32
    %dma_wait3A_2508 = tpu.memref_slice %arg6[%dma_wait3A_2499, %mul3A_2, %dma_wait3A_2507] : memref<25x1024x256xf32, #tpu.memory_space<hbm>> -> memref<1x32x256xf32, #tpu.memory_space<hbm>>
    %dma_wait3A_2509 = tpu.memref_squeeze %dma_wait3A_2508 : memref<1x32x256xf32, #tpu.memory_space<hbm>> -> memref<32x256xf32, #tpu.memory_space<hbm>>
    %dma_wait3A_2510 = arith.constant 0 : i32
    %dma_wait3A_2511 = arith.constant 0 : i32
    %dma_wait3A_2512 = tpu.memref_slice %arg11[%dma_wait3A_2498, %dma_wait3A_2510, %dma_wait3A_2511] : memref<4x32x256xf32, #tpu.memory_space<vmem>> -> memref<1x32x256xf32, #tpu.memory_space<vmem>>
    %dma_wait3A_2513 = tpu.memref_squeeze %dma_wait3A_2512 : memref<1x32x256xf32, #tpu.memory_space<vmem>> -> memref<32x256xf32, #tpu.memory_space<vmem>>
    tpu.wait_dma2 semaphore(%arg13 : memref<!tpu.dma_semaphore, #tpu.memory_space<semaphore_mem>>) src(%dma_wait3A_2513 : memref<32x256xf32, #tpu.memory_space<vmem>>) dst(%dma_wait3A_2509 : memref<32x256xf32, #tpu.memory_space<hbm>>)
    %dma_start3A_2514 = arith.constant 20 : i32
    %dma_start3A_2515 = arith.constant 0 : i32
    %dma_start3A_2516 = arith.constant 0 : i32
    %dma_start3A_2517 = arith.constant 0 : i32
    %dma_start3A_2518 = tpu.memref_slice %arg11[%dma_start3A_2515, %dma_start3A_2516, %dma_start3A_2517] : memref<4x32x256xf32, #tpu.memory_space<vmem>> -> memref<1x32x256xf32, #tpu.memory_space<vmem>>
    %dma_start3A_2519 = tpu.memref_squeeze %dma_start3A_2518 : memref<1x32x256xf32, #tpu.memory_space<vmem>> -> memref<32x256xf32, #tpu.memory_space<vmem>>
    %dma_start3A_2520 = arith.constant 0 : i32
    %dma_start3A_2521 = tpu.memref_slice %arg10[%dma_start3A_2514, %dma_start3A_2520] : memref<25x32xi32, #tpu.memory_space<vmem>> -> memref<1x32xi32, #tpu.memory_space<vmem>>
    %dma_start3A_2522 = tpu.memref_squeeze %dma_start3A_2521 : memref<1x32xi32, #tpu.memory_space<vmem>> -> memref<32xi32, #tpu.memory_space<vmem>>
    %dma_start3A_2523 = arith.constant 0 : i32
    %dma_start3A_2524 = arith.constant 0 : i32
    %dma_start3A_2525 = tpu.memref_slice %arg5[%dma_start3A_2523, %dma_start3A_2524] : memref<65536x256xf32, #tpu.memory_space<hbm>> -> memref<65536x256xf32, #tpu.memory_space<hbm>>
    tpu.enqueue_indirect_dma source(%dma_start3A_2525 : memref<65536x256xf32, #tpu.memory_space<hbm>>) target(%dma_start3A_2519 : memref<32x256xf32, #tpu.memory_space<vmem>>) offsets(%dma_start3A_2522 : memref<32xi32, #tpu.memory_space<vmem>>) semaphore(%arg12 : memref<!tpu.dma_semaphore, #tpu.memory_space<semaphore_mem>>)
    %dma_wait3A_2526 = arith.constant 19 : i32
    %dma_wait3A_2527 = arith.constant 3 : i32
    %dma_wait3A_2528 = arith.constant 0 : i32
    %dma_wait3A_2529 = arith.constant 0 : i32
    %dma_wait3A_2530 = tpu.memref_slice %arg11[%dma_wait3A_2527, %dma_wait3A_2528, %dma_wait3A_2529] : memref<4x32x256xf32, #tpu.memory_space<vmem>> -> memref<1x32x256xf32, #tpu.memory_space<vmem>>
    %dma_wait3A_2531 = tpu.memref_squeeze %dma_wait3A_2530 : memref<1x32x256xf32, #tpu.memory_space<vmem>> -> memref<32x256xf32, #tpu.memory_space<vmem>>
    %dma_wait3A_2532 = arith.constant 0 : i32
    %dma_wait3A_2533 = tpu.memref_slice %arg10[%dma_wait3A_2526, %dma_wait3A_2532] : memref<25x32xi32, #tpu.memory_space<vmem>> -> memref<1x32xi32, #tpu.memory_space<vmem>>
    %dma_wait3A_2534 = tpu.memref_squeeze %dma_wait3A_2533 : memref<1x32xi32, #tpu.memory_space<vmem>> -> memref<32xi32, #tpu.memory_space<vmem>>
    %dma_wait3A_2535 = arith.constant 0 : i32
    %dma_wait3A_2536 = arith.constant 0 : i32
    %dma_wait3A_2537 = tpu.memref_slice %arg5[%dma_wait3A_2535, %dma_wait3A_2536] : memref<65536x256xf32, #tpu.memory_space<hbm>> -> memref<65536x256xf32, #tpu.memory_space<hbm>>
    tpu.wait_indirect_dma semaphore(%arg12 : memref<!tpu.dma_semaphore, #tpu.memory_space<semaphore_mem>>) src(%dma_wait3A_2537 : memref<65536x256xf32, #tpu.memory_space<hbm>>) dst(%dma_wait3A_2531 : memref<32x256xf32, #tpu.memory_space<vmem>>)
    %dma_start3A_2538 = arith.constant 3 : i32
    %dma_start3A_2539 = arith.constant 19 : i32
    %dma_start3A_2540 = arith.constant 0 : i32
    %dma_start3A_2541 = arith.constant 0 : i32
    %dma_start3A_2542 = tpu.memref_slice %arg11[%dma_start3A_2538, %dma_start3A_2540, %dma_start3A_2541] : memref<4x32x256xf32, #tpu.memory_space<vmem>> -> memref<1x32x256xf32, #tpu.memory_space<vmem>>
    %dma_start3A_2543 = tpu.memref_squeeze %dma_start3A_2542 : memref<1x32x256xf32, #tpu.memory_space<vmem>> -> memref<32x256xf32, #tpu.memory_space<vmem>>
    %dma_start3A_2544 = arith.constant 0 : i32
    %dma_start3A_2545 = tpu.memref_slice %arg6[%dma_start3A_2539, %mul3A_2, %dma_start3A_2544] : memref<25x1024x256xf32, #tpu.memory_space<hbm>> -> memref<1x32x256xf32, #tpu.memory_space<hbm>>
    %dma_start3A_2546 = tpu.memref_squeeze %dma_start3A_2545 : memref<1x32x256xf32, #tpu.memory_space<hbm>> -> memref<32x256xf32, #tpu.memory_space<hbm>>
    %dma_start3A_2547 = arith.constant 0 : i32
    %dma_start3A_2548 = tpu.memref_slice %arg6[%dma_start3A_2539, %mul3A_2, %dma_start3A_2547] : memref<25x1024x256xf32, #tpu.memory_space<hbm>> -> memref<1x32x256xf32, #tpu.memory_space<hbm>>
    %dma_start3A_2549 = tpu.memref_squeeze %dma_start3A_2548 : memref<1x32x256xf32, #tpu.memory_space<hbm>> -> memref<32x256xf32, #tpu.memory_space<hbm>>
    %dma_start3A_2550 = arith.constant 0 : i32
    %dma_start3A_2551 = arith.constant 0 : i32
    %dma_start3A_2552 = tpu.memref_slice %arg11[%dma_start3A_2538, %dma_start3A_2550, %dma_start3A_2551] : memref<4x32x256xf32, #tpu.memory_space<vmem>> -> memref<1x32x256xf32, #tpu.memory_space<vmem>>
    %dma_start3A_2553 = tpu.memref_squeeze %dma_start3A_2552 : memref<1x32x256xf32, #tpu.memory_space<vmem>> -> memref<32x256xf32, #tpu.memory_space<vmem>>
    tpu.enqueue_dma source(%dma_start3A_2553 : memref<32x256xf32, #tpu.memory_space<vmem>>) target(%dma_start3A_2549 : memref<32x256xf32, #tpu.memory_space<hbm>>) target_semaphore(%arg13 : memref<!tpu.dma_semaphore, #tpu.memory_space<semaphore_mem>>)
    %dma_wait3A_2554 = arith.constant 1 : i32
    %dma_wait3A_2555 = arith.constant 17 : i32
    %dma_wait3A_2556 = arith.constant 0 : i32
    %dma_wait3A_2557 = arith.constant 0 : i32
    %dma_wait3A_2558 = tpu.memref_slice %arg11[%dma_wait3A_2554, %dma_wait3A_2556, %dma_wait3A_2557] : memref<4x32x256xf32, #tpu.memory_space<vmem>> -> memref<1x32x256xf32, #tpu.memory_space<vmem>>
    %dma_wait3A_2559 = tpu.memref_squeeze %dma_wait3A_2558 : memref<1x32x256xf32, #tpu.memory_space<vmem>> -> memref<32x256xf32, #tpu.memory_space<vmem>>
    %dma_wait3A_2560 = arith.constant 0 : i32
    %dma_wait3A_2561 = tpu.memref_slice %arg6[%dma_wait3A_2555, %mul3A_2, %dma_wait3A_2560] : memref<25x1024x256xf32, #tpu.memory_space<hbm>> -> memref<1x32x256xf32, #tpu.memory_space<hbm>>
    %dma_wait3A_2562 = tpu.memref_squeeze %dma_wait3A_2561 : memref<1x32x256xf32, #tpu.memory_space<hbm>> -> memref<32x256xf32, #tpu.memory_space<hbm>>
    %dma_wait3A_2563 = arith.constant 0 : i32
    %dma_wait3A_2564 = tpu.memref_slice %arg6[%dma_wait3A_2555, %mul3A_2, %dma_wait3A_2563] : memref<25x1024x256xf32, #tpu.memory_space<hbm>> -> memref<1x32x256xf32, #tpu.memory_space<hbm>>
    %dma_wait3A_2565 = tpu.memref_squeeze %dma_wait3A_2564 : memref<1x32x256xf32, #tpu.memory_space<hbm>> -> memref<32x256xf32, #tpu.memory_space<hbm>>
    %dma_wait3A_2566 = arith.constant 0 : i32
    %dma_wait3A_2567 = arith.constant 0 : i32
    %dma_wait3A_2568 = tpu.memref_slice %arg11[%dma_wait3A_2554, %dma_wait3A_2566, %dma_wait3A_2567] : memref<4x32x256xf32, #tpu.memory_space<vmem>> -> memref<1x32x256xf32, #tpu.memory_space<vmem>>
    %dma_wait3A_2569 = tpu.memref_squeeze %dma_wait3A_2568 : memref<1x32x256xf32, #tpu.memory_space<vmem>> -> memref<32x256xf32, #tpu.memory_space<vmem>>
    tpu.wait_dma2 semaphore(%arg13 : memref<!tpu.dma_semaphore, #tpu.memory_space<semaphore_mem>>) src(%dma_wait3A_2569 : memref<32x256xf32, #tpu.memory_space<vmem>>) dst(%dma_wait3A_2565 : memref<32x256xf32, #tpu.memory_space<hbm>>)
    %dma_start3A_2570 = arith.constant 21 : i32
    %dma_start3A_2571 = arith.constant 1 : i32
    %dma_start3A_2572 = arith.constant 0 : i32
    %dma_start3A_2573 = arith.constant 0 : i32
    %dma_start3A_2574 = tpu.memref_slice %arg11[%dma_start3A_2571, %dma_start3A_2572, %dma_start3A_2573] : memref<4x32x256xf32, #tpu.memory_space<vmem>> -> memref<1x32x256xf32, #tpu.memory_space<vmem>>
    %dma_start3A_2575 = tpu.memref_squeeze %dma_start3A_2574 : memref<1x32x256xf32, #tpu.memory_space<vmem>> -> memref<32x256xf32, #tpu.memory_space<vmem>>
    %dma_start3A_2576 = arith.constant 0 : i32
    %dma_start3A_2577 = tpu.memref_slice %arg10[%dma_start3A_2570, %dma_start3A_2576] : memref<25x32xi32, #tpu.memory_space<vmem>> -> memref<1x32xi32, #tpu.memory_space<vmem>>
    %dma_start3A_2578 = tpu.memref_squeeze %dma_start3A_2577 : memref<1x32xi32, #tpu.memory_space<vmem>> -> memref<32xi32, #tpu.memory_space<vmem>>
    %dma_start3A_2579 = arith.constant 0 : i32
    %dma_start3A_2580 = arith.constant 0 : i32
    %dma_start3A_2581 = tpu.memref_slice %arg5[%dma_start3A_2579, %dma_start3A_2580] : memref<65536x256xf32, #tpu.memory_space<hbm>> -> memref<65536x256xf32, #tpu.memory_space<hbm>>
    tpu.enqueue_indirect_dma source(%dma_start3A_2581 : memref<65536x256xf32, #tpu.memory_space<hbm>>) target(%dma_start3A_2575 : memref<32x256xf32, #tpu.memory_space<vmem>>) offsets(%dma_start3A_2578 : memref<32xi32, #tpu.memory_space<vmem>>) semaphore(%arg12 : memref<!tpu.dma_semaphore, #tpu.memory_space<semaphore_mem>>)
    %dma_wait3A_2582 = arith.constant 20 : i32
    %dma_wait3A_2583 = arith.constant 0 : i32
    %dma_wait3A_2584 = arith.constant 0 : i32
    %dma_wait3A_2585 = arith.constant 0 : i32
    %dma_wait3A_2586 = tpu.memref_slice %arg11[%dma_wait3A_2583, %dma_wait3A_2584, %dma_wait3A_2585] : memref<4x32x256xf32, #tpu.memory_space<vmem>> -> memref<1x32x256xf32, #tpu.memory_space<vmem>>
    %dma_wait3A_2587 = tpu.memref_squeeze %dma_wait3A_2586 : memref<1x32x256xf32, #tpu.memory_space<vmem>> -> memref<32x256xf32, #tpu.memory_space<vmem>>
    %dma_wait3A_2588 = arith.constant 0 : i32
    %dma_wait3A_2589 = tpu.memref_slice %arg10[%dma_wait3A_2582, %dma_wait3A_2588] : memref<25x32xi32, #tpu.memory_space<vmem>> -> memref<1x32xi32, #tpu.memory_space<vmem>>
    %dma_wait3A_2590 = tpu.memref_squeeze %dma_wait3A_2589 : memref<1x32xi32, #tpu.memory_space<vmem>> -> memref<32xi32, #tpu.memory_space<vmem>>
    %dma_wait3A_2591 = arith.constant 0 : i32
    %dma_wait3A_2592 = arith.constant 0 : i32
    %dma_wait3A_2593 = tpu.memref_slice %arg5[%dma_wait3A_2591, %dma_wait3A_2592] : memref<65536x256xf32, #tpu.memory_space<hbm>> -> memref<65536x256xf32, #tpu.memory_space<hbm>>
    tpu.wait_indirect_dma semaphore(%arg12 : memref<!tpu.dma_semaphore, #tpu.memory_space<semaphore_mem>>) src(%dma_wait3A_2593 : memref<65536x256xf32, #tpu.memory_space<hbm>>) dst(%dma_wait3A_2587 : memref<32x256xf32, #tpu.memory_space<vmem>>)
    %dma_start3A_2594 = arith.constant 0 : i32
    %dma_start3A_2595 = arith.constant 20 : i32
    %dma_start3A_2596 = arith.constant 0 : i32
    %dma_start3A_2597 = arith.constant 0 : i32
    %dma_start3A_2598 = tpu.memref_slice %arg11[%dma_start3A_2594, %dma_start3A_2596, %dma_start3A_2597] : memref<4x32x256xf32, #tpu.memory_space<vmem>> -> memref<1x32x256xf32, #tpu.memory_space<vmem>>
    %dma_start3A_2599 = tpu.memref_squeeze %dma_start3A_2598 : memref<1x32x256xf32, #tpu.memory_space<vmem>> -> memref<32x256xf32, #tpu.memory_space<vmem>>
    %dma_start3A_2600 = arith.constant 0 : i32
    %dma_start3A_2601 = tpu.memref_slice %arg6[%dma_start3A_2595, %mul3A_2, %dma_start3A_2600] : memref<25x1024x256xf32, #tpu.memory_space<hbm>> -> memref<1x32x256xf32, #tpu.memory_space<hbm>>
    %dma_start3A_2602 = tpu.memref_squeeze %dma_start3A_2601 : memref<1x32x256xf32, #tpu.memory_space<hbm>> -> memref<32x256xf32, #tpu.memory_space<hbm>>
    %dma_start3A_2603 = arith.constant 0 : i32
    %dma_start3A_2604 = tpu.memref_slice %arg6[%dma_start3A_2595, %mul3A_2, %dma_start3A_2603] : memref<25x1024x256xf32, #tpu.memory_space<hbm>> -> memref<1x32x256xf32, #tpu.memory_space<hbm>>
    %dma_start3A_2605 = tpu.memref_squeeze %dma_start3A_2604 : memref<1x32x256xf32, #tpu.memory_space<hbm>> -> memref<32x256xf32, #tpu.memory_space<hbm>>
    %dma_start3A_2606 = arith.constant 0 : i32
    %dma_start3A_2607 = arith.constant 0 : i32
    %dma_start3A_2608 = tpu.memref_slice %arg11[%dma_start3A_2594, %dma_start3A_2606, %dma_start3A_2607] : memref<4x32x256xf32, #tpu.memory_space<vmem>> -> memref<1x32x256xf32, #tpu.memory_space<vmem>>
    %dma_start3A_2609 = tpu.memref_squeeze %dma_start3A_2608 : memref<1x32x256xf32, #tpu.memory_space<vmem>> -> memref<32x256xf32, #tpu.memory_space<vmem>>
    tpu.enqueue_dma source(%dma_start3A_2609 : memref<32x256xf32, #tpu.memory_space<vmem>>) target(%dma_start3A_2605 : memref<32x256xf32, #tpu.memory_space<hbm>>) target_semaphore(%arg13 : memref<!tpu.dma_semaphore, #tpu.memory_space<semaphore_mem>>)
    %dma_wait3A_2610 = arith.constant 2 : i32
    %dma_wait3A_2611 = arith.constant 18 : i32
    %dma_wait3A_2612 = arith.constant 0 : i32
    %dma_wait3A_2613 = arith.constant 0 : i32
    %dma_wait3A_2614 = tpu.memref_slice %arg11[%dma_wait3A_2610, %dma_wait3A_2612, %dma_wait3A_2613] : memref<4x32x256xf32, #tpu.memory_space<vmem>> -> memref<1x32x256xf32, #tpu.memory_space<vmem>>
    %dma_wait3A_2615 = tpu.memref_squeeze %dma_wait3A_2614 : memref<1x32x256xf32, #tpu.memory_space<vmem>> -> memref<32x256xf32, #tpu.memory_space<vmem>>
    %dma_wait3A_2616 = arith.constant 0 : i32
    %dma_wait3A_2617 = tpu.memref_slice %arg6[%dma_wait3A_2611, %mul3A_2, %dma_wait3A_2616] : memref<25x1024x256xf32, #tpu.memory_space<hbm>> -> memref<1x32x256xf32, #tpu.memory_space<hbm>>
    %dma_wait3A_2618 = tpu.memref_squeeze %dma_wait3A_2617 : memref<1x32x256xf32, #tpu.memory_space<hbm>> -> memref<32x256xf32, #tpu.memory_space<hbm>>
    %dma_wait3A_2619 = arith.constant 0 : i32
    %dma_wait3A_2620 = tpu.memref_slice %arg6[%dma_wait3A_2611, %mul3A_2, %dma_wait3A_2619] : memref<25x1024x256xf32, #tpu.memory_space<hbm>> -> memref<1x32x256xf32, #tpu.memory_space<hbm>>
    %dma_wait3A_2621 = tpu.memref_squeeze %dma_wait3A_2620 : memref<1x32x256xf32, #tpu.memory_space<hbm>> -> memref<32x256xf32, #tpu.memory_space<hbm>>
    %dma_wait3A_2622 = arith.constant 0 : i32
    %dma_wait3A_2623 = arith.constant 0 : i32
    %dma_wait3A_2624 = tpu.memref_slice %arg11[%dma_wait3A_2610, %dma_wait3A_2622, %dma_wait3A_2623] : memref<4x32x256xf32, #tpu.memory_space<vmem>> -> memref<1x32x256xf32, #tpu.memory_space<vmem>>
    %dma_wait3A_2625 = tpu.memref_squeeze %dma_wait3A_2624 : memref<1x32x256xf32, #tpu.memory_space<vmem>> -> memref<32x256xf32, #tpu.memory_space<vmem>>
    tpu.wait_dma2 semaphore(%arg13 : memref<!tpu.dma_semaphore, #tpu.memory_space<semaphore_mem>>) src(%dma_wait3A_2625 : memref<32x256xf32, #tpu.memory_space<vmem>>) dst(%dma_wait3A_2621 : memref<32x256xf32, #tpu.memory_space<hbm>>)
    %dma_start3A_2626 = arith.constant 22 : i32
    %dma_start3A_2627 = arith.constant 2 : i32
    %dma_start3A_2628 = arith.constant 0 : i32
    %dma_start3A_2629 = arith.constant 0 : i32
    %dma_start3A_2630 = tpu.memref_slice %arg11[%dma_start3A_2627, %dma_start3A_2628, %dma_start3A_2629] : memref<4x32x256xf32, #tpu.memory_space<vmem>> -> memref<1x32x256xf32, #tpu.memory_space<vmem>>
    %dma_start3A_2631 = tpu.memref_squeeze %dma_start3A_2630 : memref<1x32x256xf32, #tpu.memory_space<vmem>> -> memref<32x256xf32, #tpu.memory_space<vmem>>
    %dma_start3A_2632 = arith.constant 0 : i32
    %dma_start3A_2633 = tpu.memref_slice %arg10[%dma_start3A_2626, %dma_start3A_2632] : memref<25x32xi32, #tpu.memory_space<vmem>> -> memref<1x32xi32, #tpu.memory_space<vmem>>
    %dma_start3A_2634 = tpu.memref_squeeze %dma_start3A_2633 : memref<1x32xi32, #tpu.memory_space<vmem>> -> memref<32xi32, #tpu.memory_space<vmem>>
    %dma_start3A_2635 = arith.constant 0 : i32
    %dma_start3A_2636 = arith.constant 0 : i32
    %dma_start3A_2637 = tpu.memref_slice %arg5[%dma_start3A_2635, %dma_start3A_2636] : memref<65536x256xf32, #tpu.memory_space<hbm>> -> memref<65536x256xf32, #tpu.memory_space<hbm>>
    tpu.enqueue_indirect_dma source(%dma_start3A_2637 : memref<65536x256xf32, #tpu.memory_space<hbm>>) target(%dma_start3A_2631 : memref<32x256xf32, #tpu.memory_space<vmem>>) offsets(%dma_start3A_2634 : memref<32xi32, #tpu.memory_space<vmem>>) semaphore(%arg12 : memref<!tpu.dma_semaphore, #tpu.memory_space<semaphore_mem>>)
    %dma_wait3A_2638 = arith.constant 21 : i32
    %dma_wait3A_2639 = arith.constant 1 : i32
    %dma_wait3A_2640 = arith.constant 0 : i32
    %dma_wait3A_2641 = arith.constant 0 : i32
    %dma_wait3A_2642 = tpu.memref_slice %arg11[%dma_wait3A_2639, %dma_wait3A_2640, %dma_wait3A_2641] : memref<4x32x256xf32, #tpu.memory_space<vmem>> -> memref<1x32x256xf32, #tpu.memory_space<vmem>>
    %dma_wait3A_2643 = tpu.memref_squeeze %dma_wait3A_2642 : memref<1x32x256xf32, #tpu.memory_space<vmem>> -> memref<32x256xf32, #tpu.memory_space<vmem>>
    %dma_wait3A_2644 = arith.constant 0 : i32
    %dma_wait3A_2645 = tpu.memref_slice %arg10[%dma_wait3A_2638, %dma_wait3A_2644] : memref<25x32xi32, #tpu.memory_space<vmem>> -> memref<1x32xi32, #tpu.memory_space<vmem>>
    %dma_wait3A_2646 = tpu.memref_squeeze %dma_wait3A_2645 : memref<1x32xi32, #tpu.memory_space<vmem>> -> memref<32xi32, #tpu.memory_space<vmem>>
    %dma_wait3A_2647 = arith.constant 0 : i32
    %dma_wait3A_2648 = arith.constant 0 : i32
    %dma_wait3A_2649 = tpu.memref_slice %arg5[%dma_wait3A_2647, %dma_wait3A_2648] : memref<65536x256xf32, #tpu.memory_space<hbm>> -> memref<65536x256xf32, #tpu.memory_space<hbm>>
    tpu.wait_indirect_dma semaphore(%arg12 : memref<!tpu.dma_semaphore, #tpu.memory_space<semaphore_mem>>) src(%dma_wait3A_2649 : memref<65536x256xf32, #tpu.memory_space<hbm>>) dst(%dma_wait3A_2643 : memref<32x256xf32, #tpu.memory_space<vmem>>)
    %dma_start3A_2650 = arith.constant 1 : i32
    %dma_start3A_2651 = arith.constant 21 : i32
    %dma_start3A_2652 = arith.constant 0 : i32
    %dma_start3A_2653 = arith.constant 0 : i32
    %dma_start3A_2654 = tpu.memref_slice %arg11[%dma_start3A_2650, %dma_start3A_2652, %dma_start3A_2653] : memref<4x32x256xf32, #tpu.memory_space<vmem>> -> memref<1x32x256xf32, #tpu.memory_space<vmem>>
    %dma_start3A_2655 = tpu.memref_squeeze %dma_start3A_2654 : memref<1x32x256xf32, #tpu.memory_space<vmem>> -> memref<32x256xf32, #tpu.memory_space<vmem>>
    %dma_start3A_2656 = arith.constant 0 : i32
    %dma_start3A_2657 = tpu.memref_slice %arg6[%dma_start3A_2651, %mul3A_2, %dma_start3A_2656] : memref<25x1024x256xf32, #tpu.memory_space<hbm>> -> memref<1x32x256xf32, #tpu.memory_space<hbm>>
    %dma_start3A_2658 = tpu.memref_squeeze %dma_start3A_2657 : memref<1x32x256xf32, #tpu.memory_space<hbm>> -> memref<32x256xf32, #tpu.memory_space<hbm>>
    %dma_start3A_2659 = arith.constant 0 : i32
    %dma_start3A_2660 = tpu.memref_slice %arg6[%dma_start3A_2651, %mul3A_2, %dma_start3A_2659] : memref<25x1024x256xf32, #tpu.memory_space<hbm>> -> memref<1x32x256xf32, #tpu.memory_space<hbm>>
    %dma_start3A_2661 = tpu.memref_squeeze %dma_start3A_2660 : memref<1x32x256xf32, #tpu.memory_space<hbm>> -> memref<32x256xf32, #tpu.memory_space<hbm>>
    %dma_start3A_2662 = arith.constant 0 : i32
    %dma_start3A_2663 = arith.constant 0 : i32
    %dma_start3A_2664 = tpu.memref_slice %arg11[%dma_start3A_2650, %dma_start3A_2662, %dma_start3A_2663] : memref<4x32x256xf32, #tpu.memory_space<vmem>> -> memref<1x32x256xf32, #tpu.memory_space<vmem>>
    %dma_start3A_2665 = tpu.memref_squeeze %dma_start3A_2664 : memref<1x32x256xf32, #tpu.memory_space<vmem>> -> memref<32x256xf32, #tpu.memory_space<vmem>>
    tpu.enqueue_dma source(%dma_start3A_2665 : memref<32x256xf32, #tpu.memory_space<vmem>>) target(%dma_start3A_2661 : memref<32x256xf32, #tpu.memory_space<hbm>>) target_semaphore(%arg13 : memref<!tpu.dma_semaphore, #tpu.memory_space<semaphore_mem>>)
    %dma_wait3A_2666 = arith.constant 3 : i32
    %dma_wait3A_2667 = arith.constant 19 : i32
    %dma_wait3A_2668 = arith.constant 0 : i32
    %dma_wait3A_2669 = arith.constant 0 : i32
    %dma_wait3A_2670 = tpu.memref_slice %arg11[%dma_wait3A_2666, %dma_wait3A_2668, %dma_wait3A_2669] : memref<4x32x256xf32, #tpu.memory_space<vmem>> -> memref<1x32x256xf32, #tpu.memory_space<vmem>>
    %dma_wait3A_2671 = tpu.memref_squeeze %dma_wait3A_2670 : memref<1x32x256xf32, #tpu.memory_space<vmem>> -> memref<32x256xf32, #tpu.memory_space<vmem>>
    %dma_wait3A_2672 = arith.constant 0 : i32
    %dma_wait3A_2673 = tpu.memref_slice %arg6[%dma_wait3A_2667, %mul3A_2, %dma_wait3A_2672] : memref<25x1024x256xf32, #tpu.memory_space<hbm>> -> memref<1x32x256xf32, #tpu.memory_space<hbm>>
    %dma_wait3A_2674 = tpu.memref_squeeze %dma_wait3A_2673 : memref<1x32x256xf32, #tpu.memory_space<hbm>> -> memref<32x256xf32, #tpu.memory_space<hbm>>
    %dma_wait3A_2675 = arith.constant 0 : i32
    %dma_wait3A_2676 = tpu.memref_slice %arg6[%dma_wait3A_2667, %mul3A_2, %dma_wait3A_2675] : memref<25x1024x256xf32, #tpu.memory_space<hbm>> -> memref<1x32x256xf32, #tpu.memory_space<hbm>>
    %dma_wait3A_2677 = tpu.memref_squeeze %dma_wait3A_2676 : memref<1x32x256xf32, #tpu.memory_space<hbm>> -> memref<32x256xf32, #tpu.memory_space<hbm>>
    %dma_wait3A_2678 = arith.constant 0 : i32
    %dma_wait3A_2679 = arith.constant 0 : i32
    %dma_wait3A_2680 = tpu.memref_slice %arg11[%dma_wait3A_2666, %dma_wait3A_2678, %dma_wait3A_2679] : memref<4x32x256xf32, #tpu.memory_space<vmem>> -> memref<1x32x256xf32, #tpu.memory_space<vmem>>
    %dma_wait3A_2681 = tpu.memref_squeeze %dma_wait3A_2680 : memref<1x32x256xf32, #tpu.memory_space<vmem>> -> memref<32x256xf32, #tpu.memory_space<vmem>>
    tpu.wait_dma2 semaphore(%arg13 : memref<!tpu.dma_semaphore, #tpu.memory_space<semaphore_mem>>) src(%dma_wait3A_2681 : memref<32x256xf32, #tpu.memory_space<vmem>>) dst(%dma_wait3A_2677 : memref<32x256xf32, #tpu.memory_space<hbm>>)
    %dma_start3A_2682 = arith.constant 23 : i32
    %dma_start3A_2683 = arith.constant 3 : i32
    %dma_start3A_2684 = arith.constant 0 : i32
    %dma_start3A_2685 = arith.constant 0 : i32
    %dma_start3A_2686 = tpu.memref_slice %arg11[%dma_start3A_2683, %dma_start3A_2684, %dma_start3A_2685] : memref<4x32x256xf32, #tpu.memory_space<vmem>> -> memref<1x32x256xf32, #tpu.memory_space<vmem>>
    %dma_start3A_2687 = tpu.memref_squeeze %dma_start3A_2686 : memref<1x32x256xf32, #tpu.memory_space<vmem>> -> memref<32x256xf32, #tpu.memory_space<vmem>>
    %dma_start3A_2688 = arith.constant 0 : i32
    %dma_start3A_2689 = tpu.memref_slice %arg10[%dma_start3A_2682, %dma_start3A_2688] : memref<25x32xi32, #tpu.memory_space<vmem>> -> memref<1x32xi32, #tpu.memory_space<vmem>>
    %dma_start3A_2690 = tpu.memref_squeeze %dma_start3A_2689 : memref<1x32xi32, #tpu.memory_space<vmem>> -> memref<32xi32, #tpu.memory_space<vmem>>
    %dma_start3A_2691 = arith.constant 0 : i32
    %dma_start3A_2692 = arith.constant 0 : i32
    %dma_start3A_2693 = tpu.memref_slice %arg5[%dma_start3A_2691, %dma_start3A_2692] : memref<65536x256xf32, #tpu.memory_space<hbm>> -> memref<65536x256xf32, #tpu.memory_space<hbm>>
    tpu.enqueue_indirect_dma source(%dma_start3A_2693 : memref<65536x256xf32, #tpu.memory_space<hbm>>) target(%dma_start3A_2687 : memref<32x256xf32, #tpu.memory_space<vmem>>) offsets(%dma_start3A_2690 : memref<32xi32, #tpu.memory_space<vmem>>) semaphore(%arg12 : memref<!tpu.dma_semaphore, #tpu.memory_space<semaphore_mem>>)
    %dma_wait3A_2694 = arith.constant 22 : i32
    %dma_wait3A_2695 = arith.constant 2 : i32
    %dma_wait3A_2696 = arith.constant 0 : i32
    %dma_wait3A_2697 = arith.constant 0 : i32
    %dma_wait3A_2698 = tpu.memref_slice %arg11[%dma_wait3A_2695, %dma_wait3A_2696, %dma_wait3A_2697] : memref<4x32x256xf32, #tpu.memory_space<vmem>> -> memref<1x32x256xf32, #tpu.memory_space<vmem>>
    %dma_wait3A_2699 = tpu.memref_squeeze %dma_wait3A_2698 : memref<1x32x256xf32, #tpu.memory_space<vmem>> -> memref<32x256xf32, #tpu.memory_space<vmem>>
    %dma_wait3A_2700 = arith.constant 0 : i32
    %dma_wait3A_2701 = tpu.memref_slice %arg10[%dma_wait3A_2694, %dma_wait3A_2700] : memref<25x32xi32, #tpu.memory_space<vmem>> -> memref<1x32xi32, #tpu.memory_space<vmem>>
    %dma_wait3A_2702 = tpu.memref_squeeze %dma_wait3A_2701 : memref<1x32xi32, #tpu.memory_space<vmem>> -> memref<32xi32, #tpu.memory_space<vmem>>
    %dma_wait3A_2703 = arith.constant 0 : i32
    %dma_wait3A_2704 = arith.constant 0 : i32
    %dma_wait3A_2705 = tpu.memref_slice %arg5[%dma_wait3A_2703, %dma_wait3A_2704] : memref<65536x256xf32, #tpu.memory_space<hbm>> -> memref<65536x256xf32, #tpu.memory_space<hbm>>
    tpu.wait_indirect_dma semaphore(%arg12 : memref<!tpu.dma_semaphore, #tpu.memory_space<semaphore_mem>>) src(%dma_wait3A_2705 : memref<65536x256xf32, #tpu.memory_space<hbm>>) dst(%dma_wait3A_2699 : memref<32x256xf32, #tpu.memory_space<vmem>>)
    %dma_start3A_2706 = arith.constant 2 : i32
    %dma_start3A_2707 = arith.constant 22 : i32
    %dma_start3A_2708 = arith.constant 0 : i32
    %dma_start3A_2709 = arith.constant 0 : i32
    %dma_start3A_2710 = tpu.memref_slice %arg11[%dma_start3A_2706, %dma_start3A_2708, %dma_start3A_2709] : memref<4x32x256xf32, #tpu.memory_space<vmem>> -> memref<1x32x256xf32, #tpu.memory_space<vmem>>
    %dma_start3A_2711 = tpu.memref_squeeze %dma_start3A_2710 : memref<1x32x256xf32, #tpu.memory_space<vmem>> -> memref<32x256xf32, #tpu.memory_space<vmem>>
    %dma_start3A_2712 = arith.constant 0 : i32
    %dma_start3A_2713 = tpu.memref_slice %arg6[%dma_start3A_2707, %mul3A_2, %dma_start3A_2712] : memref<25x1024x256xf32, #tpu.memory_space<hbm>> -> memref<1x32x256xf32, #tpu.memory_space<hbm>>
    %dma_start3A_2714 = tpu.memref_squeeze %dma_start3A_2713 : memref<1x32x256xf32, #tpu.memory_space<hbm>> -> memref<32x256xf32, #tpu.memory_space<hbm>>
    %dma_start3A_2715 = arith.constant 0 : i32
    %dma_start3A_2716 = tpu.memref_slice %arg6[%dma_start3A_2707, %mul3A_2, %dma_start3A_2715] : memref<25x1024x256xf32, #tpu.memory_space<hbm>> -> memref<1x32x256xf32, #tpu.memory_space<hbm>>
    %dma_start3A_2717 = tpu.memref_squeeze %dma_start3A_2716 : memref<1x32x256xf32, #tpu.memory_space<hbm>> -> memref<32x256xf32, #tpu.memory_space<hbm>>
    %dma_start3A_2718 = arith.constant 0 : i32
    %dma_start3A_2719 = arith.constant 0 : i32
    %dma_start3A_2720 = tpu.memref_slice %arg11[%dma_start3A_2706, %dma_start3A_2718, %dma_start3A_2719] : memref<4x32x256xf32, #tpu.memory_space<vmem>> -> memref<1x32x256xf32, #tpu.memory_space<vmem>>
    %dma_start3A_2721 = tpu.memref_squeeze %dma_start3A_2720 : memref<1x32x256xf32, #tpu.memory_space<vmem>> -> memref<32x256xf32, #tpu.memory_space<vmem>>
    tpu.enqueue_dma source(%dma_start3A_2721 : memref<32x256xf32, #tpu.memory_space<vmem>>) target(%dma_start3A_2717 : memref<32x256xf32, #tpu.memory_space<hbm>>) target_semaphore(%arg13 : memref<!tpu.dma_semaphore, #tpu.memory_space<semaphore_mem>>)
    %dma_wait3A_2722 = arith.constant 0 : i32
    %dma_wait3A_2723 = arith.constant 20 : i32
    %dma_wait3A_2724 = arith.constant 0 : i32
    %dma_wait3A_2725 = arith.constant 0 : i32
    %dma_wait3A_2726 = tpu.memref_slice %arg11[%dma_wait3A_2722, %dma_wait3A_2724, %dma_wait3A_2725] : memref<4x32x256xf32, #tpu.memory_space<vmem>> -> memref<1x32x256xf32, #tpu.memory_space<vmem>>
    %dma_wait3A_2727 = tpu.memref_squeeze %dma_wait3A_2726 : memref<1x32x256xf32, #tpu.memory_space<vmem>> -> memref<32x256xf32, #tpu.memory_space<vmem>>
    %dma_wait3A_2728 = arith.constant 0 : i32
    %dma_wait3A_2729 = tpu.memref_slice %arg6[%dma_wait3A_2723, %mul3A_2, %dma_wait3A_2728] : memref<25x1024x256xf32, #tpu.memory_space<hbm>> -> memref<1x32x256xf32, #tpu.memory_space<hbm>>
    %dma_wait3A_2730 = tpu.memref_squeeze %dma_wait3A_2729 : memref<1x32x256xf32, #tpu.memory_space<hbm>> -> memref<32x256xf32, #tpu.memory_space<hbm>>
    %dma_wait3A_2731 = arith.constant 0 : i32
    %dma_wait3A_2732 = tpu.memref_slice %arg6[%dma_wait3A_2723, %mul3A_2, %dma_wait3A_2731] : memref<25x1024x256xf32, #tpu.memory_space<hbm>> -> memref<1x32x256xf32, #tpu.memory_space<hbm>>
    %dma_wait3A_2733 = tpu.memref_squeeze %dma_wait3A_2732 : memref<1x32x256xf32, #tpu.memory_space<hbm>> -> memref<32x256xf32, #tpu.memory_space<hbm>>
    %dma_wait3A_2734 = arith.constant 0 : i32
    %dma_wait3A_2735 = arith.constant 0 : i32
    %dma_wait3A_2736 = tpu.memref_slice %arg11[%dma_wait3A_2722, %dma_wait3A_2734, %dma_wait3A_2735] : memref<4x32x256xf32, #tpu.memory_space<vmem>> -> memref<1x32x256xf32, #tpu.memory_space<vmem>>
    %dma_wait3A_2737 = tpu.memref_squeeze %dma_wait3A_2736 : memref<1x32x256xf32, #tpu.memory_space<vmem>> -> memref<32x256xf32, #tpu.memory_space<vmem>>
    tpu.wait_dma2 semaphore(%arg13 : memref<!tpu.dma_semaphore, #tpu.memory_space<semaphore_mem>>) src(%dma_wait3A_2737 : memref<32x256xf32, #tpu.memory_space<vmem>>) dst(%dma_wait3A_2733 : memref<32x256xf32, #tpu.memory_space<hbm>>)
    %dma_start3A_2738 = arith.constant 24 : i32
    %dma_start3A_2739 = arith.constant 0 : i32
    %dma_start3A_2740 = arith.constant 0 : i32
    %dma_start3A_2741 = arith.constant 0 : i32
    %dma_start3A_2742 = tpu.memref_slice %arg11[%dma_start3A_2739, %dma_start3A_2740, %dma_start3A_2741] : memref<4x32x256xf32, #tpu.memory_space<vmem>> -> memref<1x32x256xf32, #tpu.memory_space<vmem>>
    %dma_start3A_2743 = tpu.memref_squeeze %dma_start3A_2742 : memref<1x32x256xf32, #tpu.memory_space<vmem>> -> memref<32x256xf32, #tpu.memory_space<vmem>>
    %dma_start3A_2744 = arith.constant 0 : i32
    %dma_start3A_2745 = tpu.memref_slice %arg10[%dma_start3A_2738, %dma_start3A_2744] : memref<25x32xi32, #tpu.memory_space<vmem>> -> memref<1x32xi32, #tpu.memory_space<vmem>>
    %dma_start3A_2746 = tpu.memref_squeeze %dma_start3A_2745 : memref<1x32xi32, #tpu.memory_space<vmem>> -> memref<32xi32, #tpu.memory_space<vmem>>
    %dma_start3A_2747 = arith.constant 0 : i32
    %dma_start3A_2748 = arith.constant 0 : i32
    %dma_start3A_2749 = tpu.memref_slice %arg5[%dma_start3A_2747, %dma_start3A_2748] : memref<65536x256xf32, #tpu.memory_space<hbm>> -> memref<65536x256xf32, #tpu.memory_space<hbm>>
    tpu.enqueue_indirect_dma source(%dma_start3A_2749 : memref<65536x256xf32, #tpu.memory_space<hbm>>) target(%dma_start3A_2743 : memref<32x256xf32, #tpu.memory_space<vmem>>) offsets(%dma_start3A_2746 : memref<32xi32, #tpu.memory_space<vmem>>) semaphore(%arg12 : memref<!tpu.dma_semaphore, #tpu.memory_space<semaphore_mem>>)
    %dma_wait3A_2750 = arith.constant 23 : i32
    %dma_wait3A_2751 = arith.constant 3 : i32
    %dma_wait3A_2752 = arith.constant 0 : i32
    %dma_wait3A_2753 = arith.constant 0 : i32
    %dma_wait3A_2754 = tpu.memref_slice %arg11[%dma_wait3A_2751, %dma_wait3A_2752, %dma_wait3A_2753] : memref<4x32x256xf32, #tpu.memory_space<vmem>> -> memref<1x32x256xf32, #tpu.memory_space<vmem>>
    %dma_wait3A_2755 = tpu.memref_squeeze %dma_wait3A_2754 : memref<1x32x256xf32, #tpu.memory_space<vmem>> -> memref<32x256xf32, #tpu.memory_space<vmem>>
    %dma_wait3A_2756 = arith.constant 0 : i32
    %dma_wait3A_2757 = tpu.memref_slice %arg10[%dma_wait3A_2750, %dma_wait3A_2756] : memref<25x32xi32, #tpu.memory_space<vmem>> -> memref<1x32xi32, #tpu.memory_space<vmem>>
    %dma_wait3A_2758 = tpu.memref_squeeze %dma_wait3A_2757 : memref<1x32xi32, #tpu.memory_space<vmem>> -> memref<32xi32, #tpu.memory_space<vmem>>
    %dma_wait3A_2759 = arith.constant 0 : i32
    %dma_wait3A_2760 = arith.constant 0 : i32
    %dma_wait3A_2761 = tpu.memref_slice %arg5[%dma_wait3A_2759, %dma_wait3A_2760] : memref<65536x256xf32, #tpu.memory_space<hbm>> -> memref<65536x256xf32, #tpu.memory_space<hbm>>
    tpu.wait_indirect_dma semaphore(%arg12 : memref<!tpu.dma_semaphore, #tpu.memory_space<semaphore_mem>>) src(%dma_wait3A_2761 : memref<65536x256xf32, #tpu.memory_space<hbm>>) dst(%dma_wait3A_2755 : memref<32x256xf32, #tpu.memory_space<vmem>>)
    %dma_start3A_2762 = arith.constant 3 : i32
    %dma_start3A_2763 = arith.constant 23 : i32
    %dma_start3A_2764 = arith.constant 0 : i32
    %dma_start3A_2765 = arith.constant 0 : i32
    %dma_start3A_2766 = tpu.memref_slice %arg11[%dma_start3A_2762, %dma_start3A_2764, %dma_start3A_2765] : memref<4x32x256xf32, #tpu.memory_space<vmem>> -> memref<1x32x256xf32, #tpu.memory_space<vmem>>
    %dma_start3A_2767 = tpu.memref_squeeze %dma_start3A_2766 : memref<1x32x256xf32, #tpu.memory_space<vmem>> -> memref<32x256xf32, #tpu.memory_space<vmem>>
    %dma_start3A_2768 = arith.constant 0 : i32
    %dma_start3A_2769 = tpu.memref_slice %arg6[%dma_start3A_2763, %mul3A_2, %dma_start3A_2768] : memref<25x1024x256xf32, #tpu.memory_space<hbm>> -> memref<1x32x256xf32, #tpu.memory_space<hbm>>
    %dma_start3A_2770 = tpu.memref_squeeze %dma_start3A_2769 : memref<1x32x256xf32, #tpu.memory_space<hbm>> -> memref<32x256xf32, #tpu.memory_space<hbm>>
    %dma_start3A_2771 = arith.constant 0 : i32
    %dma_start3A_2772 = tpu.memref_slice %arg6[%dma_start3A_2763, %mul3A_2, %dma_start3A_2771] : memref<25x1024x256xf32, #tpu.memory_space<hbm>> -> memref<1x32x256xf32, #tpu.memory_space<hbm>>
    %dma_start3A_2773 = tpu.memref_squeeze %dma_start3A_2772 : memref<1x32x256xf32, #tpu.memory_space<hbm>> -> memref<32x256xf32, #tpu.memory_space<hbm>>
    %dma_start3A_2774 = arith.constant 0 : i32
    %dma_start3A_2775 = arith.constant 0 : i32
    %dma_start3A_2776 = tpu.memref_slice %arg11[%dma_start3A_2762, %dma_start3A_2774, %dma_start3A_2775] : memref<4x32x256xf32, #tpu.memory_space<vmem>> -> memref<1x32x256xf32, #tpu.memory_space<vmem>>
    %dma_start3A_2777 = tpu.memref_squeeze %dma_start3A_2776 : memref<1x32x256xf32, #tpu.memory_space<vmem>> -> memref<32x256xf32, #tpu.memory_space<vmem>>
    tpu.enqueue_dma source(%dma_start3A_2777 : memref<32x256xf32, #tpu.memory_space<vmem>>) target(%dma_start3A_2773 : memref<32x256xf32, #tpu.memory_space<hbm>>) target_semaphore(%arg13 : memref<!tpu.dma_semaphore, #tpu.memory_space<semaphore_mem>>)
    %dma_wait3A_2778 = arith.constant 24 : i32
    %dma_wait3A_2779 = arith.constant 0 : i32
    %dma_wait3A_2780 = arith.constant 0 : i32
    %dma_wait3A_2781 = arith.constant 0 : i32
    %dma_wait3A_2782 = tpu.memref_slice %arg11[%dma_wait3A_2779, %dma_wait3A_2780, %dma_wait3A_2781] : memref<4x32x256xf32, #tpu.memory_space<vmem>> -> memref<1x32x256xf32, #tpu.memory_space<vmem>>
    %dma_wait3A_2783 = tpu.memref_squeeze %dma_wait3A_2782 : memref<1x32x256xf32, #tpu.memory_space<vmem>> -> memref<32x256xf32, #tpu.memory_space<vmem>>
    %dma_wait3A_2784 = arith.constant 0 : i32
    %dma_wait3A_2785 = tpu.memref_slice %arg10[%dma_wait3A_2778, %dma_wait3A_2784] : memref<25x32xi32, #tpu.memory_space<vmem>> -> memref<1x32xi32, #tpu.memory_space<vmem>>
    %dma_wait3A_2786 = tpu.memref_squeeze %dma_wait3A_2785 : memref<1x32xi32, #tpu.memory_space<vmem>> -> memref<32xi32, #tpu.memory_space<vmem>>
    %dma_wait3A_2787 = arith.constant 0 : i32
    %dma_wait3A_2788 = arith.constant 0 : i32
    %dma_wait3A_2789 = tpu.memref_slice %arg5[%dma_wait3A_2787, %dma_wait3A_2788] : memref<65536x256xf32, #tpu.memory_space<hbm>> -> memref<65536x256xf32, #tpu.memory_space<hbm>>
    tpu.wait_indirect_dma semaphore(%arg12 : memref<!tpu.dma_semaphore, #tpu.memory_space<semaphore_mem>>) src(%dma_wait3A_2789 : memref<65536x256xf32, #tpu.memory_space<hbm>>) dst(%dma_wait3A_2783 : memref<32x256xf32, #tpu.memory_space<vmem>>)
    %dma_start3A_2790 = arith.constant 0 : i32
    %dma_start3A_2791 = arith.constant 24 : i32
    %dma_start3A_2792 = arith.constant 0 : i32
    %dma_start3A_2793 = arith.constant 0 : i32
    %dma_start3A_2794 = tpu.memref_slice %arg11[%dma_start3A_2790, %dma_start3A_2792, %dma_start3A_2793] : memref<4x32x256xf32, #tpu.memory_space<vmem>> -> memref<1x32x256xf32, #tpu.memory_space<vmem>>
    %dma_start3A_2795 = tpu.memref_squeeze %dma_start3A_2794 : memref<1x32x256xf32, #tpu.memory_space<vmem>> -> memref<32x256xf32, #tpu.memory_space<vmem>>
    %dma_start3A_2796 = arith.constant 0 : i32
    %dma_start3A_2797 = tpu.memref_slice %arg6[%dma_start3A_2791, %mul3A_2, %dma_start3A_2796] : memref<25x1024x256xf32, #tpu.memory_space<hbm>> -> memref<1x32x256xf32, #tpu.memory_space<hbm>>
    %dma_start3A_2798 = tpu.memref_squeeze %dma_start3A_2797 : memref<1x32x256xf32, #tpu.memory_space<hbm>> -> memref<32x256xf32, #tpu.memory_space<hbm>>
    %dma_start3A_2799 = arith.constant 0 : i32
    %dma_start3A_2800 = tpu.memref_slice %arg6[%dma_start3A_2791, %mul3A_2, %dma_start3A_2799] : memref<25x1024x256xf32, #tpu.memory_space<hbm>> -> memref<1x32x256xf32, #tpu.memory_space<hbm>>
    %dma_start3A_2801 = tpu.memref_squeeze %dma_start3A_2800 : memref<1x32x256xf32, #tpu.memory_space<hbm>> -> memref<32x256xf32, #tpu.memory_space<hbm>>
    %dma_start3A_2802 = arith.constant 0 : i32
    %dma_start3A_2803 = arith.constant 0 : i32
    %dma_start3A_2804 = tpu.memref_slice %arg11[%dma_start3A_2790, %dma_start3A_2802, %dma_start3A_2803] : memref<4x32x256xf32, #tpu.memory_space<vmem>> -> memref<1x32x256xf32, #tpu.memory_space<vmem>>
    %dma_start3A_2805 = tpu.memref_squeeze %dma_start3A_2804 : memref<1x32x256xf32, #tpu.memory_space<vmem>> -> memref<32x256xf32, #tpu.memory_space<vmem>>
    tpu.enqueue_dma source(%dma_start3A_2805 : memref<32x256xf32, #tpu.memory_space<vmem>>) target(%dma_start3A_2801 : memref<32x256xf32, #tpu.memory_space<hbm>>) target_semaphore(%arg13 : memref<!tpu.dma_semaphore, #tpu.memory_space<semaphore_mem>>)
    %dma_wait3A_2806 = arith.constant 1 : i32
    %dma_wait3A_2807 = arith.constant 21 : i32
    %dma_wait3A_2808 = arith.constant 0 : i32
    %dma_wait3A_2809 = arith.constant 0 : i32
    %dma_wait3A_2810 = tpu.memref_slice %arg11[%dma_wait3A_2806, %dma_wait3A_2808, %dma_wait3A_2809] : memref<4x32x256xf32, #tpu.memory_space<vmem>> -> memref<1x32x256xf32, #tpu.memory_space<vmem>>
    %dma_wait3A_2811 = tpu.memref_squeeze %dma_wait3A_2810 : memref<1x32x256xf32, #tpu.memory_space<vmem>> -> memref<32x256xf32, #tpu.memory_space<vmem>>
    %dma_wait3A_2812 = arith.constant 0 : i32
    %dma_wait3A_2813 = tpu.memref_slice %arg6[%dma_wait3A_2807, %mul3A_2, %dma_wait3A_2812] : memref<25x1024x256xf32, #tpu.memory_space<hbm>> -> memref<1x32x256xf32, #tpu.memory_space<hbm>>
    %dma_wait3A_2814 = tpu.memref_squeeze %dma_wait3A_2813 : memref<1x32x256xf32, #tpu.memory_space<hbm>> -> memref<32x256xf32, #tpu.memory_space<hbm>>
    %dma_wait3A_2815 = arith.constant 0 : i32
    %dma_wait3A_2816 = tpu.memref_slice %arg6[%dma_wait3A_2807, %mul3A_2, %dma_wait3A_2815] : memref<25x1024x256xf32, #tpu.memory_space<hbm>> -> memref<1x32x256xf32, #tpu.memory_space<hbm>>
    %dma_wait3A_2817 = tpu.memref_squeeze %dma_wait3A_2816 : memref<1x32x256xf32, #tpu.memory_space<hbm>> -> memref<32x256xf32, #tpu.memory_space<hbm>>
    %dma_wait3A_2818 = arith.constant 0 : i32
    %dma_wait3A_2819 = arith.constant 0 : i32
    %dma_wait3A_2820 = tpu.memref_slice %arg11[%dma_wait3A_2806, %dma_wait3A_2818, %dma_wait3A_2819] : memref<4x32x256xf32, #tpu.memory_space<vmem>> -> memref<1x32x256xf32, #tpu.memory_space<vmem>>
    %dma_wait3A_2821 = tpu.memref_squeeze %dma_wait3A_2820 : memref<1x32x256xf32, #tpu.memory_space<vmem>> -> memref<32x256xf32, #tpu.memory_space<vmem>>
    tpu.wait_dma2 semaphore(%arg13 : memref<!tpu.dma_semaphore, #tpu.memory_space<semaphore_mem>>) src(%dma_wait3A_2821 : memref<32x256xf32, #tpu.memory_space<vmem>>) dst(%dma_wait3A_2817 : memref<32x256xf32, #tpu.memory_space<hbm>>)
    %dma_wait3A_2822 = arith.constant 2 : i32
    %dma_wait3A_2823 = arith.constant 22 : i32
    %dma_wait3A_2824 = arith.constant 0 : i32
    %dma_wait3A_2825 = arith.constant 0 : i32
    %dma_wait3A_2826 = tpu.memref_slice %arg11[%dma_wait3A_2822, %dma_wait3A_2824, %dma_wait3A_2825] : memref<4x32x256xf32, #tpu.memory_space<vmem>> -> memref<1x32x256xf32, #tpu.memory_space<vmem>>
    %dma_wait3A_2827 = tpu.memref_squeeze %dma_wait3A_2826 : memref<1x32x256xf32, #tpu.memory_space<vmem>> -> memref<32x256xf32, #tpu.memory_space<vmem>>
    %dma_wait3A_2828 = arith.constant 0 : i32
    %dma_wait3A_2829 = tpu.memref_slice %arg6[%dma_wait3A_2823, %mul3A_2, %dma_wait3A_2828] : memref<25x1024x256xf32, #tpu.memory_space<hbm>> -> memref<1x32x256xf32, #tpu.memory_space<hbm>>
    %dma_wait3A_2830 = tpu.memref_squeeze %dma_wait3A_2829 : memref<1x32x256xf32, #tpu.memory_space<hbm>> -> memref<32x256xf32, #tpu.memory_space<hbm>>
    %dma_wait3A_2831 = arith.constant 0 : i32
    %dma_wait3A_2832 = tpu.memref_slice %arg6[%dma_wait3A_2823, %mul3A_2, %dma_wait3A_2831] : memref<25x1024x256xf32, #tpu.memory_space<hbm>> -> memref<1x32x256xf32, #tpu.memory_space<hbm>>
    %dma_wait3A_2833 = tpu.memref_squeeze %dma_wait3A_2832 : memref<1x32x256xf32, #tpu.memory_space<hbm>> -> memref<32x256xf32, #tpu.memory_space<hbm>>
    %dma_wait3A_2834 = arith.constant 0 : i32
    %dma_wait3A_2835 = arith.constant 0 : i32
    %dma_wait3A_2836 = tpu.memref_slice %arg11[%dma_wait3A_2822, %dma_wait3A_2834, %dma_wait3A_2835] : memref<4x32x256xf32, #tpu.memory_space<vmem>> -> memref<1x32x256xf32, #tpu.memory_space<vmem>>
    %dma_wait3A_2837 = tpu.memref_squeeze %dma_wait3A_2836 : memref<1x32x256xf32, #tpu.memory_space<vmem>> -> memref<32x256xf32, #tpu.memory_space<vmem>>
    tpu.wait_dma2 semaphore(%arg13 : memref<!tpu.dma_semaphore, #tpu.memory_space<semaphore_mem>>) src(%dma_wait3A_2837 : memref<32x256xf32, #tpu.memory_space<vmem>>) dst(%dma_wait3A_2833 : memref<32x256xf32, #tpu.memory_space<hbm>>)
    %dma_wait3A_2838 = arith.constant 3 : i32
    %dma_wait3A_2839 = arith.constant 23 : i32
    %dma_wait3A_2840 = arith.constant 0 : i32
    %dma_wait3A_2841 = arith.constant 0 : i32
    %dma_wait3A_2842 = tpu.memref_slice %arg11[%dma_wait3A_2838, %dma_wait3A_2840, %dma_wait3A_2841] : memref<4x32x256xf32, #tpu.memory_space<vmem>> -> memref<1x32x256xf32, #tpu.memory_space<vmem>>
    %dma_wait3A_2843 = tpu.memref_squeeze %dma_wait3A_2842 : memref<1x32x256xf32, #tpu.memory_space<vmem>> -> memref<32x256xf32, #tpu.memory_space<vmem>>
    %dma_wait3A_2844 = arith.constant 0 : i32
    %dma_wait3A_2845 = tpu.memref_slice %arg6[%dma_wait3A_2839, %mul3A_2, %dma_wait3A_2844] : memref<25x1024x256xf32, #tpu.memory_space<hbm>> -> memref<1x32x256xf32, #tpu.memory_space<hbm>>
    %dma_wait3A_2846 = tpu.memref_squeeze %dma_wait3A_2845 : memref<1x32x256xf32, #tpu.memory_space<hbm>> -> memref<32x256xf32, #tpu.memory_space<hbm>>
    %dma_wait3A_2847 = arith.constant 0 : i32
    %dma_wait3A_2848 = tpu.memref_slice %arg6[%dma_wait3A_2839, %mul3A_2, %dma_wait3A_2847] : memref<25x1024x256xf32, #tpu.memory_space<hbm>> -> memref<1x32x256xf32, #tpu.memory_space<hbm>>
    %dma_wait3A_2849 = tpu.memref_squeeze %dma_wait3A_2848 : memref<1x32x256xf32, #tpu.memory_space<hbm>> -> memref<32x256xf32, #tpu.memory_space<hbm>>
    %dma_wait3A_2850 = arith.constant 0 : i32
    %dma_wait3A_2851 = arith.constant 0 : i32
    %dma_wait3A_2852 = tpu.memref_slice %arg11[%dma_wait3A_2838, %dma_wait3A_2850, %dma_wait3A_2851] : memref<4x32x256xf32, #tpu.memory_space<vmem>> -> memref<1x32x256xf32, #tpu.memory_space<vmem>>
    %dma_wait3A_2853 = tpu.memref_squeeze %dma_wait3A_2852 : memref<1x32x256xf32, #tpu.memory_space<vmem>> -> memref<32x256xf32, #tpu.memory_space<vmem>>
    tpu.wait_dma2 semaphore(%arg13 : memref<!tpu.dma_semaphore, #tpu.memory_space<semaphore_mem>>) src(%dma_wait3A_2853 : memref<32x256xf32, #tpu.memory_space<vmem>>) dst(%dma_wait3A_2849 : memref<32x256xf32, #tpu.memory_space<hbm>>)
    %dma_wait3A_2854 = arith.constant 0 : i32
    %dma_wait3A_2855 = arith.constant 24 : i32
    %dma_wait3A_2856 = arith.constant 0 : i32
    %dma_wait3A_2857 = arith.constant 0 : i32
    %dma_wait3A_2858 = tpu.memref_slice %arg11[%dma_wait3A_2854, %dma_wait3A_2856, %dma_wait3A_2857] : memref<4x32x256xf32, #tpu.memory_space<vmem>> -> memref<1x32x256xf32, #tpu.memory_space<vmem>>
    %dma_wait3A_2859 = tpu.memref_squeeze %dma_wait3A_2858 : memref<1x32x256xf32, #tpu.memory_space<vmem>> -> memref<32x256xf32, #tpu.memory_space<vmem>>
    %dma_wait3A_2860 = arith.constant 0 : i32
    %dma_wait3A_2861 = tpu.memref_slice %arg6[%dma_wait3A_2855, %mul3A_2, %dma_wait3A_2860] : memref<25x1024x256xf32, #tpu.memory_space<hbm>> -> memref<1x32x256xf32, #tpu.memory_space<hbm>>
    %dma_wait3A_2862 = tpu.memref_squeeze %dma_wait3A_2861 : memref<1x32x256xf32, #tpu.memory_space<hbm>> -> memref<32x256xf32, #tpu.memory_space<hbm>>
    %dma_wait3A_2863 = arith.constant 0 : i32
    %dma_wait3A_2864 = tpu.memref_slice %arg6[%dma_wait3A_2855, %mul3A_2, %dma_wait3A_2863] : memref<25x1024x256xf32, #tpu.memory_space<hbm>> -> memref<1x32x256xf32, #tpu.memory_space<hbm>>
    %dma_wait3A_2865 = tpu.memref_squeeze %dma_wait3A_2864 : memref<1x32x256xf32, #tpu.memory_space<hbm>> -> memref<32x256xf32, #tpu.memory_space<hbm>>
    %dma_wait3A_2866 = arith.constant 0 : i32
    %dma_wait3A_2867 = arith.constant 0 : i32
    %dma_wait3A_2868 = tpu.memref_slice %arg11[%dma_wait3A_2854, %dma_wait3A_2866, %dma_wait3A_2867] : memref<4x32x256xf32, #tpu.memory_space<vmem>> -> memref<1x32x256xf32, #tpu.memory_space<vmem>>
    %dma_wait3A_2869 = tpu.memref_squeeze %dma_wait3A_2868 : memref<1x32x256xf32, #tpu.memory_space<vmem>> -> memref<32x256xf32, #tpu.memory_space<vmem>>
    tpu.wait_dma2 semaphore(%arg13 : memref<!tpu.dma_semaphore, #tpu.memory_space<semaphore_mem>>) src(%dma_wait3A_2869 : memref<32x256xf32, #tpu.memory_space<vmem>>) dst(%dma_wait3A_2865 : memref<32x256xf32, #tpu.memory_space<hbm>>)
    return
  }
}

</mosaic_0001>

<sc_bundles>
// kernel: _sc_gather.3.cloned.1.call-start
scs
__scs_entry_jumppad:
0x0: {  	(pc) =	sbr.rel $0x88, $3  }
0x1: {  	(tag) =	ssettag $0x0;
	lr =	simm.s32 $0x1  }
0x2: {  	[smem:$0x3F9D] =	sst lr;
	_ =	strace $0xD0000000  }
0x3: {  	_ = 	snop  }
0x4: {  	_ = 	snop  }
0x5: {  	_ = 	snop  }
0x6: {  	_ = 	snop  }
0x7: {  	_ = 	snop  }
__scs_overlays_trampoline_lowered:
0x8: {  	[smem:$0x3FAC] =	sst s0  }
0x9: {  	[smem:$0x3FAD] =	sst s1  }
0xa: {  	[smem:$0x3FAE] =	sst s2  }
0xb: {  	[smem:$0x3FAF] =	sst s3  }
0xc: {  	[smem:$0x3FB0] =	sst s4  }
0xd: {  	[smem:$0x3FB1] =	sst s5  }
0xe: {  	[smem:$0x3FB2] =	sst s6  }
0xf: {  	[smem:$0x3FB3] =	sst s7  }
0x10: {  	[smem:$0x3FB4] =	sst s8  }
0x11: {  	[smem:$0x3FB5] =	sst s9;
	s0 =	simm.s32 @!p0 $0x0  }
0x12: {  	s1 =	sld [smem:$0x3F9B];
	s0 =	simm.s32 @p0 $0x1  }
0x13: {  	[smem:$0x3FB6] =	sst s0;
	s0 =	simm.s32 @!p1 $0x0  }
0x14: {  	s2 =	sld [smem:$0x3F9A];
	s0 =	simm.s32 @p1 $0x1  }
0x15: {  	[smem:$0x3FB7] =	sst s0;
	s0 =	simm.s32 @!p2 $0x0  }
0x16: {  	s3 =	sld [smem:$0x3FDB];
	s0 =	simm.s32 @p2 $0x1  }
0x17: {  	s4 =	simm.s32 $0x1BF5;
	[smem:$0x3FB9] =	sst s0  }
0x18: {  	s0 =	sld [smem:$0x3F9C];
	_ =	swait.ge [sflag:s4], $0x0  }
0x19: {  	s7 =	sld [smem:$0x3F9D]  }
0x1a: {  	s8 =	sadd.s32 $0xFFFFE003, lr  }
0x1b: {  	s9 =	sadd.s32 $0xFFFFFEF7, lr;
	s5 =	simm.s32 $0xFFFFFFFF;
	p2 =	slt.u32 s8, $0xFFFFF086  }
0x1c: {  	p1 =	slt.u32 s9, $0xF7A;
	s5 =	simm.s32 @!p2 $0x0  }
0x1d: {  	s5 =	simm.s32 @p1 $0x1;
	p0 =	seq.s32 s7, s2  }
0x1e: {  	s7 =	smul.u32 @!p0 $0xF7A, s2;
	p2 =	seq.s32 @!p0 s5, $0x0  }
0x1f: {  	s9 =	smul.u32 $0xF7A, s1;
	s8 =	simm.s32 @!p0 $0x1BF5;
	p2 =	por !p2, p0  }
0x20: {  	[sflag:s8] =	ssyncset.s32 @!p0 $0xFFFFF086;
	s6 =	sadd.s32 @!p0 s3, s7;
	s7 =	simm.s32 @!p0 $0x108  }
0x21: {  	s3 =	sadd.s32 s3, s9;
	s6 =	sadd.s32 @!p0 $0x88, s6;
	s7 =	simm.s32 @p2 $0x1082  }
0x22: {  	[simem:s7], [sflag:s8] =	dma.local @!p0 [hbm:s6], $0xF7A  }
0x23: {  	s9 =	sor.u32 $0xD0000000, s2;
	s6 =	simm.s32 $0x108;
	_ =	swait.ge @!p0 [sflag:s8], $0x0  }
0x24: {  	s3 =	sadd.s32 $0x88, s3;
	s6 =	simm.s32 @!p1 $0x1082;
	[sflag:s4] =	ssyncset.s32 $0xFFFFF086  }
0x25: {  	[simem:s6], [sflag:s4] =	dma.local [hbm:s3], $0xF7A  }
0x26: {  	[smem:$0x3F9D] =	sst s1;
	(tag) =	ssettag s2;
	_ =	strace s9  }
0x27: {  	s1 =	sld [smem:$0x3FAD]  }
0x28: {  	s2 =	sld [smem:$0x3FAE]  }
0x29: {  	s4 =	sld [smem:$0x3FB0]  }
0x2a: {  	p0 =	seq.s32 s5, $0x0;
	s5 =	sld [smem:$0x3FB1]  }
0x2b: {  	s6 =	sld [smem:$0x3FB2]  }
0x2c: {  	s7 =	sld [smem:$0x3FB3]  }
0x2d: {  	s3 =	simm.s32 $0x108;
	s8 =	sld [smem:$0x3FB4]  }
0x2e: {  	s3 =	simm.s32 @!p0 $0x1082;
	s9 =	sld [smem:$0x3FB5]  }
0x2f: {  	lr =	sadd.s32 s0, s3;
	s0 =	sld [smem:$0x3FAC]  }
0x30: {  	s3 =	sld [smem:$0x3FAF]  }
0x31: {  	[smem:$0x3FB8] =	sst s10  }
0x32: {  	s10 =	sld [smem:$0x3FB6];
	_ =	sdelay $0x3  }
0x33: {  	p0 =	seq.s32 s10, $0x1;
	s10 =	sld [smem:$0x3FB8];
	_ =	sdelay $0x3  }
0x34: {  	[smem:$0x3FB8] =	sst s10  }
0x35: {  	s10 =	sld [smem:$0x3FB7];
	_ =	sdelay $0x3  }
0x36: {  	p1 =	seq.s32 s10, $0x1;
	s10 =	sld [smem:$0x3FB8];
	_ =	sdelay $0x3  }
0x37: {  	[smem:$0x3FB8] =	sst s10  }
0x38: {  	s10 =	sld [smem:$0x3FB9]  }
0x39: {  	_ = 	snop;
	(pc) =	sbr.ind lr, $3  }
0x3a: {  	_ = 	snop  }
0x3b: {  	_ = 	snop  }
0x3c: {  	p2 =	seq.s32 s10, $0x1;
	s10 =	sld [smem:$0x3FB8]  }
0x3d: {  	_ =	shalt  }
0x3e: {  	_ =	shalt  }
0x3f: {  	_ =	shalt  }
0x40: {  	_ =	shalt  }
0x41: {  	_ =	shalt  }
0x42: {  	_ =	shalt  }
0x43: {  	_ =	shalt  }
0x44: {  	_ =	shalt  }
0x45: {  	_ =	shalt  }
0x46: {  	_ =	shalt  }
0x47: {  	_ =	shalt  }
0x48: {  	_ =	shalt  }
0x49: {  	_ =	shalt  }
0x4a: {  	_ =	shalt  }
0x4b: {  	_ =	shalt  }
0x4c: {  	_ =	shalt  }
0x4d: {  	_ =	shalt  }
0x4e: {  	_ =	shalt  }
0x4f: {  	_ =	shalt  }
0x50: {  	_ =	shalt  }
0x51: {  	_ =	shalt  }
0x52: {  	_ =	shalt  }
0x53: {  	_ =	shalt  }
0x54: {  	_ =	shalt  }
0x55: {  	_ =	shalt  }
0x56: {  	_ =	shalt  }
0x57: {  	_ =	shalt  }
0x58: {  	_ =	shalt  }
0x59: {  	_ =	shalt  }
0x5a: {  	_ =	shalt  }
0x5b: {  	_ =	shalt  }
0x5c: {  	_ =	shalt  }
0x5d: {  	_ =	shalt  }
0x5e: {  	_ =	shalt  }
0x5f: {  	_ =	shalt  }
0x60: {  	_ =	shalt  }
0x61: {  	_ =	shalt  }
0x62: {  	_ =	shalt  }
0x63: {  	_ =	shalt  }
0x64: {  	_ =	shalt  }
0x65: {  	_ =	shalt  }
0x66: {  	_ =	shalt  }
0x67: {  	_ =	shalt  }
0x68: {  	_ =	shalt  }
0x69: {  	_ =	shalt  }
0x6a: {  	_ =	shalt  }
0x6b: {  	_ =	shalt  }
0x6c: {  	_ =	shalt  }
0x6d: {  	_ =	shalt  }
0x6e: {  	_ =	shalt  }
0x6f: {  	_ =	shalt  }
0x70: {  	_ =	shalt  }
0x71: {  	_ =	shalt  }
0x72: {  	_ =	shalt  }
0x73: {  	_ =	shalt  }
0x74: {  	_ =	shalt  }
0x75: {  	_ =	shalt  }
0x76: {  	_ =	shalt  }
0x77: {  	_ =	shalt  }
0x78: {  	_ =	shalt  }
0x79: {  	_ =	shalt  }
0x7a: {  	_ =	shalt  }
0x7b: {  	_ =	shalt  }
0x7c: {  	_ =	shalt  }
0x7d: {  	_ =	shalt  }
0x7e: {  	_ =	shalt  }
0x7f: {  	_ =	shalt  }
0x80: {  	_ =	shalt  }
0x81: {  	_ =	shalt  }
0x82: {  	_ =	shalt  }
0x83: {  	_ =	shalt  }
0x84: {  	_ =	shalt  }
0x85: {  	_ =	shalt  }
0x86: {  	_ =	shalt  }
0x87: {  	_ =	shalt  }
.Lfunc_end0:
.L_simem_size_0:
called_computation_lowered:
.L_overlay_start_0:
0x88: {  	s2 =	sld [smem:$0x3FD9]  }
0x89: {  	s3 =	sld [smem:$0x3FFE];
	_ =	sdelay $0x1  }
0x8a: {  	s1 =	srdreg.scid  }
0x8b: {  	s0 =	sand.u32 $0x1, s1  }
0x8c: {  	s18 =	sshll.u32 s0, $0xA;
	s2 =	sadd.s32 s3, s2  }
0x8d: {  	s2 =	sadd.s32 s2, s18  }
0x8e: {  	[smem:$0x3FC4] =	sst s2  }
0x8f: {  	_ = 	snop  }
0x90: {  	s2 =	sld [smem:$0x3FC9]  }
0x91: {  	s19 =	sld [smem:$0x3FC8]  }
0x92: {  	s4 =	sld [smem:$0x3FC7]  }
0x93: {  	s5 =	sld [smem:$0x3FC6]  }
0x94: {  	s6 =	sld [smem:$0x3FD0];
	(tm) =	ssettm $0x1  }
0x95: {  	s7 =	sld [smem:$0x3FFB];
	_ =	sdelay $0x3  }
0x96: {  	_ =	strace s7  }
0x97: {  	s7 =	sld [smem:$0x3FFC];
	_ =	sdelay $0x3  }
0x98: {  	_ =	strace s7  }
0x99: {  	s7 =	sld [smem:$0x3FFD];
	_ =	sdelay $0x3  }
0x9a: {  	_ =	strace s7  }
0x9b: {  	_ =	strace $0x8FFFFFFF  }
0x9c: {  	s20 =	sld [smem:$0x3FDB];
	_ =	sdelay $0x1  }
0x9d: {  	s8 =	simm.s32 $_scs_section_size  }
0x9e: {  	s9 =	simm.s32 $_size__tile_overlayer_lowered;
	s10 =	simm.s32 $_tile_overlayer_lowered  }
0x9f: {  	s23 =	simm.s32 $0x1BFF;
	s22 =	sshll.u32 s10, $0x1;
	s7 =	sadd.s32 s8, s20  }
0xa0: {  	s11 =	simm.s32 $0x0;
	s21 =	sshll.u32 s9, $0x1;
	s9 =	sadd.s32 s22, s7  }
0xa1: {  	[timem:s11], [sflag:s23] =	dma.local [hbm:s9], s21  }
0xa2: {  	_ =	swait.ge [sflag:s23], s21  }
0xa3: {  	s8 =	ssub.s32 $0x0, s21;
	[sflag:s23] =	ssyncset.done $0x0  }
0xa4: {  	[sflag:s23] =	ssyncadd.s32 s8;
	_ =	sdelay $0x1  }
0xa5: {  	s24 =	simm.s32 $0x1B8B  }
0xa6: {  	_ =	swait.ge [sflag:s24], $0x1  }
0xa7: {  	[sflag:s24] =	ssyncset.done $0x0  }
0xa8: {  	s25 =	simm.s32 $0x1B8E;
	[sflag:s24] =	ssyncadd.s32 $0xFFFFFFFF  }
0xa9: {  	s26 =	simm.s32 $execute0_lowered;
	[smem:$0x3FD2] =	sst s25  }
0xaa: {  	s8 =	sshll.u32 s26, $0x1;
	_ =	strace $0x80000046;
	[dreg:$0x1] =	wrdreg $0xFFFFFFFF  }
0xab: {  	s28 =	simm.s32 $_size_execute0_lowered;
	s7 =	sadd.s32 s7, s8;
	[dreg:$0x0] =	wrdreg $0x0  }
0xac: {  	s8 =	sshll.u32 s28, $0x1;
	[dreg:$0x2] =	wrdreg s7  }
0xad: {  	[dreg:$0x3] =	wrdreg s8  }
0xae: {  	[dreg:$0x4] =	wrdreg $0xC0  }
0xaf: {  	_ =	task [dreg:s11], $0x5FFFF  }
0xb0: {  	[dreg:$0x1] =	wrdreg $0xFFFFFFFF  }
0xb1: {  	[dreg:$0x0] =	wrdreg $0x60  }
0xb2: {  	[dreg:$0x2] =	wrdreg s2  }
0xb3: {  	[dreg:$0x3] =	wrdreg s19  }
0xb4: {  	[dreg:$0x4] =	wrdreg s4  }
0xb5: {  	[dreg:$0x5] =	wrdreg s5  }
0xb6: {  	[dreg:$0x6] =	wrdreg s6  }
0xb7: {  	[dreg:$0x7] =	wrdreg $0x9  }
0xb8: {  	_ =	task.clear_ibuf [dreg:s11], $0x8FFFF;
	_ =	strace $0x90000046  }
0xb9: {  	s29 =	simm.s32 $0x9;
	_ =	strace $0x80000048  }
0xba: {  	_ =	swait.ge [sflag:s29], $0x1  }
0xbb: {  	[sflag:s29] =	ssyncadd.s32 $0xFFFFFFFF  }
0xbc: {  	_ =	strace $0x90000048  }
0xbd: {  	_ =	sfence  }
0xbe: {  	s30 =	sld [smem:$0x0];
	_ =	sdelay $0x2  }
0xbf: {  	s31 =	sshll.u32 s1, $0xD;
	s1 =	sshrl.u32 s1, $0x2  }
0xc0: {  	s3 =	sand.u32 $0x4000, s31;
	s1 =	sadd.s32 s1, s30  }
0xc1: {  	s0 =	sor.u32 s3, s0;
	s1 =	sshll.u32 s1, $0x11  }
0xc2: {  	s0 =	sor.u32 s1, s0  }
0xc3: {  	s0 =	sadd.s32 $0x8F2B, s0  }
0xc4: {  	[sflag:s0] =	ssyncadd.remote.s32 $0x1  }
0xc5: {  	_ =	sfence.sel $0xFFFF  }
0xc6: {  	[dreg:$0x0] =	wrdreg $0xFFFFFFFF;
	(pc) =	sbr.abs _section_cstart, $3  }
0xc7: {  	[dreg:$0x1] =	wrdreg $0xFFFFFFFF  }
0xc8: {  	_ =	task.clear_ibuf [dreg:s11], $0x2FFFF;
	_ =	strace $0x9FFFFFFF  }
0xc9: {  	(tm) =	ssettm $0x7FFFFFFF  }
tec
execute0_lowered:
.L_overlay_start_1:
0x0: {  	(tag) =	ssettag $0x1  }
0x1: {  	s1 =	rddreg [dreg:$0x0];
	s3 =	srdreg.scid  }
0x2: {  	s4 =	rddreg [dreg:$0x1];
	s0 =	stileid.u32;
	s6 =	sand.u32 $0x1, s3  }
0x3: {  	s5 =	rddreg [dreg:$0x2];
	s8 =	sshll.u32 s0, $0x6;
	s9 =	sshll.u32 s6, $0x5  }
0x4: {  	s2 =	rddreg [dreg:$0x3];
	s3 =	simm.s32 $0x0;
	s8 =	sor.u32 s9, s8  }
0x5: {  	[smem:$0x7FF] =	sst s3;
	s9 =	sshrl.u32 s8, $0x3  }
0x6: {  	s7 =	rddreg [dreg:$0x4];
	_ =	strace $0x80000047;
	s1 =	sadd.s32 s1, s9  }
0x7: {  	s0 =	sshll.u32 s8, $0x5;
	s26 =	sadd.s32 s4, s9;
	[dreg:$0x6] =	wrdreg s1  }
0x8: {  	s5 =	sadd.s32 s5, s9;
	s4 =	sadd.s32 s7, s0;
	[dreg:$0x7] =	wrdreg s26  }
0x9: {  	[dreg:$0x8] =	wrdreg s5;
	s7 =	sadd.s32 $0x8000, s4  }
0xa: {  	s8 =	sadd.s32 $0x10000, s4;
	[dreg:$0x9] =	wrdreg s7  }
0xb: {  	s9 =	sadd.s32 $0x18000, s4;
	[dreg:$0xa] =	wrdreg s8  }
0xc: {  	s10 =	sadd.s32 $0x20000, s4;
	[dreg:$0xb] =	wrdreg s9  }
0xd: {  	s11 =	sadd.s32 $0x28000, s4;
	[dreg:$0xc] =	wrdreg s10  }
0xe: {  	s12 =	sadd.s32 $0x30000, s4;
	[dreg:$0xd] =	wrdreg s11  }
0xf: {  	s13 =	sadd.s32 $0x38000, s4;
	[dreg:$0xe] =	wrdreg s12  }
0x10: {  	s14 =	sadd.s32 $0x40000, s4;
	[dreg:$0xf] =	wrdreg s13  }
0x11: {  	s15 =	sadd.s32 $0x48000, s4;
	[dreg:$0x10] =	wrdreg s14  }
0x12: {  	s16 =	sadd.s32 $0x50000, s4;
	[dreg:$0x11] =	wrdreg s15  }
0x13: {  	s17 =	sadd.s32 $0x58000, s4;
	[dreg:$0x12] =	wrdreg s16  }
0x14: {  	s18 =	sadd.s32 $0x60000, s4;
	[dreg:$0x13] =	wrdreg s17  }
0x15: {  	s28 =	simm.s32 $0x7180;
	s19 =	sadd.s32 $0x68000, s4;
	[dreg:$0x14] =	wrdreg s18  }
0x16: {  	s29 =	simm.s32 $0x7980;
	s20 =	sadd.s32 $0x70000, s4;
	[dreg:$0x15] =	wrdreg s19  }
0x17: {  	s30 =	simm.s32 $0x8180;
	s21 =	sadd.s32 $0x78000, s4;
	[dreg:$0x16] =	wrdreg s20  }
0x18: {  	s31 =	simm.s32 $0x8980;
	s22 =	sadd.s32 $0x80000, s4;
	[dreg:$0x17] =	wrdreg s21  }
0x19: {  	s24 =	ssub.s32 $0x2, s6;
	s23 =	sadd.s32 $0x88000, s4;
	[dreg:$0x18] =	wrdreg s22  }
0x1a: {  	s6 =	sshrl.u32 s24, $0x1;
	s25 =	sadd.s32 $0x90000, s4;
	[dreg:$0x19] =	wrdreg s23  }
0x1b: {  	s26 =	sadd.s32 $0x98000, s4;
	s5 =	sadd.s32 $0xA0000, s4;
	[dreg:$0x1a] =	wrdreg s25  }
0x1c: {  	s1 =	simm.s32 $0x2;
	s10 =	ssub.s32 s24, s6;
	[dreg:$0x1b] =	wrdreg s26  }
0x1d: {  	s6 =	sadd.s32 $0xA8000, s4;
	s7 =	sadd.s32 $0xB0000, s4;
	s8 =	sadd.s32 $0xB8000, s4  }
0x1e: {  	s9 =	sadd.s32 $0xC0000, s4;
	s11 =	simm.s32 $0x3;
	s12 =	simm.s32 $0x80  }
0x1f: {  	s13 =	simm.s32 $0x100;
	s14 =	simm.s32 $0x1180;
	s15 =	simm.s32 $0x1980  }
0x20: {  	s16 =	simm.s32 $0x2180;
	s17 =	simm.s32 $0x2980;
	s18 =	simm.s32 $0x3180  }
0x21: {  	v2 =	vlaneseq.u32;
	s19 =	simm.s32 $0x3980;
	s20 =	simm.s32 $0x4180;
	s21 =	simm.s32 $0x4980  }
0x22: {  	vm0 =	vmmov $0xffff;
	v1 =	vshrl.u32 v2, $0x3;
	s22 =	simm.s32 $0x1;
	s23 =	simm.s32 $0x5180;
	s24 =	simm.s32 $0x5980  }
0x23: {  	v0 =	vand.u32 $0x7, v2;
	v2 =	vor.u32 $0x8, v2;
	v1 =	vmul.u32 $0x8, v1;
	s25 =	simm.s32 $0x6180;
	s26 =	simm.s32 $0x6980;
	s10 =	smax.u32 s10, $0x1  }
.LBB2_1:
0x24: {  	s0 =	rddreg [dreg:$0x6]  }
0x25: {  	[tilespmem:s3], [sflag:$0x3] =	stream.linear.gather [hbm4b:s0+s3], $0x20, $0x38;
	[tilespmem:$0x9180] =	vst v63  }
0x26: {  	_ =	swait.ge [sflag:s11], $0x20  }
0x27: {  	[sflag:s11] =	ssyncset.done $0x0  }
0x28: {  	s0 =	rddreg [dreg:$0x7];
	[sflag:s11] =	ssyncadd.s32 $0xFFFFFFE0  }
0x29: {  	[tilespmem:s12], [sflag:$0x3] =	stream.linear.gather [hbm4b:s0+s3], $0x20, $0x38;
	[tilespmem:$0x9180] =	vst v63  }
0x2a: {  	_ =	swait.ge [sflag:s11], $0x20  }
0x2b: {  	[sflag:s11] =	ssyncset.done $0x0  }
0x2c: {  	s0 =	rddreg [dreg:$0x8];
	[sflag:s11] =	ssyncadd.s32 $0xFFFFFFE0  }
0x2d: {  	[tilespmem:s13], [sflag:$0x3] =	stream.linear.gather [hbm4b:s0+s3], $0x20, $0x38;
	[tilespmem:$0x9180] =	vst v63  }
0x2e: {  	_ =	swait.ge [sflag:s11], $0x20  }
0x2f: {  	[sflag:s11] =	ssyncset.done $0x0  }
0x30: {  	[sflag:s11] =	ssyncadd.s32 $0xFFFFFFE0  }
0x31: {  	v3 =	vld [tilespmem:$0x0]  }
0x32: {  	v5 =	vld [tilespmem:$0x80]  }
0x33: {  	v6 =	vld [tilespmem:$0x100];
	_ =	sdelay $0x3  }
0x34: {  	v4 =	vadd.s32 $0xFFFFFFFE, v5;
	v7 =	vshll.u32 v3, $0xE  }
0x35: {  	v3 =	vadd.s32 $0xFFFFFFFE, v6;
	v8 =	vadd.s32 $0xFFFFFFFF, v6;
	vm1 =	vgt.s32 v4, $0x0  }
0x36: {  	v11 =	vadd.s32 $0x1, v6;
	v4 =	vnsel vm1, $0x0, v4;
	vm1 =	vgt.s32 v3, $0x0  }
0x37: {  	v4 =	vmin.u32 v4, $0x7F;
	v3 =	vnsel vm1, $0x0, v3;
	vm1 =	vgt.s32 v8, $0x0  }
0x38: {  	v12 =	vadd.s32 $0xFFFFFFFF, v5;
	v4 =	vshll.u32 v4, $0x7;
	v8 =	vnsel vm1, $0x0, v8  }
0x39: {  	vm1 =	vgt.s32 v6, $0x0;
	v4 =	vor.u32 v7, v4;
	v8 =	vmin.u32 v8, $0x7F  }
0x3a: {  	v10 =	vnsel vm1, $0x0, v6;
	vm1 =	vgt.s32 v11, $0x0;
	v6 =	vadd.s32 $0x2, v6  }
0x3b: {  	v9 =	vor.u32 v8, v4;
	v11 =	vnsel vm1, $0x0, v11;
	vm1 =	vgt.s32 v12, $0x0  }
0x3c: {  	v10 =	vmin.u32 v10, $0x7F;
	v12 =	vnsel vm1, $0x0, v12;
	vm1 =	vgt.s32 v6, $0x0  }
0x3d: {  	v60 =	vld [tilespmem:$0x90];
	v13 =	vor.u32 v10, v4;
	[tilespmem:$0x200] =	vst v9;
	v48 =	vmin.u32 v11, $0x7F;
	v6 =	vnsel vm1, $0x0, v6  }
0x3e: {  	v16 =	vld [tilespmem:$0x10];
	v49 =	vmin.u32 v12, $0x7F;
	[tilespmem:$0x280] =	vst v13;
	v50 =	vor.u32 v48, v4;
	v6 =	vmin.u32 v6, $0x7F  }
0x3f: {  	v17 =	vld [tilespmem:$0x110];
	v3 =	vmin.u32 v3, $0x7F;
	v11 =	vshll.u32 v49, $0x7;
	[tilespmem:$0x300] =	vst v50;
	v51 =	vor.u32 v6, v4  }
0x40: {  	v11 =	vor.u32 v7, v11;
	v4 =	vor.u32 v3, v4;
	[tilespmem:$0x380] =	vst v51  }
0x41: {  	v15 =	vadd.s32 $0x1, v5;
	vm1 =	vgt.s32 v5, $0x0;
	v52 =	vor.u32 v3, v11;
	[tilespmem:$0x180] =	vst v4  }
0x42: {  	v22 =	vadd.s32 $0xFFFFFFFE, v60;
	v53 =	vnsel vm1, $0x0, v5;
	v54 =	vor.u32 v8, v11;
	[tilespmem:$0x400] =	vst v52  }
0x43: {  	v23 =	vshll.u32 v16, $0xE;
	v13 =	vmin.u32 v53, $0x7F;
	v14 =	vor.u32 v10, v11;
	[tilespmem:$0x480] =	vst v54  }
0x44: {  	v25 =	vadd.s32 $0xFFFFFFFE, v17;
	v55 =	vor.u32 v48, v11;
	v13 =	vshll.u32 v13, $0x7;
	[tilespmem:$0x500] =	vst v14  }
0x45: {  	v26 =	vadd.s32 $0xFFFFFFFF, v17;
	v11 =	vor.u32 v6, v11;
	v13 =	vor.u32 v7, v13;
	[tilespmem:$0x580] =	vst v55  }
0x46: {  	v31 =	vadd.s32 $0x1, v17;
	vm1 =	vgt.s32 v15, $0x0;
	[tilespmem:$0x600] =	vst v11;
	v56 =	vor.u32 v3, v13  }
0x47: {  	v33 =	vadd.s32 $0xFFFFFFFF, v60;
	v57 =	vnsel vm1, $0x0, v15;
	v58 =	vor.u32 v8, v13;
	[tilespmem:$0x680] =	vst v56  }
0x48: {  	v35 =	vadd.s32 $0x2, v17;
	v14 =	vmin.u32 v57, $0x7F;
	v59 =	vor.u32 v10, v13;
	[tilespmem:$0x700] =	vst v58  }
0x49: {  	v5 =	vadd.s32 $0x2, v5;
	v14 =	vshll.u32 v14, $0x7;
	v61 =	vor.u32 v48, v13;
	[tilespmem:$0x780] =	vst v59  }
0x4a: {  	vm1 =	vgt.s32 v5, $0x0;
	v62 =	vor.u32 v6, v13;
	v14 =	vor.u32 v7, v14;
	[tilespmem:$0x800] =	vst v61  }
0x4b: {  	v5 =	vnsel vm1, $0x0, v5;
	vm1 =	vgt.s32 v22, $0x0;
	[tilespmem:$0x880] =	vst v62;
	v63 =	vor.u32 v3, v14  }
0x4c: {  	v5 =	vmin.u32 v5, $0x7F;
	v24 =	vnsel vm1, $0x0, v22;
	v19 =	vor.u32 v8, v14;
	[tilespmem:$0x900] =	vst v63  }
0x4d: {  	vm1 =	vgt.s32 v25, $0x0;
	v5 =	vshll.u32 v5, $0x7;
	v20 =	vor.u32 v10, v14;
	[tilespmem:$0x980] =	vst v19  }
0x4e: {  	v11 =	vmin.u32 v24, $0x7F;
	v5 =	vor.u32 v7, v5;
	v21 =	vor.u32 v48, v14;
	[tilespmem:$0xA00] =	vst v20  }
0x4f: {  	v14 =	vor.u32 v6, v14;
	v8 =	vor.u32 v8, v5;
	v10 =	vor.u32 v10, v5;
	[tilespmem:$0xA80] =	vst v21  }
0x50: {  	v9 =	vor.u32 v48, v5;
	v6 =	vor.u32 v6, v5;
	v5 =	vor.u32 v3, v5;
	[tilespmem:$0xB00] =	vst v14  }
0x51: {  	v13 =	vnsel vm1, $0x0, v25;
	vm1 =	vgt.s32 v26, $0x0;
	v11 =	vshll.u32 v11, $0x7;
	[tilespmem:$0xB80] =	vst v5  }
0x52: {  	v27 =	vmin.u32 v13, $0x7F;
	v12 =	vnsel vm1, $0x0, v26;
	vm1 =	vgt.s32 v17, $0x0;
	[tilespmem:$0xC00] =	vst v8  }
0x53: {  	v11 =	vor.u32 v23, v11;
	v12 =	vmin.u32 v12, $0x7F;
	v30 =	vnsel vm1, $0x0, v17;
	[tilespmem:$0xC80] =	vst v10  }
0x54: {  	vm1 =	vgt.s32 v31, $0x0;
	v28 =	vor.u32 v27, v11;
	v29 =	vor.u32 v12, v11;
	[tilespmem:$0xD00] =	vst v9  }
0x55: {  	v32 =	vmin.u32 v30, $0x7F;
	[tilespmem:$0xD80] =	vst v6;
	v34 =	vnsel vm1, $0x0, v31;
	vm1 =	vgt.s32 v33, $0x0  }
0x56: {  	[tilespmem:$0x190] =	vst v28;
	v36 =	vor.u32 v32, v11;
	v13 =	vnsel vm1, $0x0, v33;
	vm1 =	vgt.s32 v35, $0x0  }
0x57: {  	[tilespmem:$0x210] =	vst v29;
	v6 =	vmin.u32 v34, $0x7F;
	v37 =	vnsel vm1, $0x0, v35;
	v13 =	vmin.u32 v13, $0x7F  }
0x58: {  	[tilespmem:$0x290] =	vst v36;
	v38 =	vor.u32 v6, v11;
	v10 =	vmin.u32 v37, $0x7F;
	v13 =	vshll.u32 v13, $0x7  }
0x59: {  	[tilespmem:$0x310] =	vst v38;
	v39 =	vor.u32 v10, v11;
	v40 =	vor.u32 v23, v13  }
0x5a: {  	vm1 =	vgt.s32 v60, $0x0;
	[tilespmem:$0x390] =	vst v39;
	v41 =	vor.u32 v27, v40  }
0x5b: {  	v43 =	vnsel vm1, $0x0, v60;
	v42 =	vor.u32 v12, v40;
	[tilespmem:$0x410] =	vst v41  }
0x5c: {  	v13 =	vmin.u32 v43, $0x7F;
	v44 =	vor.u32 v32, v40;
	[tilespmem:$0x490] =	vst v42  }
0x5d: {  	v45 =	vor.u32 v6, v40;
	v13 =	vshll.u32 v13, $0x7;
	[tilespmem:$0x510] =	vst v44  }
0x5e: {  	v48 =	vadd.s32 $0x1, v60;
	v46 =	vor.u32 v10, v40;
	[tilespmem:$0x590] =	vst v45;
	v47 =	vor.u32 v23, v13  }
0x5f: {  	vm1 =	vgt.s32 v48, $0x0;
	[tilespmem:$0x610] =	vst v46;
	v49 =	vor.u32 v27, v47  }
0x60: {  	v50 =	vnsel vm1, $0x0, v48;
	v51 =	vor.u32 v12, v47;
	[tilespmem:$0x690] =	vst v49  }
0x61: {  	v8 =	vmin.u32 v50, $0x7F;
	v52 =	vor.u32 v32, v47;
	[tilespmem:$0x710] =	vst v51  }
0x62: {  	v8 =	vshll.u32 v8, $0x7;
	v53 =	vor.u32 v6, v47;
	[tilespmem:$0x790] =	vst v52  }
0x63: {  	v55 =	vadd.s32 $0x2, v60;
	v11 =	vor.u32 v10, v47;
	v8 =	vor.u32 v23, v8;
	[tilespmem:$0x810] =	vst v53  }
0x64: {  	v4 =	vshll.u32 v4, $0x1;
	vm1 =	vgt.s32 v55, $0x0;
	[tilespmem:$0x890] =	vst v11;
	v54 =	vor.u32 v27, v8  }
0x65: {  	v4 =	vand.u32 $0xFFFFFFF0, v4;
	v13 =	vnsel vm1, $0x0, v55;
	v56 =	vor.u32 v12, v8;
	[tilespmem:$0x910] =	vst v54  }
0x66: {  	v3 =	vand.u32 $0x7, v3;
	v58 =	vmin.u32 v13, $0x7F;
	v57 =	vor.u32 v32, v8;
	[tilespmem:$0x990] =	vst v56  }
0x67: {  	v3 =	vor.u32 v3, v4;
	v59 =	vor.u32 v6, v8;
	v11 =	vshll.u32 v58, $0x7;
	[tilespmem:$0xA10] =	vst v57  }
0x68: {  	v61 =	vperm.xlane v3, v0;
	v60 =	vor.u32 v10, v8;
	[tilespmem:$0xA90] =	vst v59;
	v7 =	vor.u32 v23, v11  }
0x69: {  	[tilespmem:$0xB10] =	vst v60;
	v62 =	vor.u32 v27, v7  }
0x6a: {  	v3 =	vperm.xlane v3, v2;
	v11 =	vadd.s32 v1, v61;
	v63 =	vor.u32 v12, v7;
	[tilespmem:$0xB90] =	vst v62  }
0x6b: {  	v12 =	vor.u32 v32, v7;
	[tilespmem:$0xC10] =	vst v63  }
0x6c: {  	v3 =	vadd.s32 v1, v3;
	v13 =	vor.u32 v6, v7;
	[tilespmem:$0xC90] =	vst v12  }
0x6d: {  	v14 =	vor.u32 v10, v7;
	[tilespmem:$0xD10] =	vst v13  }
0x6e: {  	[tilespmem:$0xD90] =	vst v14  }
0x6f: {  	[tilespmem:s14], [sflag:$0x1] =	stream.indirect_vreg.gather [hbm4b:s2+s3], $0x80, v11, vm0, $0xb8;
	[tilespmem:$0x9180] =	vst v63  }
0x70: {  	_ = 	snop  }
0x71: {  	[tilespmem:s15], [sflag:$0x1] =	stream.indirect_vreg.gather [hbm4b:s2+s3], $0x80, v3, vm0, $0xb8;
	[tilespmem:$0x9180] =	vst v63  }
0x72: {  	v3 =	vld [tilespmem:$0x190];
	_ =	sdelay $0x4  }
0x73: {  	v15 =	vshll.u32 v3, $0x1  }
0x74: {  	v3 =	vand.u32 $0x7, v3;
	v4 =	vand.u32 $0xFFFFFFF0, v15  }
0x75: {  	v3 =	vor.u32 v3, v4  }
0x76: {  	v4 =	vperm.xlane v3, v0;
	_ =	sdelay $0x1  }
0x77: {  	v3 =	vperm.xlane v3, v2;
	v4 =	vadd.s32 v1, v4;
	_ =	sdelay $0x1  }
0x78: {  	v3 =	vadd.s32 v1, v3;
	_ =	sdelay $0x2  }
0x79: {  	[tilespmem:s16], [sflag:$0x1] =	stream.indirect_vreg.gather [hbm4b:s2+s3], $0x80, v4, vm0, $0xb8;
	[tilespmem:$0x9180] =	vst v63  }
0x7a: {  	_ = 	snop  }
0x7b: {  	[tilespmem:s17], [sflag:$0x1] =	stream.indirect_vreg.gather [hbm4b:s2+s3], $0x80, v3, vm0, $0xb8;
	[tilespmem:$0x9180] =	vst v63  }
0x7c: {  	v3 =	vld [tilespmem:$0x200];
	_ =	sdelay $0x4  }
0x7d: {  	v16 =	vshll.u32 v3, $0x1  }
0x7e: {  	v3 =	vand.u32 $0x7, v3;
	v4 =	vand.u32 $0xFFFFFFF0, v16  }
0x7f: {  	v3 =	vor.u32 v3, v4  }
0x80: {  	v4 =	vperm.xlane v3, v0;
	_ =	sdelay $0x1  }
0x81: {  	v3 =	vperm.xlane v3, v2;
	v4 =	vadd.s32 v1, v4;
	_ =	sdelay $0x1  }
0x82: {  	v3 =	vadd.s32 v1, v3;
	_ =	sdelay $0x2  }
0x83: {  	[tilespmem:s18], [sflag:$0x1] =	stream.indirect_vreg.gather [hbm4b:s2+s3], $0x80, v4, vm0, $0xb8;
	[tilespmem:$0x9180] =	vst v63  }
0x84: {  	_ = 	snop  }
0x85: {  	[tilespmem:s19], [sflag:$0x1] =	stream.indirect_vreg.gather [hbm4b:s2+s3], $0x80, v3, vm0, $0xb8;
	[tilespmem:$0x9180] =	vst v63  }
0x86: {  	v3 =	vld [tilespmem:$0x210];
	_ =	sdelay $0x4  }
0x87: {  	v17 =	vshll.u32 v3, $0x1  }
0x88: {  	v3 =	vand.u32 $0x7, v3;
	v4 =	vand.u32 $0xFFFFFFF0, v17  }
0x89: {  	v3 =	vor.u32 v3, v4  }
0x8a: {  	v4 =	vperm.xlane v3, v0;
	_ =	sdelay $0x1  }
0x8b: {  	v3 =	vperm.xlane v3, v2;
	v4 =	vadd.s32 v1, v4;
	_ =	sdelay $0x1  }
0x8c: {  	v3 =	vadd.s32 v1, v3;
	_ =	sdelay $0x2  }
0x8d: {  	[tilespmem:s20], [sflag:$0x1] =	stream.indirect_vreg.gather [hbm4b:s2+s3], $0x80, v4, vm0, $0xb8;
	[tilespmem:$0x9180] =	vst v63  }
0x8e: {  	_ = 	snop  }
0x8f: {  	[tilespmem:s21], [sflag:$0x1] =	stream.indirect_vreg.gather [hbm4b:s2+s3], $0x80, v3, vm0, $0xb8;
	[tilespmem:$0x9180] =	vst v63  }
0x90: {  	_ =	swait.ge [sflag:s22], $0x2000  }
0x91: {  	[sflag:s22] =	ssyncset.done $0x0  }
0x92: {  	[sflag:s22] =	ssyncadd.s32 $0xFFFFE000  }
0x93: {  	[hbm4b:s4+s3] =	stream.linear.scatter [tilespmem:s14], [sflag:$0x2], $0x2000, $0x38;
	[tilespmem:$0x9180] =	vst v63  }
0x94: {  	v3 =	vld [tilespmem:$0x280];
	_ =	sdelay $0x4  }
0x95: {  	v18 =	vshll.u32 v3, $0x1  }
0x96: {  	v3 =	vand.u32 $0x7, v3;
	v4 =	vand.u32 $0xFFFFFFF0, v18  }
0x97: {  	v3 =	vor.u32 v3, v4  }
0x98: {  	v4 =	vperm.xlane v3, v0;
	_ =	sdelay $0x1  }
0x99: {  	v3 =	vperm.xlane v3, v2;
	v4 =	vadd.s32 v1, v4;
	_ =	sdelay $0x1  }
0x9a: {  	v3 =	vadd.s32 v1, v3;
	_ =	sdelay $0x2  }
0x9b: {  	[tilespmem:s23], [sflag:$0x1] =	stream.indirect_vreg.gather [hbm4b:s2+s3], $0x80, v4, vm0, $0xb8;
	[tilespmem:$0x9180] =	vst v63  }
0x9c: {  	_ = 	snop  }
0x9d: {  	[tilespmem:s24], [sflag:$0x1] =	stream.indirect_vreg.gather [hbm4b:s2+s3], $0x80, v3, vm0, $0xb8;
	[tilespmem:$0x9180] =	vst v63  }
0x9e: {  	v3 =	vld [tilespmem:$0x290];
	_ =	sdelay $0x4  }
0x9f: {  	v19 =	vshll.u32 v3, $0x1  }
0xa0: {  	v3 =	vand.u32 $0x7, v3;
	v4 =	vand.u32 $0xFFFFFFF0, v19  }
0xa1: {  	v3 =	vor.u32 v3, v4  }
0xa2: {  	v4 =	vperm.xlane v3, v0;
	_ =	sdelay $0x1  }
0xa3: {  	v3 =	vperm.xlane v3, v2;
	v4 =	vadd.s32 v1, v4;
	_ =	sdelay $0x1  }
0xa4: {  	v3 =	vadd.s32 v1, v3;
	_ =	sdelay $0x2  }
0xa5: {  	[tilespmem:s25], [sflag:$0x1] =	stream.indirect_vreg.gather [hbm4b:s2+s3], $0x80, v4, vm0, $0xb8;
	[tilespmem:$0x9180] =	vst v63  }
0xa6: {  	_ = 	snop  }
0xa7: {  	[tilespmem:s26], [sflag:$0x1] =	stream.indirect_vreg.gather [hbm4b:s2+s3], $0x80, v3, vm0, $0xb8;
	[tilespmem:$0x9180] =	vst v63  }
0xa8: {  	_ =	swait.ge [sflag:s22], $0x2000  }
0xa9: {  	[sflag:s22] =	ssyncset.done $0x0  }
0xaa: {  	s0 =	rddreg [dreg:$0x9];
	[sflag:s22] =	ssyncadd.s32 $0xFFFFE000  }
0xab: {  	[hbm4b:s0+s3] =	stream.linear.scatter [tilespmem:s18], [sflag:$0x2], $0x2000, $0x38;
	[tilespmem:$0x9180] =	vst v63  }
0xac: {  	v3 =	vld [tilespmem:$0x300];
	_ =	sdelay $0x4  }
0xad: {  	v20 =	vshll.u32 v3, $0x1  }
0xae: {  	v3 =	vand.u32 $0x7, v3;
	v4 =	vand.u32 $0xFFFFFFF0, v20  }
0xaf: {  	v3 =	vor.u32 v3, v4  }
0xb0: {  	v4 =	vperm.xlane v3, v0;
	_ =	sdelay $0x1  }
0xb1: {  	v3 =	vperm.xlane v3, v2;
	v4 =	vadd.s32 v1, v4;
	_ =	sdelay $0x1  }
0xb2: {  	v3 =	vadd.s32 v1, v3;
	_ =	sdelay $0x2  }
0xb3: {  	[tilespmem:s28], [sflag:$0x1] =	stream.indirect_vreg.gather [hbm4b:s2+s3], $0x80, v4, vm0, $0xb8;
	[tilespmem:$0x9180] =	vst v63  }
0xb4: {  	_ = 	snop  }
0xb5: {  	[tilespmem:s29], [sflag:$0x1] =	stream.indirect_vreg.gather [hbm4b:s2+s3], $0x80, v3, vm0, $0xb8;
	[tilespmem:$0x9180] =	vst v63  }
0xb6: {  	v3 =	vld [tilespmem:$0x310];
	_ =	sdelay $0x4  }
0xb7: {  	v21 =	vshll.u32 v3, $0x1  }
0xb8: {  	v3 =	vand.u32 $0x7, v3;
	v4 =	vand.u32 $0xFFFFFFF0, v21  }
0xb9: {  	v3 =	vor.u32 v3, v4  }
0xba: {  	v4 =	vperm.xlane v3, v0;
	_ =	sdelay $0x1  }
0xbb: {  	v3 =	vperm.xlane v3, v2;
	v4 =	vadd.s32 v1, v4;
	_ =	sdelay $0x1  }
0xbc: {  	v3 =	vadd.s32 v1, v3;
	_ =	sdelay $0x2  }
0xbd: {  	[tilespmem:s30], [sflag:$0x1] =	stream.indirect_vreg.gather [hbm4b:s2+s3], $0x80, v4, vm0, $0xb8;
	[tilespmem:$0x9180] =	vst v63  }
0xbe: {  	_ = 	snop  }
0xbf: {  	[tilespmem:s31], [sflag:$0x1] =	stream.indirect_vreg.gather [hbm4b:s2+s3], $0x80, v3, vm0, $0xb8;
	[tilespmem:$0x9180] =	vst v63  }
0xc0: {  	_ =	swait.ge [sflag:s22], $0x2000  }
0xc1: {  	[sflag:s22] =	ssyncset.done $0x0  }
0xc2: {  	s0 =	rddreg [dreg:$0xa];
	[sflag:s22] =	ssyncadd.s32 $0xFFFFE000  }
0xc3: {  	[hbm4b:s0+s3] =	stream.linear.scatter [tilespmem:s23], [sflag:$0x2], $0x2000, $0x38;
	[tilespmem:$0x9180] =	vst v63  }
0xc4: {  	_ =	swait.ge [sflag:s1], $0x2000  }
0xc5: {  	[sflag:s1] =	ssyncset.done $0x0  }
0xc6: {  	[sflag:s1] =	ssyncadd.s32 $0xFFFFE000  }
0xc7: {  	v3 =	vld [tilespmem:$0x380];
	_ =	sdelay $0x4  }
0xc8: {  	v22 =	vshll.u32 v3, $0x1  }
0xc9: {  	v3 =	vand.u32 $0x7, v3;
	v4 =	vand.u32 $0xFFFFFFF0, v22  }
0xca: {  	v3 =	vor.u32 v3, v4  }
0xcb: {  	v4 =	vperm.xlane v3, v0;
	_ =	sdelay $0x1  }
0xcc: {  	v3 =	vperm.xlane v3, v2;
	v4 =	vadd.s32 v1, v4;
	_ =	sdelay $0x1  }
0xcd: {  	v3 =	vadd.s32 v1, v3;
	_ =	sdelay $0x2  }
0xce: {  	[tilespmem:s14], [sflag:$0x1] =	stream.indirect_vreg.gather [hbm4b:s2+s3], $0x80, v4, vm0, $0xb8;
	[tilespmem:$0x9180] =	vst v63  }
0xcf: {  	_ = 	snop  }
0xd0: {  	[tilespmem:s15], [sflag:$0x1] =	stream.indirect_vreg.gather [hbm4b:s2+s3], $0x80, v3, vm0, $0xb8;
	[tilespmem:$0x9180] =	vst v63  }
0xd1: {  	v3 =	vld [tilespmem:$0x390];
	_ =	sdelay $0x4  }
0xd2: {  	v23 =	vshll.u32 v3, $0x1  }
0xd3: {  	v3 =	vand.u32 $0x7, v3;
	v4 =	vand.u32 $0xFFFFFFF0, v23  }
0xd4: {  	v3 =	vor.u32 v3, v4  }
0xd5: {  	v4 =	vperm.xlane v3, v0;
	_ =	sdelay $0x1  }
0xd6: {  	v3 =	vperm.xlane v3, v2;
	v4 =	vadd.s32 v1, v4;
	_ =	sdelay $0x1  }
0xd7: {  	v3 =	vadd.s32 v1, v3;
	_ =	sdelay $0x2  }
0xd8: {  	[tilespmem:s16], [sflag:$0x1] =	stream.indirect_vreg.gather [hbm4b:s2+s3], $0x80, v4, vm0, $0xb8;
	[tilespmem:$0x9180] =	vst v63  }
0xd9: {  	_ = 	snop  }
0xda: {  	[tilespmem:s17], [sflag:$0x1] =	stream.indirect_vreg.gather [hbm4b:s2+s3], $0x80, v3, vm0, $0xb8;
	[tilespmem:$0x9180] =	vst v63  }
0xdb: {  	_ =	swait.ge [sflag:s22], $0x2000  }
0xdc: {  	[sflag:s22] =	ssyncset.done $0x0  }
0xdd: {  	s0 =	rddreg [dreg:$0xb];
	[sflag:s22] =	ssyncadd.s32 $0xFFFFE000  }
0xde: {  	[hbm4b:s0+s3] =	stream.linear.scatter [tilespmem:s28], [sflag:$0x2], $0x2000, $0x38;
	[tilespmem:$0x9180] =	vst v63  }
0xdf: {  	_ =	swait.ge [sflag:s1], $0x2000  }
0xe0: {  	[sflag:s1] =	ssyncset.done $0x0  }
0xe1: {  	[sflag:s1] =	ssyncadd.s32 $0xFFFFE000  }
0xe2: {  	v3 =	vld [tilespmem:$0x400];
	_ =	sdelay $0x4  }
0xe3: {  	v24 =	vshll.u32 v3, $0x1  }
0xe4: {  	v3 =	vand.u32 $0x7, v3;
	v4 =	vand.u32 $0xFFFFFFF0, v24  }
0xe5: {  	v3 =	vor.u32 v3, v4  }
0xe6: {  	v4 =	vperm.xlane v3, v0;
	_ =	sdelay $0x1  }
0xe7: {  	v3 =	vperm.xlane v3, v2;
	v4 =	vadd.s32 v1, v4;
	_ =	sdelay $0x1  }
0xe8: {  	v3 =	vadd.s32 v1, v3;
	_ =	sdelay $0x2  }
0xe9: {  	[tilespmem:s18], [sflag:$0x1] =	stream.indirect_vreg.gather [hbm4b:s2+s3], $0x80, v4, vm0, $0xb8;
	[tilespmem:$0x9180] =	vst v63  }
0xea: {  	_ = 	snop  }
0xeb: {  	[tilespmem:s19], [sflag:$0x1] =	stream.indirect_vreg.gather [hbm4b:s2+s3], $0x80, v3, vm0, $0xb8;
	[tilespmem:$0x9180] =	vst v63  }
0xec: {  	v3 =	vld [tilespmem:$0x410];
	_ =	sdelay $0x4  }
0xed: {  	v25 =	vshll.u32 v3, $0x1  }
0xee: {  	v3 =	vand.u32 $0x7, v3;
	v4 =	vand.u32 $0xFFFFFFF0, v25  }
0xef: {  	v3 =	vor.u32 v3, v4  }
0xf0: {  	v4 =	vperm.xlane v3, v0;
	_ =	sdelay $0x1  }
0xf1: {  	v3 =	vperm.xlane v3, v2;
	v4 =	vadd.s32 v1, v4;
	_ =	sdelay $0x1  }
0xf2: {  	v3 =	vadd.s32 v1, v3;
	_ =	sdelay $0x2  }
0xf3: {  	[tilespmem:s20], [sflag:$0x1] =	stream.indirect_vreg.gather [hbm4b:s2+s3], $0x80, v4, vm0, $0xb8;
	[tilespmem:$0x9180] =	vst v63  }
0xf4: {  	_ = 	snop  }
0xf5: {  	[tilespmem:s21], [sflag:$0x1] =	stream.indirect_vreg.gather [hbm4b:s2+s3], $0x80, v3, vm0, $0xb8;
	[tilespmem:$0x9180] =	vst v63  }
0xf6: {  	_ =	swait.ge [sflag:s22], $0x2000  }
0xf7: {  	[sflag:s22] =	ssyncset.done $0x0  }
0xf8: {  	s0 =	rddreg [dreg:$0xc];
	[sflag:s22] =	ssyncadd.s32 $0xFFFFE000  }
0xf9: {  	[hbm4b:s0+s3] =	stream.linear.scatter [tilespmem:s14], [sflag:$0x2], $0x2000, $0x38;
	[tilespmem:$0x9180] =	vst v63  }
0xfa: {  	_ =	swait.ge [sflag:s1], $0x2000  }
0xfb: {  	[sflag:s1] =	ssyncset.done $0x0  }
0xfc: {  	[sflag:s1] =	ssyncadd.s32 $0xFFFFE000  }
0xfd: {  	v3 =	vld [tilespmem:$0x480];
	_ =	sdelay $0x4  }
0xfe: {  	v26 =	vshll.u32 v3, $0x1  }
0xff: {  	v3 =	vand.u32 $0x7, v3;
	v4 =	vand.u32 $0xFFFFFFF0, v26  }
0x100: {  	v3 =	vor.u32 v3, v4  }
0x101: {  	v4 =	vperm.xlane v3, v0;
	_ =	sdelay $0x1  }
0x102: {  	v3 =	vperm.xlane v3, v2;
	v4 =	vadd.s32 v1, v4;
	_ =	sdelay $0x1  }
0x103: {  	v3 =	vadd.s32 v1, v3;
	_ =	sdelay $0x2  }
0x104: {  	[tilespmem:s23], [sflag:$0x1] =	stream.indirect_vreg.gather [hbm4b:s2+s3], $0x80, v4, vm0, $0xb8;
	[tilespmem:$0x9180] =	vst v63  }
0x105: {  	_ = 	snop  }
0x106: {  	[tilespmem:s24], [sflag:$0x1] =	stream.indirect_vreg.gather [hbm4b:s2+s3], $0x80, v3, vm0, $0xb8;
	[tilespmem:$0x9180] =	vst v63  }
0x107: {  	v3 =	vld [tilespmem:$0x490];
	_ =	sdelay $0x4  }
0x108: {  	v27 =	vshll.u32 v3, $0x1  }
0x109: {  	v3 =	vand.u32 $0x7, v3;
	v4 =	vand.u32 $0xFFFFFFF0, v27  }
0x10a: {  	v3 =	vor.u32 v3, v4  }
0x10b: {  	v4 =	vperm.xlane v3, v0;
	_ =	sdelay $0x1  }
0x10c: {  	v3 =	vperm.xlane v3, v2;
	v4 =	vadd.s32 v1, v4;
	_ =	sdelay $0x1  }
0x10d: {  	v3 =	vadd.s32 v1, v3;
	_ =	sdelay $0x2  }
0x10e: {  	[tilespmem:s25], [sflag:$0x1] =	stream.indirect_vreg.gather [hbm4b:s2+s3], $0x80, v4, vm0, $0xb8;
	[tilespmem:$0x9180] =	vst v63  }
0x10f: {  	_ = 	snop  }
0x110: {  	[tilespmem:s26], [sflag:$0x1] =	stream.indirect_vreg.gather [hbm4b:s2+s3], $0x80, v3, vm0, $0xb8;
	[tilespmem:$0x9180] =	vst v63  }
0x111: {  	_ =	swait.ge [sflag:s22], $0x2000  }
0x112: {  	[sflag:s22] =	ssyncset.done $0x0  }
0x113: {  	s0 =	rddreg [dreg:$0xd];
	[sflag:s22] =	ssyncadd.s32 $0xFFFFE000  }
0x114: {  	[hbm4b:s0+s3] =	stream.linear.scatter [tilespmem:s18], [sflag:$0x2], $0x2000, $0x38;
	[tilespmem:$0x9180] =	vst v63  }
0x115: {  	_ =	swait.ge [sflag:s1], $0x2000  }
0x116: {  	[sflag:s1] =	ssyncset.done $0x0  }
0x117: {  	[sflag:s1] =	ssyncadd.s32 $0xFFFFE000  }
0x118: {  	v3 =	vld [tilespmem:$0x500];
	_ =	sdelay $0x4  }
0x119: {  	v28 =	vshll.u32 v3, $0x1  }
0x11a: {  	v3 =	vand.u32 $0x7, v3;
	v4 =	vand.u32 $0xFFFFFFF0, v28  }
0x11b: {  	v3 =	vor.u32 v3, v4  }
0x11c: {  	v4 =	vperm.xlane v3, v0;
	_ =	sdelay $0x1  }
0x11d: {  	v3 =	vperm.xlane v3, v2;
	v4 =	vadd.s32 v1, v4;
	_ =	sdelay $0x1  }
0x11e: {  	v3 =	vadd.s32 v1, v3;
	_ =	sdelay $0x2  }
0x11f: {  	[tilespmem:s28], [sflag:$0x1] =	stream.indirect_vreg.gather [hbm4b:s2+s3], $0x80, v4, vm0, $0xb8;
	[tilespmem:$0x9180] =	vst v63  }
0x120: {  	_ = 	snop  }
0x121: {  	[tilespmem:s29], [sflag:$0x1] =	stream.indirect_vreg.gather [hbm4b:s2+s3], $0x80, v3, vm0, $0xb8;
	[tilespmem:$0x9180] =	vst v63  }
0x122: {  	v3 =	vld [tilespmem:$0x510];
	_ =	sdelay $0x4  }
0x123: {  	v29 =	vshll.u32 v3, $0x1  }
0x124: {  	v3 =	vand.u32 $0x7, v3;
	v4 =	vand.u32 $0xFFFFFFF0, v29  }
0x125: {  	v3 =	vor.u32 v3, v4  }
0x126: {  	v4 =	vperm.xlane v3, v0;
	_ =	sdelay $0x1  }
0x127: {  	v3 =	vperm.xlane v3, v2;
	v4 =	vadd.s32 v1, v4;
	_ =	sdelay $0x1  }
0x128: {  	v3 =	vadd.s32 v1, v3;
	_ =	sdelay $0x2  }
0x129: {  	[tilespmem:s30], [sflag:$0x1] =	stream.indirect_vreg.gather [hbm4b:s2+s3], $0x80, v4, vm0, $0xb8;
	[tilespmem:$0x9180] =	vst v63  }
0x12a: {  	_ = 	snop  }
0x12b: {  	[tilespmem:s31], [sflag:$0x1] =	stream.indirect_vreg.gather [hbm4b:s2+s3], $0x80, v3, vm0, $0xb8;
	[tilespmem:$0x9180] =	vst v63  }
0x12c: {  	_ =	swait.ge [sflag:s22], $0x2000  }
0x12d: {  	[sflag:s22] =	ssyncset.done $0x0  }
0x12e: {  	s0 =	rddreg [dreg:$0xe];
	[sflag:s22] =	ssyncadd.s32 $0xFFFFE000  }
0x12f: {  	[hbm4b:s0+s3] =	stream.linear.scatter [tilespmem:s23], [sflag:$0x2], $0x2000, $0x38;
	[tilespmem:$0x9180] =	vst v63  }
0x130: {  	_ =	swait.ge [sflag:s1], $0x2000  }
0x131: {  	[sflag:s1] =	ssyncset.done $0x0  }
0x132: {  	[sflag:s1] =	ssyncadd.s32 $0xFFFFE000  }
0x133: {  	v3 =	vld [tilespmem:$0x580];
	_ =	sdelay $0x4  }
0x134: {  	v30 =	vshll.u32 v3, $0x1  }
0x135: {  	v3 =	vand.u32 $0x7, v3;
	v4 =	vand.u32 $0xFFFFFFF0, v30  }
0x136: {  	v3 =	vor.u32 v3, v4  }
0x137: {  	v4 =	vperm.xlane v3, v0;
	_ =	sdelay $0x1  }
0x138: {  	v3 =	vperm.xlane v3, v2;
	v4 =	vadd.s32 v1, v4;
	_ =	sdelay $0x1  }
0x139: {  	v3 =	vadd.s32 v1, v3;
	_ =	sdelay $0x2  }
0x13a: {  	[tilespmem:s14], [sflag:$0x1] =	stream.indirect_vreg.gather [hbm4b:s2+s3], $0x80, v4, vm0, $0xb8;
	[tilespmem:$0x9180] =	vst v63  }
0x13b: {  	_ = 	snop  }
0x13c: {  	[tilespmem:s15], [sflag:$0x1] =	stream.indirect_vreg.gather [hbm4b:s2+s3], $0x80, v3, vm0, $0xb8;
	[tilespmem:$0x9180] =	vst v63  }
0x13d: {  	v3 =	vld [tilespmem:$0x590];
	_ =	sdelay $0x4  }
0x13e: {  	v31 =	vshll.u32 v3, $0x1  }
0x13f: {  	v3 =	vand.u32 $0x7, v3;
	v4 =	vand.u32 $0xFFFFFFF0, v31  }
0x140: {  	v3 =	vor.u32 v3, v4  }
0x141: {  	v4 =	vperm.xlane v3, v0;
	_ =	sdelay $0x1  }
0x142: {  	v3 =	vperm.xlane v3, v2;
	v4 =	vadd.s32 v1, v4;
	_ =	sdelay $0x1  }
0x143: {  	v3 =	vadd.s32 v1, v3;
	_ =	sdelay $0x2  }
0x144: {  	[tilespmem:s16], [sflag:$0x1] =	stream.indirect_vreg.gather [hbm4b:s2+s3], $0x80, v4, vm0, $0xb8;
	[tilespmem:$0x9180] =	vst v63  }
0x145: {  	_ = 	snop  }
0x146: {  	[tilespmem:s17], [sflag:$0x1] =	stream.indirect_vreg.gather [hbm4b:s2+s3], $0x80, v3, vm0, $0xb8;
	[tilespmem:$0x9180] =	vst v63  }
0x147: {  	_ =	swait.ge [sflag:s22], $0x2000  }
0x148: {  	[sflag:s22] =	ssyncset.done $0x0  }
0x149: {  	s0 =	rddreg [dreg:$0xf];
	[sflag:s22] =	ssyncadd.s32 $0xFFFFE000  }
0x14a: {  	[hbm4b:s0+s3] =	stream.linear.scatter [tilespmem:s28], [sflag:$0x2], $0x2000, $0x38;
	[tilespmem:$0x9180] =	vst v63  }
0x14b: {  	_ =	swait.ge [sflag:s1], $0x2000  }
0x14c: {  	[sflag:s1] =	ssyncset.done $0x0  }
0x14d: {  	[sflag:s1] =	ssyncadd.s32 $0xFFFFE000  }
0x14e: {  	v3 =	vld [tilespmem:$0x600];
	_ =	sdelay $0x4  }
0x14f: {  	v32 =	vshll.u32 v3, $0x1  }
0x150: {  	v3 =	vand.u32 $0x7, v3;
	v4 =	vand.u32 $0xFFFFFFF0, v32  }
0x151: {  	v3 =	vor.u32 v3, v4  }
0x152: {  	v4 =	vperm.xlane v3, v0;
	_ =	sdelay $0x1  }
0x153: {  	v3 =	vperm.xlane v3, v2;
	v4 =	vadd.s32 v1, v4;
	_ =	sdelay $0x1  }
0x154: {  	v3 =	vadd.s32 v1, v3;
	_ =	sdelay $0x2  }
0x155: {  	[tilespmem:s18], [sflag:$0x1] =	stream.indirect_vreg.gather [hbm4b:s2+s3], $0x80, v4, vm0, $0xb8;
	[tilespmem:$0x9180] =	vst v63  }
0x156: {  	_ = 	snop  }
0x157: {  	[tilespmem:s19], [sflag:$0x1] =	stream.indirect_vreg.gather [hbm4b:s2+s3], $0x80, v3, vm0, $0xb8;
	[tilespmem:$0x9180] =	vst v63  }
0x158: {  	v3 =	vld [tilespmem:$0x610];
	_ =	sdelay $0x4  }
0x159: {  	v33 =	vshll.u32 v3, $0x1  }
0x15a: {  	v3 =	vand.u32 $0x7, v3;
	v4 =	vand.u32 $0xFFFFFFF0, v33  }
0x15b: {  	v3 =	vor.u32 v3, v4  }
0x15c: {  	v4 =	vperm.xlane v3, v0;
	_ =	sdelay $0x1  }
0x15d: {  	v3 =	vperm.xlane v3, v2;
	v4 =	vadd.s32 v1, v4;
	_ =	sdelay $0x1  }
0x15e: {  	v3 =	vadd.s32 v1, v3;
	_ =	sdelay $0x2  }
0x15f: {  	[tilespmem:s20], [sflag:$0x1] =	stream.indirect_vreg.gather [hbm4b:s2+s3], $0x80, v4, vm0, $0xb8;
	[tilespmem:$0x9180] =	vst v63  }
0x160: {  	_ = 	snop  }
0x161: {  	[tilespmem:s21], [sflag:$0x1] =	stream.indirect_vreg.gather [hbm4b:s2+s3], $0x80, v3, vm0, $0xb8;
	[tilespmem:$0x9180] =	vst v63  }
0x162: {  	_ =	swait.ge [sflag:s22], $0x2000  }
0x163: {  	[sflag:s22] =	ssyncset.done $0x0  }
0x164: {  	s0 =	rddreg [dreg:$0x10];
	[sflag:s22] =	ssyncadd.s32 $0xFFFFE000  }
0x165: {  	[hbm4b:s0+s3] =	stream.linear.scatter [tilespmem:s14], [sflag:$0x2], $0x2000, $0x38;
	[tilespmem:$0x9180] =	vst v63  }
0x166: {  	_ =	swait.ge [sflag:s1], $0x2000  }
0x167: {  	[sflag:s1] =	ssyncset.done $0x0  }
0x168: {  	[sflag:s1] =	ssyncadd.s32 $0xFFFFE000  }
0x169: {  	v3 =	vld [tilespmem:$0x680];
	_ =	sdelay $0x4  }
0x16a: {  	v34 =	vshll.u32 v3, $0x1  }
0x16b: {  	v3 =	vand.u32 $0x7, v3;
	v4 =	vand.u32 $0xFFFFFFF0, v34  }
0x16c: {  	v3 =	vor.u32 v3, v4  }
0x16d: {  	v4 =	vperm.xlane v3, v0;
	_ =	sdelay $0x1  }
0x16e: {  	v3 =	vperm.xlane v3, v2;
	v4 =	vadd.s32 v1, v4;
	_ =	sdelay $0x1  }
0x16f: {  	v3 =	vadd.s32 v1, v3;
	_ =	sdelay $0x2  }
0x170: {  	[tilespmem:s23], [sflag:$0x1] =	stream.indirect_vreg.gather [hbm4b:s2+s3], $0x80, v4, vm0, $0xb8;
	[tilespmem:$0x9180] =	vst v63  }
0x171: {  	_ = 	snop  }
0x172: {  	[tilespmem:s24], [sflag:$0x1] =	stream.indirect_vreg.gather [hbm4b:s2+s3], $0x80, v3, vm0, $0xb8;
	[tilespmem:$0x9180] =	vst v63  }
0x173: {  	v3 =	vld [tilespmem:$0x690];
	_ =	sdelay $0x4  }
0x174: {  	v35 =	vshll.u32 v3, $0x1  }
0x175: {  	v3 =	vand.u32 $0x7, v3;
	v4 =	vand.u32 $0xFFFFFFF0, v35  }
0x176: {  	v3 =	vor.u32 v3, v4  }
0x177: {  	v4 =	vperm.xlane v3, v0;
	_ =	sdelay $0x1  }
0x178: {  	v3 =	vperm.xlane v3, v2;
	v4 =	vadd.s32 v1, v4;
	_ =	sdelay $0x1  }
0x179: {  	v3 =	vadd.s32 v1, v3;
	_ =	sdelay $0x2  }
0x17a: {  	[tilespmem:s25], [sflag:$0x1] =	stream.indirect_vreg.gather [hbm4b:s2+s3], $0x80, v4, vm0, $0xb8;
	[tilespmem:$0x9180] =	vst v63  }
0x17b: {  	_ = 	snop  }
0x17c: {  	[tilespmem:s26], [sflag:$0x1] =	stream.indirect_vreg.gather [hbm4b:s2+s3], $0x80, v3, vm0, $0xb8;
	[tilespmem:$0x9180] =	vst v63  }
0x17d: {  	_ =	swait.ge [sflag:s22], $0x2000  }
0x17e: {  	[sflag:s22] =	ssyncset.done $0x0  }
0x17f: {  	s0 =	rddreg [dreg:$0x11];
	[sflag:s22] =	ssyncadd.s32 $0xFFFFE000  }
0x180: {  	[hbm4b:s0+s3] =	stream.linear.scatter [tilespmem:s18], [sflag:$0x2], $0x2000, $0x38;
	[tilespmem:$0x9180] =	vst v63  }
0x181: {  	_ =	swait.ge [sflag:s1], $0x2000  }
0x182: {  	[sflag:s1] =	ssyncset.done $0x0  }
0x183: {  	[sflag:s1] =	ssyncadd.s32 $0xFFFFE000  }
0x184: {  	v3 =	vld [tilespmem:$0x700];
	_ =	sdelay $0x4  }
0x185: {  	v36 =	vshll.u32 v3, $0x1  }
0x186: {  	v3 =	vand.u32 $0x7, v3;
	v4 =	vand.u32 $0xFFFFFFF0, v36  }
0x187: {  	v3 =	vor.u32 v3, v4  }
0x188: {  	v4 =	vperm.xlane v3, v0;
	_ =	sdelay $0x1  }
0x189: {  	v3 =	vperm.xlane v3, v2;
	v4 =	vadd.s32 v1, v4;
	_ =	sdelay $0x1  }
0x18a: {  	v3 =	vadd.s32 v1, v3;
	_ =	sdelay $0x2  }
0x18b: {  	[tilespmem:s28], [sflag:$0x1] =	stream.indirect_vreg.gather [hbm4b:s2+s3], $0x80, v4, vm0, $0xb8;
	[tilespmem:$0x9180] =	vst v63  }
0x18c: {  	_ = 	snop  }
0x18d: {  	[tilespmem:s29], [sflag:$0x1] =	stream.indirect_vreg.gather [hbm4b:s2+s3], $0x80, v3, vm0, $0xb8;
	[tilespmem:$0x9180] =	vst v63  }
0x18e: {  	v3 =	vld [tilespmem:$0x710];
	_ =	sdelay $0x4  }
0x18f: {  	v37 =	vshll.u32 v3, $0x1  }
0x190: {  	v3 =	vand.u32 $0x7, v3;
	v4 =	vand.u32 $0xFFFFFFF0, v37  }
0x191: {  	v3 =	vor.u32 v3, v4  }
0x192: {  	v4 =	vperm.xlane v3, v0;
	_ =	sdelay $0x1  }
0x193: {  	v3 =	vperm.xlane v3, v2;
	v4 =	vadd.s32 v1, v4;
	_ =	sdelay $0x1  }
0x194: {  	v3 =	vadd.s32 v1, v3;
	_ =	sdelay $0x2  }
0x195: {  	[tilespmem:s30], [sflag:$0x1] =	stream.indirect_vreg.gather [hbm4b:s2+s3], $0x80, v4, vm0, $0xb8;
	[tilespmem:$0x9180] =	vst v63  }
0x196: {  	_ = 	snop  }
0x197: {  	[tilespmem:s31], [sflag:$0x1] =	stream.indirect_vreg.gather [hbm4b:s2+s3], $0x80, v3, vm0, $0xb8;
	[tilespmem:$0x9180] =	vst v63  }
0x198: {  	_ =	swait.ge [sflag:s22], $0x2000  }
0x199: {  	[sflag:s22] =	ssyncset.done $0x0  }
0x19a: {  	s0 =	rddreg [dreg:$0x12];
	[sflag:s22] =	ssyncadd.s32 $0xFFFFE000  }
0x19b: {  	[hbm4b:s0+s3] =	stream.linear.scatter [tilespmem:s23], [sflag:$0x2], $0x2000, $0x38;
	[tilespmem:$0x9180] =	vst v63  }
0x19c: {  	_ =	swait.ge [sflag:s1], $0x2000  }
0x19d: {  	[sflag:s1] =	ssyncset.done $0x0  }
0x19e: {  	[sflag:s1] =	ssyncadd.s32 $0xFFFFE000  }
0x19f: {  	v3 =	vld [tilespmem:$0x780];
	_ =	sdelay $0x4  }
0x1a0: {  	v38 =	vshll.u32 v3, $0x1  }
0x1a1: {  	v3 =	vand.u32 $0x7, v3;
	v4 =	vand.u32 $0xFFFFFFF0, v38  }
0x1a2: {  	v3 =	vor.u32 v3, v4  }
0x1a3: {  	v4 =	vperm.xlane v3, v0;
	_ =	sdelay $0x1  }
0x1a4: {  	v3 =	vperm.xlane v3, v2;
	v4 =	vadd.s32 v1, v4;
	_ =	sdelay $0x1  }
0x1a5: {  	v3 =	vadd.s32 v1, v3;
	_ =	sdelay $0x2  }
0x1a6: {  	[tilespmem:s14], [sflag:$0x1] =	stream.indirect_vreg.gather [hbm4b:s2+s3], $0x80, v4, vm0, $0xb8;
	[tilespmem:$0x9180] =	vst v63  }
0x1a7: {  	_ = 	snop  }
0x1a8: {  	[tilespmem:s15], [sflag:$0x1] =	stream.indirect_vreg.gather [hbm4b:s2+s3], $0x80, v3, vm0, $0xb8;
	[tilespmem:$0x9180] =	vst v63  }
0x1a9: {  	v3 =	vld [tilespmem:$0x790];
	_ =	sdelay $0x4  }
0x1aa: {  	v39 =	vshll.u32 v3, $0x1  }
0x1ab: {  	v3 =	vand.u32 $0x7, v3;
	v4 =	vand.u32 $0xFFFFFFF0, v39  }
0x1ac: {  	v3 =	vor.u32 v3, v4  }
0x1ad: {  	v4 =	vperm.xlane v3, v0;
	_ =	sdelay $0x1  }
0x1ae: {  	v3 =	vperm.xlane v3, v2;
	v4 =	vadd.s32 v1, v4;
	_ =	sdelay $0x1  }
0x1af: {  	v3 =	vadd.s32 v1, v3;
	_ =	sdelay $0x2  }
0x1b0: {  	[tilespmem:s16], [sflag:$0x1] =	stream.indirect_vreg.gather [hbm4b:s2+s3], $0x80, v4, vm0, $0xb8;
	[tilespmem:$0x9180] =	vst v63  }
0x1b1: {  	_ = 	snop  }
0x1b2: {  	[tilespmem:s17], [sflag:$0x1] =	stream.indirect_vreg.gather [hbm4b:s2+s3], $0x80, v3, vm0, $0xb8;
	[tilespmem:$0x9180] =	vst v63  }
0x1b3: {  	_ =	swait.ge [sflag:s22], $0x2000  }
0x1b4: {  	[sflag:s22] =	ssyncset.done $0x0  }
0x1b5: {  	s0 =	rddreg [dreg:$0x13];
	[sflag:s22] =	ssyncadd.s32 $0xFFFFE000  }
0x1b6: {  	[hbm4b:s0+s3] =	stream.linear.scatter [tilespmem:s28], [sflag:$0x2], $0x2000, $0x38;
	[tilespmem:$0x9180] =	vst v63  }
0x1b7: {  	_ =	swait.ge [sflag:s1], $0x2000  }
0x1b8: {  	[sflag:s1] =	ssyncset.done $0x0  }
0x1b9: {  	[sflag:s1] =	ssyncadd.s32 $0xFFFFE000  }
0x1ba: {  	v3 =	vld [tilespmem:$0x800];
	_ =	sdelay $0x4  }
0x1bb: {  	v40 =	vshll.u32 v3, $0x1  }
0x1bc: {  	v3 =	vand.u32 $0x7, v3;
	v4 =	vand.u32 $0xFFFFFFF0, v40  }
0x1bd: {  	v3 =	vor.u32 v3, v4  }
0x1be: {  	v4 =	vperm.xlane v3, v0;
	_ =	sdelay $0x1  }
0x1bf: {  	v3 =	vperm.xlane v3, v2;
	v4 =	vadd.s32 v1, v4;
	_ =	sdelay $0x1  }
0x1c0: {  	v3 =	vadd.s32 v1, v3;
	_ =	sdelay $0x2  }
0x1c1: {  	[tilespmem:s18], [sflag:$0x1] =	stream.indirect_vreg.gather [hbm4b:s2+s3], $0x80, v4, vm0, $0xb8;
	[tilespmem:$0x9180] =	vst v63  }
0x1c2: {  	_ = 	snop  }
0x1c3: {  	[tilespmem:s19], [sflag:$0x1] =	stream.indirect_vreg.gather [hbm4b:s2+s3], $0x80, v3, vm0, $0xb8;
	[tilespmem:$0x9180] =	vst v63  }
0x1c4: {  	v3 =	vld [tilespmem:$0x810];
	_ =	sdelay $0x4  }
0x1c5: {  	v41 =	vshll.u32 v3, $0x1  }
0x1c6: {  	v3 =	vand.u32 $0x7, v3;
	v4 =	vand.u32 $0xFFFFFFF0, v41  }
0x1c7: {  	v3 =	vor.u32 v3, v4  }
0x1c8: {  	v4 =	vperm.xlane v3, v0;
	_ =	sdelay $0x1  }
0x1c9: {  	v3 =	vperm.xlane v3, v2;
	v4 =	vadd.s32 v1, v4;
	_ =	sdelay $0x1  }
0x1ca: {  	v3 =	vadd.s32 v1, v3;
	_ =	sdelay $0x2  }
0x1cb: {  	[tilespmem:s20], [sflag:$0x1] =	stream.indirect_vreg.gather [hbm4b:s2+s3], $0x80, v4, vm0, $0xb8;
	[tilespmem:$0x9180] =	vst v63  }
0x1cc: {  	_ = 	snop  }
0x1cd: {  	[tilespmem:s21], [sflag:$0x1] =	stream.indirect_vreg.gather [hbm4b:s2+s3], $0x80, v3, vm0, $0xb8;
	[tilespmem:$0x9180] =	vst v63  }
0x1ce: {  	_ =	swait.ge [sflag:s22], $0x2000  }
0x1cf: {  	[sflag:s22] =	ssyncset.done $0x0  }
0x1d0: {  	s0 =	rddreg [dreg:$0x14];
	[sflag:s22] =	ssyncadd.s32 $0xFFFFE000  }
0x1d1: {  	[hbm4b:s0+s3] =	stream.linear.scatter [tilespmem:s14], [sflag:$0x2], $0x2000, $0x38;
	[tilespmem:$0x9180] =	vst v63  }
0x1d2: {  	_ =	swait.ge [sflag:s1], $0x2000  }
0x1d3: {  	[sflag:s1] =	ssyncset.done $0x0  }
0x1d4: {  	[sflag:s1] =	ssyncadd.s32 $0xFFFFE000  }
0x1d5: {  	v3 =	vld [tilespmem:$0x880];
	_ =	sdelay $0x4  }
0x1d6: {  	v42 =	vshll.u32 v3, $0x1  }
0x1d7: {  	v3 =	vand.u32 $0x7, v3;
	v4 =	vand.u32 $0xFFFFFFF0, v42  }
0x1d8: {  	v3 =	vor.u32 v3, v4  }
0x1d9: {  	v4 =	vperm.xlane v3, v0;
	_ =	sdelay $0x1  }
0x1da: {  	v3 =	vperm.xlane v3, v2;
	v4 =	vadd.s32 v1, v4;
	_ =	sdelay $0x1  }
0x1db: {  	v3 =	vadd.s32 v1, v3;
	_ =	sdelay $0x2  }
0x1dc: {  	[tilespmem:s23], [sflag:$0x1] =	stream.indirect_vreg.gather [hbm4b:s2+s3], $0x80, v4, vm0, $0xb8;
	[tilespmem:$0x9180] =	vst v63  }
0x1dd: {  	_ = 	snop  }
0x1de: {  	[tilespmem:s24], [sflag:$0x1] =	stream.indirect_vreg.gather [hbm4b:s2+s3], $0x80, v3, vm0, $0xb8;
	[tilespmem:$0x9180] =	vst v63  }
0x1df: {  	v3 =	vld [tilespmem:$0x890];
	_ =	sdelay $0x4  }
0x1e0: {  	v43 =	vshll.u32 v3, $0x1  }
0x1e1: {  	v3 =	vand.u32 $0x7, v3;
	v4 =	vand.u32 $0xFFFFFFF0, v43  }
0x1e2: {  	v3 =	vor.u32 v3, v4  }
0x1e3: {  	v4 =	vperm.xlane v3, v0;
	_ =	sdelay $0x1  }
0x1e4: {  	v3 =	vperm.xlane v3, v2;
	v4 =	vadd.s32 v1, v4;
	_ =	sdelay $0x1  }
0x1e5: {  	v3 =	vadd.s32 v1, v3;
	_ =	sdelay $0x2  }
0x1e6: {  	[tilespmem:s25], [sflag:$0x1] =	stream.indirect_vreg.gather [hbm4b:s2+s3], $0x80, v4, vm0, $0xb8;
	[tilespmem:$0x9180] =	vst v63  }
0x1e7: {  	_ = 	snop  }
0x1e8: {  	[tilespmem:s26], [sflag:$0x1] =	stream.indirect_vreg.gather [hbm4b:s2+s3], $0x80, v3, vm0, $0xb8;
	[tilespmem:$0x9180] =	vst v63  }
0x1e9: {  	_ =	swait.ge [sflag:s22], $0x2000  }
0x1ea: {  	[sflag:s22] =	ssyncset.done $0x0  }
0x1eb: {  	s0 =	rddreg [dreg:$0x15];
	[sflag:s22] =	ssyncadd.s32 $0xFFFFE000  }
0x1ec: {  	[hbm4b:s0+s3] =	stream.linear.scatter [tilespmem:s18], [sflag:$0x2], $0x2000, $0x38;
	[tilespmem:$0x9180] =	vst v63  }
0x1ed: {  	_ =	swait.ge [sflag:s1], $0x2000  }
0x1ee: {  	[sflag:s1] =	ssyncset.done $0x0  }
0x1ef: {  	[sflag:s1] =	ssyncadd.s32 $0xFFFFE000  }
0x1f0: {  	v3 =	vld [tilespmem:$0x900];
	_ =	sdelay $0x4  }
0x1f1: {  	v44 =	vshll.u32 v3, $0x1  }
0x1f2: {  	v3 =	vand.u32 $0x7, v3;
	v4 =	vand.u32 $0xFFFFFFF0, v44  }
0x1f3: {  	v3 =	vor.u32 v3, v4  }
0x1f4: {  	v4 =	vperm.xlane v3, v0;
	_ =	sdelay $0x1  }
0x1f5: {  	v3 =	vperm.xlane v3, v2;
	v4 =	vadd.s32 v1, v4;
	_ =	sdelay $0x1  }
0x1f6: {  	v3 =	vadd.s32 v1, v3;
	_ =	sdelay $0x2  }
0x1f7: {  	[tilespmem:s28], [sflag:$0x1] =	stream.indirect_vreg.gather [hbm4b:s2+s3], $0x80, v4, vm0, $0xb8;
	[tilespmem:$0x9180] =	vst v63  }
0x1f8: {  	_ = 	snop  }
0x1f9: {  	[tilespmem:s29], [sflag:$0x1] =	stream.indirect_vreg.gather [hbm4b:s2+s3], $0x80, v3, vm0, $0xb8;
	[tilespmem:$0x9180] =	vst v63  }
0x1fa: {  	v3 =	vld [tilespmem:$0x910];
	_ =	sdelay $0x4  }
0x1fb: {  	v45 =	vshll.u32 v3, $0x1  }
0x1fc: {  	v3 =	vand.u32 $0x7, v3;
	v4 =	vand.u32 $0xFFFFFFF0, v45  }
0x1fd: {  	v3 =	vor.u32 v3, v4  }
0x1fe: {  	v4 =	vperm.xlane v3, v0;
	_ =	sdelay $0x1  }
0x1ff: {  	v3 =	vperm.xlane v3, v2;
	v4 =	vadd.s32 v1, v4;
	_ =	sdelay $0x1  }
0x200: {  	v3 =	vadd.s32 v1, v3;
	_ =	sdelay $0x2  }
0x201: {  	[tilespmem:s30], [sflag:$0x1] =	stream.indirect_vreg.gather [hbm4b:s2+s3], $0x80, v4, vm0, $0xb8;
	[tilespmem:$0x9180] =	vst v63  }
0x202: {  	_ = 	snop  }
0x203: {  	[tilespmem:s31], [sflag:$0x1] =	stream.indirect_vreg.gather [hbm4b:s2+s3], $0x80, v3, vm0, $0xb8;
	[tilespmem:$0x9180] =	vst v63  }
0x204: {  	_ =	swait.ge [sflag:s22], $0x2000  }
0x205: {  	[sflag:s22] =	ssyncset.done $0x0  }
0x206: {  	s0 =	rddreg [dreg:$0x16];
	[sflag:s22] =	ssyncadd.s32 $0xFFFFE000  }
0x207: {  	[hbm4b:s0+s3] =	stream.linear.scatter [tilespmem:s23], [sflag:$0x2], $0x2000, $0x38;
	[tilespmem:$0x9180] =	vst v63  }
0x208: {  	_ =	swait.ge [sflag:s1], $0x2000  }
0x209: {  	[sflag:s1] =	ssyncset.done $0x0  }
0x20a: {  	[sflag:s1] =	ssyncadd.s32 $0xFFFFE000  }
0x20b: {  	v3 =	vld [tilespmem:$0x980];
	_ =	sdelay $0x4  }
0x20c: {  	v46 =	vshll.u32 v3, $0x1  }
0x20d: {  	v3 =	vand.u32 $0x7, v3;
	v4 =	vand.u32 $0xFFFFFFF0, v46  }
0x20e: {  	v3 =	vor.u32 v3, v4  }
0x20f: {  	v4 =	vperm.xlane v3, v0;
	_ =	sdelay $0x1  }
0x210: {  	v3 =	vperm.xlane v3, v2;
	v4 =	vadd.s32 v1, v4;
	_ =	sdelay $0x1  }
0x211: {  	v3 =	vadd.s32 v1, v3;
	_ =	sdelay $0x2  }
0x212: {  	[tilespmem:s14], [sflag:$0x1] =	stream.indirect_vreg.gather [hbm4b:s2+s3], $0x80, v4, vm0, $0xb8;
	[tilespmem:$0x9180] =	vst v63  }
0x213: {  	_ = 	snop  }
0x214: {  	[tilespmem:s15], [sflag:$0x1] =	stream.indirect_vreg.gather [hbm4b:s2+s3], $0x80, v3, vm0, $0xb8;
	[tilespmem:$0x9180] =	vst v63  }
0x215: {  	v3 =	vld [tilespmem:$0x990];
	_ =	sdelay $0x4  }
0x216: {  	v47 =	vshll.u32 v3, $0x1  }
0x217: {  	v3 =	vand.u32 $0x7, v3;
	v4 =	vand.u32 $0xFFFFFFF0, v47  }
0x218: {  	v3 =	vor.u32 v3, v4  }
0x219: {  	v4 =	vperm.xlane v3, v0;
	_ =	sdelay $0x1  }
0x21a: {  	v3 =	vperm.xlane v3, v2;
	v4 =	vadd.s32 v1, v4;
	_ =	sdelay $0x1  }
0x21b: {  	v3 =	vadd.s32 v1, v3;
	_ =	sdelay $0x2  }
0x21c: {  	[tilespmem:s16], [sflag:$0x1] =	stream.indirect_vreg.gather [hbm4b:s2+s3], $0x80, v4, vm0, $0xb8;
	[tilespmem:$0x9180] =	vst v63  }
0x21d: {  	_ = 	snop  }
0x21e: {  	[tilespmem:s17], [sflag:$0x1] =	stream.indirect_vreg.gather [hbm4b:s2+s3], $0x80, v3, vm0, $0xb8;
	[tilespmem:$0x9180] =	vst v63  }
0x21f: {  	_ =	swait.ge [sflag:s22], $0x2000  }
0x220: {  	[sflag:s22] =	ssyncset.done $0x0  }
0x221: {  	s0 =	rddreg [dreg:$0x17];
	[sflag:s22] =	ssyncadd.s32 $0xFFFFE000  }
0x222: {  	[hbm4b:s0+s3] =	stream.linear.scatter [tilespmem:s28], [sflag:$0x2], $0x2000, $0x38;
	[tilespmem:$0x9180] =	vst v63  }
0x223: {  	_ =	swait.ge [sflag:s1], $0x2000  }
0x224: {  	[sflag:s1] =	ssyncset.done $0x0  }
0x225: {  	[sflag:s1] =	ssyncadd.s32 $0xFFFFE000  }
0x226: {  	v3 =	vld [tilespmem:$0xA00];
	_ =	sdelay $0x4  }
0x227: {  	v48 =	vshll.u32 v3, $0x1  }
0x228: {  	v3 =	vand.u32 $0x7, v3;
	v4 =	vand.u32 $0xFFFFFFF0, v48  }
0x229: {  	v3 =	vor.u32 v3, v4  }
0x22a: {  	v4 =	vperm.xlane v3, v0;
	_ =	sdelay $0x1  }
0x22b: {  	v3 =	vperm.xlane v3, v2;
	v4 =	vadd.s32 v1, v4;
	_ =	sdelay $0x1  }
0x22c: {  	v3 =	vadd.s32 v1, v3;
	_ =	sdelay $0x2  }
0x22d: {  	[tilespmem:s18], [sflag:$0x1] =	stream.indirect_vreg.gather [hbm4b:s2+s3], $0x80, v4, vm0, $0xb8;
	[tilespmem:$0x9180] =	vst v63  }
0x22e: {  	_ = 	snop  }
0x22f: {  	[tilespmem:s19], [sflag:$0x1] =	stream.indirect_vreg.gather [hbm4b:s2+s3], $0x80, v3, vm0, $0xb8;
	[tilespmem:$0x9180] =	vst v63  }
0x230: {  	v3 =	vld [tilespmem:$0xA10];
	_ =	sdelay $0x4  }
0x231: {  	v49 =	vshll.u32 v3, $0x1  }
0x232: {  	v3 =	vand.u32 $0x7, v3;
	v4 =	vand.u32 $0xFFFFFFF0, v49  }
0x233: {  	v3 =	vor.u32 v3, v4  }
0x234: {  	v4 =	vperm.xlane v3, v0;
	_ =	sdelay $0x1  }
0x235: {  	v3 =	vperm.xlane v3, v2;
	v4 =	vadd.s32 v1, v4;
	_ =	sdelay $0x1  }
0x236: {  	v3 =	vadd.s32 v1, v3;
	_ =	sdelay $0x2  }
0x237: {  	[tilespmem:s20], [sflag:$0x1] =	stream.indirect_vreg.gather [hbm4b:s2+s3], $0x80, v4, vm0, $0xb8;
	[tilespmem:$0x9180] =	vst v63  }
0x238: {  	_ = 	snop  }
0x239: {  	[tilespmem:s21], [sflag:$0x1] =	stream.indirect_vreg.gather [hbm4b:s2+s3], $0x80, v3, vm0, $0xb8;
	[tilespmem:$0x9180] =	vst v63  }
0x23a: {  	_ =	swait.ge [sflag:s22], $0x2000  }
0x23b: {  	[sflag:s22] =	ssyncset.done $0x0  }
0x23c: {  	s0 =	rddreg [dreg:$0x18];
	[sflag:s22] =	ssyncadd.s32 $0xFFFFE000  }
0x23d: {  	[hbm4b:s0+s3] =	stream.linear.scatter [tilespmem:s14], [sflag:$0x2], $0x2000, $0x38;
	[tilespmem:$0x9180] =	vst v63  }
0x23e: {  	_ =	swait.ge [sflag:s1], $0x2000  }
0x23f: {  	[sflag:s1] =	ssyncset.done $0x0  }
0x240: {  	[sflag:s1] =	ssyncadd.s32 $0xFFFFE000  }
0x241: {  	v3 =	vld [tilespmem:$0xA80];
	_ =	sdelay $0x4  }
0x242: {  	v50 =	vshll.u32 v3, $0x1  }
0x243: {  	v3 =	vand.u32 $0x7, v3;
	v4 =	vand.u32 $0xFFFFFFF0, v50  }
0x244: {  	v3 =	vor.u32 v3, v4  }
0x245: {  	v4 =	vperm.xlane v3, v0;
	_ =	sdelay $0x1  }
0x246: {  	v3 =	vperm.xlane v3, v2;
	v4 =	vadd.s32 v1, v4;
	_ =	sdelay $0x1  }
0x247: {  	v3 =	vadd.s32 v1, v3;
	_ =	sdelay $0x2  }
0x248: {  	[tilespmem:s23], [sflag:$0x1] =	stream.indirect_vreg.gather [hbm4b:s2+s3], $0x80, v4, vm0, $0xb8;
	[tilespmem:$0x9180] =	vst v63  }
0x249: {  	_ = 	snop  }
0x24a: {  	[tilespmem:s24], [sflag:$0x1] =	stream.indirect_vreg.gather [hbm4b:s2+s3], $0x80, v3, vm0, $0xb8;
	[tilespmem:$0x9180] =	vst v63  }
0x24b: {  	v3 =	vld [tilespmem:$0xA90];
	_ =	sdelay $0x4  }
0x24c: {  	v51 =	vshll.u32 v3, $0x1  }
0x24d: {  	v3 =	vand.u32 $0x7, v3;
	v4 =	vand.u32 $0xFFFFFFF0, v51  }
0x24e: {  	v3 =	vor.u32 v3, v4  }
0x24f: {  	v4 =	vperm.xlane v3, v0;
	_ =	sdelay $0x1  }
0x250: {  	v3 =	vperm.xlane v3, v2;
	v4 =	vadd.s32 v1, v4;
	_ =	sdelay $0x1  }
0x251: {  	v3 =	vadd.s32 v1, v3;
	_ =	sdelay $0x2  }
0x252: {  	[tilespmem:s25], [sflag:$0x1] =	stream.indirect_vreg.gather [hbm4b:s2+s3], $0x80, v4, vm0, $0xb8;
	[tilespmem:$0x9180] =	vst v63  }
0x253: {  	_ = 	snop  }
0x254: {  	[tilespmem:s26], [sflag:$0x1] =	stream.indirect_vreg.gather [hbm4b:s2+s3], $0x80, v3, vm0, $0xb8;
	[tilespmem:$0x9180] =	vst v63  }
0x255: {  	_ =	swait.ge [sflag:s22], $0x2000  }
0x256: {  	[sflag:s22] =	ssyncset.done $0x0  }
0x257: {  	s0 =	rddreg [dreg:$0x19];
	[sflag:s22] =	ssyncadd.s32 $0xFFFFE000  }
0x258: {  	[hbm4b:s0+s3] =	stream.linear.scatter [tilespmem:s18], [sflag:$0x2], $0x2000, $0x38;
	[tilespmem:$0x9180] =	vst v63  }
0x259: {  	_ =	swait.ge [sflag:s1], $0x2000  }
0x25a: {  	[sflag:s1] =	ssyncset.done $0x0  }
0x25b: {  	[sflag:s1] =	ssyncadd.s32 $0xFFFFE000  }
0x25c: {  	v3 =	vld [tilespmem:$0xB00];
	_ =	sdelay $0x4  }
0x25d: {  	v52 =	vshll.u32 v3, $0x1  }
0x25e: {  	v3 =	vand.u32 $0x7, v3;
	v4 =	vand.u32 $0xFFFFFFF0, v52  }
0x25f: {  	v3 =	vor.u32 v3, v4  }
0x260: {  	v4 =	vperm.xlane v3, v0;
	_ =	sdelay $0x1  }
0x261: {  	v3 =	vperm.xlane v3, v2;
	v4 =	vadd.s32 v1, v4;
	_ =	sdelay $0x1  }
0x262: {  	v3 =	vadd.s32 v1, v3;
	_ =	sdelay $0x2  }
0x263: {  	[tilespmem:s28], [sflag:$0x1] =	stream.indirect_vreg.gather [hbm4b:s2+s3], $0x80, v4, vm0, $0xb8;
	[tilespmem:$0x9180] =	vst v63  }
0x264: {  	_ = 	snop  }
0x265: {  	[tilespmem:s29], [sflag:$0x1] =	stream.indirect_vreg.gather [hbm4b:s2+s3], $0x80, v3, vm0, $0xb8;
	[tilespmem:$0x9180] =	vst v63  }
0x266: {  	v3 =	vld [tilespmem:$0xB10];
	_ =	sdelay $0x4  }
0x267: {  	v53 =	vshll.u32 v3, $0x1  }
0x268: {  	v3 =	vand.u32 $0x7, v3;
	v4 =	vand.u32 $0xFFFFFFF0, v53  }
0x269: {  	v3 =	vor.u32 v3, v4  }
0x26a: {  	v4 =	vperm.xlane v3, v0;
	_ =	sdelay $0x1  }
0x26b: {  	v3 =	vperm.xlane v3, v2;
	v4 =	vadd.s32 v1, v4;
	_ =	sdelay $0x1  }
0x26c: {  	v3 =	vadd.s32 v1, v3;
	_ =	sdelay $0x2  }
0x26d: {  	[tilespmem:s30], [sflag:$0x1] =	stream.indirect_vreg.gather [hbm4b:s2+s3], $0x80, v4, vm0, $0xb8;
	[tilespmem:$0x9180] =	vst v63  }
0x26e: {  	_ = 	snop  }
0x26f: {  	[tilespmem:s31], [sflag:$0x1] =	stream.indirect_vreg.gather [hbm4b:s2+s3], $0x80, v3, vm0, $0xb8;
	[tilespmem:$0x9180] =	vst v63  }
0x270: {  	_ =	swait.ge [sflag:s22], $0x2000  }
0x271: {  	[sflag:s22] =	ssyncset.done $0x0  }
0x272: {  	s0 =	rddreg [dreg:$0x1a];
	[sflag:s22] =	ssyncadd.s32 $0xFFFFE000  }
0x273: {  	[hbm4b:s0+s3] =	stream.linear.scatter [tilespmem:s23], [sflag:$0x2], $0x2000, $0x38;
	[tilespmem:$0x9180] =	vst v63  }
0x274: {  	_ =	swait.ge [sflag:s1], $0x2000  }
0x275: {  	[sflag:s1] =	ssyncset.done $0x0  }
0x276: {  	[sflag:s1] =	ssyncadd.s32 $0xFFFFE000  }
0x277: {  	v3 =	vld [tilespmem:$0xB80];
	_ =	sdelay $0x4  }
0x278: {  	v54 =	vshll.u32 v3, $0x1  }
0x279: {  	v3 =	vand.u32 $0x7, v3;
	v4 =	vand.u32 $0xFFFFFFF0, v54  }
0x27a: {  	v3 =	vor.u32 v3, v4  }
0x27b: {  	v4 =	vperm.xlane v3, v0;
	_ =	sdelay $0x1  }
0x27c: {  	v3 =	vperm.xlane v3, v2;
	v4 =	vadd.s32 v1, v4;
	_ =	sdelay $0x1  }
0x27d: {  	v3 =	vadd.s32 v1, v3;
	_ =	sdelay $0x2  }
0x27e: {  	[tilespmem:s14], [sflag:$0x1] =	stream.indirect_vreg.gather [hbm4b:s2+s3], $0x80, v4, vm0, $0xb8;
	[tilespmem:$0x9180] =	vst v63  }
0x27f: {  	_ = 	snop  }
0x280: {  	[tilespmem:s15], [sflag:$0x1] =	stream.indirect_vreg.gather [hbm4b:s2+s3], $0x80, v3, vm0, $0xb8;
	[tilespmem:$0x9180] =	vst v63  }
0x281: {  	v3 =	vld [tilespmem:$0xB90];
	_ =	sdelay $0x4  }
0x282: {  	v55 =	vshll.u32 v3, $0x1  }
0x283: {  	v3 =	vand.u32 $0x7, v3;
	v4 =	vand.u32 $0xFFFFFFF0, v55  }
0x284: {  	v3 =	vor.u32 v3, v4  }
0x285: {  	v4 =	vperm.xlane v3, v0;
	_ =	sdelay $0x1  }
0x286: {  	v3 =	vperm.xlane v3, v2;
	v4 =	vadd.s32 v1, v4;
	_ =	sdelay $0x1  }
0x287: {  	v3 =	vadd.s32 v1, v3;
	_ =	sdelay $0x2  }
0x288: {  	[tilespmem:s16], [sflag:$0x1] =	stream.indirect_vreg.gather [hbm4b:s2+s3], $0x80, v4, vm0, $0xb8;
	[tilespmem:$0x9180] =	vst v63  }
0x289: {  	_ = 	snop  }
0x28a: {  	[tilespmem:s17], [sflag:$0x1] =	stream.indirect_vreg.gather [hbm4b:s2+s3], $0x80, v3, vm0, $0xb8;
	[tilespmem:$0x9180] =	vst v63  }
0x28b: {  	_ =	swait.ge [sflag:s22], $0x2000  }
0x28c: {  	[sflag:s22] =	ssyncset.done $0x0  }
0x28d: {  	s0 =	rddreg [dreg:$0x1b];
	[sflag:s22] =	ssyncadd.s32 $0xFFFFE000  }
0x28e: {  	[hbm4b:s0+s3] =	stream.linear.scatter [tilespmem:s28], [sflag:$0x2], $0x2000, $0x38;
	[tilespmem:$0x9180] =	vst v63  }
0x28f: {  	_ =	swait.ge [sflag:s1], $0x2000  }
0x290: {  	[sflag:s1] =	ssyncset.done $0x0  }
0x291: {  	[sflag:s1] =	ssyncadd.s32 $0xFFFFE000  }
0x292: {  	v3 =	vld [tilespmem:$0xC00];
	_ =	sdelay $0x4  }
0x293: {  	v56 =	vshll.u32 v3, $0x1  }
0x294: {  	v3 =	vand.u32 $0x7, v3;
	v4 =	vand.u32 $0xFFFFFFF0, v56  }
0x295: {  	v3 =	vor.u32 v3, v4  }
0x296: {  	v4 =	vperm.xlane v3, v0;
	_ =	sdelay $0x1  }
0x297: {  	v3 =	vperm.xlane v3, v2;
	v4 =	vadd.s32 v1, v4;
	_ =	sdelay $0x1  }
0x298: {  	v3 =	vadd.s32 v1, v3;
	_ =	sdelay $0x2  }
0x299: {  	[tilespmem:s18], [sflag:$0x1] =	stream.indirect_vreg.gather [hbm4b:s2+s3], $0x80, v4, vm0, $0xb8;
	[tilespmem:$0x9180] =	vst v63  }
0x29a: {  	_ = 	snop  }
0x29b: {  	[tilespmem:s19], [sflag:$0x1] =	stream.indirect_vreg.gather [hbm4b:s2+s3], $0x80, v3, vm0, $0xb8;
	[tilespmem:$0x9180] =	vst v63  }
0x29c: {  	v3 =	vld [tilespmem:$0xC10];
	_ =	sdelay $0x4  }
0x29d: {  	v57 =	vshll.u32 v3, $0x1  }
0x29e: {  	v3 =	vand.u32 $0x7, v3;
	v4 =	vand.u32 $0xFFFFFFF0, v57  }
0x29f: {  	v3 =	vor.u32 v3, v4  }
0x2a0: {  	v4 =	vperm.xlane v3, v0;
	_ =	sdelay $0x1  }
0x2a1: {  	v3 =	vperm.xlane v3, v2;
	v4 =	vadd.s32 v1, v4;
	_ =	sdelay $0x1  }
0x2a2: {  	v3 =	vadd.s32 v1, v3;
	_ =	sdelay $0x2  }
0x2a3: {  	[tilespmem:s20], [sflag:$0x1] =	stream.indirect_vreg.gather [hbm4b:s2+s3], $0x80, v4, vm0, $0xb8;
	[tilespmem:$0x9180] =	vst v63  }
0x2a4: {  	_ = 	snop  }
0x2a5: {  	[tilespmem:s21], [sflag:$0x1] =	stream.indirect_vreg.gather [hbm4b:s2+s3], $0x80, v3, vm0, $0xb8;
	[tilespmem:$0x9180] =	vst v63  }
0x2a6: {  	_ =	swait.ge [sflag:s22], $0x2000  }
0x2a7: {  	[sflag:s22] =	ssyncset.done $0x0  }
0x2a8: {  	[sflag:s22] =	ssyncadd.s32 $0xFFFFE000  }
0x2a9: {  	[hbm4b:s5+s3] =	stream.linear.scatter [tilespmem:s14], [sflag:$0x2], $0x2000, $0x38;
	[tilespmem:$0x9180] =	vst v63  }
0x2aa: {  	_ =	swait.ge [sflag:s1], $0x2000  }
0x2ab: {  	[sflag:s1] =	ssyncset.done $0x0  }
0x2ac: {  	[sflag:s1] =	ssyncadd.s32 $0xFFFFE000  }
0x2ad: {  	v3 =	vld [tilespmem:$0xC80];
	_ =	sdelay $0x4  }
0x2ae: {  	v58 =	vshll.u32 v3, $0x1  }
0x2af: {  	v3 =	vand.u32 $0x7, v3;
	v4 =	vand.u32 $0xFFFFFFF0, v58  }
0x2b0: {  	v3 =	vor.u32 v3, v4  }
0x2b1: {  	v4 =	vperm.xlane v3, v0;
	_ =	sdelay $0x1  }
0x2b2: {  	v3 =	vperm.xlane v3, v2;
	v4 =	vadd.s32 v1, v4;
	_ =	sdelay $0x1  }
0x2b3: {  	v3 =	vadd.s32 v1, v3;
	_ =	sdelay $0x2  }
0x2b4: {  	[tilespmem:s23], [sflag:$0x1] =	stream.indirect_vreg.gather [hbm4b:s2+s3], $0x80, v4, vm0, $0xb8;
	[tilespmem:$0x9180] =	vst v63  }
0x2b5: {  	_ = 	snop  }
0x2b6: {  	[tilespmem:s24], [sflag:$0x1] =	stream.indirect_vreg.gather [hbm4b:s2+s3], $0x80, v3, vm0, $0xb8;
	[tilespmem:$0x9180] =	vst v63  }
0x2b7: {  	v3 =	vld [tilespmem:$0xC90];
	_ =	sdelay $0x4  }
0x2b8: {  	v59 =	vshll.u32 v3, $0x1  }
0x2b9: {  	v3 =	vand.u32 $0x7, v3;
	v4 =	vand.u32 $0xFFFFFFF0, v59  }
0x2ba: {  	v3 =	vor.u32 v3, v4  }
0x2bb: {  	v4 =	vperm.xlane v3, v0;
	_ =	sdelay $0x1  }
0x2bc: {  	v3 =	vperm.xlane v3, v2;
	v4 =	vadd.s32 v1, v4;
	_ =	sdelay $0x1  }
0x2bd: {  	v3 =	vadd.s32 v1, v3;
	_ =	sdelay $0x2  }
0x2be: {  	[tilespmem:s25], [sflag:$0x1] =	stream.indirect_vreg.gather [hbm4b:s2+s3], $0x80, v4, vm0, $0xb8;
	[tilespmem:$0x9180] =	vst v63  }
0x2bf: {  	_ = 	snop  }
0x2c0: {  	[tilespmem:s26], [sflag:$0x1] =	stream.indirect_vreg.gather [hbm4b:s2+s3], $0x80, v3, vm0, $0xb8;
	[tilespmem:$0x9180] =	vst v63  }
0x2c1: {  	_ =	swait.ge [sflag:s22], $0x2000  }
0x2c2: {  	[sflag:s22] =	ssyncset.done $0x0  }
0x2c3: {  	[sflag:s22] =	ssyncadd.s32 $0xFFFFE000  }
0x2c4: {  	[hbm4b:s6+s3] =	stream.linear.scatter [tilespmem:s18], [sflag:$0x2], $0x2000, $0x38;
	[tilespmem:$0x9180] =	vst v63  }
0x2c5: {  	_ =	swait.ge [sflag:s1], $0x2000  }
0x2c6: {  	[sflag:s1] =	ssyncset.done $0x0  }
0x2c7: {  	[sflag:s1] =	ssyncadd.s32 $0xFFFFE000  }
0x2c8: {  	v3 =	vld [tilespmem:$0xD00];
	_ =	sdelay $0x4  }
0x2c9: {  	v60 =	vshll.u32 v3, $0x1  }
0x2ca: {  	v3 =	vand.u32 $0x7, v3;
	v4 =	vand.u32 $0xFFFFFFF0, v60  }
0x2cb: {  	v3 =	vor.u32 v3, v4  }
0x2cc: {  	v4 =	vperm.xlane v3, v0;
	_ =	sdelay $0x1  }
0x2cd: {  	v3 =	vperm.xlane v3, v2;
	v4 =	vadd.s32 v1, v4;
	_ =	sdelay $0x1  }
0x2ce: {  	v3 =	vadd.s32 v1, v3;
	_ =	sdelay $0x2  }
0x2cf: {  	[tilespmem:s28], [sflag:$0x1] =	stream.indirect_vreg.gather [hbm4b:s2+s3], $0x80, v4, vm0, $0xb8;
	[tilespmem:$0x9180] =	vst v63  }
0x2d0: {  	_ = 	snop  }
0x2d1: {  	[tilespmem:s29], [sflag:$0x1] =	stream.indirect_vreg.gather [hbm4b:s2+s3], $0x80, v3, vm0, $0xb8;
	[tilespmem:$0x9180] =	vst v63  }
0x2d2: {  	v3 =	vld [tilespmem:$0xD10];
	_ =	sdelay $0x4  }
0x2d3: {  	v61 =	vshll.u32 v3, $0x1  }
0x2d4: {  	v3 =	vand.u32 $0x7, v3;
	v4 =	vand.u32 $0xFFFFFFF0, v61  }
0x2d5: {  	v3 =	vor.u32 v3, v4  }
0x2d6: {  	v4 =	vperm.xlane v3, v0;
	_ =	sdelay $0x1  }
0x2d7: {  	v3 =	vperm.xlane v3, v2;
	v4 =	vadd.s32 v1, v4;
	_ =	sdelay $0x1  }
0x2d8: {  	v3 =	vadd.s32 v1, v3;
	_ =	sdelay $0x2  }
0x2d9: {  	[tilespmem:s30], [sflag:$0x1] =	stream.indirect_vreg.gather [hbm4b:s2+s3], $0x80, v4, vm0, $0xb8;
	[tilespmem:$0x9180] =	vst v63  }
0x2da: {  	_ = 	snop  }
0x2db: {  	[tilespmem:s31], [sflag:$0x1] =	stream.indirect_vreg.gather [hbm4b:s2+s3], $0x80, v3, vm0, $0xb8;
	[tilespmem:$0x9180] =	vst v63  }
0x2dc: {  	_ =	swait.ge [sflag:s22], $0x2000  }
0x2dd: {  	[sflag:s22] =	ssyncset.done $0x0  }
0x2de: {  	[sflag:s22] =	ssyncadd.s32 $0xFFFFE000  }
0x2df: {  	[hbm4b:s7+s3] =	stream.linear.scatter [tilespmem:s23], [sflag:$0x2], $0x2000, $0x38;
	[tilespmem:$0x9180] =	vst v63  }
0x2e0: {  	_ =	swait.ge [sflag:s1], $0x2000  }
0x2e1: {  	[sflag:s1] =	ssyncset.done $0x0  }
0x2e2: {  	[sflag:s1] =	ssyncadd.s32 $0xFFFFE000  }
0x2e3: {  	v3 =	vld [tilespmem:$0xD80];
	_ =	sdelay $0x4  }
0x2e4: {  	v62 =	vshll.u32 v3, $0x1  }
0x2e5: {  	v3 =	vand.u32 $0x7, v3;
	v4 =	vand.u32 $0xFFFFFFF0, v62  }
0x2e6: {  	v3 =	vor.u32 v3, v4  }
0x2e7: {  	v4 =	vperm.xlane v3, v0;
	_ =	sdelay $0x1  }
0x2e8: {  	v3 =	vperm.xlane v3, v2;
	v4 =	vadd.s32 v1, v4;
	_ =	sdelay $0x1  }
0x2e9: {  	v3 =	vadd.s32 v1, v3;
	_ =	sdelay $0x2  }
0x2ea: {  	[tilespmem:s14], [sflag:$0x1] =	stream.indirect_vreg.gather [hbm4b:s2+s3], $0x80, v4, vm0, $0xb8;
	[tilespmem:$0x9180] =	vst v63  }
0x2eb: {  	_ = 	snop  }
0x2ec: {  	[tilespmem:s15], [sflag:$0x1] =	stream.indirect_vreg.gather [hbm4b:s2+s3], $0x80, v3, vm0, $0xb8;
	[tilespmem:$0x9180] =	vst v63  }
0x2ed: {  	v3 =	vld [tilespmem:$0xD90];
	_ =	sdelay $0x4  }
0x2ee: {  	v63 =	vshll.u32 v3, $0x1  }
0x2ef: {  	v3 =	vand.u32 $0x7, v3;
	v4 =	vand.u32 $0xFFFFFFF0, v63  }
0x2f0: {  	v3 =	vor.u32 v3, v4  }
0x2f1: {  	v4 =	vperm.xlane v3, v0;
	_ =	sdelay $0x1  }
0x2f2: {  	v3 =	vperm.xlane v3, v2;
	v4 =	vadd.s32 v1, v4;
	_ =	sdelay $0x1  }
0x2f3: {  	v3 =	vadd.s32 v1, v3;
	_ =	sdelay $0x2  }
0x2f4: {  	[tilespmem:s16], [sflag:$0x1] =	stream.indirect_vreg.gather [hbm4b:s2+s3], $0x80, v4, vm0, $0xb8;
	[tilespmem:$0x9180] =	vst v63  }
0x2f5: {  	_ = 	snop  }
0x2f6: {  	[tilespmem:s17], [sflag:$0x1] =	stream.indirect_vreg.gather [hbm4b:s2+s3], $0x80, v3, vm0, $0xb8;
	[tilespmem:$0x9180] =	vst v63  }
0x2f7: {  	_ =	swait.ge [sflag:s22], $0x2000  }
0x2f8: {  	[sflag:s22] =	ssyncset.done $0x0  }
0x2f9: {  	[sflag:s22] =	ssyncadd.s32 $0xFFFFE000  }
0x2fa: {  	[hbm4b:s8+s3] =	stream.linear.scatter [tilespmem:s28], [sflag:$0x2], $0x2000, $0x38;
	[tilespmem:$0x9180] =	vst v63  }
0x2fb: {  	_ =	swait.ge [sflag:s22], $0x2000  }
0x2fc: {  	[sflag:s22] =	ssyncset.done $0x0  }
0x2fd: {  	[sflag:s22] =	ssyncadd.s32 $0xFFFFE000  }
0x2fe: {  	[hbm4b:s9+s3] =	stream.linear.scatter [tilespmem:s14], [sflag:$0x2], $0x2000, $0x38;
	[tilespmem:$0x9180] =	vst v63  }
0x2ff: {  	_ =	swait.ge [sflag:s1], $0x2000  }
0x300: {  	[sflag:s1] =	ssyncset.done $0x0  }
0x301: {  	[sflag:s1] =	ssyncadd.s32 $0xFFFFE000  }
0x302: {  	_ =	swait.ge [sflag:s1], $0x2000  }
0x303: {  	[sflag:s1] =	ssyncset.done $0x0  }
0x304: {  	[sflag:s1] =	ssyncadd.s32 $0xFFFFE000  }
0x305: {  	p0 =	sne.s32 s10, $0x1;
	_ =	swait.ge [sflag:s1], $0x2000  }
.Ltmp0:
0x306: {  	[sflag:s1] =	ssyncset.done $0x0;
	(pc) =	sbr.rel @p0 .LBB2_1-.Ltmp0, $4  }
0x307: {  	[sflag:s1] =	ssyncadd.s32 $0xFFFFE000  }
0x308: {  	_ =	swait.ge [sflag:s1], $0x2000  }
0x309: {  	[sflag:s1] =	ssyncset.done $0x0  }
0x30a: {  	s10 =	sadd.s32 $0xFFFFFFFF, s10;
	[sflag:s1] =	ssyncadd.s32 $0xFFFFE000  }
0x30b: {  	_ =	sfence.sel $0x180000  }
0x30c: {  	[bflag:$0x0] =	sbarrier.arrive $0xFFFF  }
0x30d: {  	_ =	strace $0x90000047  }
0x30e: {  	s0 =	stileid.u32;
	[bflag:$0x2] =	sbarrier.arrive $0xFFFF  }
0x30f: {  	p0 =	sne.s32 s0, $0x0;
	s0 =	rddreg [dreg:$0x5]  }
0x310: {  	s0 =	sadd.s32 @!p0 $0x100000, s0  }
0x311: {  	[sflag:s0] =	ssyncadd.tile.s32 @!p0 $0x1;
	_ =	shalt  }
.Lfunc_end2:
_tile_overlayer_lowered:
.L_overlay_start_2:
0x312: {  	(tag) =	ssettag $0x2  }
0x313: {  	s0 =	rddreg [dreg:$0x0];
	s2 =	stileid.u32  }
0x314: {  	s1 =	rddreg [dreg:$0x1];
	p0 =	sne.s32 s2, $0x0  }
0x315: {  	s3 =	rddreg [dreg:$0x2];
	[bflag:$0x3] =	sbarrier.arrive $0xFFFF;
	s2 =	simm.s32 @!p0 $0x1C03  }
0x316: {  	[timem:s3], [sflag:s2] =	dma.local @!p0 [hbm:s0], s1  }
0x317: {  	s0 =	simm.s32 @!p0 $0x3  }
0x318: {  	_ =	swait.ge @!p0 [sflag:s0], s1  }
0x319: {  	s1 =	ssub.s32 @!p0 $0x0, s1;
	[sflag:s0] =	ssyncset.done @!p0 $0x0  }
0x31a: {  	[sflag:s0] =	ssyncadd.s32 @!p0 s1  }
0x31b: {  	[bflag:$0x3] =	sbarrier.arrive $0xFFFF  }
0x31c: {  	_ =	shalt  }

</sc_bundles>
